<compile_context>
chip_gen: v7x
topology: tpu7x:2x2x1
jax: 0.10.2.dev20260603
libtpu: 0.0.44.dev20260713+nightly
codegen_flags: <defaults>
</compile_context>

<pallas_src>
import functools

import jax
import jax.numpy as jnp
from jax import lax
from jax.experimental import pallas as pl
from jax.experimental.pallas import tpu as pltpu
from jax.experimental.pallas import tpu_sc as plsc

N = 10000
E = 160000
D_NODE = 32
D_EDGE = 16
D_OUT = 32
H = D_OUT * D_NODE

NC = 2
NS = 16
NW = NC * NS
CB = 40
N_PAD = 10240
NPS = N_PAD // NS

E_SPLIT = ((40960, 128, 2560), (40960, 128, 2560), (40960, 128, 2560),
           (37120, 40, 1280))

_SC_MESH = dict(core_axis_name="c", subcore_axis_name="s")


def _sc_gather(node_pad, src, e0, cnt, cb):
    nch = cnt // (NW * cb)
    epw = nch * cb

    @functools.partial(
        pl.kernel,
        mesh=plsc.VectorSubcoreMesh(**_SC_MESH),
        out_type=jax.ShapeDtypeStruct((cnt, 128), jnp.float32),
        scratch_types=[
            pltpu.VMEM((epw,), jnp.int32),
            pltpu.VMEM((2, cb, 128), jnp.float32),
            pltpu.SemaphoreType.DMA,
            pltpu.SemaphoreType.DMA,
        ],
    )
    def k(node_hbm, src_hbm, out_hbm, idx_v, rows_v, sg0, sg1):
        cid = lax.axis_index("c")
        sid = lax.axis_index("s")
        wid = sid * NC + cid
        base = wid * epw
        pltpu.sync_copy(src_hbm.at[pl.ds(e0 + base, epw)], idx_v)
        pltpu.async_copy(node_hbm.at[idx_v.at[pl.ds(0, cb)]], rows_v.at[0],
                         sg0)

        def pair(p, _):
            j0 = 2 * p
            j1 = j0 + 1
            pltpu.async_copy(node_hbm.at[idx_v.at[pl.ds(j1 * cb, cb)]],
                             rows_v.at[1], sg1)
            pltpu.make_async_copy(node_hbm.at[idx_v.at[pl.ds(j0 * cb, cb)]],
                                  rows_v.at[0], sg0).wait()
            pltpu.sync_copy(rows_v.at[0], out_hbm.at[pl.ds(base + j0 * cb, cb)])

            @pl.when(j1 + 1 < nch)
            def _():
                pltpu.async_copy(
                    node_hbm.at[idx_v.at[pl.ds((j1 + 1) * cb, cb)]],
                    rows_v.at[0], sg0)

            pltpu.make_async_copy(node_hbm.at[idx_v.at[pl.ds(j1 * cb, cb)]],
                                  rows_v.at[1], sg1).wait()
            pltpu.sync_copy(rows_v.at[1], out_hbm.at[pl.ds(base + j1 * cb, cb)])
            return 0

        lax.fori_loop(0, nch // 2, pair, 0)
        if nch % 2:
            j = nch - 1
            pltpu.make_async_copy(node_hbm.at[idx_v.at[pl.ds(j * cb, cb)]],
                                  rows_v.at[0], sg0).wait()
            pltpu.sync_copy(rows_v.at[0], out_hbm.at[pl.ds(base + j * cb, cb)])

    return k(node_pad, src)


def _sc_scatter(msg, dst_h, cnt, cb, prev):
    nch = cnt // (NW * cb)
    epw = nch * cb
    dst_r = dst_h.reshape(NW, nch, cb)

    @functools.partial(
        pl.kernel,
        mesh=plsc.VectorSubcoreMesh(**_SC_MESH),
        out_type=jax.ShapeDtypeStruct((NC, N_PAD, 128), jnp.float32),
        scratch_types=[
            pltpu.VMEM((nch, cb), jnp.int32),
            pltpu.VMEM((2, cb, 128), jnp.float32),
            pltpu.VMEM_SHARED((N_PAD, 128), jnp.float32),
            pltpu.SemaphoreType.DMA,
            pltpu.SemaphoreType.DMA,
        ],
    )
    def k(msg_hbm, dst_hbm, prev_hbm, out_hbm, idx_v, msg_v, acc_sh,
          sl0, sl1):
        cid = lax.axis_index("c")
        sid = lax.axis_index("s")
        wid = sid * NC + cid
        base = wid * epw
        pltpu.sync_copy(prev_hbm.at[cid, pl.ds(sid * NPS, NPS)],
                        acc_sh.at[pl.ds(sid * NPS, NPS)])
        plsc.subcore_barrier()
        pltpu.sync_copy(dst_hbm.at[wid], idx_v)
        pltpu.async_copy(msg_hbm.at[pl.ds(base, cb)], msg_v.at[0], sl0)

        def pair(p, _):
            j0 = 2 * p
            j1 = j0 + 1
            pltpu.async_copy(msg_hbm.at[pl.ds(base + j1 * cb, cb)],
                             msg_v.at[1], sl1)
            pltpu.make_async_copy(msg_hbm.at[pl.ds(base + j0 * cb, cb)],
                                  msg_v.at[0], sl0).wait()
            pltpu.sync_copy(msg_v.at[0], acc_sh.at[idx_v.at[j0]], add=True)

            @pl.when(j1 + 1 < nch)
            def _():
                pltpu.async_copy(msg_hbm.at[pl.ds(base + (j1 + 1) * cb, cb)],
                                 msg_v.at[0], sl0)

            pltpu.make_async_copy(msg_hbm.at[pl.ds(base + j1 * cb, cb)],
                                  msg_v.at[1], sl1).wait()
            pltpu.sync_copy(msg_v.at[1], acc_sh.at[idx_v.at[j1]], add=True)
            return 0

        lax.fori_loop(0, nch // 2, pair, 0)
        if nch % 2:
            j = nch - 1
            pltpu.make_async_copy(msg_hbm.at[pl.ds(base + j * cb, cb)],
                                  msg_v.at[0], sl0).wait()
            pltpu.sync_copy(msg_v.at[0], acc_sh.at[idx_v.at[j]], add=True)
        plsc.subcore_barrier()
        pltpu.sync_copy(acc_sh.at[pl.ds(sid * NPS, NPS)],
                        out_hbm.at[cid, pl.ds(sid * NPS, NPS)])

    return k(msg, dst_r, prev)


def _msg_body(ef_ref, xs_ref, w1_ref, b1_ref, w2_ref, b2_ref, erep_ref,
              esum_ref, out_ref):
    h = jnp.maximum(
        jnp.dot(ef_ref[...], w1_ref[...], preferred_element_type=jnp.float32)
        + b1_ref[...], 0.0)
    we = jnp.dot(h.astype(jnp.bfloat16), w2_ref[...],
                 preferred_element_type=jnp.float32).astype(jnp.bfloat16) + b2_ref[...]
    xr = jnp.dot(xs_ref[...].astype(jnp.bfloat16), erep_ref[...],
                 preferred_element_type=jnp.float32).astype(jnp.bfloat16)
    out_ref[...] = jnp.dot(we * xr, esum_ref[...],
                           preferred_element_type=jnp.float32)


def _tc_msg(edge_feats, xs_h, e0, cnt, be, W1, b1, W2, b2):
    grid = (cnt // be,)
    f = jnp.arange(H)
    erep = (f[None, :] // D_OUT == jnp.arange(128)[:, None]).astype(jnp.bfloat16)
    esum = (f[:, None] % D_OUT == jnp.arange(128)[None, :]).astype(jnp.bfloat16)
    return pl.pallas_call(
        _msg_body,
        grid=grid,
        in_specs=[
            pl.BlockSpec((be, D_EDGE), lambda i, e0=e0, be=be: (i + e0 // be, 0)),
            pl.BlockSpec((be, 128), lambda i: (i, 0)),
            pl.BlockSpec((D_EDGE, H), lambda i: (0, 0)),
            pl.BlockSpec((1, H), lambda i: (0, 0)),
            pl.BlockSpec((H, H), lambda i: (0, 0)),
            pl.BlockSpec((1, H), lambda i: (0, 0)),
            pl.BlockSpec((128, H), lambda i: (0, 0)),
            pl.BlockSpec((H, 128), lambda i: (0, 0)),
        ],
        out_specs=pl.BlockSpec((be, 128), lambda i: (i, 0)),
        out_shape=jax.ShapeDtypeStruct((cnt, 128), jnp.float32),
    )(edge_feats, xs_h, W1.T, b1[None, :], W2.T.astype(jnp.bfloat16),
      b2[None, :].astype(jnp.bfloat16), erep, esum)


def _finish_body(aggp_ref, nf_ref, bconv_ref, wr_ref, wz_ref, wn_ref,
                 br_ref, bz_ref, bni_ref, bnh_ref, wres_ref, bres_ref,
                 gamma_ref, beta_ref, out_ref):
    agg = aggp_ref[0, :N, :D_OUT] + aggp_ref[1, :N, :D_OUT]
    x = jnp.maximum(agg + bconv_ref[...], 0.0)
    r = jax.nn.sigmoid(
        jnp.dot(x, wr_ref[...], preferred_element_type=jnp.float32) + br_ref[...])
    z = jax.nn.sigmoid(
        jnp.dot(x, wz_ref[...], preferred_element_type=jnp.float32) + bz_ref[...])
    n = jnp.tanh(
        jnp.dot(x, wn_ref[...], preferred_element_type=jnp.float32)
        + bni_ref[...] + r * bnh_ref[...])
    hnew = (1.0 - z) * n
    out = hnew + jnp.dot(nf_ref[...], wres_ref[...],
                         preferred_element_type=jnp.float32) + bres_ref[...]
    mean = jnp.mean(out, axis=0, keepdims=True)
    var = jnp.mean((out - mean) ** 2, axis=0, keepdims=True)
    out_ref[...] = (out - mean) * lax.rsqrt(var + 1e-5) * gamma_ref[...] + beta_ref[...]


def _tc_finish(aggp, node_feats, b_conv, Wih, Whh, bih, bhh, Wres,
               bres, gamma, beta):
    O = D_OUT
    args = (
        aggp, node_feats, b_conv[None, :],
        Wih[:O].T, Wih[O:2 * O].T, Wih[2 * O:].T,
        (bih[:O] + bhh[:O])[None, :],
        (bih[O:2 * O] + bhh[O:2 * O])[None, :],
        bih[2 * O:][None, :], bhh[2 * O:][None, :],
        Wres.T, bres[None, :], gamma[None, :], beta[None, :],
    )
    return pl.pallas_call(
        _finish_body,
        out_shape=jax.ShapeDtypeStruct((N, D_OUT), jnp.float32),
    )(*args)


def kernel(node_feats, edge_feats, edge_index, W1, b1, W2, b2, b_conv, Wih,
           Whh, bih, bhh, Wres, bres, gamma, beta):
    src = edge_index[0]
    dst = edge_index[1]
    node_pad = jnp.pad(node_feats, ((0, 0), (0, 128 - D_NODE)))

    offs = [0]
    for c, _, _ in E_SPLIT:
        offs.append(offs[-1] + c)
    xss, msgs = [], []
    for i, (cnt, cb, be) in enumerate(E_SPLIT):
        xss.append(_sc_gather(node_pad, src, offs[i], cnt, cb))
    for i, (cnt, cb, be) in enumerate(E_SPLIT):
        msgs.append(_tc_msg(edge_feats, xss[i], offs[i], cnt, be, W1, b1,
                            W2, b2))
    aggp = jnp.zeros((NC, N_PAD, 128), dtype=jnp.float32)
    for i, (cnt, cb, be) in enumerate(E_SPLIT):
        aggp = _sc_scatter(msgs[i], dst[offs[i]:offs[i + 1]], cnt, cb, aggp)
    return _tc_finish(aggp, node_feats, b_conv, Wih, Whh, bih, bhh,
                      Wres, bres, gamma, beta)

# --- scband reference (transcript-rebuilt; emitter-appended) ---
"""Pipeline reference for scband-mpnnlayer-60215441490190 (READ-ONLY COPY).

The authoritative reference and input builder live on the scoring server;
editing this copy changes nothing except your own understanding.
"""

import jax, jax.numpy as jnp
import numpy as np

N = 10000
E = 160000
D_NODE = 32
D_EDGE = 16
D_OUT = 32
H = D_OUT * D_NODE  # 1024; edge-net hidden/out dim (out*node == out*out since node==out)


def setup_inputs(seed: int = 0):
    key = jax.random.key(seed)
    k = lambda i: jax.random.fold_in(key, i)
    inp = {}
    inp["node_feats"] = jax.random.normal(k(0), (N, D_NODE), dtype=jnp.float32)
    inp["edge_feats"] = jax.random.normal(k(1), (E, D_EDGE), dtype=jnp.float32)
    inp["edge_index"] = jax.random.randint(k(2), (2, E), 0, N, dtype=jnp.int32)
    # edge_network: Linear(d_edge, out*node) -> ReLU -> Linear(out*node, out*out)
    inp["W1"] = jax.random.normal(k(3), (H, D_EDGE), dtype=jnp.float32) / np.sqrt(D_EDGE)
    inp["b1"] = jnp.zeros((H,), dtype=jnp.float32)
    inp["W2"] = jax.random.normal(k(4), (D_OUT * D_OUT, H), dtype=jnp.float32) / np.sqrt(H)
    inp["b2"] = jnp.zeros((D_OUT * D_OUT,), dtype=jnp.float32)
    # NNConv bias
    inp["b_conv"] = jnp.zeros((D_OUT,), dtype=jnp.float32)
    # GRU(out, out) single layer; weight layout (r, z, n) like PyTorch
    inp["Wih"] = jax.random.normal(k(5), (3 * D_OUT, D_OUT), dtype=jnp.float32) / np.sqrt(D_OUT)
    inp["Whh"] = jax.random.normal(k(6), (3 * D_OUT, D_OUT), dtype=jnp.float32) / np.sqrt(D_OUT)
    inp["bih"] = jnp.zeros((3 * D_OUT,), dtype=jnp.float32)
    inp["bhh"] = jnp.zeros((3 * D_OUT,), dtype=jnp.float32)
    # residual Linear(node_feats, out_feats)
    inp["Wres"] = jax.random.normal(k(7), (D_OUT, D_NODE), dtype=jnp.float32) / np.sqrt(D_NODE)
    inp["bres"] = jnp.zeros((D_OUT,), dtype=jnp.float32)
    # BatchNorm1d affine params
    inp["gamma"] = jnp.ones((D_OUT,), dtype=jnp.float32)
    inp["beta"] = jnp.zeros((D_OUT,), dtype=jnp.float32)
    return inp


def reference(node_feats, edge_feats, edge_index, W1, b1, W2, b2, b_conv, Wih, Whh, bih, bhh, Wres, bres, gamma, beta):
    src = edge_index[0]
    dst = edge_index[1]
    # --- NNConv: edge network produces per-edge weight matrices [E, D_NODE, D_OUT] ---
    h = jax.nn.relu(edge_feats @ W1.T + b1)
    We = (h @ W2.T + b2).reshape(E, D_NODE, D_OUT)
    xs = node_feats[src]                               # gather src features [E, D_NODE]
    msg = jnp.einsum('ei,eio->eo', xs, We)             # per-edge message [E, D_OUT]
    agg = jnp.zeros((N, D_OUT), dtype=jnp.float32).at[dst].add(msg)  # sum aggregation
    conv_out = agg + b_conv
    x = jax.nn.relu(conv_out)
    # --- single-step GRU with h0 = 0 ---
    gi = x @ Wih.T + bih
    h0 = jnp.zeros((N, D_OUT), dtype=jnp.float32)
    gh = h0 @ Whh.T + bhh
    r = jax.nn.sigmoid(gi[:, :D_OUT] + gh[:, :D_OUT])
    z = jax.nn.sigmoid(gi[:, D_OUT:2 * D_OUT] + gh[:, D_OUT:2 * D_OUT])
    n = jnp.tanh(gi[:, 2 * D_OUT:] + r * gh[:, 2 * D_OUT:])
    hnew = (1.0 - z) * n + z * h0
    # --- residual connection ---
    out = hnew + node_feats @ Wres.T + bres
    # dropout p=0.0 -> identity
    # --- BatchNorm1d (training-mode batch statistics, biased variance) ---
    mean = out.mean(axis=0)
    var = out.var(axis=0)
    out = (out - mean) / jnp.sqrt(var + 1e-5) * gamma + beta
    # activation is None
    return out

if __name__ == "__main__":
    import jax
    _d = setup_inputs()
    print(jax.jit(kernel)(*tuple(_d.values())))

</pallas_src>

<mosaic_0001>
#map = affine_map<(d0, d1) -> (0, 0)>
#map1 = affine_map<(d0, d1) -> (0, 0, 0)>
module attributes {stable_mosaic.version = 14 : i64} {
  func.func @k(%arg0: i32, %arg1: i32, %arg2: memref<40960x128xf32, #tpu.memory_space<hbm>>, %arg3: memref<32x10x128xi32, #tpu.memory_space<hbm>>, %arg4: memref<2x10240x128xf32, #tpu.memory_space<hbm>>, %arg5: memref<2x10240x128xf32, #tpu.memory_space<hbm>>, %arg6: memref<10x128xi32, #tpu.memory_space<vmem>>, %arg7: memref<2x128x128xf32, #tpu.memory_space<vmem>>, %arg8: memref<10240x128xf32, #tpu.memory_space<vmem_shared>>, %arg9: memref<!tpu.dma_semaphore, #tpu.memory_space<semaphore_mem>>, %arg10: memref<!tpu.dma_semaphore, #tpu.memory_space<semaphore_mem>>) attributes {dimension_semantics = [#tpu.dimension_semantics<core_parallel>, #tpu.dimension_semantics<subcore_parallel>], iteration_bounds = array<i64: 2, 16>, scalar_prefetch = 0 : i64, scratch_operands = 5 : i64, tpu.core_type = #tpu.core_type<sc_vector_subcore>, window_params = [{transform_indices = #map}, {transform_indices = #map1}, {transform_indices = #map1}, {transform_indices = #map1}]} {
    %mul3A = arith.constant 2 : i32
    %mul3A_0 = arith.muli %arg1, %mul3A : i32
    %add3A = arith.addi %mul3A_0, %arg0 : i32
    %mul3A_1 = arith.constant 1280 : i32
    %mul3A_2 = arith.muli %add3A, %mul3A_1 : i32
    %mul3A_3 = arith.constant 640 : i32
    %mul3A_4 = arith.muli %arg1, %mul3A_3 : i32
    %mul3A_5 = arith.constant 640 : i32
    %mul3A_6 = arith.muli %arg1, %mul3A_5 : i32
    "tpu.region"() ({
      %run_scoped3A = tpu.sem_alloc : memref<!tpu.dma_semaphore, #tpu.memory_space<semaphore_mem>>
      %dma_start3A_30 = arith.constant 0 : i32
      %dma_start3A_31 = tpu.memref_slice %arg8[%mul3A_6, %dma_start3A_30] : memref<10240x128xf32, #tpu.memory_space<vmem_shared>> -> memref<640x128xf32, #tpu.memory_space<vmem_shared>>
      %dma_start3A_32 = arith.constant 0 : i32
      %dma_start3A_33 = tpu.memref_slice %arg4[%arg0, %mul3A_4, %dma_start3A_32] : memref<2x10240x128xf32, #tpu.memory_space<hbm>> -> memref<1x640x128xf32, #tpu.memory_space<hbm>>
      %dma_start3A_34 = tpu.memref_squeeze %dma_start3A_33 : memref<1x640x128xf32, #tpu.memory_space<hbm>> -> memref<640x128xf32, #tpu.memory_space<hbm>>
      tpu.enqueue_dma source(%dma_start3A_34 : memref<640x128xf32, #tpu.memory_space<hbm>>) target(%dma_start3A_31 : memref<640x128xf32, #tpu.memory_space<vmem_shared>>) target_semaphore(%run_scoped3A : memref<!tpu.dma_semaphore, #tpu.memory_space<semaphore_mem>>)
      %dma_wait3A = arith.constant 0 : i32
      %dma_wait3A_35 = tpu.memref_slice %arg8[%mul3A_6, %dma_wait3A] : memref<10240x128xf32, #tpu.memory_space<vmem_shared>> -> memref<640x128xf32, #tpu.memory_space<vmem_shared>>
      %dma_wait3A_36 = arith.constant 0 : i32
      %dma_wait3A_37 = tpu.memref_slice %arg4[%arg0, %mul3A_4, %dma_wait3A_36] : memref<2x10240x128xf32, #tpu.memory_space<hbm>> -> memref<1x640x128xf32, #tpu.memory_space<hbm>>
      %dma_wait3A_38 = tpu.memref_squeeze %dma_wait3A_37 : memref<1x640x128xf32, #tpu.memory_space<hbm>> -> memref<640x128xf32, #tpu.memory_space<hbm>>
      tpu.wait_dma2 semaphore(%run_scoped3A : memref<!tpu.dma_semaphore, #tpu.memory_space<semaphore_mem>>) src(%dma_wait3A_38 : memref<640x128xf32, #tpu.memory_space<hbm>>) dst(%dma_wait3A_35 : memref<640x128xf32, #tpu.memory_space<vmem_shared>>)
      tpu.yield
    }) : () -> ()
    %barrier3A = arith.constant 0 : index
    tpu.barrier barrier_id(%barrier3A)
    "tpu.region"() ({
      %run_scoped3A = tpu.sem_alloc : memref<!tpu.dma_semaphore, #tpu.memory_space<semaphore_mem>>
      %dma_start3A_30 = arith.constant 0 : i32
      %dma_start3A_31 = arith.constant 0 : i32
      %dma_start3A_32 = tpu.memref_slice %arg3[%add3A, %dma_start3A_30, %dma_start3A_31] : memref<32x10x128xi32, #tpu.memory_space<hbm>> -> memref<1x10x128xi32, #tpu.memory_space<hbm>>
      %dma_start3A_33 = tpu.memref_squeeze %dma_start3A_32 : memref<1x10x128xi32, #tpu.memory_space<hbm>> -> memref<10x128xi32, #tpu.memory_space<hbm>>
      %dma_start3A_34 = arith.constant 0 : i32
      %dma_start3A_35 = arith.constant 0 : i32
      %dma_start3A_36 = tpu.memref_slice %arg3[%add3A, %dma_start3A_34, %dma_start3A_35] : memref<32x10x128xi32, #tpu.memory_space<hbm>> -> memref<1x10x128xi32, #tpu.memory_space<hbm>>
      %dma_start3A_37 = tpu.memref_squeeze %dma_start3A_36 : memref<1x10x128xi32, #tpu.memory_space<hbm>> -> memref<10x128xi32, #tpu.memory_space<hbm>>
      tpu.enqueue_dma source(%dma_start3A_37 : memref<10x128xi32, #tpu.memory_space<hbm>>) target(%arg6 : memref<10x128xi32, #tpu.memory_space<vmem>>) target_semaphore(%run_scoped3A : memref<!tpu.dma_semaphore, #tpu.memory_space<semaphore_mem>>)
      %dma_wait3A = arith.constant 0 : i32
      %dma_wait3A_38 = arith.constant 0 : i32
      %dma_wait3A_39 = tpu.memref_slice %arg3[%add3A, %dma_wait3A, %dma_wait3A_38] : memref<32x10x128xi32, #tpu.memory_space<hbm>> -> memref<1x10x128xi32, #tpu.memory_space<hbm>>
      %dma_wait3A_40 = tpu.memref_squeeze %dma_wait3A_39 : memref<1x10x128xi32, #tpu.memory_space<hbm>> -> memref<10x128xi32, #tpu.memory_space<hbm>>
      %dma_wait3A_41 = arith.constant 0 : i32
      %dma_wait3A_42 = arith.constant 0 : i32
      %dma_wait3A_43 = tpu.memref_slice %arg3[%add3A, %dma_wait3A_41, %dma_wait3A_42] : memref<32x10x128xi32, #tpu.memory_space<hbm>> -> memref<1x10x128xi32, #tpu.memory_space<hbm>>
      %dma_wait3A_44 = tpu.memref_squeeze %dma_wait3A_43 : memref<1x10x128xi32, #tpu.memory_space<hbm>> -> memref<10x128xi32, #tpu.memory_space<hbm>>
      tpu.wait_dma2 semaphore(%run_scoped3A : memref<!tpu.dma_semaphore, #tpu.memory_space<semaphore_mem>>) src(%dma_wait3A_44 : memref<10x128xi32, #tpu.memory_space<hbm>>) dst(%arg6 : memref<10x128xi32, #tpu.memory_space<vmem>>)
      tpu.yield
    }) : () -> ()
    %dma_start3A = arith.constant 0 : i32
    %dma_start3A_7 = arith.constant 0 : i32
    %dma_start3A_8 = arith.constant 0 : i32
    %dma_start3A_9 = tpu.memref_slice %arg7[%dma_start3A, %dma_start3A_7, %dma_start3A_8] : memref<2x128x128xf32, #tpu.memory_space<vmem>> -> memref<1x128x128xf32, #tpu.memory_space<vmem>>
    %dma_start3A_10 = tpu.memref_squeeze %dma_start3A_9 : memref<1x128x128xf32, #tpu.memory_space<vmem>> -> memref<128x128xf32, #tpu.memory_space<vmem>>
    %dma_start3A_11 = arith.constant 0 : i32
    %dma_start3A_12 = tpu.memref_slice %arg2[%mul3A_2, %dma_start3A_11] : memref<40960x128xf32, #tpu.memory_space<hbm>> -> memref<128x128xf32, #tpu.memory_space<hbm>>
    %dma_start3A_13 = arith.constant 0 : i32
    %dma_start3A_14 = arith.constant 0 : i32
    %dma_start3A_15 = tpu.memref_slice %arg7[%dma_start3A, %dma_start3A_13, %dma_start3A_14] : memref<2x128x128xf32, #tpu.memory_space<vmem>> -> memref<1x128x128xf32, #tpu.memory_space<vmem>>
    %dma_start3A_16 = tpu.memref_squeeze %dma_start3A_15 : memref<1x128x128xf32, #tpu.memory_space<vmem>> -> memref<128x128xf32, #tpu.memory_space<vmem>>
    %dma_start3A_17 = arith.constant 0 : i32
    %dma_start3A_18 = tpu.memref_slice %arg2[%mul3A_2, %dma_start3A_17] : memref<40960x128xf32, #tpu.memory_space<hbm>> -> memref<128x128xf32, #tpu.memory_space<hbm>>
    tpu.enqueue_dma source(%dma_start3A_18 : memref<128x128xf32, #tpu.memory_space<hbm>>) target(%dma_start3A_16 : memref<128x128xf32, #tpu.memory_space<vmem>>) target_semaphore(%arg9 : memref<!tpu.dma_semaphore, #tpu.memory_space<semaphore_mem>>)
    %scan3A = arith.constant 0 : i32
    %scan3A_19 = arith.constant 0 : i32
    %scan3A_20 = arith.constant 5 : i32
    %scan3A_21 = arith.addi %scan3A_19, %scan3A_20 : i32
    %scan3A_22 = arith.constant 1 : i32
    %scan3A_23 = scf.for %scan3A_30 = %scan3A_19 to %scan3A_21 step %scan3A_22 iter_args(%scan3A_31 = %scan3A) -> (i32)  : i32 {
      %mul3A_32 = arith.constant 2 : i32
      %mul3A_33 = arith.muli %mul3A_32, %scan3A_30 : i32
      %add3A_34 = arith.constant 1 : i32
      %add3A_35 = arith.addi %mul3A_33, %add3A_34 : i32
      %mul3A_36 = arith.constant 128 : i32
      %mul3A_37 = arith.muli %add3A_35, %mul3A_36 : i32
      %add3A_38 = arith.addi %mul3A_2, %mul3A_37 : i32
      %dma_start3A_39 = arith.constant 1 : i32
      %dma_start3A_40 = arith.constant 0 : i32
      %dma_start3A_41 = arith.constant 0 : i32
      %dma_start3A_42 = tpu.memref_slice %arg7[%dma_start3A_39, %dma_start3A_40, %dma_start3A_41] : memref<2x128x128xf32, #tpu.memory_space<vmem>> -> memref<1x128x128xf32, #tpu.memory_space<vmem>>
      %dma_start3A_43 = tpu.memref_squeeze %dma_start3A_42 : memref<1x128x128xf32, #tpu.memory_space<vmem>> -> memref<128x128xf32, #tpu.memory_space<vmem>>
      %dma_start3A_44 = arith.constant 0 : i32
      %dma_start3A_45 = tpu.memref_slice %arg2[%add3A_38, %dma_start3A_44] : memref<40960x128xf32, #tpu.memory_space<hbm>> -> memref<128x128xf32, #tpu.memory_space<hbm>>
      %dma_start3A_46 = arith.constant 0 : i32
      %dma_start3A_47 = arith.constant 0 : i32
      %dma_start3A_48 = tpu.memref_slice %arg7[%dma_start3A_39, %dma_start3A_46, %dma_start3A_47] : memref<2x128x128xf32, #tpu.memory_space<vmem>> -> memref<1x128x128xf32, #tpu.memory_space<vmem>>
      %dma_start3A_49 = tpu.memref_squeeze %dma_start3A_48 : memref<1x128x128xf32, #tpu.memory_space<vmem>> -> memref<128x128xf32, #tpu.memory_space<vmem>>
      %dma_start3A_50 = arith.constant 0 : i32
      %dma_start3A_51 = tpu.memref_slice %arg2[%add3A_38, %dma_start3A_50] : memref<40960x128xf32, #tpu.memory_space<hbm>> -> memref<128x128xf32, #tpu.memory_space<hbm>>
      tpu.enqueue_dma source(%dma_start3A_51 : memref<128x128xf32, #tpu.memory_space<hbm>>) target(%dma_start3A_49 : memref<128x128xf32, #tpu.memory_space<vmem>>) target_semaphore(%arg10 : memref<!tpu.dma_semaphore, #tpu.memory_space<semaphore_mem>>)
      %mul3A_52 = arith.constant 128 : i32
      %mul3A_53 = arith.muli %mul3A_33, %mul3A_52 : i32
      %add3A_54 = arith.addi %mul3A_2, %mul3A_53 : i32
      %dma_wait3A = arith.constant 0 : i32
      %dma_wait3A_55 = arith.constant 0 : i32
      %dma_wait3A_56 = arith.constant 0 : i32
      %dma_wait3A_57 = tpu.memref_slice %arg7[%dma_wait3A, %dma_wait3A_55, %dma_wait3A_56] : memref<2x128x128xf32, #tpu.memory_space<vmem>> -> memref<1x128x128xf32, #tpu.memory_space<vmem>>
      %dma_wait3A_58 = tpu.memref_squeeze %dma_wait3A_57 : memref<1x128x128xf32, #tpu.memory_space<vmem>> -> memref<128x128xf32, #tpu.memory_space<vmem>>
      %dma_wait3A_59 = arith.constant 0 : i32
      %dma_wait3A_60 = tpu.memref_slice %arg2[%add3A_54, %dma_wait3A_59] : memref<40960x128xf32, #tpu.memory_space<hbm>> -> memref<128x128xf32, #tpu.memory_space<hbm>>
      %dma_wait3A_61 = arith.constant 0 : i32
      %dma_wait3A_62 = arith.constant 0 : i32
      %dma_wait3A_63 = tpu.memref_slice %arg7[%dma_wait3A, %dma_wait3A_61, %dma_wait3A_62] : memref<2x128x128xf32, #tpu.memory_space<vmem>> -> memref<1x128x128xf32, #tpu.memory_space<vmem>>
      %dma_wait3A_64 = tpu.memref_squeeze %dma_wait3A_63 : memref<1x128x128xf32, #tpu.memory_space<vmem>> -> memref<128x128xf32, #tpu.memory_space<vmem>>
      %dma_wait3A_65 = arith.constant 0 : i32
      %dma_wait3A_66 = tpu.memref_slice %arg2[%add3A_54, %dma_wait3A_65] : memref<40960x128xf32, #tpu.memory_space<hbm>> -> memref<128x128xf32, #tpu.memory_space<hbm>>
      tpu.wait_dma2 semaphore(%arg9 : memref<!tpu.dma_semaphore, #tpu.memory_space<semaphore_mem>>) src(%dma_wait3A_66 : memref<128x128xf32, #tpu.memory_space<hbm>>) dst(%dma_wait3A_64 : memref<128x128xf32, #tpu.memory_space<vmem>>)
      %run_scoped3A = arith.constant 0 : i32
      "tpu.region"() ({
        %run_scoped3A_89 = tpu.sem_alloc : memref<!tpu.dma_semaphore, #tpu.memory_space<semaphore_mem>>
        %dma_start3A_90 = arith.constant 0 : i32
        %dma_start3A_91 = arith.constant 0 : i32
        %dma_start3A_92 = tpu.memref_slice %arg7[%run_scoped3A, %dma_start3A_90, %dma_start3A_91] : memref<2x128x128xf32, #tpu.memory_space<vmem>> -> memref<1x128x128xf32, #tpu.memory_space<vmem>>
        %dma_start3A_93 = tpu.memref_squeeze %dma_start3A_92 : memref<1x128x128xf32, #tpu.memory_space<vmem>> -> memref<128x128xf32, #tpu.memory_space<vmem>>
        %dma_start3A_94 = arith.constant 0 : i32
        %dma_start3A_95 = tpu.memref_slice %arg6[%mul3A_33, %dma_start3A_94] : memref<10x128xi32, #tpu.memory_space<vmem>> -> memref<1x128xi32, #tpu.memory_space<vmem>>
        %dma_start3A_96 = tpu.memref_squeeze %dma_start3A_95 : memref<1x128xi32, #tpu.memory_space<vmem>> -> memref<128xi32, #tpu.memory_space<vmem>>
        %dma_start3A_97 = arith.constant 0 : i32
        %dma_start3A_98 = arith.constant 0 : i32
        %dma_start3A_99 = tpu.memref_slice %arg8[%dma_start3A_97, %dma_start3A_98] : memref<10240x128xf32, #tpu.memory_space<vmem_shared>> -> memref<10240x128xf32, #tpu.memory_space<vmem_shared>>
        tpu.enqueue_indirect_dma source(%dma_start3A_93 : memref<128x128xf32, #tpu.memory_space<vmem>>) target(%dma_start3A_99 : memref<10240x128xf32, #tpu.memory_space<vmem_shared>>) offsets(%dma_start3A_96 : memref<128xi32, #tpu.memory_space<vmem>>) semaphore(%run_scoped3A_89 : memref<!tpu.dma_semaphore, #tpu.memory_space<semaphore_mem>>) {add = true}
        %dma_wait3A_100 = arith.constant 0 : i32
        %dma_wait3A_101 = arith.constant 0 : i32
        %dma_wait3A_102 = tpu.memref_slice %arg7[%run_scoped3A, %dma_wait3A_100, %dma_wait3A_101] : memref<2x128x128xf32, #tpu.memory_space<vmem>> -> memref<1x128x128xf32, #tpu.memory_space<vmem>>
        %dma_wait3A_103 = tpu.memref_squeeze %dma_wait3A_102 : memref<1x128x128xf32, #tpu.memory_space<vmem>> -> memref<128x128xf32, #tpu.memory_space<vmem>>
        %dma_wait3A_104 = arith.constant 0 : i32
        %dma_wait3A_105 = tpu.memref_slice %arg6[%mul3A_33, %dma_wait3A_104] : memref<10x128xi32, #tpu.memory_space<vmem>> -> memref<1x128xi32, #tpu.memory_space<vmem>>
        %dma_wait3A_106 = tpu.memref_squeeze %dma_wait3A_105 : memref<1x128xi32, #tpu.memory_space<vmem>> -> memref<128xi32, #tpu.memory_space<vmem>>
        %dma_wait3A_107 = arith.constant 0 : i32
        %dma_wait3A_108 = arith.constant 0 : i32
        %dma_wait3A_109 = tpu.memref_slice %arg8[%dma_wait3A_107, %dma_wait3A_108] : memref<10240x128xf32, #tpu.memory_space<vmem_shared>> -> memref<10240x128xf32, #tpu.memory_space<vmem_shared>>
        tpu.wait_indirect_dma semaphore(%run_scoped3A_89 : memref<!tpu.dma_semaphore, #tpu.memory_space<semaphore_mem>>) src(%dma_wait3A_103 : memref<128x128xf32, #tpu.memory_space<vmem>>) dst(%dma_wait3A_109 : memref<10240x128xf32, #tpu.memory_space<vmem_shared>>)
        tpu.yield
      }) : () -> ()
      %add3A_67 = arith.constant 1 : i32
      %add3A_68 = arith.addi %add3A_35, %add3A_67 : i32
      %lt3A = arith.constant 10 : i32
      %lt3A_69 = arith.cmpi slt, %add3A_68, %lt3A : i32
      %convert_element_type3A = arith.extui %lt3A_69 : i1 to i32
      %cond3A = arith.constant 0 : i32
      %cond3A_70 = arith.cmpi ne, %convert_element_type3A, %cond3A : i32
      scf.if %cond3A_70 {
        %add3A_89 = arith.constant 1 : i32
        %add3A_90 = arith.addi %add3A_35, %add3A_89 : i32
        %mul3A_91 = arith.constant 128 : i32
        %mul3A_92 = arith.muli %add3A_90, %mul3A_91 : i32
        %add3A_93 = arith.addi %mul3A_2, %mul3A_92 : i32
        %dma_start3A_94 = arith.constant 0 : i32
        %dma_start3A_95 = arith.constant 0 : i32
        %dma_start3A_96 = arith.constant 0 : i32
        %dma_start3A_97 = tpu.memref_slice %arg7[%dma_start3A_94, %dma_start3A_95, %dma_start3A_96] : memref<2x128x128xf32, #tpu.memory_space<vmem>> -> memref<1x128x128xf32, #tpu.memory_space<vmem>>
        %dma_start3A_98 = tpu.memref_squeeze %dma_start3A_97 : memref<1x128x128xf32, #tpu.memory_space<vmem>> -> memref<128x128xf32, #tpu.memory_space<vmem>>
        %dma_start3A_99 = arith.constant 0 : i32
        %dma_start3A_100 = tpu.memref_slice %arg2[%add3A_93, %dma_start3A_99] : memref<40960x128xf32, #tpu.memory_space<hbm>> -> memref<128x128xf32, #tpu.memory_space<hbm>>
        %dma_start3A_101 = arith.constant 0 : i32
        %dma_start3A_102 = arith.constant 0 : i32
        %dma_start3A_103 = tpu.memref_slice %arg7[%dma_start3A_94, %dma_start3A_101, %dma_start3A_102] : memref<2x128x128xf32, #tpu.memory_space<vmem>> -> memref<1x128x128xf32, #tpu.memory_space<vmem>>
        %dma_start3A_104 = tpu.memref_squeeze %dma_start3A_103 : memref<1x128x128xf32, #tpu.memory_space<vmem>> -> memref<128x128xf32, #tpu.memory_space<vmem>>
        %dma_start3A_105 = arith.constant 0 : i32
        %dma_start3A_106 = tpu.memref_slice %arg2[%add3A_93, %dma_start3A_105] : memref<40960x128xf32, #tpu.memory_space<hbm>> -> memref<128x128xf32, #tpu.memory_space<hbm>>
        tpu.enqueue_dma source(%dma_start3A_106 : memref<128x128xf32, #tpu.memory_space<hbm>>) target(%dma_start3A_104 : memref<128x128xf32, #tpu.memory_space<vmem>>) target_semaphore(%arg9 : memref<!tpu.dma_semaphore, #tpu.memory_space<semaphore_mem>>)
      } else {
      }
      %mul3A_71 = arith.constant 128 : i32
      %mul3A_72 = arith.muli %add3A_35, %mul3A_71 : i32
      %add3A_73 = arith.addi %mul3A_2, %mul3A_72 : i32
      %dma_wait3A_74 = arith.constant 1 : i32
      %dma_wait3A_75 = arith.constant 0 : i32
      %dma_wait3A_76 = arith.constant 0 : i32
      %dma_wait3A_77 = tpu.memref_slice %arg7[%dma_wait3A_74, %dma_wait3A_75, %dma_wait3A_76] : memref<2x128x128xf32, #tpu.memory_space<vmem>> -> memref<1x128x128xf32, #tpu.memory_space<vmem>>
      %dma_wait3A_78 = tpu.memref_squeeze %dma_wait3A_77 : memref<1x128x128xf32, #tpu.memory_space<vmem>> -> memref<128x128xf32, #tpu.memory_space<vmem>>
      %dma_wait3A_79 = arith.constant 0 : i32
      %dma_wait3A_80 = tpu.memref_slice %arg2[%add3A_73, %dma_wait3A_79] : memref<40960x128xf32, #tpu.memory_space<hbm>> -> memref<128x128xf32, #tpu.memory_space<hbm>>
      %dma_wait3A_81 = arith.constant 0 : i32
      %dma_wait3A_82 = arith.constant 0 : i32
      %dma_wait3A_83 = tpu.memref_slice %arg7[%dma_wait3A_74, %dma_wait3A_81, %dma_wait3A_82] : memref<2x128x128xf32, #tpu.memory_space<vmem>> -> memref<1x128x128xf32, #tpu.memory_space<vmem>>
      %dma_wait3A_84 = tpu.memref_squeeze %dma_wait3A_83 : memref<1x128x128xf32, #tpu.memory_space<vmem>> -> memref<128x128xf32, #tpu.memory_space<vmem>>
      %dma_wait3A_85 = arith.constant 0 : i32
      %dma_wait3A_86 = tpu.memref_slice %arg2[%add3A_73, %dma_wait3A_85] : memref<40960x128xf32, #tpu.memory_space<hbm>> -> memref<128x128xf32, #tpu.memory_space<hbm>>
      tpu.wait_dma2 semaphore(%arg10 : memref<!tpu.dma_semaphore, #tpu.memory_space<semaphore_mem>>) src(%dma_wait3A_86 : memref<128x128xf32, #tpu.memory_space<hbm>>) dst(%dma_wait3A_84 : memref<128x128xf32, #tpu.memory_space<vmem>>)
      %run_scoped3A_87 = arith.constant 1 : i32
      "tpu.region"() ({
        %run_scoped3A_89 = tpu.sem_alloc : memref<!tpu.dma_semaphore, #tpu.memory_space<semaphore_mem>>
        %dma_start3A_90 = arith.constant 0 : i32
        %dma_start3A_91 = arith.constant 0 : i32
        %dma_start3A_92 = tpu.memref_slice %arg7[%run_scoped3A_87, %dma_start3A_90, %dma_start3A_91] : memref<2x128x128xf32, #tpu.memory_space<vmem>> -> memref<1x128x128xf32, #tpu.memory_space<vmem>>
        %dma_start3A_93 = tpu.memref_squeeze %dma_start3A_92 : memref<1x128x128xf32, #tpu.memory_space<vmem>> -> memref<128x128xf32, #tpu.memory_space<vmem>>
        %dma_start3A_94 = arith.constant 0 : i32
        %dma_start3A_95 = tpu.memref_slice %arg6[%add3A_35, %dma_start3A_94] : memref<10x128xi32, #tpu.memory_space<vmem>> -> memref<1x128xi32, #tpu.memory_space<vmem>>
        %dma_start3A_96 = tpu.memref_squeeze %dma_start3A_95 : memref<1x128xi32, #tpu.memory_space<vmem>> -> memref<128xi32, #tpu.memory_space<vmem>>
        %dma_start3A_97 = arith.constant 0 : i32
        %dma_start3A_98 = arith.constant 0 : i32
        %dma_start3A_99 = tpu.memref_slice %arg8[%dma_start3A_97, %dma_start3A_98] : memref<10240x128xf32, #tpu.memory_space<vmem_shared>> -> memref<10240x128xf32, #tpu.memory_space<vmem_shared>>
        tpu.enqueue_indirect_dma source(%dma_start3A_93 : memref<128x128xf32, #tpu.memory_space<vmem>>) target(%dma_start3A_99 : memref<10240x128xf32, #tpu.memory_space<vmem_shared>>) offsets(%dma_start3A_96 : memref<128xi32, #tpu.memory_space<vmem>>) semaphore(%run_scoped3A_89 : memref<!tpu.dma_semaphore, #tpu.memory_space<semaphore_mem>>) {add = true}
        %dma_wait3A_100 = arith.constant 0 : i32
        %dma_wait3A_101 = arith.constant 0 : i32
        %dma_wait3A_102 = tpu.memref_slice %arg7[%run_scoped3A_87, %dma_wait3A_100, %dma_wait3A_101] : memref<2x128x128xf32, #tpu.memory_space<vmem>> -> memref<1x128x128xf32, #tpu.memory_space<vmem>>
        %dma_wait3A_103 = tpu.memref_squeeze %dma_wait3A_102 : memref<1x128x128xf32, #tpu.memory_space<vmem>> -> memref<128x128xf32, #tpu.memory_space<vmem>>
        %dma_wait3A_104 = arith.constant 0 : i32
        %dma_wait3A_105 = tpu.memref_slice %arg6[%add3A_35, %dma_wait3A_104] : memref<10x128xi32, #tpu.memory_space<vmem>> -> memref<1x128xi32, #tpu.memory_space<vmem>>
        %dma_wait3A_106 = tpu.memref_squeeze %dma_wait3A_105 : memref<1x128xi32, #tpu.memory_space<vmem>> -> memref<128xi32, #tpu.memory_space<vmem>>
        %dma_wait3A_107 = arith.constant 0 : i32
        %dma_wait3A_108 = arith.constant 0 : i32
        %dma_wait3A_109 = tpu.memref_slice %arg8[%dma_wait3A_107, %dma_wait3A_108] : memref<10240x128xf32, #tpu.memory_space<vmem_shared>> -> memref<10240x128xf32, #tpu.memory_space<vmem_shared>>
        tpu.wait_indirect_dma semaphore(%run_scoped3A_89 : memref<!tpu.dma_semaphore, #tpu.memory_space<semaphore_mem>>) src(%dma_wait3A_103 : memref<128x128xf32, #tpu.memory_space<vmem>>) dst(%dma_wait3A_109 : memref<10240x128xf32, #tpu.memory_space<vmem_shared>>)
        tpu.yield
      }) : () -> ()
      %scan3A_88 = arith.constant 0 : i32
      scf.yield %scan3A_88 : i32
    }
    %scan3A_24 = arith.constant 5 : i32
    %barrier3A_25 = arith.constant 0 : index
    tpu.barrier barrier_id(%barrier3A_25)
    %mul3A_26 = arith.constant 640 : i32
    %mul3A_27 = arith.muli %arg1, %mul3A_26 : i32
    %mul3A_28 = arith.constant 640 : i32
    %mul3A_29 = arith.muli %arg1, %mul3A_28 : i32
    "tpu.region"() ({
      %run_scoped3A = tpu.sem_alloc : memref<!tpu.dma_semaphore, #tpu.memory_space<semaphore_mem>>
      %dma_start3A_30 = arith.constant 0 : i32
      %dma_start3A_31 = tpu.memref_slice %arg5[%arg0, %mul3A_29, %dma_start3A_30] : memref<2x10240x128xf32, #tpu.memory_space<hbm>> -> memref<1x640x128xf32, #tpu.memory_space<hbm>>
      %dma_start3A_32 = tpu.memref_squeeze %dma_start3A_31 : memref<1x640x128xf32, #tpu.memory_space<hbm>> -> memref<640x128xf32, #tpu.memory_space<hbm>>
      %dma_start3A_33 = arith.constant 0 : i32
      %dma_start3A_34 = tpu.memref_slice %arg8[%mul3A_27, %dma_start3A_33] : memref<10240x128xf32, #tpu.memory_space<vmem_shared>> -> memref<640x128xf32, #tpu.memory_space<vmem_shared>>
      tpu.enqueue_dma source(%dma_start3A_34 : memref<640x128xf32, #tpu.memory_space<vmem_shared>>) target(%dma_start3A_32 : memref<640x128xf32, #tpu.memory_space<hbm>>) target_semaphore(%run_scoped3A : memref<!tpu.dma_semaphore, #tpu.memory_space<semaphore_mem>>)
      %dma_wait3A = arith.constant 0 : i32
      %dma_wait3A_35 = tpu.memref_slice %arg5[%arg0, %mul3A_29, %dma_wait3A] : memref<2x10240x128xf32, #tpu.memory_space<hbm>> -> memref<1x640x128xf32, #tpu.memory_space<hbm>>
      %dma_wait3A_36 = tpu.memref_squeeze %dma_wait3A_35 : memref<1x640x128xf32, #tpu.memory_space<hbm>> -> memref<640x128xf32, #tpu.memory_space<hbm>>
      %dma_wait3A_37 = arith.constant 0 : i32
      %dma_wait3A_38 = tpu.memref_slice %arg8[%mul3A_27, %dma_wait3A_37] : memref<10240x128xf32, #tpu.memory_space<vmem_shared>> -> memref<640x128xf32, #tpu.memory_space<vmem_shared>>
      tpu.wait_dma2 semaphore(%run_scoped3A : memref<!tpu.dma_semaphore, #tpu.memory_space<semaphore_mem>>) src(%dma_wait3A_38 : memref<640x128xf32, #tpu.memory_space<vmem_shared>>) dst(%dma_wait3A_36 : memref<640x128xf32, #tpu.memory_space<hbm>>)
      tpu.yield
    }) : () -> ()
    return
  }
}

#map = affine_map<(d0, d1) -> (0, 0)>
#map1 = affine_map<(d0, d1) -> (0)>
module attributes {stable_mosaic.version = 14 : i64} {
  func.func @k(%arg0: i32, %arg1: i32, %arg2: memref<10000x128xf32, #tpu.memory_space<hbm>>, %arg3: memref<160000xi32, #tpu.memory_space<hbm>>, %arg4: memref<40960x128xf32, #tpu.memory_space<hbm>>, %arg5: memref<1280xi32, #tpu.memory_space<vmem>>, %arg6: memref<2x128x128xf32, #tpu.memory_space<vmem>>, %arg7: memref<!tpu.dma_semaphore, #tpu.memory_space<semaphore_mem>>, %arg8: memref<!tpu.dma_semaphore, #tpu.memory_space<semaphore_mem>>) attributes {dimension_semantics = [#tpu.dimension_semantics<core_parallel>, #tpu.dimension_semantics<subcore_parallel>], iteration_bounds = array<i64: 2, 16>, scalar_prefetch = 0 : i64, scratch_operands = 4 : i64, tpu.core_type = #tpu.core_type<sc_vector_subcore>, window_params = [{transform_indices = #map}, {transform_indices = #map1}, {transform_indices = #map}]} {
    %mul3A = arith.constant 2 : i32
    %mul3A_0 = arith.muli %arg1, %mul3A : i32
    %add3A = arith.addi %mul3A_0, %arg0 : i32
    %mul3A_1 = arith.constant 1280 : i32
    %mul3A_2 = arith.muli %add3A, %mul3A_1 : i32
    %add3A_3 = arith.constant 0 : i32
    %add3A_4 = arith.addi %add3A_3, %mul3A_2 : i32
    "tpu.region"() ({
      %run_scoped3A = tpu.sem_alloc : memref<!tpu.dma_semaphore, #tpu.memory_space<semaphore_mem>>
      %dma_start3A_20 = tpu.memref_slice %arg3[%add3A_4] : memref<160000xi32, #tpu.memory_space<hbm>> -> memref<1280xi32, #tpu.memory_space<hbm>>
      %dma_start3A_21 = tpu.memref_slice %arg3[%add3A_4] : memref<160000xi32, #tpu.memory_space<hbm>> -> memref<1280xi32, #tpu.memory_space<hbm>>
      tpu.enqueue_dma source(%dma_start3A_21 : memref<1280xi32, #tpu.memory_space<hbm>>) target(%arg5 : memref<1280xi32, #tpu.memory_space<vmem>>) target_semaphore(%run_scoped3A : memref<!tpu.dma_semaphore, #tpu.memory_space<semaphore_mem>>)
      %dma_wait3A = tpu.memref_slice %arg3[%add3A_4] : memref<160000xi32, #tpu.memory_space<hbm>> -> memref<1280xi32, #tpu.memory_space<hbm>>
      %dma_wait3A_22 = tpu.memref_slice %arg3[%add3A_4] : memref<160000xi32, #tpu.memory_space<hbm>> -> memref<1280xi32, #tpu.memory_space<hbm>>
      tpu.wait_dma2 semaphore(%run_scoped3A : memref<!tpu.dma_semaphore, #tpu.memory_space<semaphore_mem>>) src(%dma_wait3A_22 : memref<1280xi32, #tpu.memory_space<hbm>>) dst(%arg5 : memref<1280xi32, #tpu.memory_space<vmem>>)
      tpu.yield
    }) : () -> ()
    %dma_start3A = arith.constant 0 : i32
    %dma_start3A_5 = arith.constant 0 : i32
    %dma_start3A_6 = arith.constant 0 : i32
    %dma_start3A_7 = tpu.memref_slice %arg6[%dma_start3A, %dma_start3A_5, %dma_start3A_6] : memref<2x128x128xf32, #tpu.memory_space<vmem>> -> memref<1x128x128xf32, #tpu.memory_space<vmem>>
    %dma_start3A_8 = tpu.memref_squeeze %dma_start3A_7 : memref<1x128x128xf32, #tpu.memory_space<vmem>> -> memref<128x128xf32, #tpu.memory_space<vmem>>
    %dma_start3A_9 = arith.constant 0 : i32
    %dma_start3A_10 = tpu.memref_slice %arg5[%dma_start3A_9] : memref<1280xi32, #tpu.memory_space<vmem>> -> memref<128xi32, #tpu.memory_space<vmem>>
    %dma_start3A_11 = arith.constant 0 : i32
    %dma_start3A_12 = arith.constant 0 : i32
    %dma_start3A_13 = tpu.memref_slice %arg2[%dma_start3A_11, %dma_start3A_12] : memref<10000x128xf32, #tpu.memory_space<hbm>> -> memref<10000x128xf32, #tpu.memory_space<hbm>>
    tpu.enqueue_indirect_dma source(%dma_start3A_13 : memref<10000x128xf32, #tpu.memory_space<hbm>>) target(%dma_start3A_8 : memref<128x128xf32, #tpu.memory_space<vmem>>) offsets(%dma_start3A_10 : memref<128xi32, #tpu.memory_space<vmem>>) semaphore(%arg7 : memref<!tpu.dma_semaphore, #tpu.memory_space<semaphore_mem>>)
    %scan3A = arith.constant 0 : i32
    %scan3A_14 = arith.constant 0 : i32
    %scan3A_15 = arith.constant 5 : i32
    %scan3A_16 = arith.addi %scan3A_14, %scan3A_15 : i32
    %scan3A_17 = arith.constant 1 : i32
    %scan3A_18 = scf.for %scan3A_20 = %scan3A_14 to %scan3A_16 step %scan3A_17 iter_args(%scan3A_21 = %scan3A) -> (i32)  : i32 {
      %mul3A_22 = arith.constant 2 : i32
      %mul3A_23 = arith.muli %mul3A_22, %scan3A_20 : i32
      %add3A_24 = arith.constant 1 : i32
      %add3A_25 = arith.addi %mul3A_23, %add3A_24 : i32
      %mul3A_26 = arith.constant 128 : i32
      %mul3A_27 = arith.muli %add3A_25, %mul3A_26 : i32
      %dma_start3A_28 = arith.constant 1 : i32
      %dma_start3A_29 = arith.constant 0 : i32
      %dma_start3A_30 = arith.constant 0 : i32
      %dma_start3A_31 = tpu.memref_slice %arg6[%dma_start3A_28, %dma_start3A_29, %dma_start3A_30] : memref<2x128x128xf32, #tpu.memory_space<vmem>> -> memref<1x128x128xf32, #tpu.memory_space<vmem>>
      %dma_start3A_32 = tpu.memref_squeeze %dma_start3A_31 : memref<1x128x128xf32, #tpu.memory_space<vmem>> -> memref<128x128xf32, #tpu.memory_space<vmem>>
      %dma_start3A_33 = tpu.memref_slice %arg5[%mul3A_27] : memref<1280xi32, #tpu.memory_space<vmem>> -> memref<128xi32, #tpu.memory_space<vmem>>
      %dma_start3A_34 = arith.constant 0 : i32
      %dma_start3A_35 = arith.constant 0 : i32
      %dma_start3A_36 = tpu.memref_slice %arg2[%dma_start3A_34, %dma_start3A_35] : memref<10000x128xf32, #tpu.memory_space<hbm>> -> memref<10000x128xf32, #tpu.memory_space<hbm>>
      tpu.enqueue_indirect_dma source(%dma_start3A_36 : memref<10000x128xf32, #tpu.memory_space<hbm>>) target(%dma_start3A_32 : memref<128x128xf32, #tpu.memory_space<vmem>>) offsets(%dma_start3A_33 : memref<128xi32, #tpu.memory_space<vmem>>) semaphore(%arg8 : memref<!tpu.dma_semaphore, #tpu.memory_space<semaphore_mem>>)
      %mul3A_37 = arith.constant 128 : i32
      %mul3A_38 = arith.muli %mul3A_23, %mul3A_37 : i32
      %dma_wait3A = arith.constant 0 : i32
      %dma_wait3A_39 = arith.constant 0 : i32
      %dma_wait3A_40 = arith.constant 0 : i32
      %dma_wait3A_41 = tpu.memref_slice %arg6[%dma_wait3A, %dma_wait3A_39, %dma_wait3A_40] : memref<2x128x128xf32, #tpu.memory_space<vmem>> -> memref<1x128x128xf32, #tpu.memory_space<vmem>>
      %dma_wait3A_42 = tpu.memref_squeeze %dma_wait3A_41 : memref<1x128x128xf32, #tpu.memory_space<vmem>> -> memref<128x128xf32, #tpu.memory_space<vmem>>
      %dma_wait3A_43 = tpu.memref_slice %arg5[%mul3A_38] : memref<1280xi32, #tpu.memory_space<vmem>> -> memref<128xi32, #tpu.memory_space<vmem>>
      %dma_wait3A_44 = arith.constant 0 : i32
      %dma_wait3A_45 = arith.constant 0 : i32
      %dma_wait3A_46 = tpu.memref_slice %arg2[%dma_wait3A_44, %dma_wait3A_45] : memref<10000x128xf32, #tpu.memory_space<hbm>> -> memref<10000x128xf32, #tpu.memory_space<hbm>>
      tpu.wait_indirect_dma semaphore(%arg7 : memref<!tpu.dma_semaphore, #tpu.memory_space<semaphore_mem>>) src(%dma_wait3A_46 : memref<10000x128xf32, #tpu.memory_space<hbm>>) dst(%dma_wait3A_42 : memref<128x128xf32, #tpu.memory_space<vmem>>)
      %mul3A_47 = arith.constant 128 : i32
      %mul3A_48 = arith.muli %mul3A_23, %mul3A_47 : i32
      %add3A_49 = arith.addi %mul3A_2, %mul3A_48 : i32
      %run_scoped3A = arith.constant 0 : i32
      "tpu.region"() ({
        %run_scoped3A_70 = tpu.sem_alloc : memref<!tpu.dma_semaphore, #tpu.memory_space<semaphore_mem>>
        %dma_start3A_71 = arith.constant 0 : i32
        %dma_start3A_72 = arith.constant 0 : i32
        %dma_start3A_73 = tpu.memref_slice %arg6[%run_scoped3A, %dma_start3A_71, %dma_start3A_72] : memref<2x128x128xf32, #tpu.memory_space<vmem>> -> memref<1x128x128xf32, #tpu.memory_space<vmem>>
        %dma_start3A_74 = tpu.memref_squeeze %dma_start3A_73 : memref<1x128x128xf32, #tpu.memory_space<vmem>> -> memref<128x128xf32, #tpu.memory_space<vmem>>
        %dma_start3A_75 = arith.constant 0 : i32
        %dma_start3A_76 = tpu.memref_slice %arg4[%add3A_49, %dma_start3A_75] : memref<40960x128xf32, #tpu.memory_space<hbm>> -> memref<128x128xf32, #tpu.memory_space<hbm>>
        %dma_start3A_77 = arith.constant 0 : i32
        %dma_start3A_78 = tpu.memref_slice %arg4[%add3A_49, %dma_start3A_77] : memref<40960x128xf32, #tpu.memory_space<hbm>> -> memref<128x128xf32, #tpu.memory_space<hbm>>
        %dma_start3A_79 = arith.constant 0 : i32
        %dma_start3A_80 = arith.constant 0 : i32
        %dma_start3A_81 = tpu.memref_slice %arg6[%run_scoped3A, %dma_start3A_79, %dma_start3A_80] : memref<2x128x128xf32, #tpu.memory_space<vmem>> -> memref<1x128x128xf32, #tpu.memory_space<vmem>>
        %dma_start3A_82 = tpu.memref_squeeze %dma_start3A_81 : memref<1x128x128xf32, #tpu.memory_space<vmem>> -> memref<128x128xf32, #tpu.memory_space<vmem>>
        tpu.enqueue_dma source(%dma_start3A_82 : memref<128x128xf32, #tpu.memory_space<vmem>>) target(%dma_start3A_78 : memref<128x128xf32, #tpu.memory_space<hbm>>) target_semaphore(%run_scoped3A_70 : memref<!tpu.dma_semaphore, #tpu.memory_space<semaphore_mem>>)
        %dma_wait3A_83 = arith.constant 0 : i32
        %dma_wait3A_84 = arith.constant 0 : i32
        %dma_wait3A_85 = tpu.memref_slice %arg6[%run_scoped3A, %dma_wait3A_83, %dma_wait3A_84] : memref<2x128x128xf32, #tpu.memory_space<vmem>> -> memref<1x128x128xf32, #tpu.memory_space<vmem>>
        %dma_wait3A_86 = tpu.memref_squeeze %dma_wait3A_85 : memref<1x128x128xf32, #tpu.memory_space<vmem>> -> memref<128x128xf32, #tpu.memory_space<vmem>>
        %dma_wait3A_87 = arith.constant 0 : i32
        %dma_wait3A_88 = tpu.memref_slice %arg4[%add3A_49, %dma_wait3A_87] : memref<40960x128xf32, #tpu.memory_space<hbm>> -> memref<128x128xf32, #tpu.memory_space<hbm>>
        %dma_wait3A_89 = arith.constant 0 : i32
        %dma_wait3A_90 = tpu.memref_slice %arg4[%add3A_49, %dma_wait3A_89] : memref<40960x128xf32, #tpu.memory_space<hbm>> -> memref<128x128xf32, #tpu.memory_space<hbm>>
        %dma_wait3A_91 = arith.constant 0 : i32
        %dma_wait3A_92 = arith.constant 0 : i32
        %dma_wait3A_93 = tpu.memref_slice %arg6[%run_scoped3A, %dma_wait3A_91, %dma_wait3A_92] : memref<2x128x128xf32, #tpu.memory_space<vmem>> -> memref<1x128x128xf32, #tpu.memory_space<vmem>>
        %dma_wait3A_94 = tpu.memref_squeeze %dma_wait3A_93 : memref<1x128x128xf32, #tpu.memory_space<vmem>> -> memref<128x128xf32, #tpu.memory_space<vmem>>
        tpu.wait_dma2 semaphore(%run_scoped3A_70 : memref<!tpu.dma_semaphore, #tpu.memory_space<semaphore_mem>>) src(%dma_wait3A_94 : memref<128x128xf32, #tpu.memory_space<vmem>>) dst(%dma_wait3A_90 : memref<128x128xf32, #tpu.memory_space<hbm>>)
        tpu.yield
      }) : () -> ()
      %add3A_50 = arith.constant 1 : i32
      %add3A_51 = arith.addi %add3A_25, %add3A_50 : i32
      %lt3A = arith.constant 10 : i32
      %lt3A_52 = arith.cmpi slt, %add3A_51, %lt3A : i32
      %convert_element_type3A = arith.extui %lt3A_52 : i1 to i32
      %cond3A = arith.constant 0 : i32
      %cond3A_53 = arith.cmpi ne, %convert_element_type3A, %cond3A : i32
      scf.if %cond3A_53 {
        %add3A_70 = arith.constant 1 : i32
        %add3A_71 = arith.addi %add3A_25, %add3A_70 : i32
        %mul3A_72 = arith.constant 128 : i32
        %mul3A_73 = arith.muli %add3A_71, %mul3A_72 : i32
        %dma_start3A_74 = arith.constant 0 : i32
        %dma_start3A_75 = arith.constant 0 : i32
        %dma_start3A_76 = arith.constant 0 : i32
        %dma_start3A_77 = tpu.memref_slice %arg6[%dma_start3A_74, %dma_start3A_75, %dma_start3A_76] : memref<2x128x128xf32, #tpu.memory_space<vmem>> -> memref<1x128x128xf32, #tpu.memory_space<vmem>>
        %dma_start3A_78 = tpu.memref_squeeze %dma_start3A_77 : memref<1x128x128xf32, #tpu.memory_space<vmem>> -> memref<128x128xf32, #tpu.memory_space<vmem>>
        %dma_start3A_79 = tpu.memref_slice %arg5[%mul3A_73] : memref<1280xi32, #tpu.memory_space<vmem>> -> memref<128xi32, #tpu.memory_space<vmem>>
        %dma_start3A_80 = arith.constant 0 : i32
        %dma_start3A_81 = arith.constant 0 : i32
        %dma_start3A_82 = tpu.memref_slice %arg2[%dma_start3A_80, %dma_start3A_81] : memref<10000x128xf32, #tpu.memory_space<hbm>> -> memref<10000x128xf32, #tpu.memory_space<hbm>>
        tpu.enqueue_indirect_dma source(%dma_start3A_82 : memref<10000x128xf32, #tpu.memory_space<hbm>>) target(%dma_start3A_78 : memref<128x128xf32, #tpu.memory_space<vmem>>) offsets(%dma_start3A_79 : memref<128xi32, #tpu.memory_space<vmem>>) semaphore(%arg7 : memref<!tpu.dma_semaphore, #tpu.memory_space<semaphore_mem>>)
      } else {
      }
      %mul3A_54 = arith.constant 128 : i32
      %mul3A_55 = arith.muli %add3A_25, %mul3A_54 : i32
      %dma_wait3A_56 = arith.constant 1 : i32
      %dma_wait3A_57 = arith.constant 0 : i32
      %dma_wait3A_58 = arith.constant 0 : i32
      %dma_wait3A_59 = tpu.memref_slice %arg6[%dma_wait3A_56, %dma_wait3A_57, %dma_wait3A_58] : memref<2x128x128xf32, #tpu.memory_space<vmem>> -> memref<1x128x128xf32, #tpu.memory_space<vmem>>
      %dma_wait3A_60 = tpu.memref_squeeze %dma_wait3A_59 : memref<1x128x128xf32, #tpu.memory_space<vmem>> -> memref<128x128xf32, #tpu.memory_space<vmem>>
      %dma_wait3A_61 = tpu.memref_slice %arg5[%mul3A_55] : memref<1280xi32, #tpu.memory_space<vmem>> -> memref<128xi32, #tpu.memory_space<vmem>>
      %dma_wait3A_62 = arith.constant 0 : i32
      %dma_wait3A_63 = arith.constant 0 : i32
      %dma_wait3A_64 = tpu.memref_slice %arg2[%dma_wait3A_62, %dma_wait3A_63] : memref<10000x128xf32, #tpu.memory_space<hbm>> -> memref<10000x128xf32, #tpu.memory_space<hbm>>
      tpu.wait_indirect_dma semaphore(%arg8 : memref<!tpu.dma_semaphore, #tpu.memory_space<semaphore_mem>>) src(%dma_wait3A_64 : memref<10000x128xf32, #tpu.memory_space<hbm>>) dst(%dma_wait3A_60 : memref<128x128xf32, #tpu.memory_space<vmem>>)
      %mul3A_65 = arith.constant 128 : i32
      %mul3A_66 = arith.muli %add3A_25, %mul3A_65 : i32
      %add3A_67 = arith.addi %mul3A_2, %mul3A_66 : i32
      %run_scoped3A_68 = arith.constant 1 : i32
      "tpu.region"() ({
        %run_scoped3A_70 = tpu.sem_alloc : memref<!tpu.dma_semaphore, #tpu.memory_space<semaphore_mem>>
        %dma_start3A_71 = arith.constant 0 : i32
        %dma_start3A_72 = arith.constant 0 : i32
        %dma_start3A_73 = tpu.memref_slice %arg6[%run_scoped3A_68, %dma_start3A_71, %dma_start3A_72] : memref<2x128x128xf32, #tpu.memory_space<vmem>> -> memref<1x128x128xf32, #tpu.memory_space<vmem>>
        %dma_start3A_74 = tpu.memref_squeeze %dma_start3A_73 : memref<1x128x128xf32, #tpu.memory_space<vmem>> -> memref<128x128xf32, #tpu.memory_space<vmem>>
        %dma_start3A_75 = arith.constant 0 : i32
        %dma_start3A_76 = tpu.memref_slice %arg4[%add3A_67, %dma_start3A_75] : memref<40960x128xf32, #tpu.memory_space<hbm>> -> memref<128x128xf32, #tpu.memory_space<hbm>>
        %dma_start3A_77 = arith.constant 0 : i32
        %dma_start3A_78 = tpu.memref_slice %arg4[%add3A_67, %dma_start3A_77] : memref<40960x128xf32, #tpu.memory_space<hbm>> -> memref<128x128xf32, #tpu.memory_space<hbm>>
        %dma_start3A_79 = arith.constant 0 : i32
        %dma_start3A_80 = arith.constant 0 : i32
        %dma_start3A_81 = tpu.memref_slice %arg6[%run_scoped3A_68, %dma_start3A_79, %dma_start3A_80] : memref<2x128x128xf32, #tpu.memory_space<vmem>> -> memref<1x128x128xf32, #tpu.memory_space<vmem>>
        %dma_start3A_82 = tpu.memref_squeeze %dma_start3A_81 : memref<1x128x128xf32, #tpu.memory_space<vmem>> -> memref<128x128xf32, #tpu.memory_space<vmem>>
        tpu.enqueue_dma source(%dma_start3A_82 : memref<128x128xf32, #tpu.memory_space<vmem>>) target(%dma_start3A_78 : memref<128x128xf32, #tpu.memory_space<hbm>>) target_semaphore(%run_scoped3A_70 : memref<!tpu.dma_semaphore, #tpu.memory_space<semaphore_mem>>)
        %dma_wait3A_83 = arith.constant 0 : i32
        %dma_wait3A_84 = arith.constant 0 : i32
        %dma_wait3A_85 = tpu.memref_slice %arg6[%run_scoped3A_68, %dma_wait3A_83, %dma_wait3A_84] : memref<2x128x128xf32, #tpu.memory_space<vmem>> -> memref<1x128x128xf32, #tpu.memory_space<vmem>>
        %dma_wait3A_86 = tpu.memref_squeeze %dma_wait3A_85 : memref<1x128x128xf32, #tpu.memory_space<vmem>> -> memref<128x128xf32, #tpu.memory_space<vmem>>
        %dma_wait3A_87 = arith.constant 0 : i32
        %dma_wait3A_88 = tpu.memref_slice %arg4[%add3A_67, %dma_wait3A_87] : memref<40960x128xf32, #tpu.memory_space<hbm>> -> memref<128x128xf32, #tpu.memory_space<hbm>>
        %dma_wait3A_89 = arith.constant 0 : i32
        %dma_wait3A_90 = tpu.memref_slice %arg4[%add3A_67, %dma_wait3A_89] : memref<40960x128xf32, #tpu.memory_space<hbm>> -> memref<128x128xf32, #tpu.memory_space<hbm>>
        %dma_wait3A_91 = arith.constant 0 : i32
        %dma_wait3A_92 = arith.constant 0 : i32
        %dma_wait3A_93 = tpu.memref_slice %arg6[%run_scoped3A_68, %dma_wait3A_91, %dma_wait3A_92] : memref<2x128x128xf32, #tpu.memory_space<vmem>> -> memref<1x128x128xf32, #tpu.memory_space<vmem>>
        %dma_wait3A_94 = tpu.memref_squeeze %dma_wait3A_93 : memref<1x128x128xf32, #tpu.memory_space<vmem>> -> memref<128x128xf32, #tpu.memory_space<vmem>>
        tpu.wait_dma2 semaphore(%run_scoped3A_70 : memref<!tpu.dma_semaphore, #tpu.memory_space<semaphore_mem>>) src(%dma_wait3A_94 : memref<128x128xf32, #tpu.memory_space<vmem>>) dst(%dma_wait3A_90 : memref<128x128xf32, #tpu.memory_space<hbm>>)
        tpu.yield
      }) : () -> ()
      %scan3A_69 = arith.constant 0 : i32
      scf.yield %scan3A_69 : i32
    }
    %scan3A_19 = arith.constant 5 : i32
    return
  }
}

#map = affine_map<(d0, d1) -> (0, 0)>
#map1 = affine_map<(d0, d1) -> (0)>
module attributes {stable_mosaic.version = 14 : i64} {
  func.func @k(%arg0: i32, %arg1: i32, %arg2: memref<10000x128xf32, #tpu.memory_space<hbm>>, %arg3: memref<160000xi32, #tpu.memory_space<hbm>>, %arg4: memref<40960x128xf32, #tpu.memory_space<hbm>>, %arg5: memref<1280xi32, #tpu.memory_space<vmem>>, %arg6: memref<2x128x128xf32, #tpu.memory_space<vmem>>, %arg7: memref<!tpu.dma_semaphore, #tpu.memory_space<semaphore_mem>>, %arg8: memref<!tpu.dma_semaphore, #tpu.memory_space<semaphore_mem>>) attributes {dimension_semantics = [#tpu.dimension_semantics<core_parallel>, #tpu.dimension_semantics<subcore_parallel>], iteration_bounds = array<i64: 2, 16>, scalar_prefetch = 0 : i64, scratch_operands = 4 : i64, tpu.core_type = #tpu.core_type<sc_vector_subcore>, window_params = [{transform_indices = #map}, {transform_indices = #map1}, {transform_indices = #map}]} {
    %mul3A = arith.constant 2 : i32
    %mul3A_0 = arith.muli %arg1, %mul3A : i32
    %add3A = arith.addi %mul3A_0, %arg0 : i32
    %mul3A_1 = arith.constant 1280 : i32
    %mul3A_2 = arith.muli %add3A, %mul3A_1 : i32
    %add3A_3 = arith.constant 81920 : i32
    %add3A_4 = arith.addi %add3A_3, %mul3A_2 : i32
    "tpu.region"() ({
      %run_scoped3A = tpu.sem_alloc : memref<!tpu.dma_semaphore, #tpu.memory_space<semaphore_mem>>
      %dma_start3A_20 = tpu.memref_slice %arg3[%add3A_4] : memref<160000xi32, #tpu.memory_space<hbm>> -> memref<1280xi32, #tpu.memory_space<hbm>>
      %dma_start3A_21 = tpu.memref_slice %arg3[%add3A_4] : memref<160000xi32, #tpu.memory_space<hbm>> -> memref<1280xi32, #tpu.memory_space<hbm>>
      tpu.enqueue_dma source(%dma_start3A_21 : memref<1280xi32, #tpu.memory_space<hbm>>) target(%arg5 : memref<1280xi32, #tpu.memory_space<vmem>>) target_semaphore(%run_scoped3A : memref<!tpu.dma_semaphore, #tpu.memory_space<semaphore_mem>>)
      %dma_wait3A = tpu.memref_slice %arg3[%add3A_4] : memref<160000xi32, #tpu.memory_space<hbm>> -> memref<1280xi32, #tpu.memory_space<hbm>>
      %dma_wait3A_22 = tpu.memref_slice %arg3[%add3A_4] : memref<160000xi32, #tpu.memory_space<hbm>> -> memref<1280xi32, #tpu.memory_space<hbm>>
      tpu.wait_dma2 semaphore(%run_scoped3A : memref<!tpu.dma_semaphore, #tpu.memory_space<semaphore_mem>>) src(%dma_wait3A_22 : memref<1280xi32, #tpu.memory_space<hbm>>) dst(%arg5 : memref<1280xi32, #tpu.memory_space<vmem>>)
      tpu.yield
    }) : () -> ()
    %dma_start3A = arith.constant 0 : i32
    %dma_start3A_5 = arith.constant 0 : i32
    %dma_start3A_6 = arith.constant 0 : i32
    %dma_start3A_7 = tpu.memref_slice %arg6[%dma_start3A, %dma_start3A_5, %dma_start3A_6] : memref<2x128x128xf32, #tpu.memory_space<vmem>> -> memref<1x128x128xf32, #tpu.memory_space<vmem>>
    %dma_start3A_8 = tpu.memref_squeeze %dma_start3A_7 : memref<1x128x128xf32, #tpu.memory_space<vmem>> -> memref<128x128xf32, #tpu.memory_space<vmem>>
    %dma_start3A_9 = arith.constant 0 : i32
    %dma_start3A_10 = tpu.memref_slice %arg5[%dma_start3A_9] : memref<1280xi32, #tpu.memory_space<vmem>> -> memref<128xi32, #tpu.memory_space<vmem>>
    %dma_start3A_11 = arith.constant 0 : i32
    %dma_start3A_12 = arith.constant 0 : i32
    %dma_start3A_13 = tpu.memref_slice %arg2[%dma_start3A_11, %dma_start3A_12] : memref<10000x128xf32, #tpu.memory_space<hbm>> -> memref<10000x128xf32, #tpu.memory_space<hbm>>
    tpu.enqueue_indirect_dma source(%dma_start3A_13 : memref<10000x128xf32, #tpu.memory_space<hbm>>) target(%dma_start3A_8 : memref<128x128xf32, #tpu.memory_space<vmem>>) offsets(%dma_start3A_10 : memref<128xi32, #tpu.memory_space<vmem>>) semaphore(%arg7 : memref<!tpu.dma_semaphore, #tpu.memory_space<semaphore_mem>>)
    %scan3A = arith.constant 0 : i32
    %scan3A_14 = arith.constant 0 : i32
    %scan3A_15 = arith.constant 5 : i32
    %scan3A_16 = arith.addi %scan3A_14, %scan3A_15 : i32
    %scan3A_17 = arith.constant 1 : i32
    %scan3A_18 = scf.for %scan3A_20 = %scan3A_14 to %scan3A_16 step %scan3A_17 iter_args(%scan3A_21 = %scan3A) -> (i32)  : i32 {
      %mul3A_22 = arith.constant 2 : i32
      %mul3A_23 = arith.muli %mul3A_22, %scan3A_20 : i32
      %add3A_24 = arith.constant 1 : i32
      %add3A_25 = arith.addi %mul3A_23, %add3A_24 : i32
      %mul3A_26 = arith.constant 128 : i32
      %mul3A_27 = arith.muli %add3A_25, %mul3A_26 : i32
      %dma_start3A_28 = arith.constant 1 : i32
      %dma_start3A_29 = arith.constant 0 : i32
      %dma_start3A_30 = arith.constant 0 : i32
      %dma_start3A_31 = tpu.memref_slice %arg6[%dma_start3A_28, %dma_start3A_29, %dma_start3A_30] : memref<2x128x128xf32, #tpu.memory_space<vmem>> -> memref<1x128x128xf32, #tpu.memory_space<vmem>>
      %dma_start3A_32 = tpu.memref_squeeze %dma_start3A_31 : memref<1x128x128xf32, #tpu.memory_space<vmem>> -> memref<128x128xf32, #tpu.memory_space<vmem>>
      %dma_start3A_33 = tpu.memref_slice %arg5[%mul3A_27] : memref<1280xi32, #tpu.memory_space<vmem>> -> memref<128xi32, #tpu.memory_space<vmem>>
      %dma_start3A_34 = arith.constant 0 : i32
      %dma_start3A_35 = arith.constant 0 : i32
      %dma_start3A_36 = tpu.memref_slice %arg2[%dma_start3A_34, %dma_start3A_35] : memref<10000x128xf32, #tpu.memory_space<hbm>> -> memref<10000x128xf32, #tpu.memory_space<hbm>>
      tpu.enqueue_indirect_dma source(%dma_start3A_36 : memref<10000x128xf32, #tpu.memory_space<hbm>>) target(%dma_start3A_32 : memref<128x128xf32, #tpu.memory_space<vmem>>) offsets(%dma_start3A_33 : memref<128xi32, #tpu.memory_space<vmem>>) semaphore(%arg8 : memref<!tpu.dma_semaphore, #tpu.memory_space<semaphore_mem>>)
      %mul3A_37 = arith.constant 128 : i32
      %mul3A_38 = arith.muli %mul3A_23, %mul3A_37 : i32
      %dma_wait3A = arith.constant 0 : i32
      %dma_wait3A_39 = arith.constant 0 : i32
      %dma_wait3A_40 = arith.constant 0 : i32
      %dma_wait3A_41 = tpu.memref_slice %arg6[%dma_wait3A, %dma_wait3A_39, %dma_wait3A_40] : memref<2x128x128xf32, #tpu.memory_space<vmem>> -> memref<1x128x128xf32, #tpu.memory_space<vmem>>
      %dma_wait3A_42 = tpu.memref_squeeze %dma_wait3A_41 : memref<1x128x128xf32, #tpu.memory_space<vmem>> -> memref<128x128xf32, #tpu.memory_space<vmem>>
      %dma_wait3A_43 = tpu.memref_slice %arg5[%mul3A_38] : memref<1280xi32, #tpu.memory_space<vmem>> -> memref<128xi32, #tpu.memory_space<vmem>>
      %dma_wait3A_44 = arith.constant 0 : i32
      %dma_wait3A_45 = arith.constant 0 : i32
      %dma_wait3A_46 = tpu.memref_slice %arg2[%dma_wait3A_44, %dma_wait3A_45] : memref<10000x128xf32, #tpu.memory_space<hbm>> -> memref<10000x128xf32, #tpu.memory_space<hbm>>
      tpu.wait_indirect_dma semaphore(%arg7 : memref<!tpu.dma_semaphore, #tpu.memory_space<semaphore_mem>>) src(%dma_wait3A_46 : memref<10000x128xf32, #tpu.memory_space<hbm>>) dst(%dma_wait3A_42 : memref<128x128xf32, #tpu.memory_space<vmem>>)
      %mul3A_47 = arith.constant 128 : i32
      %mul3A_48 = arith.muli %mul3A_23, %mul3A_47 : i32
      %add3A_49 = arith.addi %mul3A_2, %mul3A_48 : i32
      %run_scoped3A = arith.constant 0 : i32
      "tpu.region"() ({
        %run_scoped3A_70 = tpu.sem_alloc : memref<!tpu.dma_semaphore, #tpu.memory_space<semaphore_mem>>
        %dma_start3A_71 = arith.constant 0 : i32
        %dma_start3A_72 = arith.constant 0 : i32
        %dma_start3A_73 = tpu.memref_slice %arg6[%run_scoped3A, %dma_start3A_71, %dma_start3A_72] : memref<2x128x128xf32, #tpu.memory_space<vmem>> -> memref<1x128x128xf32, #tpu.memory_space<vmem>>
        %dma_start3A_74 = tpu.memref_squeeze %dma_start3A_73 : memref<1x128x128xf32, #tpu.memory_space<vmem>> -> memref<128x128xf32, #tpu.memory_space<vmem>>
        %dma_start3A_75 = arith.constant 0 : i32
        %dma_start3A_76 = tpu.memref_slice %arg4[%add3A_49, %dma_start3A_75] : memref<40960x128xf32, #tpu.memory_space<hbm>> -> memref<128x128xf32, #tpu.memory_space<hbm>>
        %dma_start3A_77 = arith.constant 0 : i32
        %dma_start3A_78 = tpu.memref_slice %arg4[%add3A_49, %dma_start3A_77] : memref<40960x128xf32, #tpu.memory_space<hbm>> -> memref<128x128xf32, #tpu.memory_space<hbm>>
        %dma_start3A_79 = arith.constant 0 : i32
        %dma_start3A_80 = arith.constant 0 : i32
        %dma_start3A_81 = tpu.memref_slice %arg6[%run_scoped3A, %dma_start3A_79, %dma_start3A_80] : memref<2x128x128xf32, #tpu.memory_space<vmem>> -> memref<1x128x128xf32, #tpu.memory_space<vmem>>
        %dma_start3A_82 = tpu.memref_squeeze %dma_start3A_81 : memref<1x128x128xf32, #tpu.memory_space<vmem>> -> memref<128x128xf32, #tpu.memory_space<vmem>>
        tpu.enqueue_dma source(%dma_start3A_82 : memref<128x128xf32, #tpu.memory_space<vmem>>) target(%dma_start3A_78 : memref<128x128xf32, #tpu.memory_space<hbm>>) target_semaphore(%run_scoped3A_70 : memref<!tpu.dma_semaphore, #tpu.memory_space<semaphore_mem>>)
        %dma_wait3A_83 = arith.constant 0 : i32
        %dma_wait3A_84 = arith.constant 0 : i32
        %dma_wait3A_85 = tpu.memref_slice %arg6[%run_scoped3A, %dma_wait3A_83, %dma_wait3A_84] : memref<2x128x128xf32, #tpu.memory_space<vmem>> -> memref<1x128x128xf32, #tpu.memory_space<vmem>>
        %dma_wait3A_86 = tpu.memref_squeeze %dma_wait3A_85 : memref<1x128x128xf32, #tpu.memory_space<vmem>> -> memref<128x128xf32, #tpu.memory_space<vmem>>
        %dma_wait3A_87 = arith.constant 0 : i32
        %dma_wait3A_88 = tpu.memref_slice %arg4[%add3A_49, %dma_wait3A_87] : memref<40960x128xf32, #tpu.memory_space<hbm>> -> memref<128x128xf32, #tpu.memory_space<hbm>>
        %dma_wait3A_89 = arith.constant 0 : i32
        %dma_wait3A_90 = tpu.memref_slice %arg4[%add3A_49, %dma_wait3A_89] : memref<40960x128xf32, #tpu.memory_space<hbm>> -> memref<128x128xf32, #tpu.memory_space<hbm>>
        %dma_wait3A_91 = arith.constant 0 : i32
        %dma_wait3A_92 = arith.constant 0 : i32
        %dma_wait3A_93 = tpu.memref_slice %arg6[%run_scoped3A, %dma_wait3A_91, %dma_wait3A_92] : memref<2x128x128xf32, #tpu.memory_space<vmem>> -> memref<1x128x128xf32, #tpu.memory_space<vmem>>
        %dma_wait3A_94 = tpu.memref_squeeze %dma_wait3A_93 : memref<1x128x128xf32, #tpu.memory_space<vmem>> -> memref<128x128xf32, #tpu.memory_space<vmem>>
        tpu.wait_dma2 semaphore(%run_scoped3A_70 : memref<!tpu.dma_semaphore, #tpu.memory_space<semaphore_mem>>) src(%dma_wait3A_94 : memref<128x128xf32, #tpu.memory_space<vmem>>) dst(%dma_wait3A_90 : memref<128x128xf32, #tpu.memory_space<hbm>>)
        tpu.yield
      }) : () -> ()
      %add3A_50 = arith.constant 1 : i32
      %add3A_51 = arith.addi %add3A_25, %add3A_50 : i32
      %lt3A = arith.constant 10 : i32
      %lt3A_52 = arith.cmpi slt, %add3A_51, %lt3A : i32
      %convert_element_type3A = arith.extui %lt3A_52 : i1 to i32
      %cond3A = arith.constant 0 : i32
      %cond3A_53 = arith.cmpi ne, %convert_element_type3A, %cond3A : i32
      scf.if %cond3A_53 {
        %add3A_70 = arith.constant 1 : i32
        %add3A_71 = arith.addi %add3A_25, %add3A_70 : i32
        %mul3A_72 = arith.constant 128 : i32
        %mul3A_73 = arith.muli %add3A_71, %mul3A_72 : i32
        %dma_start3A_74 = arith.constant 0 : i32
        %dma_start3A_75 = arith.constant 0 : i32
        %dma_start3A_76 = arith.constant 0 : i32
        %dma_start3A_77 = tpu.memref_slice %arg6[%dma_start3A_74, %dma_start3A_75, %dma_start3A_76] : memref<2x128x128xf32, #tpu.memory_space<vmem>> -> memref<1x128x128xf32, #tpu.memory_space<vmem>>
        %dma_start3A_78 = tpu.memref_squeeze %dma_start3A_77 : memref<1x128x128xf32, #tpu.memory_space<vmem>> -> memref<128x128xf32, #tpu.memory_space<vmem>>
        %dma_start3A_79 = tpu.memref_slice %arg5[%mul3A_73] : memref<1280xi32, #tpu.memory_space<vmem>> -> memref<128xi32, #tpu.memory_space<vmem>>
        %dma_start3A_80 = arith.constant 0 : i32
        %dma_start3A_81 = arith.constant 0 : i32
        %dma_start3A_82 = tpu.memref_slice %arg2[%dma_start3A_80, %dma_start3A_81] : memref<10000x128xf32, #tpu.memory_space<hbm>> -> memref<10000x128xf32, #tpu.memory_space<hbm>>
        tpu.enqueue_indirect_dma source(%dma_start3A_82 : memref<10000x128xf32, #tpu.memory_space<hbm>>) target(%dma_start3A_78 : memref<128x128xf32, #tpu.memory_space<vmem>>) offsets(%dma_start3A_79 : memref<128xi32, #tpu.memory_space<vmem>>) semaphore(%arg7 : memref<!tpu.dma_semaphore, #tpu.memory_space<semaphore_mem>>)
      } else {
      }
      %mul3A_54 = arith.constant 128 : i32
      %mul3A_55 = arith.muli %add3A_25, %mul3A_54 : i32
      %dma_wait3A_56 = arith.constant 1 : i32
      %dma_wait3A_57 = arith.constant 0 : i32
      %dma_wait3A_58 = arith.constant 0 : i32
      %dma_wait3A_59 = tpu.memref_slice %arg6[%dma_wait3A_56, %dma_wait3A_57, %dma_wait3A_58] : memref<2x128x128xf32, #tpu.memory_space<vmem>> -> memref<1x128x128xf32, #tpu.memory_space<vmem>>
      %dma_wait3A_60 = tpu.memref_squeeze %dma_wait3A_59 : memref<1x128x128xf32, #tpu.memory_space<vmem>> -> memref<128x128xf32, #tpu.memory_space<vmem>>
      %dma_wait3A_61 = tpu.memref_slice %arg5[%mul3A_55] : memref<1280xi32, #tpu.memory_space<vmem>> -> memref<128xi32, #tpu.memory_space<vmem>>
      %dma_wait3A_62 = arith.constant 0 : i32
      %dma_wait3A_63 = arith.constant 0 : i32
      %dma_wait3A_64 = tpu.memref_slice %arg2[%dma_wait3A_62, %dma_wait3A_63] : memref<10000x128xf32, #tpu.memory_space<hbm>> -> memref<10000x128xf32, #tpu.memory_space<hbm>>
      tpu.wait_indirect_dma semaphore(%arg8 : memref<!tpu.dma_semaphore, #tpu.memory_space<semaphore_mem>>) src(%dma_wait3A_64 : memref<10000x128xf32, #tpu.memory_space<hbm>>) dst(%dma_wait3A_60 : memref<128x128xf32, #tpu.memory_space<vmem>>)
      %mul3A_65 = arith.constant 128 : i32
      %mul3A_66 = arith.muli %add3A_25, %mul3A_65 : i32
      %add3A_67 = arith.addi %mul3A_2, %mul3A_66 : i32
      %run_scoped3A_68 = arith.constant 1 : i32
      "tpu.region"() ({
        %run_scoped3A_70 = tpu.sem_alloc : memref<!tpu.dma_semaphore, #tpu.memory_space<semaphore_mem>>
        %dma_start3A_71 = arith.constant 0 : i32
        %dma_start3A_72 = arith.constant 0 : i32
        %dma_start3A_73 = tpu.memref_slice %arg6[%run_scoped3A_68, %dma_start3A_71, %dma_start3A_72] : memref<2x128x128xf32, #tpu.memory_space<vmem>> -> memref<1x128x128xf32, #tpu.memory_space<vmem>>
        %dma_start3A_74 = tpu.memref_squeeze %dma_start3A_73 : memref<1x128x128xf32, #tpu.memory_space<vmem>> -> memref<128x128xf32, #tpu.memory_space<vmem>>
        %dma_start3A_75 = arith.constant 0 : i32
        %dma_start3A_76 = tpu.memref_slice %arg4[%add3A_67, %dma_start3A_75] : memref<40960x128xf32, #tpu.memory_space<hbm>> -> memref<128x128xf32, #tpu.memory_space<hbm>>
        %dma_start3A_77 = arith.constant 0 : i32
        %dma_start3A_78 = tpu.memref_slice %arg4[%add3A_67, %dma_start3A_77] : memref<40960x128xf32, #tpu.memory_space<hbm>> -> memref<128x128xf32, #tpu.memory_space<hbm>>
        %dma_start3A_79 = arith.constant 0 : i32
        %dma_start3A_80 = arith.constant 0 : i32
        %dma_start3A_81 = tpu.memref_slice %arg6[%run_scoped3A_68, %dma_start3A_79, %dma_start3A_80] : memref<2x128x128xf32, #tpu.memory_space<vmem>> -> memref<1x128x128xf32, #tpu.memory_space<vmem>>
        %dma_start3A_82 = tpu.memref_squeeze %dma_start3A_81 : memref<1x128x128xf32, #tpu.memory_space<vmem>> -> memref<128x128xf32, #tpu.memory_space<vmem>>
        tpu.enqueue_dma source(%dma_start3A_82 : memref<128x128xf32, #tpu.memory_space<vmem>>) target(%dma_start3A_78 : memref<128x128xf32, #tpu.memory_space<hbm>>) target_semaphore(%run_scoped3A_70 : memref<!tpu.dma_semaphore, #tpu.memory_space<semaphore_mem>>)
        %dma_wait3A_83 = arith.constant 0 : i32
        %dma_wait3A_84 = arith.constant 0 : i32
        %dma_wait3A_85 = tpu.memref_slice %arg6[%run_scoped3A_68, %dma_wait3A_83, %dma_wait3A_84] : memref<2x128x128xf32, #tpu.memory_space<vmem>> -> memref<1x128x128xf32, #tpu.memory_space<vmem>>
        %dma_wait3A_86 = tpu.memref_squeeze %dma_wait3A_85 : memref<1x128x128xf32, #tpu.memory_space<vmem>> -> memref<128x128xf32, #tpu.memory_space<vmem>>
        %dma_wait3A_87 = arith.constant 0 : i32
        %dma_wait3A_88 = tpu.memref_slice %arg4[%add3A_67, %dma_wait3A_87] : memref<40960x128xf32, #tpu.memory_space<hbm>> -> memref<128x128xf32, #tpu.memory_space<hbm>>
        %dma_wait3A_89 = arith.constant 0 : i32
        %dma_wait3A_90 = tpu.memref_slice %arg4[%add3A_67, %dma_wait3A_89] : memref<40960x128xf32, #tpu.memory_space<hbm>> -> memref<128x128xf32, #tpu.memory_space<hbm>>
        %dma_wait3A_91 = arith.constant 0 : i32
        %dma_wait3A_92 = arith.constant 0 : i32
        %dma_wait3A_93 = tpu.memref_slice %arg6[%run_scoped3A_68, %dma_wait3A_91, %dma_wait3A_92] : memref<2x128x128xf32, #tpu.memory_space<vmem>> -> memref<1x128x128xf32, #tpu.memory_space<vmem>>
        %dma_wait3A_94 = tpu.memref_squeeze %dma_wait3A_93 : memref<1x128x128xf32, #tpu.memory_space<vmem>> -> memref<128x128xf32, #tpu.memory_space<vmem>>
        tpu.wait_dma2 semaphore(%run_scoped3A_70 : memref<!tpu.dma_semaphore, #tpu.memory_space<semaphore_mem>>) src(%dma_wait3A_94 : memref<128x128xf32, #tpu.memory_space<vmem>>) dst(%dma_wait3A_90 : memref<128x128xf32, #tpu.memory_space<hbm>>)
        tpu.yield
      }) : () -> ()
      %scan3A_69 = arith.constant 0 : i32
      scf.yield %scan3A_69 : i32
    }
    %scan3A_19 = arith.constant 5 : i32
    return
  }
}

#map = affine_map<(d0, d1) -> (0, 0)>
#map1 = affine_map<(d0, d1) -> (0)>
module attributes {stable_mosaic.version = 14 : i64} {
  func.func @k(%arg0: i32, %arg1: i32, %arg2: memref<10000x128xf32, #tpu.memory_space<hbm>>, %arg3: memref<160000xi32, #tpu.memory_space<hbm>>, %arg4: memref<40960x128xf32, #tpu.memory_space<hbm>>, %arg5: memref<1280xi32, #tpu.memory_space<vmem>>, %arg6: memref<2x128x128xf32, #tpu.memory_space<vmem>>, %arg7: memref<!tpu.dma_semaphore, #tpu.memory_space<semaphore_mem>>, %arg8: memref<!tpu.dma_semaphore, #tpu.memory_space<semaphore_mem>>) attributes {dimension_semantics = [#tpu.dimension_semantics<core_parallel>, #tpu.dimension_semantics<subcore_parallel>], iteration_bounds = array<i64: 2, 16>, scalar_prefetch = 0 : i64, scratch_operands = 4 : i64, tpu.core_type = #tpu.core_type<sc_vector_subcore>, window_params = [{transform_indices = #map}, {transform_indices = #map1}, {transform_indices = #map}]} {
    %mul3A = arith.constant 2 : i32
    %mul3A_0 = arith.muli %arg1, %mul3A : i32
    %add3A = arith.addi %mul3A_0, %arg0 : i32
    %mul3A_1 = arith.constant 1280 : i32
    %mul3A_2 = arith.muli %add3A, %mul3A_1 : i32
    %add3A_3 = arith.constant 40960 : i32
    %add3A_4 = arith.addi %add3A_3, %mul3A_2 : i32
    "tpu.region"() ({
      %run_scoped3A = tpu.sem_alloc : memref<!tpu.dma_semaphore, #tpu.memory_space<semaphore_mem>>
      %dma_start3A_20 = tpu.memref_slice %arg3[%add3A_4] : memref<160000xi32, #tpu.memory_space<hbm>> -> memref<1280xi32, #tpu.memory_space<hbm>>
      %dma_start3A_21 = tpu.memref_slice %arg3[%add3A_4] : memref<160000xi32, #tpu.memory_space<hbm>> -> memref<1280xi32, #tpu.memory_space<hbm>>
      tpu.enqueue_dma source(%dma_start3A_21 : memref<1280xi32, #tpu.memory_space<hbm>>) target(%arg5 : memref<1280xi32, #tpu.memory_space<vmem>>) target_semaphore(%run_scoped3A : memref<!tpu.dma_semaphore, #tpu.memory_space<semaphore_mem>>)
      %dma_wait3A = tpu.memref_slice %arg3[%add3A_4] : memref<160000xi32, #tpu.memory_space<hbm>> -> memref<1280xi32, #tpu.memory_space<hbm>>
      %dma_wait3A_22 = tpu.memref_slice %arg3[%add3A_4] : memref<160000xi32, #tpu.memory_space<hbm>> -> memref<1280xi32, #tpu.memory_space<hbm>>
      tpu.wait_dma2 semaphore(%run_scoped3A : memref<!tpu.dma_semaphore, #tpu.memory_space<semaphore_mem>>) src(%dma_wait3A_22 : memref<1280xi32, #tpu.memory_space<hbm>>) dst(%arg5 : memref<1280xi32, #tpu.memory_space<vmem>>)
      tpu.yield
    }) : () -> ()
    %dma_start3A = arith.constant 0 : i32
    %dma_start3A_5 = arith.constant 0 : i32
    %dma_start3A_6 = arith.constant 0 : i32
    %dma_start3A_7 = tpu.memref_slice %arg6[%dma_start3A, %dma_start3A_5, %dma_start3A_6] : memref<2x128x128xf32, #tpu.memory_space<vmem>> -> memref<1x128x128xf32, #tpu.memory_space<vmem>>
    %dma_start3A_8 = tpu.memref_squeeze %dma_start3A_7 : memref<1x128x128xf32, #tpu.memory_space<vmem>> -> memref<128x128xf32, #tpu.memory_space<vmem>>
    %dma_start3A_9 = arith.constant 0 : i32
    %dma_start3A_10 = tpu.memref_slice %arg5[%dma_start3A_9] : memref<1280xi32, #tpu.memory_space<vmem>> -> memref<128xi32, #tpu.memory_space<vmem>>
    %dma_start3A_11 = arith.constant 0 : i32
    %dma_start3A_12 = arith.constant 0 : i32
    %dma_start3A_13 = tpu.memref_slice %arg2[%dma_start3A_11, %dma_start3A_12] : memref<10000x128xf32, #tpu.memory_space<hbm>> -> memref<10000x128xf32, #tpu.memory_space<hbm>>
    tpu.enqueue_indirect_dma source(%dma_start3A_13 : memref<10000x128xf32, #tpu.memory_space<hbm>>) target(%dma_start3A_8 : memref<128x128xf32, #tpu.memory_space<vmem>>) offsets(%dma_start3A_10 : memref<128xi32, #tpu.memory_space<vmem>>) semaphore(%arg7 : memref<!tpu.dma_semaphore, #tpu.memory_space<semaphore_mem>>)
    %scan3A = arith.constant 0 : i32
    %scan3A_14 = arith.constant 0 : i32
    %scan3A_15 = arith.constant 5 : i32
    %scan3A_16 = arith.addi %scan3A_14, %scan3A_15 : i32
    %scan3A_17 = arith.constant 1 : i32
    %scan3A_18 = scf.for %scan3A_20 = %scan3A_14 to %scan3A_16 step %scan3A_17 iter_args(%scan3A_21 = %scan3A) -> (i32)  : i32 {
      %mul3A_22 = arith.constant 2 : i32
      %mul3A_23 = arith.muli %mul3A_22, %scan3A_20 : i32
      %add3A_24 = arith.constant 1 : i32
      %add3A_25 = arith.addi %mul3A_23, %add3A_24 : i32
      %mul3A_26 = arith.constant 128 : i32
      %mul3A_27 = arith.muli %add3A_25, %mul3A_26 : i32
      %dma_start3A_28 = arith.constant 1 : i32
      %dma_start3A_29 = arith.constant 0 : i32
      %dma_start3A_30 = arith.constant 0 : i32
      %dma_start3A_31 = tpu.memref_slice %arg6[%dma_start3A_28, %dma_start3A_29, %dma_start3A_30] : memref<2x128x128xf32, #tpu.memory_space<vmem>> -> memref<1x128x128xf32, #tpu.memory_space<vmem>>
      %dma_start3A_32 = tpu.memref_squeeze %dma_start3A_31 : memref<1x128x128xf32, #tpu.memory_space<vmem>> -> memref<128x128xf32, #tpu.memory_space<vmem>>
      %dma_start3A_33 = tpu.memref_slice %arg5[%mul3A_27] : memref<1280xi32, #tpu.memory_space<vmem>> -> memref<128xi32, #tpu.memory_space<vmem>>
      %dma_start3A_34 = arith.constant 0 : i32
      %dma_start3A_35 = arith.constant 0 : i32
      %dma_start3A_36 = tpu.memref_slice %arg2[%dma_start3A_34, %dma_start3A_35] : memref<10000x128xf32, #tpu.memory_space<hbm>> -> memref<10000x128xf32, #tpu.memory_space<hbm>>
      tpu.enqueue_indirect_dma source(%dma_start3A_36 : memref<10000x128xf32, #tpu.memory_space<hbm>>) target(%dma_start3A_32 : memref<128x128xf32, #tpu.memory_space<vmem>>) offsets(%dma_start3A_33 : memref<128xi32, #tpu.memory_space<vmem>>) semaphore(%arg8 : memref<!tpu.dma_semaphore, #tpu.memory_space<semaphore_mem>>)
      %mul3A_37 = arith.constant 128 : i32
      %mul3A_38 = arith.muli %mul3A_23, %mul3A_37 : i32
      %dma_wait3A = arith.constant 0 : i32
      %dma_wait3A_39 = arith.constant 0 : i32
      %dma_wait3A_40 = arith.constant 0 : i32
      %dma_wait3A_41 = tpu.memref_slice %arg6[%dma_wait3A, %dma_wait3A_39, %dma_wait3A_40] : memref<2x128x128xf32, #tpu.memory_space<vmem>> -> memref<1x128x128xf32, #tpu.memory_space<vmem>>
      %dma_wait3A_42 = tpu.memref_squeeze %dma_wait3A_41 : memref<1x128x128xf32, #tpu.memory_space<vmem>> -> memref<128x128xf32, #tpu.memory_space<vmem>>
      %dma_wait3A_43 = tpu.memref_slice %arg5[%mul3A_38] : memref<1280xi32, #tpu.memory_space<vmem>> -> memref<128xi32, #tpu.memory_space<vmem>>
      %dma_wait3A_44 = arith.constant 0 : i32
      %dma_wait3A_45 = arith.constant 0 : i32
      %dma_wait3A_46 = tpu.memref_slice %arg2[%dma_wait3A_44, %dma_wait3A_45] : memref<10000x128xf32, #tpu.memory_space<hbm>> -> memref<10000x128xf32, #tpu.memory_space<hbm>>
      tpu.wait_indirect_dma semaphore(%arg7 : memref<!tpu.dma_semaphore, #tpu.memory_space<semaphore_mem>>) src(%dma_wait3A_46 : memref<10000x128xf32, #tpu.memory_space<hbm>>) dst(%dma_wait3A_42 : memref<128x128xf32, #tpu.memory_space<vmem>>)
      %mul3A_47 = arith.constant 128 : i32
      %mul3A_48 = arith.muli %mul3A_23, %mul3A_47 : i32
      %add3A_49 = arith.addi %mul3A_2, %mul3A_48 : i32
      %run_scoped3A = arith.constant 0 : i32
      "tpu.region"() ({
        %run_scoped3A_70 = tpu.sem_alloc : memref<!tpu.dma_semaphore, #tpu.memory_space<semaphore_mem>>
        %dma_start3A_71 = arith.constant 0 : i32
        %dma_start3A_72 = arith.constant 0 : i32
        %dma_start3A_73 = tpu.memref_slice %arg6[%run_scoped3A, %dma_start3A_71, %dma_start3A_72] : memref<2x128x128xf32, #tpu.memory_space<vmem>> -> memref<1x128x128xf32, #tpu.memory_space<vmem>>
        %dma_start3A_74 = tpu.memref_squeeze %dma_start3A_73 : memref<1x128x128xf32, #tpu.memory_space<vmem>> -> memref<128x128xf32, #tpu.memory_space<vmem>>
        %dma_start3A_75 = arith.constant 0 : i32
        %dma_start3A_76 = tpu.memref_slice %arg4[%add3A_49, %dma_start3A_75] : memref<40960x128xf32, #tpu.memory_space<hbm>> -> memref<128x128xf32, #tpu.memory_space<hbm>>
        %dma_start3A_77 = arith.constant 0 : i32
        %dma_start3A_78 = tpu.memref_slice %arg4[%add3A_49, %dma_start3A_77] : memref<40960x128xf32, #tpu.memory_space<hbm>> -> memref<128x128xf32, #tpu.memory_space<hbm>>
        %dma_start3A_79 = arith.constant 0 : i32
        %dma_start3A_80 = arith.constant 0 : i32
        %dma_start3A_81 = tpu.memref_slice %arg6[%run_scoped3A, %dma_start3A_79, %dma_start3A_80] : memref<2x128x128xf32, #tpu.memory_space<vmem>> -> memref<1x128x128xf32, #tpu.memory_space<vmem>>
        %dma_start3A_82 = tpu.memref_squeeze %dma_start3A_81 : memref<1x128x128xf32, #tpu.memory_space<vmem>> -> memref<128x128xf32, #tpu.memory_space<vmem>>
        tpu.enqueue_dma source(%dma_start3A_82 : memref<128x128xf32, #tpu.memory_space<vmem>>) target(%dma_start3A_78 : memref<128x128xf32, #tpu.memory_space<hbm>>) target_semaphore(%run_scoped3A_70 : memref<!tpu.dma_semaphore, #tpu.memory_space<semaphore_mem>>)
        %dma_wait3A_83 = arith.constant 0 : i32
        %dma_wait3A_84 = arith.constant 0 : i32
        %dma_wait3A_85 = tpu.memref_slice %arg6[%run_scoped3A, %dma_wait3A_83, %dma_wait3A_84] : memref<2x128x128xf32, #tpu.memory_space<vmem>> -> memref<1x128x128xf32, #tpu.memory_space<vmem>>
        %dma_wait3A_86 = tpu.memref_squeeze %dma_wait3A_85 : memref<1x128x128xf32, #tpu.memory_space<vmem>> -> memref<128x128xf32, #tpu.memory_space<vmem>>
        %dma_wait3A_87 = arith.constant 0 : i32
        %dma_wait3A_88 = tpu.memref_slice %arg4[%add3A_49, %dma_wait3A_87] : memref<40960x128xf32, #tpu.memory_space<hbm>> -> memref<128x128xf32, #tpu.memory_space<hbm>>
        %dma_wait3A_89 = arith.constant 0 : i32
        %dma_wait3A_90 = tpu.memref_slice %arg4[%add3A_49, %dma_wait3A_89] : memref<40960x128xf32, #tpu.memory_space<hbm>> -> memref<128x128xf32, #tpu.memory_space<hbm>>
        %dma_wait3A_91 = arith.constant 0 : i32
        %dma_wait3A_92 = arith.constant 0 : i32
        %dma_wait3A_93 = tpu.memref_slice %arg6[%run_scoped3A, %dma_wait3A_91, %dma_wait3A_92] : memref<2x128x128xf32, #tpu.memory_space<vmem>> -> memref<1x128x128xf32, #tpu.memory_space<vmem>>
        %dma_wait3A_94 = tpu.memref_squeeze %dma_wait3A_93 : memref<1x128x128xf32, #tpu.memory_space<vmem>> -> memref<128x128xf32, #tpu.memory_space<vmem>>
        tpu.wait_dma2 semaphore(%run_scoped3A_70 : memref<!tpu.dma_semaphore, #tpu.memory_space<semaphore_mem>>) src(%dma_wait3A_94 : memref<128x128xf32, #tpu.memory_space<vmem>>) dst(%dma_wait3A_90 : memref<128x128xf32, #tpu.memory_space<hbm>>)
        tpu.yield
      }) : () -> ()
      %add3A_50 = arith.constant 1 : i32
      %add3A_51 = arith.addi %add3A_25, %add3A_50 : i32
      %lt3A = arith.constant 10 : i32
      %lt3A_52 = arith.cmpi slt, %add3A_51, %lt3A : i32
      %convert_element_type3A = arith.extui %lt3A_52 : i1 to i32
      %cond3A = arith.constant 0 : i32
      %cond3A_53 = arith.cmpi ne, %convert_element_type3A, %cond3A : i32
      scf.if %cond3A_53 {
        %add3A_70 = arith.constant 1 : i32
        %add3A_71 = arith.addi %add3A_25, %add3A_70 : i32
        %mul3A_72 = arith.constant 128 : i32
        %mul3A_73 = arith.muli %add3A_71, %mul3A_72 : i32
        %dma_start3A_74 = arith.constant 0 : i32
        %dma_start3A_75 = arith.constant 0 : i32
        %dma_start3A_76 = arith.constant 0 : i32
        %dma_start3A_77 = tpu.memref_slice %arg6[%dma_start3A_74, %dma_start3A_75, %dma_start3A_76] : memref<2x128x128xf32, #tpu.memory_space<vmem>> -> memref<1x128x128xf32, #tpu.memory_space<vmem>>
        %dma_start3A_78 = tpu.memref_squeeze %dma_start3A_77 : memref<1x128x128xf32, #tpu.memory_space<vmem>> -> memref<128x128xf32, #tpu.memory_space<vmem>>
        %dma_start3A_79 = tpu.memref_slice %arg5[%mul3A_73] : memref<1280xi32, #tpu.memory_space<vmem>> -> memref<128xi32, #tpu.memory_space<vmem>>
        %dma_start3A_80 = arith.constant 0 : i32
        %dma_start3A_81 = arith.constant 0 : i32
        %dma_start3A_82 = tpu.memref_slice %arg2[%dma_start3A_80, %dma_start3A_81] : memref<10000x128xf32, #tpu.memory_space<hbm>> -> memref<10000x128xf32, #tpu.memory_space<hbm>>
        tpu.enqueue_indirect_dma source(%dma_start3A_82 : memref<10000x128xf32, #tpu.memory_space<hbm>>) target(%dma_start3A_78 : memref<128x128xf32, #tpu.memory_space<vmem>>) offsets(%dma_start3A_79 : memref<128xi32, #tpu.memory_space<vmem>>) semaphore(%arg7 : memref<!tpu.dma_semaphore, #tpu.memory_space<semaphore_mem>>)
      } else {
      }
      %mul3A_54 = arith.constant 128 : i32
      %mul3A_55 = arith.muli %add3A_25, %mul3A_54 : i32
      %dma_wait3A_56 = arith.constant 1 : i32
      %dma_wait3A_57 = arith.constant 0 : i32
      %dma_wait3A_58 = arith.constant 0 : i32
      %dma_wait3A_59 = tpu.memref_slice %arg6[%dma_wait3A_56, %dma_wait3A_57, %dma_wait3A_58] : memref<2x128x128xf32, #tpu.memory_space<vmem>> -> memref<1x128x128xf32, #tpu.memory_space<vmem>>
      %dma_wait3A_60 = tpu.memref_squeeze %dma_wait3A_59 : memref<1x128x128xf32, #tpu.memory_space<vmem>> -> memref<128x128xf32, #tpu.memory_space<vmem>>
      %dma_wait3A_61 = tpu.memref_slice %arg5[%mul3A_55] : memref<1280xi32, #tpu.memory_space<vmem>> -> memref<128xi32, #tpu.memory_space<vmem>>
      %dma_wait3A_62 = arith.constant 0 : i32
      %dma_wait3A_63 = arith.constant 0 : i32
      %dma_wait3A_64 = tpu.memref_slice %arg2[%dma_wait3A_62, %dma_wait3A_63] : memref<10000x128xf32, #tpu.memory_space<hbm>> -> memref<10000x128xf32, #tpu.memory_space<hbm>>
      tpu.wait_indirect_dma semaphore(%arg8 : memref<!tpu.dma_semaphore, #tpu.memory_space<semaphore_mem>>) src(%dma_wait3A_64 : memref<10000x128xf32, #tpu.memory_space<hbm>>) dst(%dma_wait3A_60 : memref<128x128xf32, #tpu.memory_space<vmem>>)
      %mul3A_65 = arith.constant 128 : i32
      %mul3A_66 = arith.muli %add3A_25, %mul3A_65 : i32
      %add3A_67 = arith.addi %mul3A_2, %mul3A_66 : i32
      %run_scoped3A_68 = arith.constant 1 : i32
      "tpu.region"() ({
        %run_scoped3A_70 = tpu.sem_alloc : memref<!tpu.dma_semaphore, #tpu.memory_space<semaphore_mem>>
        %dma_start3A_71 = arith.constant 0 : i32
        %dma_start3A_72 = arith.constant 0 : i32
        %dma_start3A_73 = tpu.memref_slice %arg6[%run_scoped3A_68, %dma_start3A_71, %dma_start3A_72] : memref<2x128x128xf32, #tpu.memory_space<vmem>> -> memref<1x128x128xf32, #tpu.memory_space<vmem>>
        %dma_start3A_74 = tpu.memref_squeeze %dma_start3A_73 : memref<1x128x128xf32, #tpu.memory_space<vmem>> -> memref<128x128xf32, #tpu.memory_space<vmem>>
        %dma_start3A_75 = arith.constant 0 : i32
        %dma_start3A_76 = tpu.memref_slice %arg4[%add3A_67, %dma_start3A_75] : memref<40960x128xf32, #tpu.memory_space<hbm>> -> memref<128x128xf32, #tpu.memory_space<hbm>>
        %dma_start3A_77 = arith.constant 0 : i32
        %dma_start3A_78 = tpu.memref_slice %arg4[%add3A_67, %dma_start3A_77] : memref<40960x128xf32, #tpu.memory_space<hbm>> -> memref<128x128xf32, #tpu.memory_space<hbm>>
        %dma_start3A_79 = arith.constant 0 : i32
        %dma_start3A_80 = arith.constant 0 : i32
        %dma_start3A_81 = tpu.memref_slice %arg6[%run_scoped3A_68, %dma_start3A_79, %dma_start3A_80] : memref<2x128x128xf32, #tpu.memory_space<vmem>> -> memref<1x128x128xf32, #tpu.memory_space<vmem>>
        %dma_start3A_82 = tpu.memref_squeeze %dma_start3A_81 : memref<1x128x128xf32, #tpu.memory_space<vmem>> -> memref<128x128xf32, #tpu.memory_space<vmem>>
        tpu.enqueue_dma source(%dma_start3A_82 : memref<128x128xf32, #tpu.memory_space<vmem>>) target(%dma_start3A_78 : memref<128x128xf32, #tpu.memory_space<hbm>>) target_semaphore(%run_scoped3A_70 : memref<!tpu.dma_semaphore, #tpu.memory_space<semaphore_mem>>)
        %dma_wait3A_83 = arith.constant 0 : i32
        %dma_wait3A_84 = arith.constant 0 : i32
        %dma_wait3A_85 = tpu.memref_slice %arg6[%run_scoped3A_68, %dma_wait3A_83, %dma_wait3A_84] : memref<2x128x128xf32, #tpu.memory_space<vmem>> -> memref<1x128x128xf32, #tpu.memory_space<vmem>>
        %dma_wait3A_86 = tpu.memref_squeeze %dma_wait3A_85 : memref<1x128x128xf32, #tpu.memory_space<vmem>> -> memref<128x128xf32, #tpu.memory_space<vmem>>
        %dma_wait3A_87 = arith.constant 0 : i32
        %dma_wait3A_88 = tpu.memref_slice %arg4[%add3A_67, %dma_wait3A_87] : memref<40960x128xf32, #tpu.memory_space<hbm>> -> memref<128x128xf32, #tpu.memory_space<hbm>>
        %dma_wait3A_89 = arith.constant 0 : i32
        %dma_wait3A_90 = tpu.memref_slice %arg4[%add3A_67, %dma_wait3A_89] : memref<40960x128xf32, #tpu.memory_space<hbm>> -> memref<128x128xf32, #tpu.memory_space<hbm>>
        %dma_wait3A_91 = arith.constant 0 : i32
        %dma_wait3A_92 = arith.constant 0 : i32
        %dma_wait3A_93 = tpu.memref_slice %arg6[%run_scoped3A_68, %dma_wait3A_91, %dma_wait3A_92] : memref<2x128x128xf32, #tpu.memory_space<vmem>> -> memref<1x128x128xf32, #tpu.memory_space<vmem>>
        %dma_wait3A_94 = tpu.memref_squeeze %dma_wait3A_93 : memref<1x128x128xf32, #tpu.memory_space<vmem>> -> memref<128x128xf32, #tpu.memory_space<vmem>>
        tpu.wait_dma2 semaphore(%run_scoped3A_70 : memref<!tpu.dma_semaphore, #tpu.memory_space<semaphore_mem>>) src(%dma_wait3A_94 : memref<128x128xf32, #tpu.memory_space<vmem>>) dst(%dma_wait3A_90 : memref<128x128xf32, #tpu.memory_space<hbm>>)
        tpu.yield
      }) : () -> ()
      %scan3A_69 = arith.constant 0 : i32
      scf.yield %scan3A_69 : i32
    }
    %scan3A_19 = arith.constant 5 : i32
    return
  }
}

#map = affine_map<(d0, d1) -> (0, 0)>
#map1 = affine_map<(d0, d1) -> (0, 0, 0)>
module attributes {stable_mosaic.version = 14 : i64} {
  func.func @k(%arg0: i32, %arg1: i32, %arg2: memref<40960x128xf32, #tpu.memory_space<hbm>>, %arg3: memref<32x10x128xi32, #tpu.memory_space<hbm>>, %arg4: memref<2x10240x128xf32, #tpu.memory_space<hbm>>, %arg5: memref<2x10240x128xf32, #tpu.memory_space<hbm>>, %arg6: memref<10x128xi32, #tpu.memory_space<vmem>>, %arg7: memref<2x128x128xf32, #tpu.memory_space<vmem>>, %arg8: memref<10240x128xf32, #tpu.memory_space<vmem_shared>>, %arg9: memref<!tpu.dma_semaphore, #tpu.memory_space<semaphore_mem>>, %arg10: memref<!tpu.dma_semaphore, #tpu.memory_space<semaphore_mem>>) attributes {dimension_semantics = [#tpu.dimension_semantics<core_parallel>, #tpu.dimension_semantics<subcore_parallel>], iteration_bounds = array<i64: 2, 16>, scalar_prefetch = 0 : i64, scratch_operands = 5 : i64, tpu.core_type = #tpu.core_type<sc_vector_subcore>, window_params = [{transform_indices = #map}, {transform_indices = #map1}, {transform_indices = #map1}, {transform_indices = #map1}]} {
    %mul3A = arith.constant 2 : i32
    %mul3A_0 = arith.muli %arg1, %mul3A : i32
    %add3A = arith.addi %mul3A_0, %arg0 : i32
    %mul3A_1 = arith.constant 1280 : i32
    %mul3A_2 = arith.muli %add3A, %mul3A_1 : i32
    %mul3A_3 = arith.constant 640 : i32
    %mul3A_4 = arith.muli %arg1, %mul3A_3 : i32
    %mul3A_5 = arith.constant 640 : i32
    %mul3A_6 = arith.muli %arg1, %mul3A_5 : i32
    "tpu.region"() ({
      %run_scoped3A = tpu.sem_alloc : memref<!tpu.dma_semaphore, #tpu.memory_space<semaphore_mem>>
      %dma_start3A_30 = arith.constant 0 : i32
      %dma_start3A_31 = tpu.memref_slice %arg8[%mul3A_6, %dma_start3A_30] : memref<10240x128xf32, #tpu.memory_space<vmem_shared>> -> memref<640x128xf32, #tpu.memory_space<vmem_shared>>
      %dma_start3A_32 = arith.constant 0 : i32
      %dma_start3A_33 = tpu.memref_slice %arg4[%arg0, %mul3A_4, %dma_start3A_32] : memref<2x10240x128xf32, #tpu.memory_space<hbm>> -> memref<1x640x128xf32, #tpu.memory_space<hbm>>
      %dma_start3A_34 = tpu.memref_squeeze %dma_start3A_33 : memref<1x640x128xf32, #tpu.memory_space<hbm>> -> memref<640x128xf32, #tpu.memory_space<hbm>>
      tpu.enqueue_dma source(%dma_start3A_34 : memref<640x128xf32, #tpu.memory_space<hbm>>) target(%dma_start3A_31 : memref<640x128xf32, #tpu.memory_space<vmem_shared>>) target_semaphore(%run_scoped3A : memref<!tpu.dma_semaphore, #tpu.memory_space<semaphore_mem>>)
      %dma_wait3A = arith.constant 0 : i32
      %dma_wait3A_35 = tpu.memref_slice %arg8[%mul3A_6, %dma_wait3A] : memref<10240x128xf32, #tpu.memory_space<vmem_shared>> -> memref<640x128xf32, #tpu.memory_space<vmem_shared>>
      %dma_wait3A_36 = arith.constant 0 : i32
      %dma_wait3A_37 = tpu.memref_slice %arg4[%arg0, %mul3A_4, %dma_wait3A_36] : memref<2x10240x128xf32, #tpu.memory_space<hbm>> -> memref<1x640x128xf32, #tpu.memory_space<hbm>>
      %dma_wait3A_38 = tpu.memref_squeeze %dma_wait3A_37 : memref<1x640x128xf32, #tpu.memory_space<hbm>> -> memref<640x128xf32, #tpu.memory_space<hbm>>
      tpu.wait_dma2 semaphore(%run_scoped3A : memref<!tpu.dma_semaphore, #tpu.memory_space<semaphore_mem>>) src(%dma_wait3A_38 : memref<640x128xf32, #tpu.memory_space<hbm>>) dst(%dma_wait3A_35 : memref<640x128xf32, #tpu.memory_space<vmem_shared>>)
      tpu.yield
    }) : () -> ()
    %barrier3A = arith.constant 0 : index
    tpu.barrier barrier_id(%barrier3A)
    "tpu.region"() ({
      %run_scoped3A = tpu.sem_alloc : memref<!tpu.dma_semaphore, #tpu.memory_space<semaphore_mem>>
      %dma_start3A_30 = arith.constant 0 : i32
      %dma_start3A_31 = arith.constant 0 : i32
      %dma_start3A_32 = tpu.memref_slice %arg3[%add3A, %dma_start3A_30, %dma_start3A_31] : memref<32x10x128xi32, #tpu.memory_space<hbm>> -> memref<1x10x128xi32, #tpu.memory_space<hbm>>
      %dma_start3A_33 = tpu.memref_squeeze %dma_start3A_32 : memref<1x10x128xi32, #tpu.memory_space<hbm>> -> memref<10x128xi32, #tpu.memory_space<hbm>>
      %dma_start3A_34 = arith.constant 0 : i32
      %dma_start3A_35 = arith.constant 0 : i32
      %dma_start3A_36 = tpu.memref_slice %arg3[%add3A, %dma_start3A_34, %dma_start3A_35] : memref<32x10x128xi32, #tpu.memory_space<hbm>> -> memref<1x10x128xi32, #tpu.memory_space<hbm>>
      %dma_start3A_37 = tpu.memref_squeeze %dma_start3A_36 : memref<1x10x128xi32, #tpu.memory_space<hbm>> -> memref<10x128xi32, #tpu.memory_space<hbm>>
      tpu.enqueue_dma source(%dma_start3A_37 : memref<10x128xi32, #tpu.memory_space<hbm>>) target(%arg6 : memref<10x128xi32, #tpu.memory_space<vmem>>) target_semaphore(%run_scoped3A : memref<!tpu.dma_semaphore, #tpu.memory_space<semaphore_mem>>)
      %dma_wait3A = arith.constant 0 : i32
      %dma_wait3A_38 = arith.constant 0 : i32
      %dma_wait3A_39 = tpu.memref_slice %arg3[%add3A, %dma_wait3A, %dma_wait3A_38] : memref<32x10x128xi32, #tpu.memory_space<hbm>> -> memref<1x10x128xi32, #tpu.memory_space<hbm>>
      %dma_wait3A_40 = tpu.memref_squeeze %dma_wait3A_39 : memref<1x10x128xi32, #tpu.memory_space<hbm>> -> memref<10x128xi32, #tpu.memory_space<hbm>>
      %dma_wait3A_41 = arith.constant 0 : i32
      %dma_wait3A_42 = arith.constant 0 : i32
      %dma_wait3A_43 = tpu.memref_slice %arg3[%add3A, %dma_wait3A_41, %dma_wait3A_42] : memref<32x10x128xi32, #tpu.memory_space<hbm>> -> memref<1x10x128xi32, #tpu.memory_space<hbm>>
      %dma_wait3A_44 = tpu.memref_squeeze %dma_wait3A_43 : memref<1x10x128xi32, #tpu.memory_space<hbm>> -> memref<10x128xi32, #tpu.memory_space<hbm>>
      tpu.wait_dma2 semaphore(%run_scoped3A : memref<!tpu.dma_semaphore, #tpu.memory_space<semaphore_mem>>) src(%dma_wait3A_44 : memref<10x128xi32, #tpu.memory_space<hbm>>) dst(%arg6 : memref<10x128xi32, #tpu.memory_space<vmem>>)
      tpu.yield
    }) : () -> ()
    %dma_start3A = arith.constant 0 : i32
    %dma_start3A_7 = arith.constant 0 : i32
    %dma_start3A_8 = arith.constant 0 : i32
    %dma_start3A_9 = tpu.memref_slice %arg7[%dma_start3A, %dma_start3A_7, %dma_start3A_8] : memref<2x128x128xf32, #tpu.memory_space<vmem>> -> memref<1x128x128xf32, #tpu.memory_space<vmem>>
    %dma_start3A_10 = tpu.memref_squeeze %dma_start3A_9 : memref<1x128x128xf32, #tpu.memory_space<vmem>> -> memref<128x128xf32, #tpu.memory_space<vmem>>
    %dma_start3A_11 = arith.constant 0 : i32
    %dma_start3A_12 = tpu.memref_slice %arg2[%mul3A_2, %dma_start3A_11] : memref<40960x128xf32, #tpu.memory_space<hbm>> -> memref<128x128xf32, #tpu.memory_space<hbm>>
    %dma_start3A_13 = arith.constant 0 : i32
    %dma_start3A_14 = arith.constant 0 : i32
    %dma_start3A_15 = tpu.memref_slice %arg7[%dma_start3A, %dma_start3A_13, %dma_start3A_14] : memref<2x128x128xf32, #tpu.memory_space<vmem>> -> memref<1x128x128xf32, #tpu.memory_space<vmem>>
    %dma_start3A_16 = tpu.memref_squeeze %dma_start3A_15 : memref<1x128x128xf32, #tpu.memory_space<vmem>> -> memref<128x128xf32, #tpu.memory_space<vmem>>
    %dma_start3A_17 = arith.constant 0 : i32
    %dma_start3A_18 = tpu.memref_slice %arg2[%mul3A_2, %dma_start3A_17] : memref<40960x128xf32, #tpu.memory_space<hbm>> -> memref<128x128xf32, #tpu.memory_space<hbm>>
    tpu.enqueue_dma source(%dma_start3A_18 : memref<128x128xf32, #tpu.memory_space<hbm>>) target(%dma_start3A_16 : memref<128x128xf32, #tpu.memory_space<vmem>>) target_semaphore(%arg9 : memref<!tpu.dma_semaphore, #tpu.memory_space<semaphore_mem>>)
    %scan3A = arith.constant 0 : i32
    %scan3A_19 = arith.constant 0 : i32
    %scan3A_20 = arith.constant 5 : i32
    %scan3A_21 = arith.addi %scan3A_19, %scan3A_20 : i32
    %scan3A_22 = arith.constant 1 : i32
    %scan3A_23 = scf.for %scan3A_30 = %scan3A_19 to %scan3A_21 step %scan3A_22 iter_args(%scan3A_31 = %scan3A) -> (i32)  : i32 {
      %mul3A_32 = arith.constant 2 : i32
      %mul3A_33 = arith.muli %mul3A_32, %scan3A_30 : i32
      %add3A_34 = arith.constant 1 : i32
      %add3A_35 = arith.addi %mul3A_33, %add3A_34 : i32
      %mul3A_36 = arith.constant 128 : i32
      %mul3A_37 = arith.muli %add3A_35, %mul3A_36 : i32
      %add3A_38 = arith.addi %mul3A_2, %mul3A_37 : i32
      %dma_start3A_39 = arith.constant 1 : i32
      %dma_start3A_40 = arith.constant 0 : i32
      %dma_start3A_41 = arith.constant 0 : i32
      %dma_start3A_42 = tpu.memref_slice %arg7[%dma_start3A_39, %dma_start3A_40, %dma_start3A_41] : memref<2x128x128xf32, #tpu.memory_space<vmem>> -> memref<1x128x128xf32, #tpu.memory_space<vmem>>
      %dma_start3A_43 = tpu.memref_squeeze %dma_start3A_42 : memref<1x128x128xf32, #tpu.memory_space<vmem>> -> memref<128x128xf32, #tpu.memory_space<vmem>>
      %dma_start3A_44 = arith.constant 0 : i32
      %dma_start3A_45 = tpu.memref_slice %arg2[%add3A_38, %dma_start3A_44] : memref<40960x128xf32, #tpu.memory_space<hbm>> -> memref<128x128xf32, #tpu.memory_space<hbm>>
      %dma_start3A_46 = arith.constant 0 : i32
      %dma_start3A_47 = arith.constant 0 : i32
      %dma_start3A_48 = tpu.memref_slice %arg7[%dma_start3A_39, %dma_start3A_46, %dma_start3A_47] : memref<2x128x128xf32, #tpu.memory_space<vmem>> -> memref<1x128x128xf32, #tpu.memory_space<vmem>>
      %dma_start3A_49 = tpu.memref_squeeze %dma_start3A_48 : memref<1x128x128xf32, #tpu.memory_space<vmem>> -> memref<128x128xf32, #tpu.memory_space<vmem>>
      %dma_start3A_50 = arith.constant 0 : i32
      %dma_start3A_51 = tpu.memref_slice %arg2[%add3A_38, %dma_start3A_50] : memref<40960x128xf32, #tpu.memory_space<hbm>> -> memref<128x128xf32, #tpu.memory_space<hbm>>
      tpu.enqueue_dma source(%dma_start3A_51 : memref<128x128xf32, #tpu.memory_space<hbm>>) target(%dma_start3A_49 : memref<128x128xf32, #tpu.memory_space<vmem>>) target_semaphore(%arg10 : memref<!tpu.dma_semaphore, #tpu.memory_space<semaphore_mem>>)
      %mul3A_52 = arith.constant 128 : i32
      %mul3A_53 = arith.muli %mul3A_33, %mul3A_52 : i32
      %add3A_54 = arith.addi %mul3A_2, %mul3A_53 : i32
      %dma_wait3A = arith.constant 0 : i32
      %dma_wait3A_55 = arith.constant 0 : i32
      %dma_wait3A_56 = arith.constant 0 : i32
      %dma_wait3A_57 = tpu.memref_slice %arg7[%dma_wait3A, %dma_wait3A_55, %dma_wait3A_56] : memref<2x128x128xf32, #tpu.memory_space<vmem>> -> memref<1x128x128xf32, #tpu.memory_space<vmem>>
      %dma_wait3A_58 = tpu.memref_squeeze %dma_wait3A_57 : memref<1x128x128xf32, #tpu.memory_space<vmem>> -> memref<128x128xf32, #tpu.memory_space<vmem>>
      %dma_wait3A_59 = arith.constant 0 : i32
      %dma_wait3A_60 = tpu.memref_slice %arg2[%add3A_54, %dma_wait3A_59] : memref<40960x128xf32, #tpu.memory_space<hbm>> -> memref<128x128xf32, #tpu.memory_space<hbm>>
      %dma_wait3A_61 = arith.constant 0 : i32
      %dma_wait3A_62 = arith.constant 0 : i32
      %dma_wait3A_63 = tpu.memref_slice %arg7[%dma_wait3A, %dma_wait3A_61, %dma_wait3A_62] : memref<2x128x128xf32, #tpu.memory_space<vmem>> -> memref<1x128x128xf32, #tpu.memory_space<vmem>>
      %dma_wait3A_64 = tpu.memref_squeeze %dma_wait3A_63 : memref<1x128x128xf32, #tpu.memory_space<vmem>> -> memref<128x128xf32, #tpu.memory_space<vmem>>
      %dma_wait3A_65 = arith.constant 0 : i32
      %dma_wait3A_66 = tpu.memref_slice %arg2[%add3A_54, %dma_wait3A_65] : memref<40960x128xf32, #tpu.memory_space<hbm>> -> memref<128x128xf32, #tpu.memory_space<hbm>>
      tpu.wait_dma2 semaphore(%arg9 : memref<!tpu.dma_semaphore, #tpu.memory_space<semaphore_mem>>) src(%dma_wait3A_66 : memref<128x128xf32, #tpu.memory_space<hbm>>) dst(%dma_wait3A_64 : memref<128x128xf32, #tpu.memory_space<vmem>>)
      %run_scoped3A = arith.constant 0 : i32
      "tpu.region"() ({
        %run_scoped3A_89 = tpu.sem_alloc : memref<!tpu.dma_semaphore, #tpu.memory_space<semaphore_mem>>
        %dma_start3A_90 = arith.constant 0 : i32
        %dma_start3A_91 = arith.constant 0 : i32
        %dma_start3A_92 = tpu.memref_slice %arg7[%run_scoped3A, %dma_start3A_90, %dma_start3A_91] : memref<2x128x128xf32, #tpu.memory_space<vmem>> -> memref<1x128x128xf32, #tpu.memory_space<vmem>>
        %dma_start3A_93 = tpu.memref_squeeze %dma_start3A_92 : memref<1x128x128xf32, #tpu.memory_space<vmem>> -> memref<128x128xf32, #tpu.memory_space<vmem>>
        %dma_start3A_94 = arith.constant 0 : i32
        %dma_start3A_95 = tpu.memref_slice %arg6[%mul3A_33, %dma_start3A_94] : memref<10x128xi32, #tpu.memory_space<vmem>> -> memref<1x128xi32, #tpu.memory_space<vmem>>
        %dma_start3A_96 = tpu.memref_squeeze %dma_start3A_95 : memref<1x128xi32, #tpu.memory_space<vmem>> -> memref<128xi32, #tpu.memory_space<vmem>>
        %dma_start3A_97 = arith.constant 0 : i32
        %dma_start3A_98 = arith.constant 0 : i32
        %dma_start3A_99 = tpu.memref_slice %arg8[%dma_start3A_97, %dma_start3A_98] : memref<10240x128xf32, #tpu.memory_space<vmem_shared>> -> memref<10240x128xf32, #tpu.memory_space<vmem_shared>>
        tpu.enqueue_indirect_dma source(%dma_start3A_93 : memref<128x128xf32, #tpu.memory_space<vmem>>) target(%dma_start3A_99 : memref<10240x128xf32, #tpu.memory_space<vmem_shared>>) offsets(%dma_start3A_96 : memref<128xi32, #tpu.memory_space<vmem>>) semaphore(%run_scoped3A_89 : memref<!tpu.dma_semaphore, #tpu.memory_space<semaphore_mem>>) {add = true}
        %dma_wait3A_100 = arith.constant 0 : i32
        %dma_wait3A_101 = arith.constant 0 : i32
        %dma_wait3A_102 = tpu.memref_slice %arg7[%run_scoped3A, %dma_wait3A_100, %dma_wait3A_101] : memref<2x128x128xf32, #tpu.memory_space<vmem>> -> memref<1x128x128xf32, #tpu.memory_space<vmem>>
        %dma_wait3A_103 = tpu.memref_squeeze %dma_wait3A_102 : memref<1x128x128xf32, #tpu.memory_space<vmem>> -> memref<128x128xf32, #tpu.memory_space<vmem>>
        %dma_wait3A_104 = arith.constant 0 : i32
        %dma_wait3A_105 = tpu.memref_slice %arg6[%mul3A_33, %dma_wait3A_104] : memref<10x128xi32, #tpu.memory_space<vmem>> -> memref<1x128xi32, #tpu.memory_space<vmem>>
        %dma_wait3A_106 = tpu.memref_squeeze %dma_wait3A_105 : memref<1x128xi32, #tpu.memory_space<vmem>> -> memref<128xi32, #tpu.memory_space<vmem>>
        %dma_wait3A_107 = arith.constant 0 : i32
        %dma_wait3A_108 = arith.constant 0 : i32
        %dma_wait3A_109 = tpu.memref_slice %arg8[%dma_wait3A_107, %dma_wait3A_108] : memref<10240x128xf32, #tpu.memory_space<vmem_shared>> -> memref<10240x128xf32, #tpu.memory_space<vmem_shared>>
        tpu.wait_indirect_dma semaphore(%run_scoped3A_89 : memref<!tpu.dma_semaphore, #tpu.memory_space<semaphore_mem>>) src(%dma_wait3A_103 : memref<128x128xf32, #tpu.memory_space<vmem>>) dst(%dma_wait3A_109 : memref<10240x128xf32, #tpu.memory_space<vmem_shared>>)
        tpu.yield
      }) : () -> ()
      %add3A_67 = arith.constant 1 : i32
      %add3A_68 = arith.addi %add3A_35, %add3A_67 : i32
      %lt3A = arith.constant 10 : i32
      %lt3A_69 = arith.cmpi slt, %add3A_68, %lt3A : i32
      %convert_element_type3A = arith.extui %lt3A_69 : i1 to i32
      %cond3A = arith.constant 0 : i32
      %cond3A_70 = arith.cmpi ne, %convert_element_type3A, %cond3A : i32
      scf.if %cond3A_70 {
        %add3A_89 = arith.constant 1 : i32
        %add3A_90 = arith.addi %add3A_35, %add3A_89 : i32
        %mul3A_91 = arith.constant 128 : i32
        %mul3A_92 = arith.muli %add3A_90, %mul3A_91 : i32
        %add3A_93 = arith.addi %mul3A_2, %mul3A_92 : i32
        %dma_start3A_94 = arith.constant 0 : i32
        %dma_start3A_95 = arith.constant 0 : i32
        %dma_start3A_96 = arith.constant 0 : i32
        %dma_start3A_97 = tpu.memref_slice %arg7[%dma_start3A_94, %dma_start3A_95, %dma_start3A_96] : memref<2x128x128xf32, #tpu.memory_space<vmem>> -> memref<1x128x128xf32, #tpu.memory_space<vmem>>
        %dma_start3A_98 = tpu.memref_squeeze %dma_start3A_97 : memref<1x128x128xf32, #tpu.memory_space<vmem>> -> memref<128x128xf32, #tpu.memory_space<vmem>>
        %dma_start3A_99 = arith.constant 0 : i32
        %dma_start3A_100 = tpu.memref_slice %arg2[%add3A_93, %dma_start3A_99] : memref<40960x128xf32, #tpu.memory_space<hbm>> -> memref<128x128xf32, #tpu.memory_space<hbm>>
        %dma_start3A_101 = arith.constant 0 : i32
        %dma_start3A_102 = arith.constant 0 : i32
        %dma_start3A_103 = tpu.memref_slice %arg7[%dma_start3A_94, %dma_start3A_101, %dma_start3A_102] : memref<2x128x128xf32, #tpu.memory_space<vmem>> -> memref<1x128x128xf32, #tpu.memory_space<vmem>>
        %dma_start3A_104 = tpu.memref_squeeze %dma_start3A_103 : memref<1x128x128xf32, #tpu.memory_space<vmem>> -> memref<128x128xf32, #tpu.memory_space<vmem>>
        %dma_start3A_105 = arith.constant 0 : i32
        %dma_start3A_106 = tpu.memref_slice %arg2[%add3A_93, %dma_start3A_105] : memref<40960x128xf32, #tpu.memory_space<hbm>> -> memref<128x128xf32, #tpu.memory_space<hbm>>
        tpu.enqueue_dma source(%dma_start3A_106 : memref<128x128xf32, #tpu.memory_space<hbm>>) target(%dma_start3A_104 : memref<128x128xf32, #tpu.memory_space<vmem>>) target_semaphore(%arg9 : memref<!tpu.dma_semaphore, #tpu.memory_space<semaphore_mem>>)
      } else {
      }
      %mul3A_71 = arith.constant 128 : i32
      %mul3A_72 = arith.muli %add3A_35, %mul3A_71 : i32
      %add3A_73 = arith.addi %mul3A_2, %mul3A_72 : i32
      %dma_wait3A_74 = arith.constant 1 : i32
      %dma_wait3A_75 = arith.constant 0 : i32
      %dma_wait3A_76 = arith.constant 0 : i32
      %dma_wait3A_77 = tpu.memref_slice %arg7[%dma_wait3A_74, %dma_wait3A_75, %dma_wait3A_76] : memref<2x128x128xf32, #tpu.memory_space<vmem>> -> memref<1x128x128xf32, #tpu.memory_space<vmem>>
      %dma_wait3A_78 = tpu.memref_squeeze %dma_wait3A_77 : memref<1x128x128xf32, #tpu.memory_space<vmem>> -> memref<128x128xf32, #tpu.memory_space<vmem>>
      %dma_wait3A_79 = arith.constant 0 : i32
      %dma_wait3A_80 = tpu.memref_slice %arg2[%add3A_73, %dma_wait3A_79] : memref<40960x128xf32, #tpu.memory_space<hbm>> -> memref<128x128xf32, #tpu.memory_space<hbm>>
      %dma_wait3A_81 = arith.constant 0 : i32
      %dma_wait3A_82 = arith.constant 0 : i32
      %dma_wait3A_83 = tpu.memref_slice %arg7[%dma_wait3A_74, %dma_wait3A_81, %dma_wait3A_82] : memref<2x128x128xf32, #tpu.memory_space<vmem>> -> memref<1x128x128xf32, #tpu.memory_space<vmem>>
      %dma_wait3A_84 = tpu.memref_squeeze %dma_wait3A_83 : memref<1x128x128xf32, #tpu.memory_space<vmem>> -> memref<128x128xf32, #tpu.memory_space<vmem>>
      %dma_wait3A_85 = arith.constant 0 : i32
      %dma_wait3A_86 = tpu.memref_slice %arg2[%add3A_73, %dma_wait3A_85] : memref<40960x128xf32, #tpu.memory_space<hbm>> -> memref<128x128xf32, #tpu.memory_space<hbm>>
      tpu.wait_dma2 semaphore(%arg10 : memref<!tpu.dma_semaphore, #tpu.memory_space<semaphore_mem>>) src(%dma_wait3A_86 : memref<128x128xf32, #tpu.memory_space<hbm>>) dst(%dma_wait3A_84 : memref<128x128xf32, #tpu.memory_space<vmem>>)
      %run_scoped3A_87 = arith.constant 1 : i32
      "tpu.region"() ({
        %run_scoped3A_89 = tpu.sem_alloc : memref<!tpu.dma_semaphore, #tpu.memory_space<semaphore_mem>>
        %dma_start3A_90 = arith.constant 0 : i32
        %dma_start3A_91 = arith.constant 0 : i32
        %dma_start3A_92 = tpu.memref_slice %arg7[%run_scoped3A_87, %dma_start3A_90, %dma_start3A_91] : memref<2x128x128xf32, #tpu.memory_space<vmem>> -> memref<1x128x128xf32, #tpu.memory_space<vmem>>
        %dma_start3A_93 = tpu.memref_squeeze %dma_start3A_92 : memref<1x128x128xf32, #tpu.memory_space<vmem>> -> memref<128x128xf32, #tpu.memory_space<vmem>>
        %dma_start3A_94 = arith.constant 0 : i32
        %dma_start3A_95 = tpu.memref_slice %arg6[%add3A_35, %dma_start3A_94] : memref<10x128xi32, #tpu.memory_space<vmem>> -> memref<1x128xi32, #tpu.memory_space<vmem>>
        %dma_start3A_96 = tpu.memref_squeeze %dma_start3A_95 : memref<1x128xi32, #tpu.memory_space<vmem>> -> memref<128xi32, #tpu.memory_space<vmem>>
        %dma_start3A_97 = arith.constant 0 : i32
        %dma_start3A_98 = arith.constant 0 : i32
        %dma_start3A_99 = tpu.memref_slice %arg8[%dma_start3A_97, %dma_start3A_98] : memref<10240x128xf32, #tpu.memory_space<vmem_shared>> -> memref<10240x128xf32, #tpu.memory_space<vmem_shared>>
        tpu.enqueue_indirect_dma source(%dma_start3A_93 : memref<128x128xf32, #tpu.memory_space<vmem>>) target(%dma_start3A_99 : memref<10240x128xf32, #tpu.memory_space<vmem_shared>>) offsets(%dma_start3A_96 : memref<128xi32, #tpu.memory_space<vmem>>) semaphore(%run_scoped3A_89 : memref<!tpu.dma_semaphore, #tpu.memory_space<semaphore_mem>>) {add = true}
        %dma_wait3A_100 = arith.constant 0 : i32
        %dma_wait3A_101 = arith.constant 0 : i32
        %dma_wait3A_102 = tpu.memref_slice %arg7[%run_scoped3A_87, %dma_wait3A_100, %dma_wait3A_101] : memref<2x128x128xf32, #tpu.memory_space<vmem>> -> memref<1x128x128xf32, #tpu.memory_space<vmem>>
        %dma_wait3A_103 = tpu.memref_squeeze %dma_wait3A_102 : memref<1x128x128xf32, #tpu.memory_space<vmem>> -> memref<128x128xf32, #tpu.memory_space<vmem>>
        %dma_wait3A_104 = arith.constant 0 : i32
        %dma_wait3A_105 = tpu.memref_slice %arg6[%add3A_35, %dma_wait3A_104] : memref<10x128xi32, #tpu.memory_space<vmem>> -> memref<1x128xi32, #tpu.memory_space<vmem>>
        %dma_wait3A_106 = tpu.memref_squeeze %dma_wait3A_105 : memref<1x128xi32, #tpu.memory_space<vmem>> -> memref<128xi32, #tpu.memory_space<vmem>>
        %dma_wait3A_107 = arith.constant 0 : i32
        %dma_wait3A_108 = arith.constant 0 : i32
        %dma_wait3A_109 = tpu.memref_slice %arg8[%dma_wait3A_107, %dma_wait3A_108] : memref<10240x128xf32, #tpu.memory_space<vmem_shared>> -> memref<10240x128xf32, #tpu.memory_space<vmem_shared>>
        tpu.wait_indirect_dma semaphore(%run_scoped3A_89 : memref<!tpu.dma_semaphore, #tpu.memory_space<semaphore_mem>>) src(%dma_wait3A_103 : memref<128x128xf32, #tpu.memory_space<vmem>>) dst(%dma_wait3A_109 : memref<10240x128xf32, #tpu.memory_space<vmem_shared>>)
        tpu.yield
      }) : () -> ()
      %scan3A_88 = arith.constant 0 : i32
      scf.yield %scan3A_88 : i32
    }
    %scan3A_24 = arith.constant 5 : i32
    %barrier3A_25 = arith.constant 0 : index
    tpu.barrier barrier_id(%barrier3A_25)
    %mul3A_26 = arith.constant 640 : i32
    %mul3A_27 = arith.muli %arg1, %mul3A_26 : i32
    %mul3A_28 = arith.constant 640 : i32
    %mul3A_29 = arith.muli %arg1, %mul3A_28 : i32
    "tpu.region"() ({
      %run_scoped3A = tpu.sem_alloc : memref<!tpu.dma_semaphore, #tpu.memory_space<semaphore_mem>>
      %dma_start3A_30 = arith.constant 0 : i32
      %dma_start3A_31 = tpu.memref_slice %arg5[%arg0, %mul3A_29, %dma_start3A_30] : memref<2x10240x128xf32, #tpu.memory_space<hbm>> -> memref<1x640x128xf32, #tpu.memory_space<hbm>>
      %dma_start3A_32 = tpu.memref_squeeze %dma_start3A_31 : memref<1x640x128xf32, #tpu.memory_space<hbm>> -> memref<640x128xf32, #tpu.memory_space<hbm>>
      %dma_start3A_33 = arith.constant 0 : i32
      %dma_start3A_34 = tpu.memref_slice %arg8[%mul3A_27, %dma_start3A_33] : memref<10240x128xf32, #tpu.memory_space<vmem_shared>> -> memref<640x128xf32, #tpu.memory_space<vmem_shared>>
      tpu.enqueue_dma source(%dma_start3A_34 : memref<640x128xf32, #tpu.memory_space<vmem_shared>>) target(%dma_start3A_32 : memref<640x128xf32, #tpu.memory_space<hbm>>) target_semaphore(%run_scoped3A : memref<!tpu.dma_semaphore, #tpu.memory_space<semaphore_mem>>)
      %dma_wait3A = arith.constant 0 : i32
      %dma_wait3A_35 = tpu.memref_slice %arg5[%arg0, %mul3A_29, %dma_wait3A] : memref<2x10240x128xf32, #tpu.memory_space<hbm>> -> memref<1x640x128xf32, #tpu.memory_space<hbm>>
      %dma_wait3A_36 = tpu.memref_squeeze %dma_wait3A_35 : memref<1x640x128xf32, #tpu.memory_space<hbm>> -> memref<640x128xf32, #tpu.memory_space<hbm>>
      %dma_wait3A_37 = arith.constant 0 : i32
      %dma_wait3A_38 = tpu.memref_slice %arg8[%mul3A_27, %dma_wait3A_37] : memref<10240x128xf32, #tpu.memory_space<vmem_shared>> -> memref<640x128xf32, #tpu.memory_space<vmem_shared>>
      tpu.wait_dma2 semaphore(%run_scoped3A : memref<!tpu.dma_semaphore, #tpu.memory_space<semaphore_mem>>) src(%dma_wait3A_38 : memref<640x128xf32, #tpu.memory_space<vmem_shared>>) dst(%dma_wait3A_36 : memref<640x128xf32, #tpu.memory_space<hbm>>)
      tpu.yield
    }) : () -> ()
    return
  }
}

#map = affine_map<(d0, d1) -> (0, 0)>
#map1 = affine_map<(d0, d1) -> (0)>
module attributes {stable_mosaic.version = 14 : i64} {
  func.func @k(%arg0: i32, %arg1: i32, %arg2: memref<10000x128xf32, #tpu.memory_space<hbm>>, %arg3: memref<160000xi32, #tpu.memory_space<hbm>>, %arg4: memref<37120x128xf32, #tpu.memory_space<hbm>>, %arg5: memref<1160xi32, #tpu.memory_space<vmem>>, %arg6: memref<2x40x128xf32, #tpu.memory_space<vmem>>, %arg7: memref<!tpu.dma_semaphore, #tpu.memory_space<semaphore_mem>>, %arg8: memref<!tpu.dma_semaphore, #tpu.memory_space<semaphore_mem>>) attributes {dimension_semantics = [#tpu.dimension_semantics<core_parallel>, #tpu.dimension_semantics<subcore_parallel>], iteration_bounds = array<i64: 2, 16>, scalar_prefetch = 0 : i64, scratch_operands = 4 : i64, tpu.core_type = #tpu.core_type<sc_vector_subcore>, window_params = [{transform_indices = #map}, {transform_indices = #map1}, {transform_indices = #map}]} {
    %mul3A = arith.constant 2 : i32
    %mul3A_0 = arith.muli %arg1, %mul3A : i32
    %add3A = arith.addi %mul3A_0, %arg0 : i32
    %mul3A_1 = arith.constant 1160 : i32
    %mul3A_2 = arith.muli %add3A, %mul3A_1 : i32
    %add3A_3 = arith.constant 122880 : i32
    %add3A_4 = arith.addi %add3A_3, %mul3A_2 : i32
    "tpu.region"() ({
      %run_scoped3A_31 = tpu.sem_alloc : memref<!tpu.dma_semaphore, #tpu.memory_space<semaphore_mem>>
      %dma_start3A_32 = tpu.memref_slice %arg3[%add3A_4] : memref<160000xi32, #tpu.memory_space<hbm>> -> memref<1160xi32, #tpu.memory_space<hbm>>
      %dma_start3A_33 = tpu.memref_slice %arg3[%add3A_4] : memref<160000xi32, #tpu.memory_space<hbm>> -> memref<1160xi32, #tpu.memory_space<hbm>>
      tpu.enqueue_dma source(%dma_start3A_33 : memref<1160xi32, #tpu.memory_space<hbm>>) target(%arg5 : memref<1160xi32, #tpu.memory_space<vmem>>) target_semaphore(%run_scoped3A_31 : memref<!tpu.dma_semaphore, #tpu.memory_space<semaphore_mem>>)
      %dma_wait3A_34 = tpu.memref_slice %arg3[%add3A_4] : memref<160000xi32, #tpu.memory_space<hbm>> -> memref<1160xi32, #tpu.memory_space<hbm>>
      %dma_wait3A_35 = tpu.memref_slice %arg3[%add3A_4] : memref<160000xi32, #tpu.memory_space<hbm>> -> memref<1160xi32, #tpu.memory_space<hbm>>
      tpu.wait_dma2 semaphore(%run_scoped3A_31 : memref<!tpu.dma_semaphore, #tpu.memory_space<semaphore_mem>>) src(%dma_wait3A_35 : memref<1160xi32, #tpu.memory_space<hbm>>) dst(%arg5 : memref<1160xi32, #tpu.memory_space<vmem>>)
      tpu.yield
    }) : () -> ()
    %dma_start3A = arith.constant 0 : i32
    %dma_start3A_5 = arith.constant 0 : i32
    %dma_start3A_6 = arith.constant 0 : i32
    %dma_start3A_7 = tpu.memref_slice %arg6[%dma_start3A, %dma_start3A_5, %dma_start3A_6] : memref<2x40x128xf32, #tpu.memory_space<vmem>> -> memref<1x40x128xf32, #tpu.memory_space<vmem>>
    %dma_start3A_8 = tpu.memref_squeeze %dma_start3A_7 : memref<1x40x128xf32, #tpu.memory_space<vmem>> -> memref<40x128xf32, #tpu.memory_space<vmem>>
    %dma_start3A_9 = arith.constant 0 : i32
    %dma_start3A_10 = tpu.memref_slice %arg5[%dma_start3A_9] : memref<1160xi32, #tpu.memory_space<vmem>> -> memref<40xi32, #tpu.memory_space<vmem>>
    %dma_start3A_11 = arith.constant 0 : i32
    %dma_start3A_12 = arith.constant 0 : i32
    %dma_start3A_13 = tpu.memref_slice %arg2[%dma_start3A_11, %dma_start3A_12] : memref<10000x128xf32, #tpu.memory_space<hbm>> -> memref<10000x128xf32, #tpu.memory_space<hbm>>
    tpu.enqueue_indirect_dma source(%dma_start3A_13 : memref<10000x128xf32, #tpu.memory_space<hbm>>) target(%dma_start3A_8 : memref<40x128xf32, #tpu.memory_space<vmem>>) offsets(%dma_start3A_10 : memref<40xi32, #tpu.memory_space<vmem>>) semaphore(%arg7 : memref<!tpu.dma_semaphore, #tpu.memory_space<semaphore_mem>>)
    %scan3A = arith.constant 0 : i32
    %scan3A_14 = arith.constant 0 : i32
    %scan3A_15 = arith.constant 14 : i32
    %scan3A_16 = arith.addi %scan3A_14, %scan3A_15 : i32
    %scan3A_17 = arith.constant 1 : i32
    %scan3A_18 = scf.for %scan3A_31 = %scan3A_14 to %scan3A_16 step %scan3A_17 iter_args(%scan3A_32 = %scan3A) -> (i32)  : i32 {
      %mul3A_33 = arith.constant 2 : i32
      %mul3A_34 = arith.muli %mul3A_33, %scan3A_31 : i32
      %add3A_35 = arith.constant 1 : i32
      %add3A_36 = arith.addi %mul3A_34, %add3A_35 : i32
      %mul3A_37 = arith.constant 40 : i32
      %mul3A_38 = arith.muli %add3A_36, %mul3A_37 : i32
      %dma_start3A_39 = arith.constant 1 : i32
      %dma_start3A_40 = arith.constant 0 : i32
      %dma_start3A_41 = arith.constant 0 : i32
      %dma_start3A_42 = tpu.memref_slice %arg6[%dma_start3A_39, %dma_start3A_40, %dma_start3A_41] : memref<2x40x128xf32, #tpu.memory_space<vmem>> -> memref<1x40x128xf32, #tpu.memory_space<vmem>>
      %dma_start3A_43 = tpu.memref_squeeze %dma_start3A_42 : memref<1x40x128xf32, #tpu.memory_space<vmem>> -> memref<40x128xf32, #tpu.memory_space<vmem>>
      %dma_start3A_44 = tpu.memref_slice %arg5[%mul3A_38] : memref<1160xi32, #tpu.memory_space<vmem>> -> memref<40xi32, #tpu.memory_space<vmem>>
      %dma_start3A_45 = arith.constant 0 : i32
      %dma_start3A_46 = arith.constant 0 : i32
      %dma_start3A_47 = tpu.memref_slice %arg2[%dma_start3A_45, %dma_start3A_46] : memref<10000x128xf32, #tpu.memory_space<hbm>> -> memref<10000x128xf32, #tpu.memory_space<hbm>>
      tpu.enqueue_indirect_dma source(%dma_start3A_47 : memref<10000x128xf32, #tpu.memory_space<hbm>>) target(%dma_start3A_43 : memref<40x128xf32, #tpu.memory_space<vmem>>) offsets(%dma_start3A_44 : memref<40xi32, #tpu.memory_space<vmem>>) semaphore(%arg8 : memref<!tpu.dma_semaphore, #tpu.memory_space<semaphore_mem>>)
      %mul3A_48 = arith.constant 40 : i32
      %mul3A_49 = arith.muli %mul3A_34, %mul3A_48 : i32
      %dma_wait3A_50 = arith.constant 0 : i32
      %dma_wait3A_51 = arith.constant 0 : i32
      %dma_wait3A_52 = arith.constant 0 : i32
      %dma_wait3A_53 = tpu.memref_slice %arg6[%dma_wait3A_50, %dma_wait3A_51, %dma_wait3A_52] : memref<2x40x128xf32, #tpu.memory_space<vmem>> -> memref<1x40x128xf32, #tpu.memory_space<vmem>>
      %dma_wait3A_54 = tpu.memref_squeeze %dma_wait3A_53 : memref<1x40x128xf32, #tpu.memory_space<vmem>> -> memref<40x128xf32, #tpu.memory_space<vmem>>
      %dma_wait3A_55 = tpu.memref_slice %arg5[%mul3A_49] : memref<1160xi32, #tpu.memory_space<vmem>> -> memref<40xi32, #tpu.memory_space<vmem>>
      %dma_wait3A_56 = arith.constant 0 : i32
      %dma_wait3A_57 = arith.constant 0 : i32
      %dma_wait3A_58 = tpu.memref_slice %arg2[%dma_wait3A_56, %dma_wait3A_57] : memref<10000x128xf32, #tpu.memory_space<hbm>> -> memref<10000x128xf32, #tpu.memory_space<hbm>>
      tpu.wait_indirect_dma semaphore(%arg7 : memref<!tpu.dma_semaphore, #tpu.memory_space<semaphore_mem>>) src(%dma_wait3A_58 : memref<10000x128xf32, #tpu.memory_space<hbm>>) dst(%dma_wait3A_54 : memref<40x128xf32, #tpu.memory_space<vmem>>)
      %mul3A_59 = arith.constant 40 : i32
      %mul3A_60 = arith.muli %mul3A_34, %mul3A_59 : i32
      %add3A_61 = arith.addi %mul3A_2, %mul3A_60 : i32
      %run_scoped3A_62 = arith.constant 0 : i32
      "tpu.region"() ({
        %run_scoped3A_83 = tpu.sem_alloc : memref<!tpu.dma_semaphore, #tpu.memory_space<semaphore_mem>>
        %dma_start3A_84 = arith.constant 0 : i32
        %dma_start3A_85 = arith.constant 0 : i32
        %dma_start3A_86 = tpu.memref_slice %arg6[%run_scoped3A_62, %dma_start3A_84, %dma_start3A_85] : memref<2x40x128xf32, #tpu.memory_space<vmem>> -> memref<1x40x128xf32, #tpu.memory_space<vmem>>
        %dma_start3A_87 = tpu.memref_squeeze %dma_start3A_86 : memref<1x40x128xf32, #tpu.memory_space<vmem>> -> memref<40x128xf32, #tpu.memory_space<vmem>>
        %dma_start3A_88 = arith.constant 0 : i32
        %dma_start3A_89 = tpu.memref_slice %arg4[%add3A_61, %dma_start3A_88] : memref<37120x128xf32, #tpu.memory_space<hbm>> -> memref<40x128xf32, #tpu.memory_space<hbm>>
        %dma_start3A_90 = arith.constant 0 : i32
        %dma_start3A_91 = tpu.memref_slice %arg4[%add3A_61, %dma_start3A_90] : memref<37120x128xf32, #tpu.memory_space<hbm>> -> memref<40x128xf32, #tpu.memory_space<hbm>>
        %dma_start3A_92 = arith.constant 0 : i32
        %dma_start3A_93 = arith.constant 0 : i32
        %dma_start3A_94 = tpu.memref_slice %arg6[%run_scoped3A_62, %dma_start3A_92, %dma_start3A_93] : memref<2x40x128xf32, #tpu.memory_space<vmem>> -> memref<1x40x128xf32, #tpu.memory_space<vmem>>
        %dma_start3A_95 = tpu.memref_squeeze %dma_start3A_94 : memref<1x40x128xf32, #tpu.memory_space<vmem>> -> memref<40x128xf32, #tpu.memory_space<vmem>>
        tpu.enqueue_dma source(%dma_start3A_95 : memref<40x128xf32, #tpu.memory_space<vmem>>) target(%dma_start3A_91 : memref<40x128xf32, #tpu.memory_space<hbm>>) target_semaphore(%run_scoped3A_83 : memref<!tpu.dma_semaphore, #tpu.memory_space<semaphore_mem>>)
        %dma_wait3A_96 = arith.constant 0 : i32
        %dma_wait3A_97 = arith.constant 0 : i32
        %dma_wait3A_98 = tpu.memref_slice %arg6[%run_scoped3A_62, %dma_wait3A_96, %dma_wait3A_97] : memref<2x40x128xf32, #tpu.memory_space<vmem>> -> memref<1x40x128xf32, #tpu.memory_space<vmem>>
        %dma_wait3A_99 = tpu.memref_squeeze %dma_wait3A_98 : memref<1x40x128xf32, #tpu.memory_space<vmem>> -> memref<40x128xf32, #tpu.memory_space<vmem>>
        %dma_wait3A_100 = arith.constant 0 : i32
        %dma_wait3A_101 = tpu.memref_slice %arg4[%add3A_61, %dma_wait3A_100] : memref<37120x128xf32, #tpu.memory_space<hbm>> -> memref<40x128xf32, #tpu.memory_space<hbm>>
        %dma_wait3A_102 = arith.constant 0 : i32
        %dma_wait3A_103 = tpu.memref_slice %arg4[%add3A_61, %dma_wait3A_102] : memref<37120x128xf32, #tpu.memory_space<hbm>> -> memref<40x128xf32, #tpu.memory_space<hbm>>
        %dma_wait3A_104 = arith.constant 0 : i32
        %dma_wait3A_105 = arith.constant 0 : i32
        %dma_wait3A_106 = tpu.memref_slice %arg6[%run_scoped3A_62, %dma_wait3A_104, %dma_wait3A_105] : memref<2x40x128xf32, #tpu.memory_space<vmem>> -> memref<1x40x128xf32, #tpu.memory_space<vmem>>
        %dma_wait3A_107 = tpu.memref_squeeze %dma_wait3A_106 : memref<1x40x128xf32, #tpu.memory_space<vmem>> -> memref<40x128xf32, #tpu.memory_space<vmem>>
        tpu.wait_dma2 semaphore(%run_scoped3A_83 : memref<!tpu.dma_semaphore, #tpu.memory_space<semaphore_mem>>) src(%dma_wait3A_107 : memref<40x128xf32, #tpu.memory_space<vmem>>) dst(%dma_wait3A_103 : memref<40x128xf32, #tpu.memory_space<hbm>>)
        tpu.yield
      }) : () -> ()
      %add3A_63 = arith.constant 1 : i32
      %add3A_64 = arith.addi %add3A_36, %add3A_63 : i32
      %lt3A = arith.constant 29 : i32
      %lt3A_65 = arith.cmpi slt, %add3A_64, %lt3A : i32
      %convert_element_type3A = arith.extui %lt3A_65 : i1 to i32
      %cond3A = arith.constant 0 : i32
      %cond3A_66 = arith.cmpi ne, %convert_element_type3A, %cond3A : i32
      scf.if %cond3A_66 {
        %add3A_83 = arith.constant 1 : i32
        %add3A_84 = arith.addi %add3A_36, %add3A_83 : i32
        %mul3A_85 = arith.constant 40 : i32
        %mul3A_86 = arith.muli %add3A_84, %mul3A_85 : i32
        %dma_start3A_87 = arith.constant 0 : i32
        %dma_start3A_88 = arith.constant 0 : i32
        %dma_start3A_89 = arith.constant 0 : i32
        %dma_start3A_90 = tpu.memref_slice %arg6[%dma_start3A_87, %dma_start3A_88, %dma_start3A_89] : memref<2x40x128xf32, #tpu.memory_space<vmem>> -> memref<1x40x128xf32, #tpu.memory_space<vmem>>
        %dma_start3A_91 = tpu.memref_squeeze %dma_start3A_90 : memref<1x40x128xf32, #tpu.memory_space<vmem>> -> memref<40x128xf32, #tpu.memory_space<vmem>>
        %dma_start3A_92 = tpu.memref_slice %arg5[%mul3A_86] : memref<1160xi32, #tpu.memory_space<vmem>> -> memref<40xi32, #tpu.memory_space<vmem>>
        %dma_start3A_93 = arith.constant 0 : i32
        %dma_start3A_94 = arith.constant 0 : i32
        %dma_start3A_95 = tpu.memref_slice %arg2[%dma_start3A_93, %dma_start3A_94] : memref<10000x128xf32, #tpu.memory_space<hbm>> -> memref<10000x128xf32, #tpu.memory_space<hbm>>
        tpu.enqueue_indirect_dma source(%dma_start3A_95 : memref<10000x128xf32, #tpu.memory_space<hbm>>) target(%dma_start3A_91 : memref<40x128xf32, #tpu.memory_space<vmem>>) offsets(%dma_start3A_92 : memref<40xi32, #tpu.memory_space<vmem>>) semaphore(%arg7 : memref<!tpu.dma_semaphore, #tpu.memory_space<semaphore_mem>>)
      } else {
      }
      %mul3A_67 = arith.constant 40 : i32
      %mul3A_68 = arith.muli %add3A_36, %mul3A_67 : i32
      %dma_wait3A_69 = arith.constant 1 : i32
      %dma_wait3A_70 = arith.constant 0 : i32
      %dma_wait3A_71 = arith.constant 0 : i32
      %dma_wait3A_72 = tpu.memref_slice %arg6[%dma_wait3A_69, %dma_wait3A_70, %dma_wait3A_71] : memref<2x40x128xf32, #tpu.memory_space<vmem>> -> memref<1x40x128xf32, #tpu.memory_space<vmem>>
      %dma_wait3A_73 = tpu.memref_squeeze %dma_wait3A_72 : memref<1x40x128xf32, #tpu.memory_space<vmem>> -> memref<40x128xf32, #tpu.memory_space<vmem>>
      %dma_wait3A_74 = tpu.memref_slice %arg5[%mul3A_68] : memref<1160xi32, #tpu.memory_space<vmem>> -> memref<40xi32, #tpu.memory_space<vmem>>
      %dma_wait3A_75 = arith.constant 0 : i32
      %dma_wait3A_76 = arith.constant 0 : i32
      %dma_wait3A_77 = tpu.memref_slice %arg2[%dma_wait3A_75, %dma_wait3A_76] : memref<10000x128xf32, #tpu.memory_space<hbm>> -> memref<10000x128xf32, #tpu.memory_space<hbm>>
      tpu.wait_indirect_dma semaphore(%arg8 : memref<!tpu.dma_semaphore, #tpu.memory_space<semaphore_mem>>) src(%dma_wait3A_77 : memref<10000x128xf32, #tpu.memory_space<hbm>>) dst(%dma_wait3A_73 : memref<40x128xf32, #tpu.memory_space<vmem>>)
      %mul3A_78 = arith.constant 40 : i32
      %mul3A_79 = arith.muli %add3A_36, %mul3A_78 : i32
      %add3A_80 = arith.addi %mul3A_2, %mul3A_79 : i32
      %run_scoped3A_81 = arith.constant 1 : i32
      "tpu.region"() ({
        %run_scoped3A_83 = tpu.sem_alloc : memref<!tpu.dma_semaphore, #tpu.memory_space<semaphore_mem>>
        %dma_start3A_84 = arith.constant 0 : i32
        %dma_start3A_85 = arith.constant 0 : i32
        %dma_start3A_86 = tpu.memref_slice %arg6[%run_scoped3A_81, %dma_start3A_84, %dma_start3A_85] : memref<2x40x128xf32, #tpu.memory_space<vmem>> -> memref<1x40x128xf32, #tpu.memory_space<vmem>>
        %dma_start3A_87 = tpu.memref_squeeze %dma_start3A_86 : memref<1x40x128xf32, #tpu.memory_space<vmem>> -> memref<40x128xf32, #tpu.memory_space<vmem>>
        %dma_start3A_88 = arith.constant 0 : i32
        %dma_start3A_89 = tpu.memref_slice %arg4[%add3A_80, %dma_start3A_88] : memref<37120x128xf32, #tpu.memory_space<hbm>> -> memref<40x128xf32, #tpu.memory_space<hbm>>
        %dma_start3A_90 = arith.constant 0 : i32
        %dma_start3A_91 = tpu.memref_slice %arg4[%add3A_80, %dma_start3A_90] : memref<37120x128xf32, #tpu.memory_space<hbm>> -> memref<40x128xf32, #tpu.memory_space<hbm>>
        %dma_start3A_92 = arith.constant 0 : i32
        %dma_start3A_93 = arith.constant 0 : i32
        %dma_start3A_94 = tpu.memref_slice %arg6[%run_scoped3A_81, %dma_start3A_92, %dma_start3A_93] : memref<2x40x128xf32, #tpu.memory_space<vmem>> -> memref<1x40x128xf32, #tpu.memory_space<vmem>>
        %dma_start3A_95 = tpu.memref_squeeze %dma_start3A_94 : memref<1x40x128xf32, #tpu.memory_space<vmem>> -> memref<40x128xf32, #tpu.memory_space<vmem>>
        tpu.enqueue_dma source(%dma_start3A_95 : memref<40x128xf32, #tpu.memory_space<vmem>>) target(%dma_start3A_91 : memref<40x128xf32, #tpu.memory_space<hbm>>) target_semaphore(%run_scoped3A_83 : memref<!tpu.dma_semaphore, #tpu.memory_space<semaphore_mem>>)
        %dma_wait3A_96 = arith.constant 0 : i32
        %dma_wait3A_97 = arith.constant 0 : i32
        %dma_wait3A_98 = tpu.memref_slice %arg6[%run_scoped3A_81, %dma_wait3A_96, %dma_wait3A_97] : memref<2x40x128xf32, #tpu.memory_space<vmem>> -> memref<1x40x128xf32, #tpu.memory_space<vmem>>
        %dma_wait3A_99 = tpu.memref_squeeze %dma_wait3A_98 : memref<1x40x128xf32, #tpu.memory_space<vmem>> -> memref<40x128xf32, #tpu.memory_space<vmem>>
        %dma_wait3A_100 = arith.constant 0 : i32
        %dma_wait3A_101 = tpu.memref_slice %arg4[%add3A_80, %dma_wait3A_100] : memref<37120x128xf32, #tpu.memory_space<hbm>> -> memref<40x128xf32, #tpu.memory_space<hbm>>
        %dma_wait3A_102 = arith.constant 0 : i32
        %dma_wait3A_103 = tpu.memref_slice %arg4[%add3A_80, %dma_wait3A_102] : memref<37120x128xf32, #tpu.memory_space<hbm>> -> memref<40x128xf32, #tpu.memory_space<hbm>>
        %dma_wait3A_104 = arith.constant 0 : i32
        %dma_wait3A_105 = arith.constant 0 : i32
        %dma_wait3A_106 = tpu.memref_slice %arg6[%run_scoped3A_81, %dma_wait3A_104, %dma_wait3A_105] : memref<2x40x128xf32, #tpu.memory_space<vmem>> -> memref<1x40x128xf32, #tpu.memory_space<vmem>>
        %dma_wait3A_107 = tpu.memref_squeeze %dma_wait3A_106 : memref<1x40x128xf32, #tpu.memory_space<vmem>> -> memref<40x128xf32, #tpu.memory_space<vmem>>
        tpu.wait_dma2 semaphore(%run_scoped3A_83 : memref<!tpu.dma_semaphore, #tpu.memory_space<semaphore_mem>>) src(%dma_wait3A_107 : memref<40x128xf32, #tpu.memory_space<vmem>>) dst(%dma_wait3A_103 : memref<40x128xf32, #tpu.memory_space<hbm>>)
        tpu.yield
      }) : () -> ()
      %scan3A_82 = arith.constant 0 : i32
      scf.yield %scan3A_82 : i32
    }
    %scan3A_19 = arith.constant 14 : i32
    %dma_wait3A = arith.constant 0 : i32
    %dma_wait3A_20 = arith.constant 0 : i32
    %dma_wait3A_21 = arith.constant 0 : i32
    %dma_wait3A_22 = tpu.memref_slice %arg6[%dma_wait3A, %dma_wait3A_20, %dma_wait3A_21] : memref<2x40x128xf32, #tpu.memory_space<vmem>> -> memref<1x40x128xf32, #tpu.memory_space<vmem>>
    %dma_wait3A_23 = tpu.memref_squeeze %dma_wait3A_22 : memref<1x40x128xf32, #tpu.memory_space<vmem>> -> memref<40x128xf32, #tpu.memory_space<vmem>>
    %dma_wait3A_24 = arith.constant 1120 : i32
    %dma_wait3A_25 = tpu.memref_slice %arg5[%dma_wait3A_24] : memref<1160xi32, #tpu.memory_space<vmem>> -> memref<40xi32, #tpu.memory_space<vmem>>
    %dma_wait3A_26 = arith.constant 0 : i32
    %dma_wait3A_27 = arith.constant 0 : i32
    %dma_wait3A_28 = tpu.memref_slice %arg2[%dma_wait3A_26, %dma_wait3A_27] : memref<10000x128xf32, #tpu.memory_space<hbm>> -> memref<10000x128xf32, #tpu.memory_space<hbm>>
    tpu.wait_indirect_dma semaphore(%arg7 : memref<!tpu.dma_semaphore, #tpu.memory_space<semaphore_mem>>) src(%dma_wait3A_28 : memref<10000x128xf32, #tpu.memory_space<hbm>>) dst(%dma_wait3A_23 : memref<40x128xf32, #tpu.memory_space<vmem>>)
    %add3A_29 = arith.constant 1120 : i32
    %add3A_30 = arith.addi %mul3A_2, %add3A_29 : i32
    %run_scoped3A = arith.constant 0 : i32
    "tpu.region"() ({
      %run_scoped3A_31 = tpu.sem_alloc : memref<!tpu.dma_semaphore, #tpu.memory_space<semaphore_mem>>
      %dma_start3A_32 = arith.constant 0 : i32
      %dma_start3A_33 = arith.constant 0 : i32
      %dma_start3A_34 = tpu.memref_slice %arg6[%run_scoped3A, %dma_start3A_32, %dma_start3A_33] : memref<2x40x128xf32, #tpu.memory_space<vmem>> -> memref<1x40x128xf32, #tpu.memory_space<vmem>>
      %dma_start3A_35 = tpu.memref_squeeze %dma_start3A_34 : memref<1x40x128xf32, #tpu.memory_space<vmem>> -> memref<40x128xf32, #tpu.memory_space<vmem>>
      %dma_start3A_36 = arith.constant 0 : i32
      %dma_start3A_37 = tpu.memref_slice %arg4[%add3A_30, %dma_start3A_36] : memref<37120x128xf32, #tpu.memory_space<hbm>> -> memref<40x128xf32, #tpu.memory_space<hbm>>
      %dma_start3A_38 = arith.constant 0 : i32
      %dma_start3A_39 = tpu.memref_slice %arg4[%add3A_30, %dma_start3A_38] : memref<37120x128xf32, #tpu.memory_space<hbm>> -> memref<40x128xf32, #tpu.memory_space<hbm>>
      %dma_start3A_40 = arith.constant 0 : i32
      %dma_start3A_41 = arith.constant 0 : i32
      %dma_start3A_42 = tpu.memref_slice %arg6[%run_scoped3A, %dma_start3A_40, %dma_start3A_41] : memref<2x40x128xf32, #tpu.memory_space<vmem>> -> memref<1x40x128xf32, #tpu.memory_space<vmem>>
      %dma_start3A_43 = tpu.memref_squeeze %dma_start3A_42 : memref<1x40x128xf32, #tpu.memory_space<vmem>> -> memref<40x128xf32, #tpu.memory_space<vmem>>
      tpu.enqueue_dma source(%dma_start3A_43 : memref<40x128xf32, #tpu.memory_space<vmem>>) target(%dma_start3A_39 : memref<40x128xf32, #tpu.memory_space<hbm>>) target_semaphore(%run_scoped3A_31 : memref<!tpu.dma_semaphore, #tpu.memory_space<semaphore_mem>>)
      %dma_wait3A_44 = arith.constant 0 : i32
      %dma_wait3A_45 = arith.constant 0 : i32
      %dma_wait3A_46 = tpu.memref_slice %arg6[%run_scoped3A, %dma_wait3A_44, %dma_wait3A_45] : memref<2x40x128xf32, #tpu.memory_space<vmem>> -> memref<1x40x128xf32, #tpu.memory_space<vmem>>
      %dma_wait3A_47 = tpu.memref_squeeze %dma_wait3A_46 : memref<1x40x128xf32, #tpu.memory_space<vmem>> -> memref<40x128xf32, #tpu.memory_space<vmem>>
      %dma_wait3A_48 = arith.constant 0 : i32
      %dma_wait3A_49 = tpu.memref_slice %arg4[%add3A_30, %dma_wait3A_48] : memref<37120x128xf32, #tpu.memory_space<hbm>> -> memref<40x128xf32, #tpu.memory_space<hbm>>
      %dma_wait3A_50 = arith.constant 0 : i32
      %dma_wait3A_51 = tpu.memref_slice %arg4[%add3A_30, %dma_wait3A_50] : memref<37120x128xf32, #tpu.memory_space<hbm>> -> memref<40x128xf32, #tpu.memory_space<hbm>>
      %dma_wait3A_52 = arith.constant 0 : i32
      %dma_wait3A_53 = arith.constant 0 : i32
      %dma_wait3A_54 = tpu.memref_slice %arg6[%run_scoped3A, %dma_wait3A_52, %dma_wait3A_53] : memref<2x40x128xf32, #tpu.memory_space<vmem>> -> memref<1x40x128xf32, #tpu.memory_space<vmem>>
      %dma_wait3A_55 = tpu.memref_squeeze %dma_wait3A_54 : memref<1x40x128xf32, #tpu.memory_space<vmem>> -> memref<40x128xf32, #tpu.memory_space<vmem>>
      tpu.wait_dma2 semaphore(%run_scoped3A_31 : memref<!tpu.dma_semaphore, #tpu.memory_space<semaphore_mem>>) src(%dma_wait3A_55 : memref<40x128xf32, #tpu.memory_space<vmem>>) dst(%dma_wait3A_51 : memref<40x128xf32, #tpu.memory_space<hbm>>)
      tpu.yield
    }) : () -> ()
    return
  }
}

#map = affine_map<(d0, d1) -> (0, 0)>
#map1 = affine_map<(d0, d1) -> (0, 0, 0)>
module attributes {stable_mosaic.version = 14 : i64} {
  func.func @k(%arg0: i32, %arg1: i32, %arg2: memref<40960x128xf32, #tpu.memory_space<hbm>>, %arg3: memref<32x10x128xi32, #tpu.memory_space<hbm>>, %arg4: memref<2x10240x128xf32, #tpu.memory_space<hbm>>, %arg5: memref<2x10240x128xf32, #tpu.memory_space<hbm>>, %arg6: memref<10x128xi32, #tpu.memory_space<vmem>>, %arg7: memref<2x128x128xf32, #tpu.memory_space<vmem>>, %arg8: memref<10240x128xf32, #tpu.memory_space<vmem_shared>>, %arg9: memref<!tpu.dma_semaphore, #tpu.memory_space<semaphore_mem>>, %arg10: memref<!tpu.dma_semaphore, #tpu.memory_space<semaphore_mem>>) attributes {dimension_semantics = [#tpu.dimension_semantics<core_parallel>, #tpu.dimension_semantics<subcore_parallel>], iteration_bounds = array<i64: 2, 16>, scalar_prefetch = 0 : i64, scratch_operands = 5 : i64, tpu.core_type = #tpu.core_type<sc_vector_subcore>, window_params = [{transform_indices = #map}, {transform_indices = #map1}, {transform_indices = #map1}, {transform_indices = #map1}]} {
    %mul3A = arith.constant 2 : i32
    %mul3A_0 = arith.muli %arg1, %mul3A : i32
    %add3A = arith.addi %mul3A_0, %arg0 : i32
    %mul3A_1 = arith.constant 1280 : i32
    %mul3A_2 = arith.muli %add3A, %mul3A_1 : i32
    %mul3A_3 = arith.constant 640 : i32
    %mul3A_4 = arith.muli %arg1, %mul3A_3 : i32
    %mul3A_5 = arith.constant 640 : i32
    %mul3A_6 = arith.muli %arg1, %mul3A_5 : i32
    "tpu.region"() ({
      %run_scoped3A = tpu.sem_alloc : memref<!tpu.dma_semaphore, #tpu.memory_space<semaphore_mem>>
      %dma_start3A_30 = arith.constant 0 : i32
      %dma_start3A_31 = tpu.memref_slice %arg8[%mul3A_6, %dma_start3A_30] : memref<10240x128xf32, #tpu.memory_space<vmem_shared>> -> memref<640x128xf32, #tpu.memory_space<vmem_shared>>
      %dma_start3A_32 = arith.constant 0 : i32
      %dma_start3A_33 = tpu.memref_slice %arg4[%arg0, %mul3A_4, %dma_start3A_32] : memref<2x10240x128xf32, #tpu.memory_space<hbm>> -> memref<1x640x128xf32, #tpu.memory_space<hbm>>
      %dma_start3A_34 = tpu.memref_squeeze %dma_start3A_33 : memref<1x640x128xf32, #tpu.memory_space<hbm>> -> memref<640x128xf32, #tpu.memory_space<hbm>>
      tpu.enqueue_dma source(%dma_start3A_34 : memref<640x128xf32, #tpu.memory_space<hbm>>) target(%dma_start3A_31 : memref<640x128xf32, #tpu.memory_space<vmem_shared>>) target_semaphore(%run_scoped3A : memref<!tpu.dma_semaphore, #tpu.memory_space<semaphore_mem>>)
      %dma_wait3A = arith.constant 0 : i32
      %dma_wait3A_35 = tpu.memref_slice %arg8[%mul3A_6, %dma_wait3A] : memref<10240x128xf32, #tpu.memory_space<vmem_shared>> -> memref<640x128xf32, #tpu.memory_space<vmem_shared>>
      %dma_wait3A_36 = arith.constant 0 : i32
      %dma_wait3A_37 = tpu.memref_slice %arg4[%arg0, %mul3A_4, %dma_wait3A_36] : memref<2x10240x128xf32, #tpu.memory_space<hbm>> -> memref<1x640x128xf32, #tpu.memory_space<hbm>>
      %dma_wait3A_38 = tpu.memref_squeeze %dma_wait3A_37 : memref<1x640x128xf32, #tpu.memory_space<hbm>> -> memref<640x128xf32, #tpu.memory_space<hbm>>
      tpu.wait_dma2 semaphore(%run_scoped3A : memref<!tpu.dma_semaphore, #tpu.memory_space<semaphore_mem>>) src(%dma_wait3A_38 : memref<640x128xf32, #tpu.memory_space<hbm>>) dst(%dma_wait3A_35 : memref<640x128xf32, #tpu.memory_space<vmem_shared>>)
      tpu.yield
    }) : () -> ()
    %barrier3A = arith.constant 0 : index
    tpu.barrier barrier_id(%barrier3A)
    "tpu.region"() ({
      %run_scoped3A = tpu.sem_alloc : memref<!tpu.dma_semaphore, #tpu.memory_space<semaphore_mem>>
      %dma_start3A_30 = arith.constant 0 : i32
      %dma_start3A_31 = arith.constant 0 : i32
      %dma_start3A_32 = tpu.memref_slice %arg3[%add3A, %dma_start3A_30, %dma_start3A_31] : memref<32x10x128xi32, #tpu.memory_space<hbm>> -> memref<1x10x128xi32, #tpu.memory_space<hbm>>
      %dma_start3A_33 = tpu.memref_squeeze %dma_start3A_32 : memref<1x10x128xi32, #tpu.memory_space<hbm>> -> memref<10x128xi32, #tpu.memory_space<hbm>>
      %dma_start3A_34 = arith.constant 0 : i32
      %dma_start3A_35 = arith.constant 0 : i32
      %dma_start3A_36 = tpu.memref_slice %arg3[%add3A, %dma_start3A_34, %dma_start3A_35] : memref<32x10x128xi32, #tpu.memory_space<hbm>> -> memref<1x10x128xi32, #tpu.memory_space<hbm>>
      %dma_start3A_37 = tpu.memref_squeeze %dma_start3A_36 : memref<1x10x128xi32, #tpu.memory_space<hbm>> -> memref<10x128xi32, #tpu.memory_space<hbm>>
      tpu.enqueue_dma source(%dma_start3A_37 : memref<10x128xi32, #tpu.memory_space<hbm>>) target(%arg6 : memref<10x128xi32, #tpu.memory_space<vmem>>) target_semaphore(%run_scoped3A : memref<!tpu.dma_semaphore, #tpu.memory_space<semaphore_mem>>)
      %dma_wait3A = arith.constant 0 : i32
      %dma_wait3A_38 = arith.constant 0 : i32
      %dma_wait3A_39 = tpu.memref_slice %arg3[%add3A, %dma_wait3A, %dma_wait3A_38] : memref<32x10x128xi32, #tpu.memory_space<hbm>> -> memref<1x10x128xi32, #tpu.memory_space<hbm>>
      %dma_wait3A_40 = tpu.memref_squeeze %dma_wait3A_39 : memref<1x10x128xi32, #tpu.memory_space<hbm>> -> memref<10x128xi32, #tpu.memory_space<hbm>>
      %dma_wait3A_41 = arith.constant 0 : i32
      %dma_wait3A_42 = arith.constant 0 : i32
      %dma_wait3A_43 = tpu.memref_slice %arg3[%add3A, %dma_wait3A_41, %dma_wait3A_42] : memref<32x10x128xi32, #tpu.memory_space<hbm>> -> memref<1x10x128xi32, #tpu.memory_space<hbm>>
      %dma_wait3A_44 = tpu.memref_squeeze %dma_wait3A_43 : memref<1x10x128xi32, #tpu.memory_space<hbm>> -> memref<10x128xi32, #tpu.memory_space<hbm>>
      tpu.wait_dma2 semaphore(%run_scoped3A : memref<!tpu.dma_semaphore, #tpu.memory_space<semaphore_mem>>) src(%dma_wait3A_44 : memref<10x128xi32, #tpu.memory_space<hbm>>) dst(%arg6 : memref<10x128xi32, #tpu.memory_space<vmem>>)
      tpu.yield
    }) : () -> ()
    %dma_start3A = arith.constant 0 : i32
    %dma_start3A_7 = arith.constant 0 : i32
    %dma_start3A_8 = arith.constant 0 : i32
    %dma_start3A_9 = tpu.memref_slice %arg7[%dma_start3A, %dma_start3A_7, %dma_start3A_8] : memref<2x128x128xf32, #tpu.memory_space<vmem>> -> memref<1x128x128xf32, #tpu.memory_space<vmem>>
    %dma_start3A_10 = tpu.memref_squeeze %dma_start3A_9 : memref<1x128x128xf32, #tpu.memory_space<vmem>> -> memref<128x128xf32, #tpu.memory_space<vmem>>
    %dma_start3A_11 = arith.constant 0 : i32
    %dma_start3A_12 = tpu.memref_slice %arg2[%mul3A_2, %dma_start3A_11] : memref<40960x128xf32, #tpu.memory_space<hbm>> -> memref<128x128xf32, #tpu.memory_space<hbm>>
    %dma_start3A_13 = arith.constant 0 : i32
    %dma_start3A_14 = arith.constant 0 : i32
    %dma_start3A_15 = tpu.memref_slice %arg7[%dma_start3A, %dma_start3A_13, %dma_start3A_14] : memref<2x128x128xf32, #tpu.memory_space<vmem>> -> memref<1x128x128xf32, #tpu.memory_space<vmem>>
    %dma_start3A_16 = tpu.memref_squeeze %dma_start3A_15 : memref<1x128x128xf32, #tpu.memory_space<vmem>> -> memref<128x128xf32, #tpu.memory_space<vmem>>
    %dma_start3A_17 = arith.constant 0 : i32
    %dma_start3A_18 = tpu.memref_slice %arg2[%mul3A_2, %dma_start3A_17] : memref<40960x128xf32, #tpu.memory_space<hbm>> -> memref<128x128xf32, #tpu.memory_space<hbm>>
    tpu.enqueue_dma source(%dma_start3A_18 : memref<128x128xf32, #tpu.memory_space<hbm>>) target(%dma_start3A_16 : memref<128x128xf32, #tpu.memory_space<vmem>>) target_semaphore(%arg9 : memref<!tpu.dma_semaphore, #tpu.memory_space<semaphore_mem>>)
    %scan3A = arith.constant 0 : i32
    %scan3A_19 = arith.constant 0 : i32
    %scan3A_20 = arith.constant 5 : i32
    %scan3A_21 = arith.addi %scan3A_19, %scan3A_20 : i32
    %scan3A_22 = arith.constant 1 : i32
    %scan3A_23 = scf.for %scan3A_30 = %scan3A_19 to %scan3A_21 step %scan3A_22 iter_args(%scan3A_31 = %scan3A) -> (i32)  : i32 {
      %mul3A_32 = arith.constant 2 : i32
      %mul3A_33 = arith.muli %mul3A_32, %scan3A_30 : i32
      %add3A_34 = arith.constant 1 : i32
      %add3A_35 = arith.addi %mul3A_33, %add3A_34 : i32
      %mul3A_36 = arith.constant 128 : i32
      %mul3A_37 = arith.muli %add3A_35, %mul3A_36 : i32
      %add3A_38 = arith.addi %mul3A_2, %mul3A_37 : i32
      %dma_start3A_39 = arith.constant 1 : i32
      %dma_start3A_40 = arith.constant 0 : i32
      %dma_start3A_41 = arith.constant 0 : i32
      %dma_start3A_42 = tpu.memref_slice %arg7[%dma_start3A_39, %dma_start3A_40, %dma_start3A_41] : memref<2x128x128xf32, #tpu.memory_space<vmem>> -> memref<1x128x128xf32, #tpu.memory_space<vmem>>
      %dma_start3A_43 = tpu.memref_squeeze %dma_start3A_42 : memref<1x128x128xf32, #tpu.memory_space<vmem>> -> memref<128x128xf32, #tpu.memory_space<vmem>>
      %dma_start3A_44 = arith.constant 0 : i32
      %dma_start3A_45 = tpu.memref_slice %arg2[%add3A_38, %dma_start3A_44] : memref<40960x128xf32, #tpu.memory_space<hbm>> -> memref<128x128xf32, #tpu.memory_space<hbm>>
      %dma_start3A_46 = arith.constant 0 : i32
      %dma_start3A_47 = arith.constant 0 : i32
      %dma_start3A_48 = tpu.memref_slice %arg7[%dma_start3A_39, %dma_start3A_46, %dma_start3A_47] : memref<2x128x128xf32, #tpu.memory_space<vmem>> -> memref<1x128x128xf32, #tpu.memory_space<vmem>>
      %dma_start3A_49 = tpu.memref_squeeze %dma_start3A_48 : memref<1x128x128xf32, #tpu.memory_space<vmem>> -> memref<128x128xf32, #tpu.memory_space<vmem>>
      %dma_start3A_50 = arith.constant 0 : i32
      %dma_start3A_51 = tpu.memref_slice %arg2[%add3A_38, %dma_start3A_50] : memref<40960x128xf32, #tpu.memory_space<hbm>> -> memref<128x128xf32, #tpu.memory_space<hbm>>
      tpu.enqueue_dma source(%dma_start3A_51 : memref<128x128xf32, #tpu.memory_space<hbm>>) target(%dma_start3A_49 : memref<128x128xf32, #tpu.memory_space<vmem>>) target_semaphore(%arg10 : memref<!tpu.dma_semaphore, #tpu.memory_space<semaphore_mem>>)
      %mul3A_52 = arith.constant 128 : i32
      %mul3A_53 = arith.muli %mul3A_33, %mul3A_52 : i32
      %add3A_54 = arith.addi %mul3A_2, %mul3A_53 : i32
      %dma_wait3A = arith.constant 0 : i32
      %dma_wait3A_55 = arith.constant 0 : i32
      %dma_wait3A_56 = arith.constant 0 : i32
      %dma_wait3A_57 = tpu.memref_slice %arg7[%dma_wait3A, %dma_wait3A_55, %dma_wait3A_56] : memref<2x128x128xf32, #tpu.memory_space<vmem>> -> memref<1x128x128xf32, #tpu.memory_space<vmem>>
      %dma_wait3A_58 = tpu.memref_squeeze %dma_wait3A_57 : memref<1x128x128xf32, #tpu.memory_space<vmem>> -> memref<128x128xf32, #tpu.memory_space<vmem>>
      %dma_wait3A_59 = arith.constant 0 : i32
      %dma_wait3A_60 = tpu.memref_slice %arg2[%add3A_54, %dma_wait3A_59] : memref<40960x128xf32, #tpu.memory_space<hbm>> -> memref<128x128xf32, #tpu.memory_space<hbm>>
      %dma_wait3A_61 = arith.constant 0 : i32
      %dma_wait3A_62 = arith.constant 0 : i32
      %dma_wait3A_63 = tpu.memref_slice %arg7[%dma_wait3A, %dma_wait3A_61, %dma_wait3A_62] : memref<2x128x128xf32, #tpu.memory_space<vmem>> -> memref<1x128x128xf32, #tpu.memory_space<vmem>>
      %dma_wait3A_64 = tpu.memref_squeeze %dma_wait3A_63 : memref<1x128x128xf32, #tpu.memory_space<vmem>> -> memref<128x128xf32, #tpu.memory_space<vmem>>
      %dma_wait3A_65 = arith.constant 0 : i32
      %dma_wait3A_66 = tpu.memref_slice %arg2[%add3A_54, %dma_wait3A_65] : memref<40960x128xf32, #tpu.memory_space<hbm>> -> memref<128x128xf32, #tpu.memory_space<hbm>>
      tpu.wait_dma2 semaphore(%arg9 : memref<!tpu.dma_semaphore, #tpu.memory_space<semaphore_mem>>) src(%dma_wait3A_66 : memref<128x128xf32, #tpu.memory_space<hbm>>) dst(%dma_wait3A_64 : memref<128x128xf32, #tpu.memory_space<vmem>>)
      %run_scoped3A = arith.constant 0 : i32
      "tpu.region"() ({
        %run_scoped3A_89 = tpu.sem_alloc : memref<!tpu.dma_semaphore, #tpu.memory_space<semaphore_mem>>
        %dma_start3A_90 = arith.constant 0 : i32
        %dma_start3A_91 = arith.constant 0 : i32
        %dma_start3A_92 = tpu.memref_slice %arg7[%run_scoped3A, %dma_start3A_90, %dma_start3A_91] : memref<2x128x128xf32, #tpu.memory_space<vmem>> -> memref<1x128x128xf32, #tpu.memory_space<vmem>>
        %dma_start3A_93 = tpu.memref_squeeze %dma_start3A_92 : memref<1x128x128xf32, #tpu.memory_space<vmem>> -> memref<128x128xf32, #tpu.memory_space<vmem>>
        %dma_start3A_94 = arith.constant 0 : i32
        %dma_start3A_95 = tpu.memref_slice %arg6[%mul3A_33, %dma_start3A_94] : memref<10x128xi32, #tpu.memory_space<vmem>> -> memref<1x128xi32, #tpu.memory_space<vmem>>
        %dma_start3A_96 = tpu.memref_squeeze %dma_start3A_95 : memref<1x128xi32, #tpu.memory_space<vmem>> -> memref<128xi32, #tpu.memory_space<vmem>>
        %dma_start3A_97 = arith.constant 0 : i32
        %dma_start3A_98 = arith.constant 0 : i32
        %dma_start3A_99 = tpu.memref_slice %arg8[%dma_start3A_97, %dma_start3A_98] : memref<10240x128xf32, #tpu.memory_space<vmem_shared>> -> memref<10240x128xf32, #tpu.memory_space<vmem_shared>>
        tpu.enqueue_indirect_dma source(%dma_start3A_93 : memref<128x128xf32, #tpu.memory_space<vmem>>) target(%dma_start3A_99 : memref<10240x128xf32, #tpu.memory_space<vmem_shared>>) offsets(%dma_start3A_96 : memref<128xi32, #tpu.memory_space<vmem>>) semaphore(%run_scoped3A_89 : memref<!tpu.dma_semaphore, #tpu.memory_space<semaphore_mem>>) {add = true}
        %dma_wait3A_100 = arith.constant 0 : i32
        %dma_wait3A_101 = arith.constant 0 : i32
        %dma_wait3A_102 = tpu.memref_slice %arg7[%run_scoped3A, %dma_wait3A_100, %dma_wait3A_101] : memref<2x128x128xf32, #tpu.memory_space<vmem>> -> memref<1x128x128xf32, #tpu.memory_space<vmem>>
        %dma_wait3A_103 = tpu.memref_squeeze %dma_wait3A_102 : memref<1x128x128xf32, #tpu.memory_space<vmem>> -> memref<128x128xf32, #tpu.memory_space<vmem>>
        %dma_wait3A_104 = arith.constant 0 : i32
        %dma_wait3A_105 = tpu.memref_slice %arg6[%mul3A_33, %dma_wait3A_104] : memref<10x128xi32, #tpu.memory_space<vmem>> -> memref<1x128xi32, #tpu.memory_space<vmem>>
        %dma_wait3A_106 = tpu.memref_squeeze %dma_wait3A_105 : memref<1x128xi32, #tpu.memory_space<vmem>> -> memref<128xi32, #tpu.memory_space<vmem>>
        %dma_wait3A_107 = arith.constant 0 : i32
        %dma_wait3A_108 = arith.constant 0 : i32
        %dma_wait3A_109 = tpu.memref_slice %arg8[%dma_wait3A_107, %dma_wait3A_108] : memref<10240x128xf32, #tpu.memory_space<vmem_shared>> -> memref<10240x128xf32, #tpu.memory_space<vmem_shared>>
        tpu.wait_indirect_dma semaphore(%run_scoped3A_89 : memref<!tpu.dma_semaphore, #tpu.memory_space<semaphore_mem>>) src(%dma_wait3A_103 : memref<128x128xf32, #tpu.memory_space<vmem>>) dst(%dma_wait3A_109 : memref<10240x128xf32, #tpu.memory_space<vmem_shared>>)
        tpu.yield
      }) : () -> ()
      %add3A_67 = arith.constant 1 : i32
      %add3A_68 = arith.addi %add3A_35, %add3A_67 : i32
      %lt3A = arith.constant 10 : i32
      %lt3A_69 = arith.cmpi slt, %add3A_68, %lt3A : i32
      %convert_element_type3A = arith.extui %lt3A_69 : i1 to i32
      %cond3A = arith.constant 0 : i32
      %cond3A_70 = arith.cmpi ne, %convert_element_type3A, %cond3A : i32
      scf.if %cond3A_70 {
        %add3A_89 = arith.constant 1 : i32
        %add3A_90 = arith.addi %add3A_35, %add3A_89 : i32
        %mul3A_91 = arith.constant 128 : i32
        %mul3A_92 = arith.muli %add3A_90, %mul3A_91 : i32
        %add3A_93 = arith.addi %mul3A_2, %mul3A_92 : i32
        %dma_start3A_94 = arith.constant 0 : i32
        %dma_start3A_95 = arith.constant 0 : i32
        %dma_start3A_96 = arith.constant 0 : i32
        %dma_start3A_97 = tpu.memref_slice %arg7[%dma_start3A_94, %dma_start3A_95, %dma_start3A_96] : memref<2x128x128xf32, #tpu.memory_space<vmem>> -> memref<1x128x128xf32, #tpu.memory_space<vmem>>
        %dma_start3A_98 = tpu.memref_squeeze %dma_start3A_97 : memref<1x128x128xf32, #tpu.memory_space<vmem>> -> memref<128x128xf32, #tpu.memory_space<vmem>>
        %dma_start3A_99 = arith.constant 0 : i32
        %dma_start3A_100 = tpu.memref_slice %arg2[%add3A_93, %dma_start3A_99] : memref<40960x128xf32, #tpu.memory_space<hbm>> -> memref<128x128xf32, #tpu.memory_space<hbm>>
        %dma_start3A_101 = arith.constant 0 : i32
        %dma_start3A_102 = arith.constant 0 : i32
        %dma_start3A_103 = tpu.memref_slice %arg7[%dma_start3A_94, %dma_start3A_101, %dma_start3A_102] : memref<2x128x128xf32, #tpu.memory_space<vmem>> -> memref<1x128x128xf32, #tpu.memory_space<vmem>>
        %dma_start3A_104 = tpu.memref_squeeze %dma_start3A_103 : memref<1x128x128xf32, #tpu.memory_space<vmem>> -> memref<128x128xf32, #tpu.memory_space<vmem>>
        %dma_start3A_105 = arith.constant 0 : i32
        %dma_start3A_106 = tpu.memref_slice %arg2[%add3A_93, %dma_start3A_105] : memref<40960x128xf32, #tpu.memory_space<hbm>> -> memref<128x128xf32, #tpu.memory_space<hbm>>
        tpu.enqueue_dma source(%dma_start3A_106 : memref<128x128xf32, #tpu.memory_space<hbm>>) target(%dma_start3A_104 : memref<128x128xf32, #tpu.memory_space<vmem>>) target_semaphore(%arg9 : memref<!tpu.dma_semaphore, #tpu.memory_space<semaphore_mem>>)
      } else {
      }
      %mul3A_71 = arith.constant 128 : i32
      %mul3A_72 = arith.muli %add3A_35, %mul3A_71 : i32
      %add3A_73 = arith.addi %mul3A_2, %mul3A_72 : i32
      %dma_wait3A_74 = arith.constant 1 : i32
      %dma_wait3A_75 = arith.constant 0 : i32
      %dma_wait3A_76 = arith.constant 0 : i32
      %dma_wait3A_77 = tpu.memref_slice %arg7[%dma_wait3A_74, %dma_wait3A_75, %dma_wait3A_76] : memref<2x128x128xf32, #tpu.memory_space<vmem>> -> memref<1x128x128xf32, #tpu.memory_space<vmem>>
      %dma_wait3A_78 = tpu.memref_squeeze %dma_wait3A_77 : memref<1x128x128xf32, #tpu.memory_space<vmem>> -> memref<128x128xf32, #tpu.memory_space<vmem>>
      %dma_wait3A_79 = arith.constant 0 : i32
      %dma_wait3A_80 = tpu.memref_slice %arg2[%add3A_73, %dma_wait3A_79] : memref<40960x128xf32, #tpu.memory_space<hbm>> -> memref<128x128xf32, #tpu.memory_space<hbm>>
      %dma_wait3A_81 = arith.constant 0 : i32
      %dma_wait3A_82 = arith.constant 0 : i32
      %dma_wait3A_83 = tpu.memref_slice %arg7[%dma_wait3A_74, %dma_wait3A_81, %dma_wait3A_82] : memref<2x128x128xf32, #tpu.memory_space<vmem>> -> memref<1x128x128xf32, #tpu.memory_space<vmem>>
      %dma_wait3A_84 = tpu.memref_squeeze %dma_wait3A_83 : memref<1x128x128xf32, #tpu.memory_space<vmem>> -> memref<128x128xf32, #tpu.memory_space<vmem>>
      %dma_wait3A_85 = arith.constant 0 : i32
      %dma_wait3A_86 = tpu.memref_slice %arg2[%add3A_73, %dma_wait3A_85] : memref<40960x128xf32, #tpu.memory_space<hbm>> -> memref<128x128xf32, #tpu.memory_space<hbm>>
      tpu.wait_dma2 semaphore(%arg10 : memref<!tpu.dma_semaphore, #tpu.memory_space<semaphore_mem>>) src(%dma_wait3A_86 : memref<128x128xf32, #tpu.memory_space<hbm>>) dst(%dma_wait3A_84 : memref<128x128xf32, #tpu.memory_space<vmem>>)
      %run_scoped3A_87 = arith.constant 1 : i32
      "tpu.region"() ({
        %run_scoped3A_89 = tpu.sem_alloc : memref<!tpu.dma_semaphore, #tpu.memory_space<semaphore_mem>>
        %dma_start3A_90 = arith.constant 0 : i32
        %dma_start3A_91 = arith.constant 0 : i32
        %dma_start3A_92 = tpu.memref_slice %arg7[%run_scoped3A_87, %dma_start3A_90, %dma_start3A_91] : memref<2x128x128xf32, #tpu.memory_space<vmem>> -> memref<1x128x128xf32, #tpu.memory_space<vmem>>
        %dma_start3A_93 = tpu.memref_squeeze %dma_start3A_92 : memref<1x128x128xf32, #tpu.memory_space<vmem>> -> memref<128x128xf32, #tpu.memory_space<vmem>>
        %dma_start3A_94 = arith.constant 0 : i32
        %dma_start3A_95 = tpu.memref_slice %arg6[%add3A_35, %dma_start3A_94] : memref<10x128xi32, #tpu.memory_space<vmem>> -> memref<1x128xi32, #tpu.memory_space<vmem>>
        %dma_start3A_96 = tpu.memref_squeeze %dma_start3A_95 : memref<1x128xi32, #tpu.memory_space<vmem>> -> memref<128xi32, #tpu.memory_space<vmem>>
        %dma_start3A_97 = arith.constant 0 : i32
        %dma_start3A_98 = arith.constant 0 : i32
        %dma_start3A_99 = tpu.memref_slice %arg8[%dma_start3A_97, %dma_start3A_98] : memref<10240x128xf32, #tpu.memory_space<vmem_shared>> -> memref<10240x128xf32, #tpu.memory_space<vmem_shared>>
        tpu.enqueue_indirect_dma source(%dma_start3A_93 : memref<128x128xf32, #tpu.memory_space<vmem>>) target(%dma_start3A_99 : memref<10240x128xf32, #tpu.memory_space<vmem_shared>>) offsets(%dma_start3A_96 : memref<128xi32, #tpu.memory_space<vmem>>) semaphore(%run_scoped3A_89 : memref<!tpu.dma_semaphore, #tpu.memory_space<semaphore_mem>>) {add = true}
        %dma_wait3A_100 = arith.constant 0 : i32
        %dma_wait3A_101 = arith.constant 0 : i32
        %dma_wait3A_102 = tpu.memref_slice %arg7[%run_scoped3A_87, %dma_wait3A_100, %dma_wait3A_101] : memref<2x128x128xf32, #tpu.memory_space<vmem>> -> memref<1x128x128xf32, #tpu.memory_space<vmem>>
        %dma_wait3A_103 = tpu.memref_squeeze %dma_wait3A_102 : memref<1x128x128xf32, #tpu.memory_space<vmem>> -> memref<128x128xf32, #tpu.memory_space<vmem>>
        %dma_wait3A_104 = arith.constant 0 : i32
        %dma_wait3A_105 = tpu.memref_slice %arg6[%add3A_35, %dma_wait3A_104] : memref<10x128xi32, #tpu.memory_space<vmem>> -> memref<1x128xi32, #tpu.memory_space<vmem>>
        %dma_wait3A_106 = tpu.memref_squeeze %dma_wait3A_105 : memref<1x128xi32, #tpu.memory_space<vmem>> -> memref<128xi32, #tpu.memory_space<vmem>>
        %dma_wait3A_107 = arith.constant 0 : i32
        %dma_wait3A_108 = arith.constant 0 : i32
        %dma_wait3A_109 = tpu.memref_slice %arg8[%dma_wait3A_107, %dma_wait3A_108] : memref<10240x128xf32, #tpu.memory_space<vmem_shared>> -> memref<10240x128xf32, #tpu.memory_space<vmem_shared>>
        tpu.wait_indirect_dma semaphore(%run_scoped3A_89 : memref<!tpu.dma_semaphore, #tpu.memory_space<semaphore_mem>>) src(%dma_wait3A_103 : memref<128x128xf32, #tpu.memory_space<vmem>>) dst(%dma_wait3A_109 : memref<10240x128xf32, #tpu.memory_space<vmem_shared>>)
        tpu.yield
      }) : () -> ()
      %scan3A_88 = arith.constant 0 : i32
      scf.yield %scan3A_88 : i32
    }
    %scan3A_24 = arith.constant 5 : i32
    %barrier3A_25 = arith.constant 0 : index
    tpu.barrier barrier_id(%barrier3A_25)
    %mul3A_26 = arith.constant 640 : i32
    %mul3A_27 = arith.muli %arg1, %mul3A_26 : i32
    %mul3A_28 = arith.constant 640 : i32
    %mul3A_29 = arith.muli %arg1, %mul3A_28 : i32
    "tpu.region"() ({
      %run_scoped3A = tpu.sem_alloc : memref<!tpu.dma_semaphore, #tpu.memory_space<semaphore_mem>>
      %dma_start3A_30 = arith.constant 0 : i32
      %dma_start3A_31 = tpu.memref_slice %arg5[%arg0, %mul3A_29, %dma_start3A_30] : memref<2x10240x128xf32, #tpu.memory_space<hbm>> -> memref<1x640x128xf32, #tpu.memory_space<hbm>>
      %dma_start3A_32 = tpu.memref_squeeze %dma_start3A_31 : memref<1x640x128xf32, #tpu.memory_space<hbm>> -> memref<640x128xf32, #tpu.memory_space<hbm>>
      %dma_start3A_33 = arith.constant 0 : i32
      %dma_start3A_34 = tpu.memref_slice %arg8[%mul3A_27, %dma_start3A_33] : memref<10240x128xf32, #tpu.memory_space<vmem_shared>> -> memref<640x128xf32, #tpu.memory_space<vmem_shared>>
      tpu.enqueue_dma source(%dma_start3A_34 : memref<640x128xf32, #tpu.memory_space<vmem_shared>>) target(%dma_start3A_32 : memref<640x128xf32, #tpu.memory_space<hbm>>) target_semaphore(%run_scoped3A : memref<!tpu.dma_semaphore, #tpu.memory_space<semaphore_mem>>)
      %dma_wait3A = arith.constant 0 : i32
      %dma_wait3A_35 = tpu.memref_slice %arg5[%arg0, %mul3A_29, %dma_wait3A] : memref<2x10240x128xf32, #tpu.memory_space<hbm>> -> memref<1x640x128xf32, #tpu.memory_space<hbm>>
      %dma_wait3A_36 = tpu.memref_squeeze %dma_wait3A_35 : memref<1x640x128xf32, #tpu.memory_space<hbm>> -> memref<640x128xf32, #tpu.memory_space<hbm>>
      %dma_wait3A_37 = arith.constant 0 : i32
      %dma_wait3A_38 = tpu.memref_slice %arg8[%mul3A_27, %dma_wait3A_37] : memref<10240x128xf32, #tpu.memory_space<vmem_shared>> -> memref<640x128xf32, #tpu.memory_space<vmem_shared>>
      tpu.wait_dma2 semaphore(%run_scoped3A : memref<!tpu.dma_semaphore, #tpu.memory_space<semaphore_mem>>) src(%dma_wait3A_38 : memref<640x128xf32, #tpu.memory_space<vmem_shared>>) dst(%dma_wait3A_36 : memref<640x128xf32, #tpu.memory_space<hbm>>)
      tpu.yield
    }) : () -> ()
    return
  }
}

#map = affine_map<(d0, d1) -> (0, 0)>
#map1 = affine_map<(d0, d1) -> (0, 0, 0)>
module attributes {stable_mosaic.version = 14 : i64} {
  func.func @k(%arg0: i32, %arg1: i32, %arg2: memref<37120x128xf32, #tpu.memory_space<hbm>>, %arg3: memref<32x29x40xi32, #tpu.memory_space<hbm>>, %arg4: memref<2x10240x128xf32, #tpu.memory_space<hbm>>, %arg5: memref<2x10240x128xf32, #tpu.memory_space<hbm>>, %arg6: memref<29x40xi32, #tpu.memory_space<vmem>>, %arg7: memref<2x40x128xf32, #tpu.memory_space<vmem>>, %arg8: memref<10240x128xf32, #tpu.memory_space<vmem_shared>>, %arg9: memref<!tpu.dma_semaphore, #tpu.memory_space<semaphore_mem>>, %arg10: memref<!tpu.dma_semaphore, #tpu.memory_space<semaphore_mem>>) attributes {dimension_semantics = [#tpu.dimension_semantics<core_parallel>, #tpu.dimension_semantics<subcore_parallel>], iteration_bounds = array<i64: 2, 16>, scalar_prefetch = 0 : i64, scratch_operands = 5 : i64, tpu.core_type = #tpu.core_type<sc_vector_subcore>, window_params = [{transform_indices = #map}, {transform_indices = #map1}, {transform_indices = #map1}, {transform_indices = #map1}]} {
    %mul3A = arith.constant 2 : i32
    %mul3A_0 = arith.muli %arg1, %mul3A : i32
    %add3A = arith.addi %mul3A_0, %arg0 : i32
    %mul3A_1 = arith.constant 1160 : i32
    %mul3A_2 = arith.muli %add3A, %mul3A_1 : i32
    %mul3A_3 = arith.constant 640 : i32
    %mul3A_4 = arith.muli %arg1, %mul3A_3 : i32
    %mul3A_5 = arith.constant 640 : i32
    %mul3A_6 = arith.muli %arg1, %mul3A_5 : i32
    "tpu.region"() ({
      %run_scoped3A_45 = tpu.sem_alloc : memref<!tpu.dma_semaphore, #tpu.memory_space<semaphore_mem>>
      %dma_start3A_46 = arith.constant 0 : i32
      %dma_start3A_47 = tpu.memref_slice %arg8[%mul3A_6, %dma_start3A_46] : memref<10240x128xf32, #tpu.memory_space<vmem_shared>> -> memref<640x128xf32, #tpu.memory_space<vmem_shared>>
      %dma_start3A_48 = arith.constant 0 : i32
      %dma_start3A_49 = tpu.memref_slice %arg4[%arg0, %mul3A_4, %dma_start3A_48] : memref<2x10240x128xf32, #tpu.memory_space<hbm>> -> memref<1x640x128xf32, #tpu.memory_space<hbm>>
      %dma_start3A_50 = tpu.memref_squeeze %dma_start3A_49 : memref<1x640x128xf32, #tpu.memory_space<hbm>> -> memref<640x128xf32, #tpu.memory_space<hbm>>
      tpu.enqueue_dma source(%dma_start3A_50 : memref<640x128xf32, #tpu.memory_space<hbm>>) target(%dma_start3A_47 : memref<640x128xf32, #tpu.memory_space<vmem_shared>>) target_semaphore(%run_scoped3A_45 : memref<!tpu.dma_semaphore, #tpu.memory_space<semaphore_mem>>)
      %dma_wait3A_51 = arith.constant 0 : i32
      %dma_wait3A_52 = tpu.memref_slice %arg8[%mul3A_6, %dma_wait3A_51] : memref<10240x128xf32, #tpu.memory_space<vmem_shared>> -> memref<640x128xf32, #tpu.memory_space<vmem_shared>>
      %dma_wait3A_53 = arith.constant 0 : i32
      %dma_wait3A_54 = tpu.memref_slice %arg4[%arg0, %mul3A_4, %dma_wait3A_53] : memref<2x10240x128xf32, #tpu.memory_space<hbm>> -> memref<1x640x128xf32, #tpu.memory_space<hbm>>
      %dma_wait3A_55 = tpu.memref_squeeze %dma_wait3A_54 : memref<1x640x128xf32, #tpu.memory_space<hbm>> -> memref<640x128xf32, #tpu.memory_space<hbm>>
      tpu.wait_dma2 semaphore(%run_scoped3A_45 : memref<!tpu.dma_semaphore, #tpu.memory_space<semaphore_mem>>) src(%dma_wait3A_55 : memref<640x128xf32, #tpu.memory_space<hbm>>) dst(%dma_wait3A_52 : memref<640x128xf32, #tpu.memory_space<vmem_shared>>)
      tpu.yield
    }) : () -> ()
    %barrier3A = arith.constant 0 : index
    tpu.barrier barrier_id(%barrier3A)
    "tpu.region"() ({
      %run_scoped3A_45 = tpu.sem_alloc : memref<!tpu.dma_semaphore, #tpu.memory_space<semaphore_mem>>
      %dma_start3A_46 = arith.constant 0 : i32
      %dma_start3A_47 = arith.constant 0 : i32
      %dma_start3A_48 = tpu.memref_slice %arg3[%add3A, %dma_start3A_46, %dma_start3A_47] : memref<32x29x40xi32, #tpu.memory_space<hbm>> -> memref<1x29x40xi32, #tpu.memory_space<hbm>>
      %dma_start3A_49 = tpu.memref_squeeze %dma_start3A_48 : memref<1x29x40xi32, #tpu.memory_space<hbm>> -> memref<29x40xi32, #tpu.memory_space<hbm>>
      %dma_start3A_50 = arith.constant 0 : i32
      %dma_start3A_51 = arith.constant 0 : i32
      %dma_start3A_52 = tpu.memref_slice %arg3[%add3A, %dma_start3A_50, %dma_start3A_51] : memref<32x29x40xi32, #tpu.memory_space<hbm>> -> memref<1x29x40xi32, #tpu.memory_space<hbm>>
      %dma_start3A_53 = tpu.memref_squeeze %dma_start3A_52 : memref<1x29x40xi32, #tpu.memory_space<hbm>> -> memref<29x40xi32, #tpu.memory_space<hbm>>
      tpu.enqueue_dma source(%dma_start3A_53 : memref<29x40xi32, #tpu.memory_space<hbm>>) target(%arg6 : memref<29x40xi32, #tpu.memory_space<vmem>>) target_semaphore(%run_scoped3A_45 : memref<!tpu.dma_semaphore, #tpu.memory_space<semaphore_mem>>)
      %dma_wait3A_54 = arith.constant 0 : i32
      %dma_wait3A_55 = arith.constant 0 : i32
      %dma_wait3A_56 = tpu.memref_slice %arg3[%add3A, %dma_wait3A_54, %dma_wait3A_55] : memref<32x29x40xi32, #tpu.memory_space<hbm>> -> memref<1x29x40xi32, #tpu.memory_space<hbm>>
      %dma_wait3A_57 = tpu.memref_squeeze %dma_wait3A_56 : memref<1x29x40xi32, #tpu.memory_space<hbm>> -> memref<29x40xi32, #tpu.memory_space<hbm>>
      %dma_wait3A_58 = arith.constant 0 : i32
      %dma_wait3A_59 = arith.constant 0 : i32
      %dma_wait3A_60 = tpu.memref_slice %arg3[%add3A, %dma_wait3A_58, %dma_wait3A_59] : memref<32x29x40xi32, #tpu.memory_space<hbm>> -> memref<1x29x40xi32, #tpu.memory_space<hbm>>
      %dma_wait3A_61 = tpu.memref_squeeze %dma_wait3A_60 : memref<1x29x40xi32, #tpu.memory_space<hbm>> -> memref<29x40xi32, #tpu.memory_space<hbm>>
      tpu.wait_dma2 semaphore(%run_scoped3A_45 : memref<!tpu.dma_semaphore, #tpu.memory_space<semaphore_mem>>) src(%dma_wait3A_61 : memref<29x40xi32, #tpu.memory_space<hbm>>) dst(%arg6 : memref<29x40xi32, #tpu.memory_space<vmem>>)
      tpu.yield
    }) : () -> ()
    %dma_start3A = arith.constant 0 : i32
    %dma_start3A_7 = arith.constant 0 : i32
    %dma_start3A_8 = arith.constant 0 : i32
    %dma_start3A_9 = tpu.memref_slice %arg7[%dma_start3A, %dma_start3A_7, %dma_start3A_8] : memref<2x40x128xf32, #tpu.memory_space<vmem>> -> memref<1x40x128xf32, #tpu.memory_space<vmem>>
    %dma_start3A_10 = tpu.memref_squeeze %dma_start3A_9 : memref<1x40x128xf32, #tpu.memory_space<vmem>> -> memref<40x128xf32, #tpu.memory_space<vmem>>
    %dma_start3A_11 = arith.constant 0 : i32
    %dma_start3A_12 = tpu.memref_slice %arg2[%mul3A_2, %dma_start3A_11] : memref<37120x128xf32, #tpu.memory_space<hbm>> -> memref<40x128xf32, #tpu.memory_space<hbm>>
    %dma_start3A_13 = arith.constant 0 : i32
    %dma_start3A_14 = arith.constant 0 : i32
    %dma_start3A_15 = tpu.memref_slice %arg7[%dma_start3A, %dma_start3A_13, %dma_start3A_14] : memref<2x40x128xf32, #tpu.memory_space<vmem>> -> memref<1x40x128xf32, #tpu.memory_space<vmem>>
    %dma_start3A_16 = tpu.memref_squeeze %dma_start3A_15 : memref<1x40x128xf32, #tpu.memory_space<vmem>> -> memref<40x128xf32, #tpu.memory_space<vmem>>
    %dma_start3A_17 = arith.constant 0 : i32
    %dma_start3A_18 = tpu.memref_slice %arg2[%mul3A_2, %dma_start3A_17] : memref<37120x128xf32, #tpu.memory_space<hbm>> -> memref<40x128xf32, #tpu.memory_space<hbm>>
    tpu.enqueue_dma source(%dma_start3A_18 : memref<40x128xf32, #tpu.memory_space<hbm>>) target(%dma_start3A_16 : memref<40x128xf32, #tpu.memory_space<vmem>>) target_semaphore(%arg9 : memref<!tpu.dma_semaphore, #tpu.memory_space<semaphore_mem>>)
    %scan3A = arith.constant 0 : i32
    %scan3A_19 = arith.constant 0 : i32
    %scan3A_20 = arith.constant 14 : i32
    %scan3A_21 = arith.addi %scan3A_19, %scan3A_20 : i32
    %scan3A_22 = arith.constant 1 : i32
    %scan3A_23 = scf.for %scan3A_45 = %scan3A_19 to %scan3A_21 step %scan3A_22 iter_args(%scan3A_46 = %scan3A) -> (i32)  : i32 {
      %mul3A_47 = arith.constant 2 : i32
      %mul3A_48 = arith.muli %mul3A_47, %scan3A_45 : i32
      %add3A_49 = arith.constant 1 : i32
      %add3A_50 = arith.addi %mul3A_48, %add3A_49 : i32
      %mul3A_51 = arith.constant 40 : i32
      %mul3A_52 = arith.muli %add3A_50, %mul3A_51 : i32
      %add3A_53 = arith.addi %mul3A_2, %mul3A_52 : i32
      %dma_start3A_54 = arith.constant 1 : i32
      %dma_start3A_55 = arith.constant 0 : i32
      %dma_start3A_56 = arith.constant 0 : i32
      %dma_start3A_57 = tpu.memref_slice %arg7[%dma_start3A_54, %dma_start3A_55, %dma_start3A_56] : memref<2x40x128xf32, #tpu.memory_space<vmem>> -> memref<1x40x128xf32, #tpu.memory_space<vmem>>
      %dma_start3A_58 = tpu.memref_squeeze %dma_start3A_57 : memref<1x40x128xf32, #tpu.memory_space<vmem>> -> memref<40x128xf32, #tpu.memory_space<vmem>>
      %dma_start3A_59 = arith.constant 0 : i32
      %dma_start3A_60 = tpu.memref_slice %arg2[%add3A_53, %dma_start3A_59] : memref<37120x128xf32, #tpu.memory_space<hbm>> -> memref<40x128xf32, #tpu.memory_space<hbm>>
      %dma_start3A_61 = arith.constant 0 : i32
      %dma_start3A_62 = arith.constant 0 : i32
      %dma_start3A_63 = tpu.memref_slice %arg7[%dma_start3A_54, %dma_start3A_61, %dma_start3A_62] : memref<2x40x128xf32, #tpu.memory_space<vmem>> -> memref<1x40x128xf32, #tpu.memory_space<vmem>>
      %dma_start3A_64 = tpu.memref_squeeze %dma_start3A_63 : memref<1x40x128xf32, #tpu.memory_space<vmem>> -> memref<40x128xf32, #tpu.memory_space<vmem>>
      %dma_start3A_65 = arith.constant 0 : i32
      %dma_start3A_66 = tpu.memref_slice %arg2[%add3A_53, %dma_start3A_65] : memref<37120x128xf32, #tpu.memory_space<hbm>> -> memref<40x128xf32, #tpu.memory_space<hbm>>
      tpu.enqueue_dma source(%dma_start3A_66 : memref<40x128xf32, #tpu.memory_space<hbm>>) target(%dma_start3A_64 : memref<40x128xf32, #tpu.memory_space<vmem>>) target_semaphore(%arg10 : memref<!tpu.dma_semaphore, #tpu.memory_space<semaphore_mem>>)
      %mul3A_67 = arith.constant 40 : i32
      %mul3A_68 = arith.muli %mul3A_48, %mul3A_67 : i32
      %add3A_69 = arith.addi %mul3A_2, %mul3A_68 : i32
      %dma_wait3A_70 = arith.constant 0 : i32
      %dma_wait3A_71 = arith.constant 0 : i32
      %dma_wait3A_72 = arith.constant 0 : i32
      %dma_wait3A_73 = tpu.memref_slice %arg7[%dma_wait3A_70, %dma_wait3A_71, %dma_wait3A_72] : memref<2x40x128xf32, #tpu.memory_space<vmem>> -> memref<1x40x128xf32, #tpu.memory_space<vmem>>
      %dma_wait3A_74 = tpu.memref_squeeze %dma_wait3A_73 : memref<1x40x128xf32, #tpu.memory_space<vmem>> -> memref<40x128xf32, #tpu.memory_space<vmem>>
      %dma_wait3A_75 = arith.constant 0 : i32
      %dma_wait3A_76 = tpu.memref_slice %arg2[%add3A_69, %dma_wait3A_75] : memref<37120x128xf32, #tpu.memory_space<hbm>> -> memref<40x128xf32, #tpu.memory_space<hbm>>
      %dma_wait3A_77 = arith.constant 0 : i32
      %dma_wait3A_78 = arith.constant 0 : i32
      %dma_wait3A_79 = tpu.memref_slice %arg7[%dma_wait3A_70, %dma_wait3A_77, %dma_wait3A_78] : memref<2x40x128xf32, #tpu.memory_space<vmem>> -> memref<1x40x128xf32, #tpu.memory_space<vmem>>
      %dma_wait3A_80 = tpu.memref_squeeze %dma_wait3A_79 : memref<1x40x128xf32, #tpu.memory_space<vmem>> -> memref<40x128xf32, #tpu.memory_space<vmem>>
      %dma_wait3A_81 = arith.constant 0 : i32
      %dma_wait3A_82 = tpu.memref_slice %arg2[%add3A_69, %dma_wait3A_81] : memref<37120x128xf32, #tpu.memory_space<hbm>> -> memref<40x128xf32, #tpu.memory_space<hbm>>
      tpu.wait_dma2 semaphore(%arg9 : memref<!tpu.dma_semaphore, #tpu.memory_space<semaphore_mem>>) src(%dma_wait3A_82 : memref<40x128xf32, #tpu.memory_space<hbm>>) dst(%dma_wait3A_80 : memref<40x128xf32, #tpu.memory_space<vmem>>)
      %run_scoped3A_83 = arith.constant 0 : i32
      "tpu.region"() ({
        %run_scoped3A_106 = tpu.sem_alloc : memref<!tpu.dma_semaphore, #tpu.memory_space<semaphore_mem>>
        %dma_start3A_107 = arith.constant 0 : i32
        %dma_start3A_108 = arith.constant 0 : i32
        %dma_start3A_109 = tpu.memref_slice %arg7[%run_scoped3A_83, %dma_start3A_107, %dma_start3A_108] : memref<2x40x128xf32, #tpu.memory_space<vmem>> -> memref<1x40x128xf32, #tpu.memory_space<vmem>>
        %dma_start3A_110 = tpu.memref_squeeze %dma_start3A_109 : memref<1x40x128xf32, #tpu.memory_space<vmem>> -> memref<40x128xf32, #tpu.memory_space<vmem>>
        %dma_start3A_111 = arith.constant 0 : i32
        %dma_start3A_112 = tpu.memref_slice %arg6[%mul3A_48, %dma_start3A_111] : memref<29x40xi32, #tpu.memory_space<vmem>> -> memref<1x40xi32, #tpu.memory_space<vmem>>
        %dma_start3A_113 = tpu.memref_squeeze %dma_start3A_112 : memref<1x40xi32, #tpu.memory_space<vmem>> -> memref<40xi32, #tpu.memory_space<vmem>>
        %dma_start3A_114 = arith.constant 0 : i32
        %dma_start3A_115 = arith.constant 0 : i32
        %dma_start3A_116 = tpu.memref_slice %arg8[%dma_start3A_114, %dma_start3A_115] : memref<10240x128xf32, #tpu.memory_space<vmem_shared>> -> memref<10240x128xf32, #tpu.memory_space<vmem_shared>>
        tpu.enqueue_indirect_dma source(%dma_start3A_110 : memref<40x128xf32, #tpu.memory_space<vmem>>) target(%dma_start3A_116 : memref<10240x128xf32, #tpu.memory_space<vmem_shared>>) offsets(%dma_start3A_113 : memref<40xi32, #tpu.memory_space<vmem>>) semaphore(%run_scoped3A_106 : memref<!tpu.dma_semaphore, #tpu.memory_space<semaphore_mem>>) {add = true}
        %dma_wait3A_117 = arith.constant 0 : i32
        %dma_wait3A_118 = arith.constant 0 : i32
        %dma_wait3A_119 = tpu.memref_slice %arg7[%run_scoped3A_83, %dma_wait3A_117, %dma_wait3A_118] : memref<2x40x128xf32, #tpu.memory_space<vmem>> -> memref<1x40x128xf32, #tpu.memory_space<vmem>>
        %dma_wait3A_120 = tpu.memref_squeeze %dma_wait3A_119 : memref<1x40x128xf32, #tpu.memory_space<vmem>> -> memref<40x128xf32, #tpu.memory_space<vmem>>
        %dma_wait3A_121 = arith.constant 0 : i32
        %dma_wait3A_122 = tpu.memref_slice %arg6[%mul3A_48, %dma_wait3A_121] : memref<29x40xi32, #tpu.memory_space<vmem>> -> memref<1x40xi32, #tpu.memory_space<vmem>>
        %dma_wait3A_123 = tpu.memref_squeeze %dma_wait3A_122 : memref<1x40xi32, #tpu.memory_space<vmem>> -> memref<40xi32, #tpu.memory_space<vmem>>
        %dma_wait3A_124 = arith.constant 0 : i32
        %dma_wait3A_125 = arith.constant 0 : i32
        %dma_wait3A_126 = tpu.memref_slice %arg8[%dma_wait3A_124, %dma_wait3A_125] : memref<10240x128xf32, #tpu.memory_space<vmem_shared>> -> memref<10240x128xf32, #tpu.memory_space<vmem_shared>>
        tpu.wait_indirect_dma semaphore(%run_scoped3A_106 : memref<!tpu.dma_semaphore, #tpu.memory_space<semaphore_mem>>) src(%dma_wait3A_120 : memref<40x128xf32, #tpu.memory_space<vmem>>) dst(%dma_wait3A_126 : memref<10240x128xf32, #tpu.memory_space<vmem_shared>>)
        tpu.yield
      }) : () -> ()
      %add3A_84 = arith.constant 1 : i32
      %add3A_85 = arith.addi %add3A_50, %add3A_84 : i32
      %lt3A = arith.constant 29 : i32
      %lt3A_86 = arith.cmpi slt, %add3A_85, %lt3A : i32
      %convert_element_type3A = arith.extui %lt3A_86 : i1 to i32
      %cond3A = arith.constant 0 : i32
      %cond3A_87 = arith.cmpi ne, %convert_element_type3A, %cond3A : i32
      scf.if %cond3A_87 {
        %add3A_106 = arith.constant 1 : i32
        %add3A_107 = arith.addi %add3A_50, %add3A_106 : i32
        %mul3A_108 = arith.constant 40 : i32
        %mul3A_109 = arith.muli %add3A_107, %mul3A_108 : i32
        %add3A_110 = arith.addi %mul3A_2, %mul3A_109 : i32
        %dma_start3A_111 = arith.constant 0 : i32
        %dma_start3A_112 = arith.constant 0 : i32
        %dma_start3A_113 = arith.constant 0 : i32
        %dma_start3A_114 = tpu.memref_slice %arg7[%dma_start3A_111, %dma_start3A_112, %dma_start3A_113] : memref<2x40x128xf32, #tpu.memory_space<vmem>> -> memref<1x40x128xf32, #tpu.memory_space<vmem>>
        %dma_start3A_115 = tpu.memref_squeeze %dma_start3A_114 : memref<1x40x128xf32, #tpu.memory_space<vmem>> -> memref<40x128xf32, #tpu.memory_space<vmem>>
        %dma_start3A_116 = arith.constant 0 : i32
        %dma_start3A_117 = tpu.memref_slice %arg2[%add3A_110, %dma_start3A_116] : memref<37120x128xf32, #tpu.memory_space<hbm>> -> memref<40x128xf32, #tpu.memory_space<hbm>>
        %dma_start3A_118 = arith.constant 0 : i32
        %dma_start3A_119 = arith.constant 0 : i32
        %dma_start3A_120 = tpu.memref_slice %arg7[%dma_start3A_111, %dma_start3A_118, %dma_start3A_119] : memref<2x40x128xf32, #tpu.memory_space<vmem>> -> memref<1x40x128xf32, #tpu.memory_space<vmem>>
        %dma_start3A_121 = tpu.memref_squeeze %dma_start3A_120 : memref<1x40x128xf32, #tpu.memory_space<vmem>> -> memref<40x128xf32, #tpu.memory_space<vmem>>
        %dma_start3A_122 = arith.constant 0 : i32
        %dma_start3A_123 = tpu.memref_slice %arg2[%add3A_110, %dma_start3A_122] : memref<37120x128xf32, #tpu.memory_space<hbm>> -> memref<40x128xf32, #tpu.memory_space<hbm>>
        tpu.enqueue_dma source(%dma_start3A_123 : memref<40x128xf32, #tpu.memory_space<hbm>>) target(%dma_start3A_121 : memref<40x128xf32, #tpu.memory_space<vmem>>) target_semaphore(%arg9 : memref<!tpu.dma_semaphore, #tpu.memory_space<semaphore_mem>>)
      } else {
      }
      %mul3A_88 = arith.constant 40 : i32
      %mul3A_89 = arith.muli %add3A_50, %mul3A_88 : i32
      %add3A_90 = arith.addi %mul3A_2, %mul3A_89 : i32
      %dma_wait3A_91 = arith.constant 1 : i32
      %dma_wait3A_92 = arith.constant 0 : i32
      %dma_wait3A_93 = arith.constant 0 : i32
      %dma_wait3A_94 = tpu.memref_slice %arg7[%dma_wait3A_91, %dma_wait3A_92, %dma_wait3A_93] : memref<2x40x128xf32, #tpu.memory_space<vmem>> -> memref<1x40x128xf32, #tpu.memory_space<vmem>>
      %dma_wait3A_95 = tpu.memref_squeeze %dma_wait3A_94 : memref<1x40x128xf32, #tpu.memory_space<vmem>> -> memref<40x128xf32, #tpu.memory_space<vmem>>
      %dma_wait3A_96 = arith.constant 0 : i32
      %dma_wait3A_97 = tpu.memref_slice %arg2[%add3A_90, %dma_wait3A_96] : memref<37120x128xf32, #tpu.memory_space<hbm>> -> memref<40x128xf32, #tpu.memory_space<hbm>>
      %dma_wait3A_98 = arith.constant 0 : i32
      %dma_wait3A_99 = arith.constant 0 : i32
      %dma_wait3A_100 = tpu.memref_slice %arg7[%dma_wait3A_91, %dma_wait3A_98, %dma_wait3A_99] : memref<2x40x128xf32, #tpu.memory_space<vmem>> -> memref<1x40x128xf32, #tpu.memory_space<vmem>>
      %dma_wait3A_101 = tpu.memref_squeeze %dma_wait3A_100 : memref<1x40x128xf32, #tpu.memory_space<vmem>> -> memref<40x128xf32, #tpu.memory_space<vmem>>
      %dma_wait3A_102 = arith.constant 0 : i32
      %dma_wait3A_103 = tpu.memref_slice %arg2[%add3A_90, %dma_wait3A_102] : memref<37120x128xf32, #tpu.memory_space<hbm>> -> memref<40x128xf32, #tpu.memory_space<hbm>>
      tpu.wait_dma2 semaphore(%arg10 : memref<!tpu.dma_semaphore, #tpu.memory_space<semaphore_mem>>) src(%dma_wait3A_103 : memref<40x128xf32, #tpu.memory_space<hbm>>) dst(%dma_wait3A_101 : memref<40x128xf32, #tpu.memory_space<vmem>>)
      %run_scoped3A_104 = arith.constant 1 : i32
      "tpu.region"() ({
        %run_scoped3A_106 = tpu.sem_alloc : memref<!tpu.dma_semaphore, #tpu.memory_space<semaphore_mem>>
        %dma_start3A_107 = arith.constant 0 : i32
        %dma_start3A_108 = arith.constant 0 : i32
        %dma_start3A_109 = tpu.memref_slice %arg7[%run_scoped3A_104, %dma_start3A_107, %dma_start3A_108] : memref<2x40x128xf32, #tpu.memory_space<vmem>> -> memref<1x40x128xf32, #tpu.memory_space<vmem>>
        %dma_start3A_110 = tpu.memref_squeeze %dma_start3A_109 : memref<1x40x128xf32, #tpu.memory_space<vmem>> -> memref<40x128xf32, #tpu.memory_space<vmem>>
        %dma_start3A_111 = arith.constant 0 : i32
        %dma_start3A_112 = tpu.memref_slice %arg6[%add3A_50, %dma_start3A_111] : memref<29x40xi32, #tpu.memory_space<vmem>> -> memref<1x40xi32, #tpu.memory_space<vmem>>
        %dma_start3A_113 = tpu.memref_squeeze %dma_start3A_112 : memref<1x40xi32, #tpu.memory_space<vmem>> -> memref<40xi32, #tpu.memory_space<vmem>>
        %dma_start3A_114 = arith.constant 0 : i32
        %dma_start3A_115 = arith.constant 0 : i32
        %dma_start3A_116 = tpu.memref_slice %arg8[%dma_start3A_114, %dma_start3A_115] : memref<10240x128xf32, #tpu.memory_space<vmem_shared>> -> memref<10240x128xf32, #tpu.memory_space<vmem_shared>>
        tpu.enqueue_indirect_dma source(%dma_start3A_110 : memref<40x128xf32, #tpu.memory_space<vmem>>) target(%dma_start3A_116 : memref<10240x128xf32, #tpu.memory_space<vmem_shared>>) offsets(%dma_start3A_113 : memref<40xi32, #tpu.memory_space<vmem>>) semaphore(%run_scoped3A_106 : memref<!tpu.dma_semaphore, #tpu.memory_space<semaphore_mem>>) {add = true}
        %dma_wait3A_117 = arith.constant 0 : i32
        %dma_wait3A_118 = arith.constant 0 : i32
        %dma_wait3A_119 = tpu.memref_slice %arg7[%run_scoped3A_104, %dma_wait3A_117, %dma_wait3A_118] : memref<2x40x128xf32, #tpu.memory_space<vmem>> -> memref<1x40x128xf32, #tpu.memory_space<vmem>>
        %dma_wait3A_120 = tpu.memref_squeeze %dma_wait3A_119 : memref<1x40x128xf32, #tpu.memory_space<vmem>> -> memref<40x128xf32, #tpu.memory_space<vmem>>
        %dma_wait3A_121 = arith.constant 0 : i32
        %dma_wait3A_122 = tpu.memref_slice %arg6[%add3A_50, %dma_wait3A_121] : memref<29x40xi32, #tpu.memory_space<vmem>> -> memref<1x40xi32, #tpu.memory_space<vmem>>
        %dma_wait3A_123 = tpu.memref_squeeze %dma_wait3A_122 : memref<1x40xi32, #tpu.memory_space<vmem>> -> memref<40xi32, #tpu.memory_space<vmem>>
        %dma_wait3A_124 = arith.constant 0 : i32
        %dma_wait3A_125 = arith.constant 0 : i32
        %dma_wait3A_126 = tpu.memref_slice %arg8[%dma_wait3A_124, %dma_wait3A_125] : memref<10240x128xf32, #tpu.memory_space<vmem_shared>> -> memref<10240x128xf32, #tpu.memory_space<vmem_shared>>
        tpu.wait_indirect_dma semaphore(%run_scoped3A_106 : memref<!tpu.dma_semaphore, #tpu.memory_space<semaphore_mem>>) src(%dma_wait3A_120 : memref<40x128xf32, #tpu.memory_space<vmem>>) dst(%dma_wait3A_126 : memref<10240x128xf32, #tpu.memory_space<vmem_shared>>)
        tpu.yield
      }) : () -> ()
      %scan3A_105 = arith.constant 0 : i32
      scf.yield %scan3A_105 : i32
    }
    %scan3A_24 = arith.constant 14 : i32
    %add3A_25 = arith.constant 1120 : i32
    %add3A_26 = arith.addi %mul3A_2, %add3A_25 : i32
    %dma_wait3A = arith.constant 0 : i32
    %dma_wait3A_27 = arith.constant 0 : i32
    %dma_wait3A_28 = arith.constant 0 : i32
    %dma_wait3A_29 = tpu.memref_slice %arg7[%dma_wait3A, %dma_wait3A_27, %dma_wait3A_28] : memref<2x40x128xf32, #tpu.memory_space<vmem>> -> memref<1x40x128xf32, #tpu.memory_space<vmem>>
    %dma_wait3A_30 = tpu.memref_squeeze %dma_wait3A_29 : memref<1x40x128xf32, #tpu.memory_space<vmem>> -> memref<40x128xf32, #tpu.memory_space<vmem>>
    %dma_wait3A_31 = arith.constant 0 : i32
    %dma_wait3A_32 = tpu.memref_slice %arg2[%add3A_26, %dma_wait3A_31] : memref<37120x128xf32, #tpu.memory_space<hbm>> -> memref<40x128xf32, #tpu.memory_space<hbm>>
    %dma_wait3A_33 = arith.constant 0 : i32
    %dma_wait3A_34 = arith.constant 0 : i32
    %dma_wait3A_35 = tpu.memref_slice %arg7[%dma_wait3A, %dma_wait3A_33, %dma_wait3A_34] : memref<2x40x128xf32, #tpu.memory_space<vmem>> -> memref<1x40x128xf32, #tpu.memory_space<vmem>>
    %dma_wait3A_36 = tpu.memref_squeeze %dma_wait3A_35 : memref<1x40x128xf32, #tpu.memory_space<vmem>> -> memref<40x128xf32, #tpu.memory_space<vmem>>
    %dma_wait3A_37 = arith.constant 0 : i32
    %dma_wait3A_38 = tpu.memref_slice %arg2[%add3A_26, %dma_wait3A_37] : memref<37120x128xf32, #tpu.memory_space<hbm>> -> memref<40x128xf32, #tpu.memory_space<hbm>>
    tpu.wait_dma2 semaphore(%arg9 : memref<!tpu.dma_semaphore, #tpu.memory_space<semaphore_mem>>) src(%dma_wait3A_38 : memref<40x128xf32, #tpu.memory_space<hbm>>) dst(%dma_wait3A_36 : memref<40x128xf32, #tpu.memory_space<vmem>>)
    %run_scoped3A = arith.constant 0 : i32
    %run_scoped3A_39 = arith.constant 28 : i32
    "tpu.region"() ({
      %run_scoped3A_45 = tpu.sem_alloc : memref<!tpu.dma_semaphore, #tpu.memory_space<semaphore_mem>>
      %dma_start3A_46 = arith.constant 0 : i32
      %dma_start3A_47 = arith.constant 0 : i32
      %dma_start3A_48 = tpu.memref_slice %arg7[%run_scoped3A, %dma_start3A_46, %dma_start3A_47] : memref<2x40x128xf32, #tpu.memory_space<vmem>> -> memref<1x40x128xf32, #tpu.memory_space<vmem>>
      %dma_start3A_49 = tpu.memref_squeeze %dma_start3A_48 : memref<1x40x128xf32, #tpu.memory_space<vmem>> -> memref<40x128xf32, #tpu.memory_space<vmem>>
      %dma_start3A_50 = arith.constant 0 : i32
      %dma_start3A_51 = tpu.memref_slice %arg6[%run_scoped3A_39, %dma_start3A_50] : memref<29x40xi32, #tpu.memory_space<vmem>> -> memref<1x40xi32, #tpu.memory_space<vmem>>
      %dma_start3A_52 = tpu.memref_squeeze %dma_start3A_51 : memref<1x40xi32, #tpu.memory_space<vmem>> -> memref<40xi32, #tpu.memory_space<vmem>>
      %dma_start3A_53 = arith.constant 0 : i32
      %dma_start3A_54 = arith.constant 0 : i32
      %dma_start3A_55 = tpu.memref_slice %arg8[%dma_start3A_53, %dma_start3A_54] : memref<10240x128xf32, #tpu.memory_space<vmem_shared>> -> memref<10240x128xf32, #tpu.memory_space<vmem_shared>>
      tpu.enqueue_indirect_dma source(%dma_start3A_49 : memref<40x128xf32, #tpu.memory_space<vmem>>) target(%dma_start3A_55 : memref<10240x128xf32, #tpu.memory_space<vmem_shared>>) offsets(%dma_start3A_52 : memref<40xi32, #tpu.memory_space<vmem>>) semaphore(%run_scoped3A_45 : memref<!tpu.dma_semaphore, #tpu.memory_space<semaphore_mem>>) {add = true}
      %dma_wait3A_56 = arith.constant 0 : i32
      %dma_wait3A_57 = arith.constant 0 : i32
      %dma_wait3A_58 = tpu.memref_slice %arg7[%run_scoped3A, %dma_wait3A_56, %dma_wait3A_57] : memref<2x40x128xf32, #tpu.memory_space<vmem>> -> memref<1x40x128xf32, #tpu.memory_space<vmem>>
      %dma_wait3A_59 = tpu.memref_squeeze %dma_wait3A_58 : memref<1x40x128xf32, #tpu.memory_space<vmem>> -> memref<40x128xf32, #tpu.memory_space<vmem>>
      %dma_wait3A_60 = arith.constant 0 : i32
      %dma_wait3A_61 = tpu.memref_slice %arg6[%run_scoped3A_39, %dma_wait3A_60] : memref<29x40xi32, #tpu.memory_space<vmem>> -> memref<1x40xi32, #tpu.memory_space<vmem>>
      %dma_wait3A_62 = tpu.memref_squeeze %dma_wait3A_61 : memref<1x40xi32, #tpu.memory_space<vmem>> -> memref<40xi32, #tpu.memory_space<vmem>>
      %dma_wait3A_63 = arith.constant 0 : i32
      %dma_wait3A_64 = arith.constant 0 : i32
      %dma_wait3A_65 = tpu.memref_slice %arg8[%dma_wait3A_63, %dma_wait3A_64] : memref<10240x128xf32, #tpu.memory_space<vmem_shared>> -> memref<10240x128xf32, #tpu.memory_space<vmem_shared>>
      tpu.wait_indirect_dma semaphore(%run_scoped3A_45 : memref<!tpu.dma_semaphore, #tpu.memory_space<semaphore_mem>>) src(%dma_wait3A_59 : memref<40x128xf32, #tpu.memory_space<vmem>>) dst(%dma_wait3A_65 : memref<10240x128xf32, #tpu.memory_space<vmem_shared>>)
      tpu.yield
    }) : () -> ()
    %barrier3A_40 = arith.constant 0 : index
    tpu.barrier barrier_id(%barrier3A_40)
    %mul3A_41 = arith.constant 640 : i32
    %mul3A_42 = arith.muli %arg1, %mul3A_41 : i32
    %mul3A_43 = arith.constant 640 : i32
    %mul3A_44 = arith.muli %arg1, %mul3A_43 : i32
    "tpu.region"() ({
      %run_scoped3A_45 = tpu.sem_alloc : memref<!tpu.dma_semaphore, #tpu.memory_space<semaphore_mem>>
      %dma_start3A_46 = arith.constant 0 : i32
      %dma_start3A_47 = tpu.memref_slice %arg5[%arg0, %mul3A_44, %dma_start3A_46] : memref<2x10240x128xf32, #tpu.memory_space<hbm>> -> memref<1x640x128xf32, #tpu.memory_space<hbm>>
      %dma_start3A_48 = tpu.memref_squeeze %dma_start3A_47 : memref<1x640x128xf32, #tpu.memory_space<hbm>> -> memref<640x128xf32, #tpu.memory_space<hbm>>
      %dma_start3A_49 = arith.constant 0 : i32
      %dma_start3A_50 = tpu.memref_slice %arg8[%mul3A_42, %dma_start3A_49] : memref<10240x128xf32, #tpu.memory_space<vmem_shared>> -> memref<640x128xf32, #tpu.memory_space<vmem_shared>>
      tpu.enqueue_dma source(%dma_start3A_50 : memref<640x128xf32, #tpu.memory_space<vmem_shared>>) target(%dma_start3A_48 : memref<640x128xf32, #tpu.memory_space<hbm>>) target_semaphore(%run_scoped3A_45 : memref<!tpu.dma_semaphore, #tpu.memory_space<semaphore_mem>>)
      %dma_wait3A_51 = arith.constant 0 : i32
      %dma_wait3A_52 = tpu.memref_slice %arg5[%arg0, %mul3A_44, %dma_wait3A_51] : memref<2x10240x128xf32, #tpu.memory_space<hbm>> -> memref<1x640x128xf32, #tpu.memory_space<hbm>>
      %dma_wait3A_53 = tpu.memref_squeeze %dma_wait3A_52 : memref<1x640x128xf32, #tpu.memory_space<hbm>> -> memref<640x128xf32, #tpu.memory_space<hbm>>
      %dma_wait3A_54 = arith.constant 0 : i32
      %dma_wait3A_55 = tpu.memref_slice %arg8[%mul3A_42, %dma_wait3A_54] : memref<10240x128xf32, #tpu.memory_space<vmem_shared>> -> memref<640x128xf32, #tpu.memory_space<vmem_shared>>
      tpu.wait_dma2 semaphore(%run_scoped3A_45 : memref<!tpu.dma_semaphore, #tpu.memory_space<semaphore_mem>>) src(%dma_wait3A_55 : memref<640x128xf32, #tpu.memory_space<vmem_shared>>) dst(%dma_wait3A_53 : memref<640x128xf32, #tpu.memory_space<hbm>>)
      tpu.yield
    }) : () -> ()
    return
  }
}

module attributes {stable_mosaic.version = 14 : i64} {
  func.func @_msg_body(%arg0: i32, %arg1: memref<2560x16xf32, #tpu.memory_space<vmem>>, %arg2: memref<2560x128xf32, #tpu.memory_space<vmem>>, %arg3: memref<16x1024xf32, #tpu.memory_space<vmem>>, %arg4: memref<1x1024xf32, #tpu.memory_space<vmem>>, %arg5: memref<1024x1024xbf16, #tpu.memory_space<vmem>>, %arg6: memref<1x1024xbf16, #tpu.memory_space<vmem>>, %arg7: memref<128x1024xbf16, #tpu.memory_space<vmem>>, %arg8: memref<1024x128xbf16, #tpu.memory_space<vmem>>, %arg9: memref<2560x128xf32, #tpu.memory_space<vmem>>) attributes {dimension_semantics = [#tpu.dimension_semantics<arbitrary>], iteration_bounds = array<i64: 16>, scalar_prefetch = 0 : i64, scratch_operands = 0 : i64, tpu.core_type = #tpu.core_type<tc>, window_params = [{transform_indices = @transform_0, window_bounds = array<i64: 2560, 16>}, {transform_indices = @transform_1, window_bounds = array<i64: 2560, 128>}, {pipeline_mode = #tpu.pipeline_mode<synchronous>, transform_indices = @transform_2, window_bounds = array<i64: 16, 1024>}, {pipeline_mode = #tpu.pipeline_mode<synchronous>, transform_indices = @transform_3, window_bounds = array<i64: 1, 1024>}, {pipeline_mode = #tpu.pipeline_mode<synchronous>, transform_indices = @transform_4, window_bounds = array<i64: 1024, 1024>}, {pipeline_mode = #tpu.pipeline_mode<synchronous>, transform_indices = @transform_5, window_bounds = array<i64: 1, 1024>}, {pipeline_mode = #tpu.pipeline_mode<synchronous>, transform_indices = @transform_6, window_bounds = array<i64: 128, 1024>}, {pipeline_mode = #tpu.pipeline_mode<synchronous>, transform_indices = @transform_7, window_bounds = array<i64: 1024, 128>}, {transform_indices = @transform_8, window_bounds = array<i64: 2560, 128>}]} {
    %get3A = arith.constant 0 : index
    %get3A_0 = arith.constant 0 : index
    %get3A_1 = vector.load %arg1[%get3A, %get3A_0] : memref<2560x16xf32, #tpu.memory_space<vmem>>, vector<2560x16xf32>
    %get3A_2 = arith.constant 0 : index
    %get3A_3 = arith.constant 0 : index
    %get3A_4 = vector.load %arg3[%get3A_2, %get3A_3] : memref<16x1024xf32, #tpu.memory_space<vmem>>, vector<16x1024xf32>
    %dot_general3A = arith.constant dense<0.000000e+00> : vector<2560x1024xf32>
    %dot_general3A_5 = tpu.matmul %get3A_1, %get3A_4, %dot_general3A {dimension_numbers = #tpu.dot_dimension_numbers<[1], [0], [0], [1], [0, 0, 1, 1], [], []>, transpose_lhs_hint = false} : vector<2560x16xf32>, vector<16x1024xf32>, vector<2560x1024xf32> -> vector<2560x1024xf32>
    %get3A_6 = arith.constant 0 : index
    %get3A_7 = arith.constant 0 : index
    %get3A_8 = vector.load %arg4[%get3A_6, %get3A_7] : memref<1x1024xf32, #tpu.memory_space<vmem>>, vector<1x1024xf32>
    %add3A = vector.broadcast %get3A_8 : vector<1x1024xf32> to vector<2560x1024xf32>
    %add3A_9 = arith.addf %dot_general3A_5, %add3A : vector<2560x1024xf32>
    %max3A = arith.constant 0.000000e+00 : f32
    %max3A_10 = vector.broadcast %max3A : f32 to vector<2560x1024xf32>
    %max3A_11 = arith.maximumf %add3A_9, %max3A_10 : vector<2560x1024xf32>
    %convert_element_type3A = arith.truncf %max3A_11 : vector<2560x1024xf32> to vector<2560x1024xbf16>
    %get3A_12 = arith.constant 0 : index
    %get3A_13 = arith.constant 0 : index
    %get3A_14 = vector.load %arg5[%get3A_12, %get3A_13] : memref<1024x1024xbf16, #tpu.memory_space<vmem>>, vector<1024x1024xbf16>
    %dot_general3A_15 = arith.constant dense<0.000000e+00> : vector<2560x1024xf32>
    %dot_general3A_16 = tpu.matmul %convert_element_type3A, %get3A_14, %dot_general3A_15 {dimension_numbers = #tpu.dot_dimension_numbers<[1], [0], [0], [1], [0, 0, 1, 1], [], []>, transpose_lhs_hint = false} : vector<2560x1024xbf16>, vector<1024x1024xbf16>, vector<2560x1024xf32> -> vector<2560x1024xf32>
    %convert_element_type3A_17 = arith.truncf %dot_general3A_16 : vector<2560x1024xf32> to vector<2560x1024xbf16>
    %get3A_18 = arith.constant 0 : index
    %get3A_19 = arith.constant 0 : index
    %get3A_20 = vector.load %arg6[%get3A_18, %get3A_19] : memref<1x1024xbf16, #tpu.memory_space<vmem>>, vector<1x1024xbf16>
    %add3A_21 = vector.broadcast %get3A_20 : vector<1x1024xbf16> to vector<2560x1024xbf16>
    %add3A_22 = arith.addf %convert_element_type3A_17, %add3A_21 : vector<2560x1024xbf16>
    %get3A_23 = arith.constant 0 : index
    %get3A_24 = arith.constant 0 : index
    %get3A_25 = vector.load %arg2[%get3A_23, %get3A_24] : memref<2560x128xf32, #tpu.memory_space<vmem>>, vector<2560x128xf32>
    %convert_element_type3A_26 = arith.truncf %get3A_25 : vector<2560x128xf32> to vector<2560x128xbf16>
    %get3A_27 = arith.constant 0 : index
    %get3A_28 = arith.constant 0 : index
    %get3A_29 = vector.load %arg7[%get3A_27, %get3A_28] : memref<128x1024xbf16, #tpu.memory_space<vmem>>, vector<128x1024xbf16>
    %dot_general3A_30 = arith.constant dense<0.000000e+00> : vector<2560x1024xf32>
    %dot_general3A_31 = tpu.matmul %convert_element_type3A_26, %get3A_29, %dot_general3A_30 {dimension_numbers = #tpu.dot_dimension_numbers<[1], [0], [0], [1], [0, 0, 1, 1], [], []>, transpose_lhs_hint = false} : vector<2560x128xbf16>, vector<128x1024xbf16>, vector<2560x1024xf32> -> vector<2560x1024xf32>
    %convert_element_type3A_32 = arith.truncf %dot_general3A_31 : vector<2560x1024xf32> to vector<2560x1024xbf16>
    %mul3A = arith.mulf %add3A_22, %convert_element_type3A_32 : vector<2560x1024xbf16>
    %get3A_33 = arith.constant 0 : index
    %get3A_34 = arith.constant 0 : index
    %get3A_35 = vector.load %arg8[%get3A_33, %get3A_34] : memref<1024x128xbf16, #tpu.memory_space<vmem>>, vector<1024x128xbf16>
    %dot_general3A_36 = arith.constant dense<0.000000e+00> : vector<2560x128xf32>
    %dot_general3A_37 = tpu.matmul %mul3A, %get3A_35, %dot_general3A_36 {dimension_numbers = #tpu.dot_dimension_numbers<[1], [0], [0], [1], [0, 0, 1, 1], [], []>, transpose_lhs_hint = false} : vector<2560x1024xbf16>, vector<1024x128xbf16>, vector<2560x128xf32> -> vector<2560x128xf32>
    %swap3A = arith.constant 0 : index
    %swap3A_38 = arith.constant 0 : index
    %swap3A_39 = vector.load %arg9[%swap3A, %swap3A_38] : memref<2560x128xf32, #tpu.memory_space<vmem>>, vector<2560x128xf32>
    tpu.vector_store %arg9[%swap3A, %swap3A_38], %dot_general3A_37 {strides = array<i32>} : memref<2560x128xf32, #tpu.memory_space<vmem>>, vector<2560x128xf32>,
    return
  }
  func.func @transform_0(%arg0: i32) -> (i32, i32) {
    %add3A = arith.constant 0 : i32
    %add3A_0 = arith.addi %arg0, %add3A : i32
    %c0_i32 = arith.constant 0 : i32
    %c0_i32_1 = arith.constant 0 : i32
    return %add3A_0, %c0_i32 : i32, i32
  }
  func.func @transform_1(%arg0: i32) -> (i32, i32) {
    %c0_i32 = arith.constant 0 : i32
    %c0_i32_0 = arith.constant 0 : i32
    return %arg0, %c0_i32 : i32, i32
  }
  func.func @transform_2(%arg0: i32) -> (i32, i32) {
    %c0_i32 = arith.constant 0 : i32
    %c0_i32_0 = arith.constant 0 : i32
    %c0_i32_1 = arith.constant 0 : i32
    return %c0_i32, %c0_i32_0 : i32, i32
  }
  func.func @transform_3(%arg0: i32) -> (i32, i32) {
    %c0_i32 = arith.constant 0 : i32
    %c0_i32_0 = arith.constant 0 : i32
    %c0_i32_1 = arith.constant 0 : i32
    return %c0_i32, %c0_i32_0 : i32, i32
  }
  func.func @transform_4(%arg0: i32) -> (i32, i32) {
    %c0_i32 = arith.constant 0 : i32
    %c0_i32_0 = arith.constant 0 : i32
    %c0_i32_1 = arith.constant 0 : i32
    return %c0_i32, %c0_i32_0 : i32, i32
  }
  func.func @transform_5(%arg0: i32) -> (i32, i32) {
    %c0_i32 = arith.constant 0 : i32
    %c0_i32_0 = arith.constant 0 : i32
    %c0_i32_1 = arith.constant 0 : i32
    return %c0_i32, %c0_i32_0 : i32, i32
  }
  func.func @transform_6(%arg0: i32) -> (i32, i32) {
    %c0_i32 = arith.constant 0 : i32
    %c0_i32_0 = arith.constant 0 : i32
    %c0_i32_1 = arith.constant 0 : i32
    return %c0_i32, %c0_i32_0 : i32, i32
  }
  func.func @transform_7(%arg0: i32) -> (i32, i32) {
    %c0_i32 = arith.constant 0 : i32
    %c0_i32_0 = arith.constant 0 : i32
    %c0_i32_1 = arith.constant 0 : i32
    return %c0_i32, %c0_i32_0 : i32, i32
  }
  func.func @transform_8(%arg0: i32) -> (i32, i32) {
    %c0_i32 = arith.constant 0 : i32
    %c0_i32_0 = arith.constant 0 : i32
    return %arg0, %c0_i32 : i32, i32
  }
}

module attributes {stable_mosaic.version = 14 : i64} {
  func.func @_msg_body(%arg0: i32, %arg1: memref<2560x16xf32, #tpu.memory_space<vmem>>, %arg2: memref<2560x128xf32, #tpu.memory_space<vmem>>, %arg3: memref<16x1024xf32, #tpu.memory_space<vmem>>, %arg4: memref<1x1024xf32, #tpu.memory_space<vmem>>, %arg5: memref<1024x1024xbf16, #tpu.memory_space<vmem>>, %arg6: memref<1x1024xbf16, #tpu.memory_space<vmem>>, %arg7: memref<128x1024xbf16, #tpu.memory_space<vmem>>, %arg8: memref<1024x128xbf16, #tpu.memory_space<vmem>>, %arg9: memref<2560x128xf32, #tpu.memory_space<vmem>>) attributes {dimension_semantics = [#tpu.dimension_semantics<arbitrary>], iteration_bounds = array<i64: 16>, scalar_prefetch = 0 : i64, scratch_operands = 0 : i64, tpu.core_type = #tpu.core_type<tc>, window_params = [{transform_indices = @transform_0, window_bounds = array<i64: 2560, 16>}, {transform_indices = @transform_1, window_bounds = array<i64: 2560, 128>}, {pipeline_mode = #tpu.pipeline_mode<synchronous>, transform_indices = @transform_2, window_bounds = array<i64: 16, 1024>}, {pipeline_mode = #tpu.pipeline_mode<synchronous>, transform_indices = @transform_3, window_bounds = array<i64: 1, 1024>}, {pipeline_mode = #tpu.pipeline_mode<synchronous>, transform_indices = @transform_4, window_bounds = array<i64: 1024, 1024>}, {pipeline_mode = #tpu.pipeline_mode<synchronous>, transform_indices = @transform_5, window_bounds = array<i64: 1, 1024>}, {pipeline_mode = #tpu.pipeline_mode<synchronous>, transform_indices = @transform_6, window_bounds = array<i64: 128, 1024>}, {pipeline_mode = #tpu.pipeline_mode<synchronous>, transform_indices = @transform_7, window_bounds = array<i64: 1024, 128>}, {transform_indices = @transform_8, window_bounds = array<i64: 2560, 128>}]} {
    %get3A = arith.constant 0 : index
    %get3A_0 = arith.constant 0 : index
    %get3A_1 = vector.load %arg1[%get3A, %get3A_0] : memref<2560x16xf32, #tpu.memory_space<vmem>>, vector<2560x16xf32>
    %get3A_2 = arith.constant 0 : index
    %get3A_3 = arith.constant 0 : index
    %get3A_4 = vector.load %arg3[%get3A_2, %get3A_3] : memref<16x1024xf32, #tpu.memory_space<vmem>>, vector<16x1024xf32>
    %dot_general3A = arith.constant dense<0.000000e+00> : vector<2560x1024xf32>
    %dot_general3A_5 = tpu.matmul %get3A_1, %get3A_4, %dot_general3A {dimension_numbers = #tpu.dot_dimension_numbers<[1], [0], [0], [1], [0, 0, 1, 1], [], []>, transpose_lhs_hint = false} : vector<2560x16xf32>, vector<16x1024xf32>, vector<2560x1024xf32> -> vector<2560x1024xf32>
    %get3A_6 = arith.constant 0 : index
    %get3A_7 = arith.constant 0 : index
    %get3A_8 = vector.load %arg4[%get3A_6, %get3A_7] : memref<1x1024xf32, #tpu.memory_space<vmem>>, vector<1x1024xf32>
    %add3A = vector.broadcast %get3A_8 : vector<1x1024xf32> to vector<2560x1024xf32>
    %add3A_9 = arith.addf %dot_general3A_5, %add3A : vector<2560x1024xf32>
    %max3A = arith.constant 0.000000e+00 : f32
    %max3A_10 = vector.broadcast %max3A : f32 to vector<2560x1024xf32>
    %max3A_11 = arith.maximumf %add3A_9, %max3A_10 : vector<2560x1024xf32>
    %convert_element_type3A = arith.truncf %max3A_11 : vector<2560x1024xf32> to vector<2560x1024xbf16>
    %get3A_12 = arith.constant 0 : index
    %get3A_13 = arith.constant 0 : index
    %get3A_14 = vector.load %arg5[%get3A_12, %get3A_13] : memref<1024x1024xbf16, #tpu.memory_space<vmem>>, vector<1024x1024xbf16>
    %dot_general3A_15 = arith.constant dense<0.000000e+00> : vector<2560x1024xf32>
    %dot_general3A_16 = tpu.matmul %convert_element_type3A, %get3A_14, %dot_general3A_15 {dimension_numbers = #tpu.dot_dimension_numbers<[1], [0], [0], [1], [0, 0, 1, 1], [], []>, transpose_lhs_hint = false} : vector<2560x1024xbf16>, vector<1024x1024xbf16>, vector<2560x1024xf32> -> vector<2560x1024xf32>
    %convert_element_type3A_17 = arith.truncf %dot_general3A_16 : vector<2560x1024xf32> to vector<2560x1024xbf16>
    %get3A_18 = arith.constant 0 : index
    %get3A_19 = arith.constant 0 : index
    %get3A_20 = vector.load %arg6[%get3A_18, %get3A_19] : memref<1x1024xbf16, #tpu.memory_space<vmem>>, vector<1x1024xbf16>
    %add3A_21 = vector.broadcast %get3A_20 : vector<1x1024xbf16> to vector<2560x1024xbf16>
    %add3A_22 = arith.addf %convert_element_type3A_17, %add3A_21 : vector<2560x1024xbf16>
    %get3A_23 = arith.constant 0 : index
    %get3A_24 = arith.constant 0 : index
    %get3A_25 = vector.load %arg2[%get3A_23, %get3A_24] : memref<2560x128xf32, #tpu.memory_space<vmem>>, vector<2560x128xf32>
    %convert_element_type3A_26 = arith.truncf %get3A_25 : vector<2560x128xf32> to vector<2560x128xbf16>
    %get3A_27 = arith.constant 0 : index
    %get3A_28 = arith.constant 0 : index
    %get3A_29 = vector.load %arg7[%get3A_27, %get3A_28] : memref<128x1024xbf16, #tpu.memory_space<vmem>>, vector<128x1024xbf16>
    %dot_general3A_30 = arith.constant dense<0.000000e+00> : vector<2560x1024xf32>
    %dot_general3A_31 = tpu.matmul %convert_element_type3A_26, %get3A_29, %dot_general3A_30 {dimension_numbers = #tpu.dot_dimension_numbers<[1], [0], [0], [1], [0, 0, 1, 1], [], []>, transpose_lhs_hint = false} : vector<2560x128xbf16>, vector<128x1024xbf16>, vector<2560x1024xf32> -> vector<2560x1024xf32>
    %convert_element_type3A_32 = arith.truncf %dot_general3A_31 : vector<2560x1024xf32> to vector<2560x1024xbf16>
    %mul3A = arith.mulf %add3A_22, %convert_element_type3A_32 : vector<2560x1024xbf16>
    %get3A_33 = arith.constant 0 : index
    %get3A_34 = arith.constant 0 : index
    %get3A_35 = vector.load %arg8[%get3A_33, %get3A_34] : memref<1024x128xbf16, #tpu.memory_space<vmem>>, vector<1024x128xbf16>
    %dot_general3A_36 = arith.constant dense<0.000000e+00> : vector<2560x128xf32>
    %dot_general3A_37 = tpu.matmul %mul3A, %get3A_35, %dot_general3A_36 {dimension_numbers = #tpu.dot_dimension_numbers<[1], [0], [0], [1], [0, 0, 1, 1], [], []>, transpose_lhs_hint = false} : vector<2560x1024xbf16>, vector<1024x128xbf16>, vector<2560x128xf32> -> vector<2560x128xf32>
    %swap3A = arith.constant 0 : index
    %swap3A_38 = arith.constant 0 : index
    %swap3A_39 = vector.load %arg9[%swap3A, %swap3A_38] : memref<2560x128xf32, #tpu.memory_space<vmem>>, vector<2560x128xf32>
    tpu.vector_store %arg9[%swap3A, %swap3A_38], %dot_general3A_37 {strides = array<i32>} : memref<2560x128xf32, #tpu.memory_space<vmem>>, vector<2560x128xf32>,
    return
  }
  func.func @transform_0(%arg0: i32) -> (i32, i32) {
    %add3A = arith.constant 32 : i32
    %add3A_0 = arith.addi %arg0, %add3A : i32
    %c0_i32 = arith.constant 0 : i32
    %c0_i32_1 = arith.constant 0 : i32
    return %add3A_0, %c0_i32 : i32, i32
  }
  func.func @transform_1(%arg0: i32) -> (i32, i32) {
    %c0_i32 = arith.constant 0 : i32
    %c0_i32_0 = arith.constant 0 : i32
    return %arg0, %c0_i32 : i32, i32
  }
  func.func @transform_2(%arg0: i32) -> (i32, i32) {
    %c0_i32 = arith.constant 0 : i32
    %c0_i32_0 = arith.constant 0 : i32
    %c0_i32_1 = arith.constant 0 : i32
    return %c0_i32, %c0_i32_0 : i32, i32
  }
  func.func @transform_3(%arg0: i32) -> (i32, i32) {
    %c0_i32 = arith.constant 0 : i32
    %c0_i32_0 = arith.constant 0 : i32
    %c0_i32_1 = arith.constant 0 : i32
    return %c0_i32, %c0_i32_0 : i32, i32
  }
  func.func @transform_4(%arg0: i32) -> (i32, i32) {
    %c0_i32 = arith.constant 0 : i32
    %c0_i32_0 = arith.constant 0 : i32
    %c0_i32_1 = arith.constant 0 : i32
    return %c0_i32, %c0_i32_0 : i32, i32
  }
  func.func @transform_5(%arg0: i32) -> (i32, i32) {
    %c0_i32 = arith.constant 0 : i32
    %c0_i32_0 = arith.constant 0 : i32
    %c0_i32_1 = arith.constant 0 : i32
    return %c0_i32, %c0_i32_0 : i32, i32
  }
  func.func @transform_6(%arg0: i32) -> (i32, i32) {
    %c0_i32 = arith.constant 0 : i32
    %c0_i32_0 = arith.constant 0 : i32
    %c0_i32_1 = arith.constant 0 : i32
    return %c0_i32, %c0_i32_0 : i32, i32
  }
  func.func @transform_7(%arg0: i32) -> (i32, i32) {
    %c0_i32 = arith.constant 0 : i32
    %c0_i32_0 = arith.constant 0 : i32
    %c0_i32_1 = arith.constant 0 : i32
    return %c0_i32, %c0_i32_0 : i32, i32
  }
  func.func @transform_8(%arg0: i32) -> (i32, i32) {
    %c0_i32 = arith.constant 0 : i32
    %c0_i32_0 = arith.constant 0 : i32
    return %arg0, %c0_i32 : i32, i32
  }
}

module attributes {stable_mosaic.version = 14 : i64} {
  func.func @_msg_body(%arg0: i32, %arg1: memref<2560x16xf32, #tpu.memory_space<vmem>>, %arg2: memref<2560x128xf32, #tpu.memory_space<vmem>>, %arg3: memref<16x1024xf32, #tpu.memory_space<vmem>>, %arg4: memref<1x1024xf32, #tpu.memory_space<vmem>>, %arg5: memref<1024x1024xbf16, #tpu.memory_space<vmem>>, %arg6: memref<1x1024xbf16, #tpu.memory_space<vmem>>, %arg7: memref<128x1024xbf16, #tpu.memory_space<vmem>>, %arg8: memref<1024x128xbf16, #tpu.memory_space<vmem>>, %arg9: memref<2560x128xf32, #tpu.memory_space<vmem>>) attributes {dimension_semantics = [#tpu.dimension_semantics<arbitrary>], iteration_bounds = array<i64: 16>, scalar_prefetch = 0 : i64, scratch_operands = 0 : i64, tpu.core_type = #tpu.core_type<tc>, window_params = [{transform_indices = @transform_0, window_bounds = array<i64: 2560, 16>}, {transform_indices = @transform_1, window_bounds = array<i64: 2560, 128>}, {pipeline_mode = #tpu.pipeline_mode<synchronous>, transform_indices = @transform_2, window_bounds = array<i64: 16, 1024>}, {pipeline_mode = #tpu.pipeline_mode<synchronous>, transform_indices = @transform_3, window_bounds = array<i64: 1, 1024>}, {pipeline_mode = #tpu.pipeline_mode<synchronous>, transform_indices = @transform_4, window_bounds = array<i64: 1024, 1024>}, {pipeline_mode = #tpu.pipeline_mode<synchronous>, transform_indices = @transform_5, window_bounds = array<i64: 1, 1024>}, {pipeline_mode = #tpu.pipeline_mode<synchronous>, transform_indices = @transform_6, window_bounds = array<i64: 128, 1024>}, {pipeline_mode = #tpu.pipeline_mode<synchronous>, transform_indices = @transform_7, window_bounds = array<i64: 1024, 128>}, {transform_indices = @transform_8, window_bounds = array<i64: 2560, 128>}]} {
    %get3A = arith.constant 0 : index
    %get3A_0 = arith.constant 0 : index
    %get3A_1 = vector.load %arg1[%get3A, %get3A_0] : memref<2560x16xf32, #tpu.memory_space<vmem>>, vector<2560x16xf32>
    %get3A_2 = arith.constant 0 : index
    %get3A_3 = arith.constant 0 : index
    %get3A_4 = vector.load %arg3[%get3A_2, %get3A_3] : memref<16x1024xf32, #tpu.memory_space<vmem>>, vector<16x1024xf32>
    %dot_general3A = arith.constant dense<0.000000e+00> : vector<2560x1024xf32>
    %dot_general3A_5 = tpu.matmul %get3A_1, %get3A_4, %dot_general3A {dimension_numbers = #tpu.dot_dimension_numbers<[1], [0], [0], [1], [0, 0, 1, 1], [], []>, transpose_lhs_hint = false} : vector<2560x16xf32>, vector<16x1024xf32>, vector<2560x1024xf32> -> vector<2560x1024xf32>
    %get3A_6 = arith.constant 0 : index
    %get3A_7 = arith.constant 0 : index
    %get3A_8 = vector.load %arg4[%get3A_6, %get3A_7] : memref<1x1024xf32, #tpu.memory_space<vmem>>, vector<1x1024xf32>
    %add3A = vector.broadcast %get3A_8 : vector<1x1024xf32> to vector<2560x1024xf32>
    %add3A_9 = arith.addf %dot_general3A_5, %add3A : vector<2560x1024xf32>
    %max3A = arith.constant 0.000000e+00 : f32
    %max3A_10 = vector.broadcast %max3A : f32 to vector<2560x1024xf32>
    %max3A_11 = arith.maximumf %add3A_9, %max3A_10 : vector<2560x1024xf32>
    %convert_element_type3A = arith.truncf %max3A_11 : vector<2560x1024xf32> to vector<2560x1024xbf16>
    %get3A_12 = arith.constant 0 : index
    %get3A_13 = arith.constant 0 : index
    %get3A_14 = vector.load %arg5[%get3A_12, %get3A_13] : memref<1024x1024xbf16, #tpu.memory_space<vmem>>, vector<1024x1024xbf16>
    %dot_general3A_15 = arith.constant dense<0.000000e+00> : vector<2560x1024xf32>
    %dot_general3A_16 = tpu.matmul %convert_element_type3A, %get3A_14, %dot_general3A_15 {dimension_numbers = #tpu.dot_dimension_numbers<[1], [0], [0], [1], [0, 0, 1, 1], [], []>, transpose_lhs_hint = false} : vector<2560x1024xbf16>, vector<1024x1024xbf16>, vector<2560x1024xf32> -> vector<2560x1024xf32>
    %convert_element_type3A_17 = arith.truncf %dot_general3A_16 : vector<2560x1024xf32> to vector<2560x1024xbf16>
    %get3A_18 = arith.constant 0 : index
    %get3A_19 = arith.constant 0 : index
    %get3A_20 = vector.load %arg6[%get3A_18, %get3A_19] : memref<1x1024xbf16, #tpu.memory_space<vmem>>, vector<1x1024xbf16>
    %add3A_21 = vector.broadcast %get3A_20 : vector<1x1024xbf16> to vector<2560x1024xbf16>
    %add3A_22 = arith.addf %convert_element_type3A_17, %add3A_21 : vector<2560x1024xbf16>
    %get3A_23 = arith.constant 0 : index
    %get3A_24 = arith.constant 0 : index
    %get3A_25 = vector.load %arg2[%get3A_23, %get3A_24] : memref<2560x128xf32, #tpu.memory_space<vmem>>, vector<2560x128xf32>
    %convert_element_type3A_26 = arith.truncf %get3A_25 : vector<2560x128xf32> to vector<2560x128xbf16>
    %get3A_27 = arith.constant 0 : index
    %get3A_28 = arith.constant 0 : index
    %get3A_29 = vector.load %arg7[%get3A_27, %get3A_28] : memref<128x1024xbf16, #tpu.memory_space<vmem>>, vector<128x1024xbf16>
    %dot_general3A_30 = arith.constant dense<0.000000e+00> : vector<2560x1024xf32>
    %dot_general3A_31 = tpu.matmul %convert_element_type3A_26, %get3A_29, %dot_general3A_30 {dimension_numbers = #tpu.dot_dimension_numbers<[1], [0], [0], [1], [0, 0, 1, 1], [], []>, transpose_lhs_hint = false} : vector<2560x128xbf16>, vector<128x1024xbf16>, vector<2560x1024xf32> -> vector<2560x1024xf32>
    %convert_element_type3A_32 = arith.truncf %dot_general3A_31 : vector<2560x1024xf32> to vector<2560x1024xbf16>
    %mul3A = arith.mulf %add3A_22, %convert_element_type3A_32 : vector<2560x1024xbf16>
    %get3A_33 = arith.constant 0 : index
    %get3A_34 = arith.constant 0 : index
    %get3A_35 = vector.load %arg8[%get3A_33, %get3A_34] : memref<1024x128xbf16, #tpu.memory_space<vmem>>, vector<1024x128xbf16>
    %dot_general3A_36 = arith.constant dense<0.000000e+00> : vector<2560x128xf32>
    %dot_general3A_37 = tpu.matmul %mul3A, %get3A_35, %dot_general3A_36 {dimension_numbers = #tpu.dot_dimension_numbers<[1], [0], [0], [1], [0, 0, 1, 1], [], []>, transpose_lhs_hint = false} : vector<2560x1024xbf16>, vector<1024x128xbf16>, vector<2560x128xf32> -> vector<2560x128xf32>
    %swap3A = arith.constant 0 : index
    %swap3A_38 = arith.constant 0 : index
    %swap3A_39 = vector.load %arg9[%swap3A, %swap3A_38] : memref<2560x128xf32, #tpu.memory_space<vmem>>, vector<2560x128xf32>
    tpu.vector_store %arg9[%swap3A, %swap3A_38], %dot_general3A_37 {strides = array<i32>} : memref<2560x128xf32, #tpu.memory_space<vmem>>, vector<2560x128xf32>,
    return
  }
  func.func @transform_0(%arg0: i32) -> (i32, i32) {
    %add3A = arith.constant 16 : i32
    %add3A_0 = arith.addi %arg0, %add3A : i32
    %c0_i32 = arith.constant 0 : i32
    %c0_i32_1 = arith.constant 0 : i32
    return %add3A_0, %c0_i32 : i32, i32
  }
  func.func @transform_1(%arg0: i32) -> (i32, i32) {
    %c0_i32 = arith.constant 0 : i32
    %c0_i32_0 = arith.constant 0 : i32
    return %arg0, %c0_i32 : i32, i32
  }
  func.func @transform_2(%arg0: i32) -> (i32, i32) {
    %c0_i32 = arith.constant 0 : i32
    %c0_i32_0 = arith.constant 0 : i32
    %c0_i32_1 = arith.constant 0 : i32
    return %c0_i32, %c0_i32_0 : i32, i32
  }
  func.func @transform_3(%arg0: i32) -> (i32, i32) {
    %c0_i32 = arith.constant 0 : i32
    %c0_i32_0 = arith.constant 0 : i32
    %c0_i32_1 = arith.constant 0 : i32
    return %c0_i32, %c0_i32_0 : i32, i32
  }
  func.func @transform_4(%arg0: i32) -> (i32, i32) {
    %c0_i32 = arith.constant 0 : i32
    %c0_i32_0 = arith.constant 0 : i32
    %c0_i32_1 = arith.constant 0 : i32
    return %c0_i32, %c0_i32_0 : i32, i32
  }
  func.func @transform_5(%arg0: i32) -> (i32, i32) {
    %c0_i32 = arith.constant 0 : i32
    %c0_i32_0 = arith.constant 0 : i32
    %c0_i32_1 = arith.constant 0 : i32
    return %c0_i32, %c0_i32_0 : i32, i32
  }
  func.func @transform_6(%arg0: i32) -> (i32, i32) {
    %c0_i32 = arith.constant 0 : i32
    %c0_i32_0 = arith.constant 0 : i32
    %c0_i32_1 = arith.constant 0 : i32
    return %c0_i32, %c0_i32_0 : i32, i32
  }
  func.func @transform_7(%arg0: i32) -> (i32, i32) {
    %c0_i32 = arith.constant 0 : i32
    %c0_i32_0 = arith.constant 0 : i32
    %c0_i32_1 = arith.constant 0 : i32
    return %c0_i32, %c0_i32_0 : i32, i32
  }
  func.func @transform_8(%arg0: i32) -> (i32, i32) {
    %c0_i32 = arith.constant 0 : i32
    %c0_i32_0 = arith.constant 0 : i32
    return %arg0, %c0_i32 : i32, i32
  }
}

module attributes {stable_mosaic.version = 14 : i64} {
  func.func @_msg_body(%arg0: i32, %arg1: memref<1280x16xf32, #tpu.memory_space<vmem>>, %arg2: memref<1280x128xf32, #tpu.memory_space<vmem>>, %arg3: memref<16x1024xf32, #tpu.memory_space<vmem>>, %arg4: memref<1x1024xf32, #tpu.memory_space<vmem>>, %arg5: memref<1024x1024xbf16, #tpu.memory_space<vmem>>, %arg6: memref<1x1024xbf16, #tpu.memory_space<vmem>>, %arg7: memref<128x1024xbf16, #tpu.memory_space<vmem>>, %arg8: memref<1024x128xbf16, #tpu.memory_space<vmem>>, %arg9: memref<1280x128xf32, #tpu.memory_space<vmem>>) attributes {dimension_semantics = [#tpu.dimension_semantics<arbitrary>], iteration_bounds = array<i64: 29>, scalar_prefetch = 0 : i64, scratch_operands = 0 : i64, tpu.core_type = #tpu.core_type<tc>, window_params = [{transform_indices = @transform_0, window_bounds = array<i64: 1280, 16>}, {transform_indices = @transform_1, window_bounds = array<i64: 1280, 128>}, {pipeline_mode = #tpu.pipeline_mode<synchronous>, transform_indices = @transform_2, window_bounds = array<i64: 16, 1024>}, {pipeline_mode = #tpu.pipeline_mode<synchronous>, transform_indices = @transform_3, window_bounds = array<i64: 1, 1024>}, {pipeline_mode = #tpu.pipeline_mode<synchronous>, transform_indices = @transform_4, window_bounds = array<i64: 1024, 1024>}, {pipeline_mode = #tpu.pipeline_mode<synchronous>, transform_indices = @transform_5, window_bounds = array<i64: 1, 1024>}, {pipeline_mode = #tpu.pipeline_mode<synchronous>, transform_indices = @transform_6, window_bounds = array<i64: 128, 1024>}, {pipeline_mode = #tpu.pipeline_mode<synchronous>, transform_indices = @transform_7, window_bounds = array<i64: 1024, 128>}, {transform_indices = @transform_8, window_bounds = array<i64: 1280, 128>}]} {
    %get3A = arith.constant 0 : index
    %get3A_0 = arith.constant 0 : index
    %get3A_1 = vector.load %arg1[%get3A, %get3A_0] : memref<1280x16xf32, #tpu.memory_space<vmem>>, vector<1280x16xf32>
    %get3A_2 = arith.constant 0 : index
    %get3A_3 = arith.constant 0 : index
    %get3A_4 = vector.load %arg3[%get3A_2, %get3A_3] : memref<16x1024xf32, #tpu.memory_space<vmem>>, vector<16x1024xf32>
    %dot_general3A = arith.constant dense<0.000000e+00> : vector<1280x1024xf32>
    %dot_general3A_5 = tpu.matmul %get3A_1, %get3A_4, %dot_general3A {dimension_numbers = #tpu.dot_dimension_numbers<[1], [0], [0], [1], [0, 0, 1, 1], [], []>, transpose_lhs_hint = false} : vector<1280x16xf32>, vector<16x1024xf32>, vector<1280x1024xf32> -> vector<1280x1024xf32>
    %get3A_6 = arith.constant 0 : index
    %get3A_7 = arith.constant 0 : index
    %get3A_8 = vector.load %arg4[%get3A_6, %get3A_7] : memref<1x1024xf32, #tpu.memory_space<vmem>>, vector<1x1024xf32>
    %add3A = vector.broadcast %get3A_8 : vector<1x1024xf32> to vector<1280x1024xf32>
    %add3A_9 = arith.addf %dot_general3A_5, %add3A : vector<1280x1024xf32>
    %max3A = arith.constant 0.000000e+00 : f32
    %max3A_10 = vector.broadcast %max3A : f32 to vector<1280x1024xf32>
    %max3A_11 = arith.maximumf %add3A_9, %max3A_10 : vector<1280x1024xf32>
    %convert_element_type3A = arith.truncf %max3A_11 : vector<1280x1024xf32> to vector<1280x1024xbf16>
    %get3A_12 = arith.constant 0 : index
    %get3A_13 = arith.constant 0 : index
    %get3A_14 = vector.load %arg5[%get3A_12, %get3A_13] : memref<1024x1024xbf16, #tpu.memory_space<vmem>>, vector<1024x1024xbf16>
    %dot_general3A_15 = arith.constant dense<0.000000e+00> : vector<1280x1024xf32>
    %dot_general3A_16 = tpu.matmul %convert_element_type3A, %get3A_14, %dot_general3A_15 {dimension_numbers = #tpu.dot_dimension_numbers<[1], [0], [0], [1], [0, 0, 1, 1], [], []>, transpose_lhs_hint = false} : vector<1280x1024xbf16>, vector<1024x1024xbf16>, vector<1280x1024xf32> -> vector<1280x1024xf32>
    %convert_element_type3A_17 = arith.truncf %dot_general3A_16 : vector<1280x1024xf32> to vector<1280x1024xbf16>
    %get3A_18 = arith.constant 0 : index
    %get3A_19 = arith.constant 0 : index
    %get3A_20 = vector.load %arg6[%get3A_18, %get3A_19] : memref<1x1024xbf16, #tpu.memory_space<vmem>>, vector<1x1024xbf16>
    %add3A_21 = vector.broadcast %get3A_20 : vector<1x1024xbf16> to vector<1280x1024xbf16>
    %add3A_22 = arith.addf %convert_element_type3A_17, %add3A_21 : vector<1280x1024xbf16>
    %get3A_23 = arith.constant 0 : index
    %get3A_24 = arith.constant 0 : index
    %get3A_25 = vector.load %arg2[%get3A_23, %get3A_24] : memref<1280x128xf32, #tpu.memory_space<vmem>>, vector<1280x128xf32>
    %convert_element_type3A_26 = arith.truncf %get3A_25 : vector<1280x128xf32> to vector<1280x128xbf16>
    %get3A_27 = arith.constant 0 : index
    %get3A_28 = arith.constant 0 : index
    %get3A_29 = vector.load %arg7[%get3A_27, %get3A_28] : memref<128x1024xbf16, #tpu.memory_space<vmem>>, vector<128x1024xbf16>
    %dot_general3A_30 = arith.constant dense<0.000000e+00> : vector<1280x1024xf32>
    %dot_general3A_31 = tpu.matmul %convert_element_type3A_26, %get3A_29, %dot_general3A_30 {dimension_numbers = #tpu.dot_dimension_numbers<[1], [0], [0], [1], [0, 0, 1, 1], [], []>, transpose_lhs_hint = false} : vector<1280x128xbf16>, vector<128x1024xbf16>, vector<1280x1024xf32> -> vector<1280x1024xf32>
    %convert_element_type3A_32 = arith.truncf %dot_general3A_31 : vector<1280x1024xf32> to vector<1280x1024xbf16>
    %mul3A = arith.mulf %add3A_22, %convert_element_type3A_32 : vector<1280x1024xbf16>
    %get3A_33 = arith.constant 0 : index
    %get3A_34 = arith.constant 0 : index
    %get3A_35 = vector.load %arg8[%get3A_33, %get3A_34] : memref<1024x128xbf16, #tpu.memory_space<vmem>>, vector<1024x128xbf16>
    %dot_general3A_36 = arith.constant dense<0.000000e+00> : vector<1280x128xf32>
    %dot_general3A_37 = tpu.matmul %mul3A, %get3A_35, %dot_general3A_36 {dimension_numbers = #tpu.dot_dimension_numbers<[1], [0], [0], [1], [0, 0, 1, 1], [], []>, transpose_lhs_hint = false} : vector<1280x1024xbf16>, vector<1024x128xbf16>, vector<1280x128xf32> -> vector<1280x128xf32>
    %swap3A = arith.constant 0 : index
    %swap3A_38 = arith.constant 0 : index
    %swap3A_39 = vector.load %arg9[%swap3A, %swap3A_38] : memref<1280x128xf32, #tpu.memory_space<vmem>>, vector<1280x128xf32>
    tpu.vector_store %arg9[%swap3A, %swap3A_38], %dot_general3A_37 {strides = array<i32>} : memref<1280x128xf32, #tpu.memory_space<vmem>>, vector<1280x128xf32>,
    return
  }
  func.func @transform_0(%arg0: i32) -> (i32, i32) {
    %add3A = arith.constant 96 : i32
    %add3A_0 = arith.addi %arg0, %add3A : i32
    %c0_i32 = arith.constant 0 : i32
    %c0_i32_1 = arith.constant 0 : i32
    return %add3A_0, %c0_i32 : i32, i32
  }
  func.func @transform_1(%arg0: i32) -> (i32, i32) {
    %c0_i32 = arith.constant 0 : i32
    %c0_i32_0 = arith.constant 0 : i32
    return %arg0, %c0_i32 : i32, i32
  }
  func.func @transform_2(%arg0: i32) -> (i32, i32) {
    %c0_i32 = arith.constant 0 : i32
    %c0_i32_0 = arith.constant 0 : i32
    %c0_i32_1 = arith.constant 0 : i32
    return %c0_i32, %c0_i32_0 : i32, i32
  }
  func.func @transform_3(%arg0: i32) -> (i32, i32) {
    %c0_i32 = arith.constant 0 : i32
    %c0_i32_0 = arith.constant 0 : i32
    %c0_i32_1 = arith.constant 0 : i32
    return %c0_i32, %c0_i32_0 : i32, i32
  }
  func.func @transform_4(%arg0: i32) -> (i32, i32) {
    %c0_i32 = arith.constant 0 : i32
    %c0_i32_0 = arith.constant 0 : i32
    %c0_i32_1 = arith.constant 0 : i32
    return %c0_i32, %c0_i32_0 : i32, i32
  }
  func.func @transform_5(%arg0: i32) -> (i32, i32) {
    %c0_i32 = arith.constant 0 : i32
    %c0_i32_0 = arith.constant 0 : i32
    %c0_i32_1 = arith.constant 0 : i32
    return %c0_i32, %c0_i32_0 : i32, i32
  }
  func.func @transform_6(%arg0: i32) -> (i32, i32) {
    %c0_i32 = arith.constant 0 : i32
    %c0_i32_0 = arith.constant 0 : i32
    %c0_i32_1 = arith.constant 0 : i32
    return %c0_i32, %c0_i32_0 : i32, i32
  }
  func.func @transform_7(%arg0: i32) -> (i32, i32) {
    %c0_i32 = arith.constant 0 : i32
    %c0_i32_0 = arith.constant 0 : i32
    %c0_i32_1 = arith.constant 0 : i32
    return %c0_i32, %c0_i32_0 : i32, i32
  }
  func.func @transform_8(%arg0: i32) -> (i32, i32) {
    %c0_i32 = arith.constant 0 : i32
    %c0_i32_0 = arith.constant 0 : i32
    return %arg0, %c0_i32 : i32, i32
  }
}

module attributes {stable_mosaic.version = 14 : i64} {
  func.func @_finish_body(%arg0: memref<2x10240x128xf32, #tpu.memory_space<vmem>>, %arg1: memref<10000x32xf32, #tpu.memory_space<vmem>>, %arg2: memref<1x32xf32, #tpu.memory_space<vmem>>, %arg3: memref<32x32xf32, #tpu.memory_space<vmem>>, %arg4: memref<32x32xf32, #tpu.memory_space<vmem>>, %arg5: memref<32x32xf32, #tpu.memory_space<vmem>>, %arg6: memref<1x32xf32, #tpu.memory_space<vmem>>, %arg7: memref<1x32xf32, #tpu.memory_space<vmem>>, %arg8: memref<1x32xf32, #tpu.memory_space<vmem>>, %arg9: memref<1x32xf32, #tpu.memory_space<vmem>>, %arg10: memref<32x32xf32, #tpu.memory_space<vmem>>, %arg11: memref<1x32xf32, #tpu.memory_space<vmem>>, %arg12: memref<1x32xf32, #tpu.memory_space<vmem>>, %arg13: memref<1x32xf32, #tpu.memory_space<vmem>>, %arg14: memref<10000x32xf32, #tpu.memory_space<vmem>>) attributes {dimension_semantics = [], scalar_prefetch = 0 : i64, scratch_operands = 0 : i64, tpu.core_type = #tpu.core_type<tc>} {
    %get3A = arith.constant 0 : index
    %get3A_0 = arith.constant 0 : index
    %get3A_1 = arith.constant 0 : index
    %get3A_2 = vector.load %arg0[%get3A, %get3A_0, %get3A_1] : memref<2x10240x128xf32, #tpu.memory_space<vmem>>, vector<1x10000x32xf32>
    %get3A_3 = vector.shape_cast %get3A_2 : vector<1x10000x32xf32> to vector<10000x32xf32>
    %get3A_4 = arith.constant 1 : index
    %get3A_5 = arith.constant 0 : index
    %get3A_6 = arith.constant 0 : index
    %get3A_7 = vector.load %arg0[%get3A_4, %get3A_5, %get3A_6] : memref<2x10240x128xf32, #tpu.memory_space<vmem>>, vector<1x10000x32xf32>
    %get3A_8 = vector.shape_cast %get3A_7 : vector<1x10000x32xf32> to vector<10000x32xf32>
    %add3A = arith.addf %get3A_3, %get3A_8 : vector<10000x32xf32>
    %get3A_9 = arith.constant 0 : index
    %get3A_10 = arith.constant 0 : index
    %get3A_11 = vector.load %arg2[%get3A_9, %get3A_10] : memref<1x32xf32, #tpu.memory_space<vmem>>, vector<1x32xf32>
    %add3A_12 = vector.broadcast %get3A_11 : vector<1x32xf32> to vector<10000x32xf32>
    %add3A_13 = arith.addf %add3A, %add3A_12 : vector<10000x32xf32>
    %max3A = arith.constant 0.000000e+00 : f32
    %max3A_14 = vector.broadcast %max3A : f32 to vector<10000x32xf32>
    %max3A_15 = arith.maximumf %add3A_13, %max3A_14 : vector<10000x32xf32>
    %get3A_16 = arith.constant 0 : index
    %get3A_17 = arith.constant 0 : index
    %get3A_18 = vector.load %arg3[%get3A_16, %get3A_17] : memref<32x32xf32, #tpu.memory_space<vmem>>, vector<32x32xf32>
    %dot_general3A = arith.constant dense<0.000000e+00> : vector<10000x32xf32>
    %dot_general3A_19 = tpu.matmul %max3A_15, %get3A_18, %dot_general3A {dimension_numbers = #tpu.dot_dimension_numbers<[1], [0], [0], [1], [0, 0, 1, 1], [], []>, transpose_lhs_hint = false} : vector<10000x32xf32>, vector<32x32xf32>, vector<10000x32xf32> -> vector<10000x32xf32>
    %get3A_20 = arith.constant 0 : index
    %get3A_21 = arith.constant 0 : index
    %get3A_22 = vector.load %arg6[%get3A_20, %get3A_21] : memref<1x32xf32, #tpu.memory_space<vmem>>, vector<1x32xf32>
    %add3A_23 = vector.broadcast %get3A_22 : vector<1x32xf32> to vector<10000x32xf32>
    %add3A_24 = arith.addf %dot_general3A_19, %add3A_23 : vector<10000x32xf32>
    %logistic3A = arith.negf %add3A_24 : vector<10000x32xf32>
    %logistic3A_25 = math.exp %logistic3A : vector<10000x32xf32>
    %logistic3A_26 = arith.constant 1.000000e+00 : f32
    %logistic3A_27 = vector.broadcast %logistic3A_26 : f32 to vector<10000x32xf32>
    %logistic3A_28 = arith.addf %logistic3A_27, %logistic3A_25 : vector<10000x32xf32>
    %logistic3A_29 = arith.divf %logistic3A_27, %logistic3A_28 : vector<10000x32xf32>
    %get3A_30 = arith.constant 0 : index
    %get3A_31 = arith.constant 0 : index
    %get3A_32 = vector.load %arg4[%get3A_30, %get3A_31] : memref<32x32xf32, #tpu.memory_space<vmem>>, vector<32x32xf32>
    %dot_general3A_33 = arith.constant dense<0.000000e+00> : vector<10000x32xf32>
    %dot_general3A_34 = tpu.matmul %max3A_15, %get3A_32, %dot_general3A_33 {dimension_numbers = #tpu.dot_dimension_numbers<[1], [0], [0], [1], [0, 0, 1, 1], [], []>, transpose_lhs_hint = false} : vector<10000x32xf32>, vector<32x32xf32>, vector<10000x32xf32> -> vector<10000x32xf32>
    %get3A_35 = arith.constant 0 : index
    %get3A_36 = arith.constant 0 : index
    %get3A_37 = vector.load %arg7[%get3A_35, %get3A_36] : memref<1x32xf32, #tpu.memory_space<vmem>>, vector<1x32xf32>
    %add3A_38 = vector.broadcast %get3A_37 : vector<1x32xf32> to vector<10000x32xf32>
    %add3A_39 = arith.addf %dot_general3A_34, %add3A_38 : vector<10000x32xf32>
    %logistic3A_40 = arith.negf %add3A_39 : vector<10000x32xf32>
    %logistic3A_41 = math.exp %logistic3A_40 : vector<10000x32xf32>
    %logistic3A_42 = arith.constant 1.000000e+00 : f32
    %logistic3A_43 = vector.broadcast %logistic3A_42 : f32 to vector<10000x32xf32>
    %logistic3A_44 = arith.addf %logistic3A_43, %logistic3A_41 : vector<10000x32xf32>
    %logistic3A_45 = arith.divf %logistic3A_43, %logistic3A_44 : vector<10000x32xf32>
    %get3A_46 = arith.constant 0 : index
    %get3A_47 = arith.constant 0 : index
    %get3A_48 = vector.load %arg5[%get3A_46, %get3A_47] : memref<32x32xf32, #tpu.memory_space<vmem>>, vector<32x32xf32>
    %dot_general3A_49 = arith.constant dense<0.000000e+00> : vector<10000x32xf32>
    %dot_general3A_50 = tpu.matmul %max3A_15, %get3A_48, %dot_general3A_49 {dimension_numbers = #tpu.dot_dimension_numbers<[1], [0], [0], [1], [0, 0, 1, 1], [], []>, transpose_lhs_hint = false} : vector<10000x32xf32>, vector<32x32xf32>, vector<10000x32xf32> -> vector<10000x32xf32>
    %get3A_51 = arith.constant 0 : index
    %get3A_52 = arith.constant 0 : index
    %get3A_53 = vector.load %arg8[%get3A_51, %get3A_52] : memref<1x32xf32, #tpu.memory_space<vmem>>, vector<1x32xf32>
    %add3A_54 = vector.broadcast %get3A_53 : vector<1x32xf32> to vector<10000x32xf32>
    %add3A_55 = arith.addf %dot_general3A_50, %add3A_54 : vector<10000x32xf32>
    %get3A_56 = arith.constant 0 : index
    %get3A_57 = arith.constant 0 : index
    %get3A_58 = vector.load %arg9[%get3A_56, %get3A_57] : memref<1x32xf32, #tpu.memory_space<vmem>>, vector<1x32xf32>
    %mul3A = vector.broadcast %get3A_58 : vector<1x32xf32> to vector<10000x32xf32>
    %mul3A_59 = arith.mulf %logistic3A_29, %mul3A : vector<10000x32xf32>
    %add3A_60 = arith.addf %add3A_55, %mul3A_59 : vector<10000x32xf32>
    %tanh3A = math.tanh %add3A_60 : vector<10000x32xf32>
    %sub3A = arith.constant 1.000000e+00 : f32
    %sub3A_61 = vector.broadcast %sub3A : f32 to vector<10000x32xf32>
    %sub3A_62 = arith.subf %sub3A_61, %logistic3A_45 : vector<10000x32xf32>
    %mul3A_63 = arith.mulf %sub3A_62, %tanh3A : vector<10000x32xf32>
    %get3A_64 = arith.constant 0 : index
    %get3A_65 = arith.constant 0 : index
    %get3A_66 = vector.load %arg1[%get3A_64, %get3A_65] : memref<10000x32xf32, #tpu.memory_space<vmem>>, vector<10000x32xf32>
    %get3A_67 = arith.constant 0 : index
    %get3A_68 = arith.constant 0 : index
    %get3A_69 = vector.load %arg10[%get3A_67, %get3A_68] : memref<32x32xf32, #tpu.memory_space<vmem>>, vector<32x32xf32>
    %dot_general3A_70 = arith.constant dense<0.000000e+00> : vector<10000x32xf32>
    %dot_general3A_71 = tpu.matmul %get3A_66, %get3A_69, %dot_general3A_70 {dimension_numbers = #tpu.dot_dimension_numbers<[1], [0], [0], [1], [0, 0, 1, 1], [], []>, transpose_lhs_hint = false} : vector<10000x32xf32>, vector<32x32xf32>, vector<10000x32xf32> -> vector<10000x32xf32>
    %add3A_72 = arith.addf %mul3A_63, %dot_general3A_71 : vector<10000x32xf32>
    %get3A_73 = arith.constant 0 : index
    %get3A_74 = arith.constant 0 : index
    %get3A_75 = vector.load %arg11[%get3A_73, %get3A_74] : memref<1x32xf32, #tpu.memory_space<vmem>>, vector<1x32xf32>
    %add3A_76 = vector.broadcast %get3A_75 : vector<1x32xf32> to vector<10000x32xf32>
    %add3A_77 = arith.addf %add3A_72, %add3A_76 : vector<10000x32xf32>
    %reduce_sum3A = arith.constant dense<0.000000e+00> : vector<32xf32>
    %reduce_sum3A_78 = vector.multi_reduction <add>, %add3A_77, %reduce_sum3A [0] : vector<10000x32xf32> to vector<32xf32>
    %broadcast_in_dim3A = vector.shape_cast %reduce_sum3A_78 : vector<32xf32> to vector<1x32xf32>
    %div3A = arith.constant 1.000000e+04 : f32
    %div3A_79 = vector.broadcast %div3A : f32 to vector<1x32xf32>
    %div3A_80 = arith.divf %broadcast_in_dim3A, %div3A_79 : vector<1x32xf32>
    %sub3A_81 = vector.broadcast %div3A_80 : vector<1x32xf32> to vector<10000x32xf32>
    %sub3A_82 = arith.subf %add3A_77, %sub3A_81 : vector<10000x32xf32>
    %integer_pow3A = arith.mulf %sub3A_82, %sub3A_82 : vector<10000x32xf32>
    %reduce_sum3A_83 = arith.constant dense<0.000000e+00> : vector<32xf32>
    %reduce_sum3A_84 = vector.multi_reduction <add>, %integer_pow3A, %reduce_sum3A_83 [0] : vector<10000x32xf32> to vector<32xf32>
    %broadcast_in_dim3A_85 = vector.shape_cast %reduce_sum3A_84 : vector<32xf32> to vector<1x32xf32>
    %div3A_86 = arith.constant 1.000000e+04 : f32
    %div3A_87 = vector.broadcast %div3A_86 : f32 to vector<1x32xf32>
    %div3A_88 = arith.divf %broadcast_in_dim3A_85, %div3A_87 : vector<1x32xf32>
    %sub3A_89 = vector.broadcast %div3A_80 : vector<1x32xf32> to vector<10000x32xf32>
    %sub3A_90 = arith.subf %add3A_77, %sub3A_89 : vector<10000x32xf32>
    %add3A_91 = arith.constant 9.99999974E-6 : f32
    %add3A_92 = vector.broadcast %add3A_91 : f32 to vector<1x32xf32>
    %add3A_93 = arith.addf %div3A_88, %add3A_92 : vector<1x32xf32>
    %rsqrt3A = math.rsqrt %add3A_93 : vector<1x32xf32>
    %mul3A_94 = vector.broadcast %rsqrt3A : vector<1x32xf32> to vector<10000x32xf32>
    %mul3A_95 = arith.mulf %sub3A_90, %mul3A_94 : vector<10000x32xf32>
    %get3A_96 = arith.constant 0 : index
    %get3A_97 = arith.constant 0 : index
    %get3A_98 = vector.load %arg12[%get3A_96, %get3A_97] : memref<1x32xf32, #tpu.memory_space<vmem>>, vector<1x32xf32>
    %mul3A_99 = vector.broadcast %get3A_98 : vector<1x32xf32> to vector<10000x32xf32>
    %mul3A_100 = arith.mulf %mul3A_95, %mul3A_99 : vector<10000x32xf32>
    %get3A_101 = arith.constant 0 : index
    %get3A_102 = arith.constant 0 : index
    %get3A_103 = vector.load %arg13[%get3A_101, %get3A_102] : memref<1x32xf32, #tpu.memory_space<vmem>>, vector<1x32xf32>
    %add3A_104 = vector.broadcast %get3A_103 : vector<1x32xf32> to vector<10000x32xf32>
    %add3A_105 = arith.addf %mul3A_100, %add3A_104 : vector<10000x32xf32>
    %swap3A = arith.constant 0 : index
    %swap3A_106 = arith.constant 0 : index
    %swap3A_107 = vector.load %arg14[%swap3A, %swap3A_106] : memref<10000x32xf32, #tpu.memory_space<vmem>>, vector<10000x32xf32>
    tpu.vector_store %arg14[%swap3A, %swap3A_106], %add3A_105 {strides = array<i32>} : memref<10000x32xf32, #tpu.memory_space<vmem>>, vector<10000x32xf32>,
    return
  }
}

</mosaic_0001>

<sc_bundles>
// kernel: kernel.15.cloned.1.call-start
scs
__scs_entry_jumppad:
0x0: {  	(pc) =	sbr.rel $0x88, $3  }
0x1: {  	(tag) =	ssettag $0x0;
	lr =	simm.s32 $0x1  }
0x2: {  	[smem:$0x3F92] =	sst lr;
	_ =	strace $0xD0000000  }
0x3: {  	_ = 	snop  }
0x4: {  	_ = 	snop  }
0x5: {  	_ = 	snop  }
0x6: {  	_ = 	snop  }
0x7: {  	_ = 	snop  }
__scs_overlays_trampoline_lowered:
0x8: {  	[smem:$0x3FA1] =	sst s0  }
0x9: {  	[smem:$0x3FA2] =	sst s1  }
0xa: {  	[smem:$0x3FA3] =	sst s2  }
0xb: {  	[smem:$0x3FA4] =	sst s3  }
0xc: {  	[smem:$0x3FA5] =	sst s4  }
0xd: {  	[smem:$0x3FA6] =	sst s5  }
0xe: {  	[smem:$0x3FA7] =	sst s6  }
0xf: {  	[smem:$0x3FA8] =	sst s7  }
0x10: {  	[smem:$0x3FA9] =	sst s8  }
0x11: {  	[smem:$0x3FAA] =	sst s9;
	s0 =	simm.s32 @!p0 $0x0  }
0x12: {  	s1 =	sld [smem:$0x3F90];
	s0 =	simm.s32 @p0 $0x1  }
0x13: {  	[smem:$0x3FAB] =	sst s0;
	s0 =	simm.s32 @!p1 $0x0  }
0x14: {  	s2 =	sld [smem:$0x3F8F];
	s0 =	simm.s32 @p1 $0x1  }
0x15: {  	[smem:$0x3FAC] =	sst s0;
	s0 =	simm.s32 @!p2 $0x0  }
0x16: {  	s3 =	sld [smem:$0x3FDB];
	s0 =	simm.s32 @p2 $0x1  }
0x17: {  	s4 =	simm.s32 $0x1BF5;
	[smem:$0x3FAE] =	sst s0  }
0x18: {  	s0 =	sld [smem:$0x3F91];
	_ =	swait.ge [sflag:s4], $0x0  }
0x19: {  	s7 =	sld [smem:$0x3F92]  }
0x1a: {  	s8 =	sadd.s32 $0xFFFFE003, lr  }
0x1b: {  	s9 =	sadd.s32 $0xFFFFFEF7, lr;
	s5 =	simm.s32 $0xFFFFFFFF;
	p2 =	slt.u32 s8, $0xFFFFF086  }
0x1c: {  	p1 =	slt.u32 s9, $0xF7A;
	s5 =	simm.s32 @!p2 $0x0  }
0x1d: {  	s5 =	simm.s32 @p1 $0x1;
	p0 =	seq.s32 s7, s2  }
0x1e: {  	s7 =	smul.u32 @!p0 $0xF7A, s2;
	p2 =	seq.s32 @!p0 s5, $0x0  }
0x1f: {  	s9 =	smul.u32 $0xF7A, s1;
	s8 =	simm.s32 @!p0 $0x1BF5;
	p2 =	por !p2, p0  }
0x20: {  	[sflag:s8] =	ssyncset.s32 @!p0 $0xFFFFF086;
	s6 =	sadd.s32 @!p0 s3, s7;
	s7 =	simm.s32 @!p0 $0x108  }
0x21: {  	s3 =	sadd.s32 s3, s9;
	s6 =	sadd.s32 @!p0 $0x88, s6;
	s7 =	simm.s32 @p2 $0x1082  }
0x22: {  	[simem:s7], [sflag:s8] =	dma.local @!p0 [hbm:s6], $0xF7A  }
0x23: {  	s9 =	sor.u32 $0xD0000000, s2;
	s6 =	simm.s32 $0x108;
	_ =	swait.ge @!p0 [sflag:s8], $0x0  }
0x24: {  	s3 =	sadd.s32 $0x88, s3;
	s6 =	simm.s32 @!p1 $0x1082;
	[sflag:s4] =	ssyncset.s32 $0xFFFFF086  }
0x25: {  	[simem:s6], [sflag:s4] =	dma.local [hbm:s3], $0xF7A  }
0x26: {  	[smem:$0x3F92] =	sst s1;
	(tag) =	ssettag s2;
	_ =	strace s9  }
0x27: {  	s1 =	sld [smem:$0x3FA2]  }
0x28: {  	s2 =	sld [smem:$0x3FA3]  }
0x29: {  	s4 =	sld [smem:$0x3FA5]  }
0x2a: {  	p0 =	seq.s32 s5, $0x0;
	s5 =	sld [smem:$0x3FA6]  }
0x2b: {  	s6 =	sld [smem:$0x3FA7]  }
0x2c: {  	s7 =	sld [smem:$0x3FA8]  }
0x2d: {  	s3 =	simm.s32 $0x108;
	s8 =	sld [smem:$0x3FA9]  }
0x2e: {  	s3 =	simm.s32 @!p0 $0x1082;
	s9 =	sld [smem:$0x3FAA]  }
0x2f: {  	lr =	sadd.s32 s0, s3;
	s0 =	sld [smem:$0x3FA1]  }
0x30: {  	s3 =	sld [smem:$0x3FA4]  }
0x31: {  	[smem:$0x3FAD] =	sst s10  }
0x32: {  	s10 =	sld [smem:$0x3FAB];
	_ =	sdelay $0x3  }
0x33: {  	p0 =	seq.s32 s10, $0x1;
	s10 =	sld [smem:$0x3FAD];
	_ =	sdelay $0x3  }
0x34: {  	[smem:$0x3FAD] =	sst s10  }
0x35: {  	s10 =	sld [smem:$0x3FAC];
	_ =	sdelay $0x3  }
0x36: {  	p1 =	seq.s32 s10, $0x1;
	s10 =	sld [smem:$0x3FAD];
	_ =	sdelay $0x3  }
0x37: {  	[smem:$0x3FAD] =	sst s10  }
0x38: {  	s10 =	sld [smem:$0x3FAE]  }
0x39: {  	_ = 	snop;
	(pc) =	sbr.ind lr, $3  }
0x3a: {  	_ = 	snop  }
0x3b: {  	_ = 	snop  }
0x3c: {  	p2 =	seq.s32 s10, $0x1;
	s10 =	sld [smem:$0x3FAD]  }
0x3d: {  	_ =	shalt  }
0x3e: {  	_ =	shalt  }
0x3f: {  	_ =	shalt  }
0x40: {  	_ =	shalt  }
0x41: {  	_ =	shalt  }
0x42: {  	_ =	shalt  }
0x43: {  	_ =	shalt  }
0x44: {  	_ =	shalt  }
0x45: {  	_ =	shalt  }
0x46: {  	_ =	shalt  }
0x47: {  	_ =	shalt  }
0x48: {  	_ =	shalt  }
0x49: {  	_ =	shalt  }
0x4a: {  	_ =	shalt  }
0x4b: {  	_ =	shalt  }
0x4c: {  	_ =	shalt  }
0x4d: {  	_ =	shalt  }
0x4e: {  	_ =	shalt  }
0x4f: {  	_ =	shalt  }
0x50: {  	_ =	shalt  }
0x51: {  	_ =	shalt  }
0x52: {  	_ =	shalt  }
0x53: {  	_ =	shalt  }
0x54: {  	_ =	shalt  }
0x55: {  	_ =	shalt  }
0x56: {  	_ =	shalt  }
0x57: {  	_ =	shalt  }
0x58: {  	_ =	shalt  }
0x59: {  	_ =	shalt  }
0x5a: {  	_ =	shalt  }
0x5b: {  	_ =	shalt  }
0x5c: {  	_ =	shalt  }
0x5d: {  	_ =	shalt  }
0x5e: {  	_ =	shalt  }
0x5f: {  	_ =	shalt  }
0x60: {  	_ =	shalt  }
0x61: {  	_ =	shalt  }
0x62: {  	_ =	shalt  }
0x63: {  	_ =	shalt  }
0x64: {  	_ =	shalt  }
0x65: {  	_ =	shalt  }
0x66: {  	_ =	shalt  }
0x67: {  	_ =	shalt  }
0x68: {  	_ =	shalt  }
0x69: {  	_ =	shalt  }
0x6a: {  	_ =	shalt  }
0x6b: {  	_ =	shalt  }
0x6c: {  	_ =	shalt  }
0x6d: {  	_ =	shalt  }
0x6e: {  	_ =	shalt  }
0x6f: {  	_ =	shalt  }
0x70: {  	_ =	shalt  }
0x71: {  	_ =	shalt  }
0x72: {  	_ =	shalt  }
0x73: {  	_ =	shalt  }
0x74: {  	_ =	shalt  }
0x75: {  	_ =	shalt  }
0x76: {  	_ =	shalt  }
0x77: {  	_ =	shalt  }
0x78: {  	_ =	shalt  }
0x79: {  	_ =	shalt  }
0x7a: {  	_ =	shalt  }
0x7b: {  	_ =	shalt  }
0x7c: {  	_ =	shalt  }
0x7d: {  	_ =	shalt  }
0x7e: {  	_ =	shalt  }
0x7f: {  	_ =	shalt  }
0x80: {  	_ =	shalt  }
0x81: {  	_ =	shalt  }
0x82: {  	_ =	shalt  }
0x83: {  	_ =	shalt  }
0x84: {  	_ =	shalt  }
0x85: {  	_ =	shalt  }
0x86: {  	_ =	shalt  }
0x87: {  	_ =	shalt  }
.Lfunc_end0:
.L_simem_size_0:
called_computation_lowered:
.L_overlay_start_0:
0x88: {  	s2 =	sld [smem:$0x3FD9]  }
0x89: {  	s3 =	sld [smem:$0x3FFE];
	_ =	sdelay $0x1  }
0x8a: {  	s1 =	srdreg.scid  }
0x8b: {  	s0 =	sand.u32 $0x1, s1  }
0x8c: {  	s16 =	sshll.u32 s0, $0xA;
	s2 =	sadd.s32 s3, s2  }
0x8d: {  	s2 =	sadd.s32 s2, s16  }
0x8e: {  	[smem:$0x3FB9] =	sst s2  }
0x8f: {  	_ = 	snop  }
0x90: {  	(tm) =	ssettm $0x1  }
0x91: {  	s17 =	sld [smem:$0x3FFB];
	_ =	sdelay $0x3  }
0x92: {  	_ =	strace s17  }
0x93: {  	s2 =	sld [smem:$0x3FFC];
	_ =	sdelay $0x3  }
0x94: {  	_ =	strace s2  }
0x95: {  	s2 =	sld [smem:$0x3FFD];
	_ =	sdelay $0x3  }
0x96: {  	_ =	strace s2  }
0x97: {  	_ =	strace $0x8FFFFFFF  }
0x98: {  	s18 =	sld [smem:$0x3FDB];
	_ =	sdelay $0x1  }
0x99: {  	s19 =	simm.s32 $_scs_section_size  }
0x9a: {  	s4 =	simm.s32 $_size__tile_overlayer_lowered;
	s5 =	simm.s32 $_tile_overlayer_lowered  }
0x9b: {  	s22 =	simm.s32 $0x1BFF;
	s21 =	sshll.u32 s5, $0x1;
	s2 =	sadd.s32 s19, s18  }
0x9c: {  	s6 =	simm.s32 $0x0;
	s20 =	sshll.u32 s4, $0x1;
	s4 =	sadd.s32 s21, s2  }
0x9d: {  	[timem:s6], [sflag:s22] =	dma.local [hbm:s4], s20  }
0x9e: {  	_ =	swait.ge [sflag:s22], s20  }
0x9f: {  	s3 =	ssub.s32 $0x0, s20;
	[sflag:s22] =	ssyncset.done $0x0  }
0xa0: {  	[sflag:s22] =	ssyncadd.s32 s3;
	_ =	sdelay $0x1  }
0xa1: {  	s23 =	simm.s32 $0x1B8B  }
0xa2: {  	_ =	swait.ge [sflag:s23], $0x1  }
0xa3: {  	[sflag:s23] =	ssyncset.done $0x0  }
0xa4: {  	s25 =	simm.s32 $0x1B8E;
	s24 =	sld [smem:$0x3FFE];
	[sflag:s23] =	ssyncadd.s32 $0xFFFFFFFF  }
0xa5: {  	s26 =	simm.s32 $execute0_lowered;
	[smem:$0x3FD2] =	sst s25  }
0xa6: {  	s4 =	sshll.u32 s26, $0x1;
	_ =	strace $0x80000046;
	[dreg:$0x1] =	wrdreg $0xFFFFFFFF  }
0xa7: {  	s28 =	simm.s32 $_size_execute0_lowered;
	s2 =	sadd.s32 s2, s4;
	[dreg:$0x0] =	wrdreg $0x0  }
0xa8: {  	s4 =	sshll.u32 s28, $0x1;
	[dreg:$0x2] =	wrdreg s2  }
0xa9: {  	[dreg:$0x3] =	wrdreg s4  }
0xaa: {  	[dreg:$0x4] =	wrdreg $0xC0  }
0xab: {  	_ =	task [dreg:s6], $0x5FFFF  }
0xac: {  	[dreg:$0x1] =	wrdreg $0xFFFFFFFF  }
0xad: {  	[dreg:$0x0] =	wrdreg $0x60  }
0xae: {  	[dreg:$0x2] =	wrdreg s24  }
0xaf: {  	[dreg:$0x3] =	wrdreg $0x9  }
0xb0: {  	_ =	task.clear_ibuf [dreg:s6], $0x4FFFF;
	_ =	strace $0x90000046  }
0xb1: {  	s29 =	simm.s32 $0x9;
	_ =	strace $0x80000048  }
0xb2: {  	_ =	swait.ge [sflag:s29], $0x1  }
0xb3: {  	[sflag:s29] =	ssyncadd.s32 $0xFFFFFFFF  }
0xb4: {  	_ =	strace $0x90000048  }
0xb5: {  	_ =	sfence  }
0xb6: {  	s30 =	sld [smem:$0x0];
	_ =	sdelay $0x2  }
0xb7: {  	s31 =	sshll.u32 s1, $0xD;
	s1 =	sshrl.u32 s1, $0x2  }
0xb8: {  	s3 =	sand.u32 $0x4000, s31;
	s1 =	sadd.s32 s1, s30  }
0xb9: {  	s0 =	sor.u32 s3, s0;
	s1 =	sshll.u32 s1, $0x11  }
0xba: {  	s0 =	sor.u32 s1, s0  }
0xbb: {  	s0 =	sadd.s32 $0x8F2B, s0  }
0xbc: {  	[sflag:s0] =	ssyncadd.remote.s32 $0x1  }
0xbd: {  	_ =	sfence.sel $0xFFFF  }
0xbe: {  	[dreg:$0x0] =	wrdreg $0xFFFFFFFF;
	(pc) =	sbr.abs _section_cstart, $3  }
0xbf: {  	[dreg:$0x1] =	wrdreg $0xFFFFFFFF  }
0xc0: {  	_ =	task.clear_ibuf [dreg:s6], $0x2FFFF;
	_ =	strace $0x9FFFFFFF  }
0xc1: {  	(tm) =	ssettm $0x7FFFFFFF  }
tec
execute0_lowered:
.L_overlay_start_1:
0x0: {  	(tag) =	ssettag $0x1  }
0x1: {  	s1 =	srdreg.scid;
	s0 =	stileid.u32  }
0x2: {  	s29 =	sand.u32 $0x1, s1;
	s26 =	sshll.u32 s0, $0x1  }
0x3: {  	s11 =	sor.u32 s29, s26  }
0x4: {  	s10 =	rddreg [dreg:$0x0];
	s3 =	smul.u32 $0xA0, s11  }
0x5: {  	s2 =	simm.s32 $0x0;
	s1 =	rddreg [dreg:$0x1]  }
0x6: {  	[smem:$0x7FF] =	sst s2;
	s3 =	sadd.s32 s3, s10  }
0x7: {  	_ =	strace $0x80000047;
	s4 =	sadd.s32 $0x2BE00, s3;
	s3 =	simm.s32 $0x3  }
0x8: {  	[tilespmem:s2], [sflag:$0x3] =	stream.linear.gather [hbm4b:s4+s2], $0x500, $0x38;
	[tilespmem:$0x8500] =	vst v63  }
0x9: {  	_ =	swait.ge [sflag:s3], $0x500  }
0xa: {  	s6 =	simm.s32 $0x80;
	[sflag:s3] =	ssyncset.done $0x0  }
0xb: {  	s7 =	simm.s32 $0x500;
	s5 =	sadd.s32 $0x30E00, s10;
	[sflag:s3] =	ssyncadd.s32 $0xFFFFFB00  }
0xc: {  	[tilespmem:s7], [sflag:$0x1] =	stream.indirect.gather [hbm4b:s5+s6], $0x80, s2, s6, $0xb8;
	[tilespmem:$0x8500] =	vst v63  }
0xd: {  	s8 =	simm.s32 $0x4500;
	s9 =	simm.s32 $0x1;
	s12 =	smul.u32 $0x28000, s11  }
0xe: {  	[tilespmem:s8], [sflag:$0x2] =	stream.indirect.gather [hbm4b:s5+s6], $0x80, s6, s6, $0xb8;
	[tilespmem:$0x8500] =	vst v63  }
0xf: {  	_ =	swait.ge [sflag:s9], $0x4000  }
0x10: {  	s13 =	sadd.s32 $0x58000, s10;
	s31 =	sshrl.u32 s12, $0x3;
	[sflag:s9] =	ssyncset.done $0x0  }
0x11: {  	s10 =	sadd.s32 s13, s31;
	[sflag:s9] =	ssyncadd.s32 $0xFFFFC000  }
0x12: {  	[hbm4b:s10+s2] =	stream.linear.scatter [tilespmem:s7], [sflag:$0x3], $0x4000, $0x38;
	[tilespmem:$0x8500] =	vst v63  }
0x13: {  	_ =	swait.ge [sflag:s3], $0x4000  }
0x14: {  	s14 =	smul.u32 $0x5000, s11;
	[sflag:s3] =	ssyncset.done $0x0  }
0x15: {  	s11 =	simm.s32 $0x100;
	s12 =	simm.s32 $0x2;
	[sflag:s3] =	ssyncadd.s32 $0xFFFFC000  }
0x16: {  	[tilespmem:s7], [sflag:$0x1] =	stream.indirect.gather [hbm4b:s5+s6], $0x80, s11, s6, $0xb8;
	[tilespmem:$0x8500] =	vst v63  }
0x17: {  	_ =	swait.ge [sflag:s12], $0x4000  }
0x18: {  	s30 =	sadd.s32 s13, s14;
	[sflag:s12] =	ssyncset.done $0x0  }
0x19: {  	s13 =	sadd.s32 $0x800, s30;
	[sflag:s12] =	ssyncadd.s32 $0xFFFFC000  }
0x1a: {  	[hbm4b:s13+s2] =	stream.linear.scatter [tilespmem:s8], [sflag:$0x3], $0x4000, $0x38;
	[tilespmem:$0x8500] =	vst v63  }
0x1b: {  	_ =	swait.ge [sflag:s3], $0x4000  }
0x1c: {  	[sflag:s3] =	ssyncset.done $0x0  }
0x1d: {  	s14 =	simm.s32 $0x180;
	[sflag:s3] =	ssyncadd.s32 $0xFFFFC000  }
0x1e: {  	[tilespmem:s8], [sflag:$0x2] =	stream.indirect.gather [hbm4b:s5+s6], $0x80, s14, s6, $0xb8;
	[tilespmem:$0x8500] =	vst v63  }
0x1f: {  	_ =	swait.ge [sflag:s9], $0x4000  }
0x20: {  	[sflag:s9] =	ssyncset.done $0x0  }
0x21: {  	s15 =	sadd.s32 $0x1000, s10;
	[sflag:s9] =	ssyncadd.s32 $0xFFFFC000  }
0x22: {  	[hbm4b:s15+s2] =	stream.linear.scatter [tilespmem:s7], [sflag:$0x3], $0x4000, $0x38;
	[tilespmem:$0x8500] =	vst v63  }
0x23: {  	_ =	swait.ge [sflag:s3], $0x4000  }
0x24: {  	[sflag:s3] =	ssyncset.done $0x0  }
0x25: {  	s16 =	simm.s32 $0x200;
	[sflag:s3] =	ssyncadd.s32 $0xFFFFC000  }
0x26: {  	[tilespmem:s7], [sflag:$0x1] =	stream.indirect.gather [hbm4b:s5+s6], $0x80, s16, s6, $0xb8;
	[tilespmem:$0x8500] =	vst v63  }
0x27: {  	_ =	swait.ge [sflag:s12], $0x4000  }
0x28: {  	[sflag:s12] =	ssyncset.done $0x0  }
0x29: {  	s17 =	sadd.s32 $0x1800, s30;
	[sflag:s12] =	ssyncadd.s32 $0xFFFFC000  }
0x2a: {  	[hbm4b:s17+s2] =	stream.linear.scatter [tilespmem:s8], [sflag:$0x3], $0x4000, $0x38;
	[tilespmem:$0x8500] =	vst v63  }
0x2b: {  	_ =	swait.ge [sflag:s3], $0x4000  }
0x2c: {  	[sflag:s3] =	ssyncset.done $0x0  }
0x2d: {  	s18 =	simm.s32 $0x280;
	[sflag:s3] =	ssyncadd.s32 $0xFFFFC000  }
0x2e: {  	[tilespmem:s8], [sflag:$0x2] =	stream.indirect.gather [hbm4b:s5+s6], $0x80, s18, s6, $0xb8;
	[tilespmem:$0x8500] =	vst v63  }
0x2f: {  	_ =	swait.ge [sflag:s9], $0x4000  }
0x30: {  	[sflag:s9] =	ssyncset.done $0x0  }
0x31: {  	s19 =	sadd.s32 $0x2000, s10;
	[sflag:s9] =	ssyncadd.s32 $0xFFFFC000  }
0x32: {  	[hbm4b:s19+s2] =	stream.linear.scatter [tilespmem:s7], [sflag:$0x3], $0x4000, $0x38;
	[tilespmem:$0x8500] =	vst v63  }
0x33: {  	_ =	swait.ge [sflag:s3], $0x4000  }
0x34: {  	[sflag:s3] =	ssyncset.done $0x0  }
0x35: {  	s20 =	simm.s32 $0x300;
	[sflag:s3] =	ssyncadd.s32 $0xFFFFC000  }
0x36: {  	[tilespmem:s7], [sflag:$0x1] =	stream.indirect.gather [hbm4b:s5+s6], $0x80, s20, s6, $0xb8;
	[tilespmem:$0x8500] =	vst v63  }
0x37: {  	_ =	swait.ge [sflag:s12], $0x4000  }
0x38: {  	[sflag:s12] =	ssyncset.done $0x0  }
0x39: {  	s21 =	sadd.s32 $0x2800, s30;
	[sflag:s12] =	ssyncadd.s32 $0xFFFFC000  }
0x3a: {  	[hbm4b:s21+s2] =	stream.linear.scatter [tilespmem:s8], [sflag:$0x3], $0x4000, $0x38;
	[tilespmem:$0x8500] =	vst v63  }
0x3b: {  	_ =	swait.ge [sflag:s3], $0x4000  }
0x3c: {  	[sflag:s3] =	ssyncset.done $0x0  }
0x3d: {  	s22 =	simm.s32 $0x380;
	[sflag:s3] =	ssyncadd.s32 $0xFFFFC000  }
0x3e: {  	[tilespmem:s8], [sflag:$0x2] =	stream.indirect.gather [hbm4b:s5+s6], $0x80, s22, s6, $0xb8;
	[tilespmem:$0x8500] =	vst v63  }
0x3f: {  	_ =	swait.ge [sflag:s9], $0x4000  }
0x40: {  	[sflag:s9] =	ssyncset.done $0x0  }
0x41: {  	s23 =	sadd.s32 $0x3000, s10;
	[sflag:s9] =	ssyncadd.s32 $0xFFFFC000  }
0x42: {  	[hbm4b:s23+s2] =	stream.linear.scatter [tilespmem:s7], [sflag:$0x3], $0x4000, $0x38;
	[tilespmem:$0x8500] =	vst v63  }
0x43: {  	_ =	swait.ge [sflag:s3], $0x4000  }
0x44: {  	[sflag:s3] =	ssyncset.done $0x0  }
0x45: {  	s24 =	simm.s32 $0x400;
	[sflag:s3] =	ssyncadd.s32 $0xFFFFC000  }
0x46: {  	[tilespmem:s7], [sflag:$0x1] =	stream.indirect.gather [hbm4b:s5+s6], $0x80, s24, s6, $0xb8;
	[tilespmem:$0x8500] =	vst v63  }
0x47: {  	_ =	swait.ge [sflag:s12], $0x4000  }
0x48: {  	[sflag:s12] =	ssyncset.done $0x0  }
0x49: {  	s25 =	sadd.s32 $0x3800, s30;
	[sflag:s12] =	ssyncadd.s32 $0xFFFFC000  }
0x4a: {  	[hbm4b:s25+s2] =	stream.linear.scatter [tilespmem:s8], [sflag:$0x3], $0x4000, $0x38;
	[tilespmem:$0x8500] =	vst v63  }
0x4b: {  	_ =	swait.ge [sflag:s3], $0x4000  }
0x4c: {  	[sflag:s3] =	ssyncset.done $0x0  }
0x4d: {  	s26 =	simm.s32 $0x480;
	[sflag:s3] =	ssyncadd.s32 $0xFFFFC000  }
0x4e: {  	[tilespmem:s8], [sflag:$0x2] =	stream.indirect.gather [hbm4b:s5+s6], $0x80, s26, s6, $0xb8;
	[tilespmem:$0x8500] =	vst v63  }
0x4f: {  	_ =	swait.ge [sflag:s9], $0x4000  }
0x50: {  	[sflag:s9] =	ssyncset.done $0x0  }
0x51: {  	s29 =	ssub.s32 $0x2, s29;
	s28 =	sadd.s32 $0x4000, s10;
	[sflag:s9] =	ssyncadd.s32 $0xFFFFC000  }
0x52: {  	[hbm4b:s28+s2] =	stream.linear.scatter [tilespmem:s7], [sflag:$0x3], $0x4000, $0x38;
	[tilespmem:$0x8500] =	vst v63  }
0x53: {  	s31 =	sshrl.u32 s29, $0x1;
	_ =	swait.ge [sflag:s3], $0x4000  }
0x54: {  	s29 =	ssub.s32 s29, s31;
	[sflag:s3] =	ssyncset.done $0x0  }
0x55: {  	s31 =	smax.u32 s29, $0x1;
	[sflag:s3] =	ssyncadd.s32 $0xFFFFC000  }
0x56: {  	p0 =	sne.s32 s31, $0x1;
	_ =	swait.ge [sflag:s12], $0x4000  }
.Ltmp0:
0x57: {  	[sflag:s12] =	ssyncset.done $0x0;
	(pc) =	sbr.rel @!p0 .LBB2_2-.Ltmp0, $4  }
0x58: {  	s29 =	sadd.s32 $0x4800, s30;
	[sflag:s12] =	ssyncadd.s32 $0xFFFFC000  }
0x59: {  	[hbm4b:s29+s2] =	stream.linear.scatter [tilespmem:s8], [sflag:$0x3], $0x4000, $0x38;
	[tilespmem:$0x8500] =	vst v63  }
0x5a: {  	_ =	swait.ge [sflag:s3], $0x4000  }
0x5b: {  	s30 =	sadd.s32 $0xFFFFFFFF, s31;
	[sflag:s3] =	ssyncset.done $0x0  }
.LBB2_1:
0x5c: {  	p0 =	sne.s32 s30, $0x1;
	s30 =	sadd.s32 $0xFFFFFFFF, s30;
	[sflag:s3] =	ssyncadd.s32 $0xFFFFC000  }
0x5d: {  	[tilespmem:s2], [sflag:$0x3] =	stream.linear.gather [hbm4b:s4+s2], $0x500, $0x38;
	[tilespmem:$0x8500] =	vst v63  }
0x5e: {  	_ =	swait.ge [sflag:s3], $0x500  }
0x5f: {  	[sflag:s3] =	ssyncset.done $0x0  }
0x60: {  	[sflag:s3] =	ssyncadd.s32 $0xFFFFFB00  }
0x61: {  	[tilespmem:s7], [sflag:$0x1] =	stream.indirect.gather [hbm4b:s5+s6], $0x80, s2, s6, $0xb8;
	[tilespmem:$0x8500] =	vst v63  }
0x62: {  	_ = 	snop  }
0x63: {  	[tilespmem:s8], [sflag:$0x2] =	stream.indirect.gather [hbm4b:s5+s6], $0x80, s6, s6, $0xb8;
	[tilespmem:$0x8500] =	vst v63  }
0x64: {  	_ =	swait.ge [sflag:s9], $0x4000  }
0x65: {  	[sflag:s9] =	ssyncset.done $0x0  }
0x66: {  	[sflag:s9] =	ssyncadd.s32 $0xFFFFC000  }
0x67: {  	[hbm4b:s10+s2] =	stream.linear.scatter [tilespmem:s7], [sflag:$0x3], $0x4000, $0x38;
	[tilespmem:$0x8500] =	vst v63  }
0x68: {  	_ =	swait.ge [sflag:s3], $0x4000  }
0x69: {  	[sflag:s3] =	ssyncset.done $0x0  }
0x6a: {  	[sflag:s3] =	ssyncadd.s32 $0xFFFFC000  }
0x6b: {  	[tilespmem:s7], [sflag:$0x1] =	stream.indirect.gather [hbm4b:s5+s6], $0x80, s11, s6, $0xb8;
	[tilespmem:$0x8500] =	vst v63  }
0x6c: {  	_ =	swait.ge [sflag:s12], $0x4000  }
0x6d: {  	[sflag:s12] =	ssyncset.done $0x0  }
0x6e: {  	[sflag:s12] =	ssyncadd.s32 $0xFFFFC000  }
0x6f: {  	[hbm4b:s13+s2] =	stream.linear.scatter [tilespmem:s8], [sflag:$0x3], $0x4000, $0x38;
	[tilespmem:$0x8500] =	vst v63  }
0x70: {  	_ =	swait.ge [sflag:s3], $0x4000  }
0x71: {  	[sflag:s3] =	ssyncset.done $0x0  }
0x72: {  	[sflag:s3] =	ssyncadd.s32 $0xFFFFC000  }
0x73: {  	[tilespmem:s8], [sflag:$0x2] =	stream.indirect.gather [hbm4b:s5+s6], $0x80, s14, s6, $0xb8;
	[tilespmem:$0x8500] =	vst v63  }
0x74: {  	_ =	swait.ge [sflag:s9], $0x4000  }
0x75: {  	[sflag:s9] =	ssyncset.done $0x0  }
0x76: {  	[sflag:s9] =	ssyncadd.s32 $0xFFFFC000  }
0x77: {  	[hbm4b:s15+s2] =	stream.linear.scatter [tilespmem:s7], [sflag:$0x3], $0x4000, $0x38;
	[tilespmem:$0x8500] =	vst v63  }
0x78: {  	_ =	swait.ge [sflag:s3], $0x4000  }
0x79: {  	[sflag:s3] =	ssyncset.done $0x0  }
0x7a: {  	[sflag:s3] =	ssyncadd.s32 $0xFFFFC000  }
0x7b: {  	[tilespmem:s7], [sflag:$0x1] =	stream.indirect.gather [hbm4b:s5+s6], $0x80, s16, s6, $0xb8;
	[tilespmem:$0x8500] =	vst v63  }
0x7c: {  	_ =	swait.ge [sflag:s12], $0x4000  }
0x7d: {  	[sflag:s12] =	ssyncset.done $0x0  }
0x7e: {  	[sflag:s12] =	ssyncadd.s32 $0xFFFFC000  }
0x7f: {  	[hbm4b:s17+s2] =	stream.linear.scatter [tilespmem:s8], [sflag:$0x3], $0x4000, $0x38;
	[tilespmem:$0x8500] =	vst v63  }
0x80: {  	_ =	swait.ge [sflag:s3], $0x4000  }
0x81: {  	[sflag:s3] =	ssyncset.done $0x0  }
0x82: {  	[sflag:s3] =	ssyncadd.s32 $0xFFFFC000  }
0x83: {  	[tilespmem:s8], [sflag:$0x2] =	stream.indirect.gather [hbm4b:s5+s6], $0x80, s18, s6, $0xb8;
	[tilespmem:$0x8500] =	vst v63  }
0x84: {  	_ =	swait.ge [sflag:s9], $0x4000  }
0x85: {  	[sflag:s9] =	ssyncset.done $0x0  }
0x86: {  	[sflag:s9] =	ssyncadd.s32 $0xFFFFC000  }
0x87: {  	[hbm4b:s19+s2] =	stream.linear.scatter [tilespmem:s7], [sflag:$0x3], $0x4000, $0x38;
	[tilespmem:$0x8500] =	vst v63  }
0x88: {  	_ =	swait.ge [sflag:s3], $0x4000  }
0x89: {  	[sflag:s3] =	ssyncset.done $0x0  }
0x8a: {  	[sflag:s3] =	ssyncadd.s32 $0xFFFFC000  }
0x8b: {  	[tilespmem:s7], [sflag:$0x1] =	stream.indirect.gather [hbm4b:s5+s6], $0x80, s20, s6, $0xb8;
	[tilespmem:$0x8500] =	vst v63  }
0x8c: {  	_ =	swait.ge [sflag:s12], $0x4000  }
0x8d: {  	[sflag:s12] =	ssyncset.done $0x0  }
0x8e: {  	[sflag:s12] =	ssyncadd.s32 $0xFFFFC000  }
0x8f: {  	[hbm4b:s21+s2] =	stream.linear.scatter [tilespmem:s8], [sflag:$0x3], $0x4000, $0x38;
	[tilespmem:$0x8500] =	vst v63  }
0x90: {  	_ =	swait.ge [sflag:s3], $0x4000  }
0x91: {  	[sflag:s3] =	ssyncset.done $0x0  }
0x92: {  	[sflag:s3] =	ssyncadd.s32 $0xFFFFC000  }
0x93: {  	[tilespmem:s8], [sflag:$0x2] =	stream.indirect.gather [hbm4b:s5+s6], $0x80, s22, s6, $0xb8;
	[tilespmem:$0x8500] =	vst v63  }
0x94: {  	_ =	swait.ge [sflag:s9], $0x4000  }
0x95: {  	[sflag:s9] =	ssyncset.done $0x0  }
0x96: {  	[sflag:s9] =	ssyncadd.s32 $0xFFFFC000  }
0x97: {  	[hbm4b:s23+s2] =	stream.linear.scatter [tilespmem:s7], [sflag:$0x3], $0x4000, $0x38;
	[tilespmem:$0x8500] =	vst v63  }
0x98: {  	_ =	swait.ge [sflag:s3], $0x4000  }
0x99: {  	[sflag:s3] =	ssyncset.done $0x0  }
0x9a: {  	[sflag:s3] =	ssyncadd.s32 $0xFFFFC000  }
0x9b: {  	[tilespmem:s7], [sflag:$0x1] =	stream.indirect.gather [hbm4b:s5+s6], $0x80, s24, s6, $0xb8;
	[tilespmem:$0x8500] =	vst v63  }
0x9c: {  	_ =	swait.ge [sflag:s12], $0x4000  }
0x9d: {  	[sflag:s12] =	ssyncset.done $0x0  }
0x9e: {  	[sflag:s12] =	ssyncadd.s32 $0xFFFFC000  }
0x9f: {  	[hbm4b:s25+s2] =	stream.linear.scatter [tilespmem:s8], [sflag:$0x3], $0x4000, $0x38;
	[tilespmem:$0x8500] =	vst v63  }
0xa0: {  	_ =	swait.ge [sflag:s3], $0x4000  }
0xa1: {  	[sflag:s3] =	ssyncset.done $0x0  }
0xa2: {  	[sflag:s3] =	ssyncadd.s32 $0xFFFFC000  }
0xa3: {  	[tilespmem:s8], [sflag:$0x2] =	stream.indirect.gather [hbm4b:s5+s6], $0x80, s26, s6, $0xb8;
	[tilespmem:$0x8500] =	vst v63  }
0xa4: {  	_ =	swait.ge [sflag:s9], $0x4000  }
0xa5: {  	[sflag:s9] =	ssyncset.done $0x0  }
0xa6: {  	[sflag:s9] =	ssyncadd.s32 $0xFFFFC000  }
0xa7: {  	[hbm4b:s28+s2] =	stream.linear.scatter [tilespmem:s7], [sflag:$0x3], $0x4000, $0x38;
	[tilespmem:$0x8500] =	vst v63  }
0xa8: {  	_ =	swait.ge [sflag:s3], $0x4000  }
0xa9: {  	[sflag:s3] =	ssyncset.done $0x0  }
0xaa: {  	[sflag:s3] =	ssyncadd.s32 $0xFFFFC000  }
0xab: {  	_ =	swait.ge [sflag:s12], $0x4000  }
.Ltmp1:
0xac: {  	[sflag:s12] =	ssyncset.done $0x0;
	(pc) =	sbr.rel @p0 .LBB2_1-.Ltmp1, $4  }
0xad: {  	[sflag:s12] =	ssyncadd.s32 $0xFFFFC000  }
0xae: {  	[hbm4b:s29+s2] =	stream.linear.scatter [tilespmem:s8], [sflag:$0x3], $0x4000, $0x38;
	[tilespmem:$0x8500] =	vst v63  }
0xaf: {  	_ =	swait.ge [sflag:s3], $0x4000  }
0xb0: {  	[sflag:s3] =	ssyncset.done $0x0  }
.LBB2_2:
0xb1: {  	[sflag:s3] =	ssyncadd.s32 $0xFFFFC000  }
0xb2: {  	_ =	sfence.sel $0x180000  }
0xb3: {  	[bflag:$0x0] =	sbarrier.arrive $0xFFFF  }
0xb4: {  	p0 =	sne.s32 s0, $0x0;
	_ =	strace $0x90000047  }
0xb5: {  	s0 =	sadd.s32 @!p0 $0x100000, s1;
	[bflag:$0x2] =	sbarrier.arrive $0xFFFF  }
0xb6: {  	[sflag:s0] =	ssyncadd.tile.s32 @!p0 $0x1;
	_ =	shalt  }
.Lfunc_end2:
_tile_overlayer_lowered:
.L_overlay_start_2:
0xb7: {  	(tag) =	ssettag $0x2  }
0xb8: {  	s0 =	rddreg [dreg:$0x0];
	s2 =	stileid.u32  }
0xb9: {  	s1 =	rddreg [dreg:$0x1];
	p0 =	sne.s32 s2, $0x0  }
0xba: {  	s3 =	rddreg [dreg:$0x2];
	[bflag:$0x3] =	sbarrier.arrive $0xFFFF;
	s2 =	simm.s32 @!p0 $0x1C03  }
0xbb: {  	[timem:s3], [sflag:s2] =	dma.local @!p0 [hbm:s0], s1  }
0xbc: {  	s0 =	simm.s32 @!p0 $0x3  }
0xbd: {  	_ =	swait.ge @!p0 [sflag:s0], s1  }
0xbe: {  	s1 =	ssub.s32 @!p0 $0x0, s1;
	[sflag:s0] =	ssyncset.done @!p0 $0x0  }
0xbf: {  	[sflag:s0] =	ssyncadd.s32 @!p0 s1  }
0xc0: {  	[bflag:$0x3] =	sbarrier.arrive $0xFFFF  }
0xc1: {  	_ =	shalt  }

// kernel: kernel.18.cloned.1.call-start
scs
__scs_entry_jumppad:
0x0: {  	(pc) =	sbr.rel $0x88, $3  }
0x1: {  	(tag) =	ssettag $0x0;
	lr =	simm.s32 $0x1  }
0x2: {  	[smem:$0x3F92] =	sst lr;
	_ =	strace $0xD0000000  }
0x3: {  	_ = 	snop  }
0x4: {  	_ = 	snop  }
0x5: {  	_ = 	snop  }
0x6: {  	_ = 	snop  }
0x7: {  	_ = 	snop  }
__scs_overlays_trampoline_lowered:
0x8: {  	[smem:$0x3FA1] =	sst s0  }
0x9: {  	[smem:$0x3FA2] =	sst s1  }
0xa: {  	[smem:$0x3FA3] =	sst s2  }
0xb: {  	[smem:$0x3FA4] =	sst s3  }
0xc: {  	[smem:$0x3FA5] =	sst s4  }
0xd: {  	[smem:$0x3FA6] =	sst s5  }
0xe: {  	[smem:$0x3FA7] =	sst s6  }
0xf: {  	[smem:$0x3FA8] =	sst s7  }
0x10: {  	[smem:$0x3FA9] =	sst s8  }
0x11: {  	[smem:$0x3FAA] =	sst s9;
	s0 =	simm.s32 @!p0 $0x0  }
0x12: {  	s1 =	sld [smem:$0x3F90];
	s0 =	simm.s32 @p0 $0x1  }
0x13: {  	[smem:$0x3FAB] =	sst s0;
	s0 =	simm.s32 @!p1 $0x0  }
0x14: {  	s2 =	sld [smem:$0x3F8F];
	s0 =	simm.s32 @p1 $0x1  }
0x15: {  	[smem:$0x3FAC] =	sst s0;
	s0 =	simm.s32 @!p2 $0x0  }
0x16: {  	s3 =	sld [smem:$0x3FDB];
	s0 =	simm.s32 @p2 $0x1  }
0x17: {  	s4 =	simm.s32 $0x1BF5;
	[smem:$0x3FAE] =	sst s0  }
0x18: {  	s0 =	sld [smem:$0x3F91];
	_ =	swait.ge [sflag:s4], $0x0  }
0x19: {  	s7 =	sld [smem:$0x3F92]  }
0x1a: {  	s8 =	sadd.s32 $0xFFFFE003, lr  }
0x1b: {  	s9 =	sadd.s32 $0xFFFFFEF7, lr;
	s5 =	simm.s32 $0xFFFFFFFF;
	p2 =	slt.u32 s8, $0xFFFFF086  }
0x1c: {  	p1 =	slt.u32 s9, $0xF7A;
	s5 =	simm.s32 @!p2 $0x0  }
0x1d: {  	s5 =	simm.s32 @p1 $0x1;
	p0 =	seq.s32 s7, s2  }
0x1e: {  	s7 =	smul.u32 @!p0 $0xF7A, s2;
	p2 =	seq.s32 @!p0 s5, $0x0  }
0x1f: {  	s9 =	smul.u32 $0xF7A, s1;
	s8 =	simm.s32 @!p0 $0x1BF5;
	p2 =	por !p2, p0  }
0x20: {  	[sflag:s8] =	ssyncset.s32 @!p0 $0xFFFFF086;
	s6 =	sadd.s32 @!p0 s3, s7;
	s7 =	simm.s32 @!p0 $0x108  }
0x21: {  	s3 =	sadd.s32 s3, s9;
	s6 =	sadd.s32 @!p0 $0x88, s6;
	s7 =	simm.s32 @p2 $0x1082  }
0x22: {  	[simem:s7], [sflag:s8] =	dma.local @!p0 [hbm:s6], $0xF7A  }
0x23: {  	s9 =	sor.u32 $0xD0000000, s2;
	s6 =	simm.s32 $0x108;
	_ =	swait.ge @!p0 [sflag:s8], $0x0  }
0x24: {  	s3 =	sadd.s32 $0x88, s3;
	s6 =	simm.s32 @!p1 $0x1082;
	[sflag:s4] =	ssyncset.s32 $0xFFFFF086  }
0x25: {  	[simem:s6], [sflag:s4] =	dma.local [hbm:s3], $0xF7A  }
0x26: {  	[smem:$0x3F92] =	sst s1;
	(tag) =	ssettag s2;
	_ =	strace s9  }
0x27: {  	s1 =	sld [smem:$0x3FA2]  }
0x28: {  	s2 =	sld [smem:$0x3FA3]  }
0x29: {  	s4 =	sld [smem:$0x3FA5]  }
0x2a: {  	p0 =	seq.s32 s5, $0x0;
	s5 =	sld [smem:$0x3FA6]  }
0x2b: {  	s6 =	sld [smem:$0x3FA7]  }
0x2c: {  	s7 =	sld [smem:$0x3FA8]  }
0x2d: {  	s3 =	simm.s32 $0x108;
	s8 =	sld [smem:$0x3FA9]  }
0x2e: {  	s3 =	simm.s32 @!p0 $0x1082;
	s9 =	sld [smem:$0x3FAA]  }
0x2f: {  	lr =	sadd.s32 s0, s3;
	s0 =	sld [smem:$0x3FA1]  }
0x30: {  	s3 =	sld [smem:$0x3FA4]  }
0x31: {  	[smem:$0x3FAD] =	sst s10  }
0x32: {  	s10 =	sld [smem:$0x3FAB];
	_ =	sdelay $0x3  }
0x33: {  	p0 =	seq.s32 s10, $0x1;
	s10 =	sld [smem:$0x3FAD];
	_ =	sdelay $0x3  }
0x34: {  	[smem:$0x3FAD] =	sst s10  }
0x35: {  	s10 =	sld [smem:$0x3FAC];
	_ =	sdelay $0x3  }
0x36: {  	p1 =	seq.s32 s10, $0x1;
	s10 =	sld [smem:$0x3FAD];
	_ =	sdelay $0x3  }
0x37: {  	[smem:$0x3FAD] =	sst s10  }
0x38: {  	s10 =	sld [smem:$0x3FAE]  }
0x39: {  	_ = 	snop;
	(pc) =	sbr.ind lr, $3  }
0x3a: {  	_ = 	snop  }
0x3b: {  	_ = 	snop  }
0x3c: {  	p2 =	seq.s32 s10, $0x1;
	s10 =	sld [smem:$0x3FAD]  }
0x3d: {  	_ =	shalt  }
0x3e: {  	_ =	shalt  }
0x3f: {  	_ =	shalt  }
0x40: {  	_ =	shalt  }
0x41: {  	_ =	shalt  }
0x42: {  	_ =	shalt  }
0x43: {  	_ =	shalt  }
0x44: {  	_ =	shalt  }
0x45: {  	_ =	shalt  }
0x46: {  	_ =	shalt  }
0x47: {  	_ =	shalt  }
0x48: {  	_ =	shalt  }
0x49: {  	_ =	shalt  }
0x4a: {  	_ =	shalt  }
0x4b: {  	_ =	shalt  }
0x4c: {  	_ =	shalt  }
0x4d: {  	_ =	shalt  }
0x4e: {  	_ =	shalt  }
0x4f: {  	_ =	shalt  }
0x50: {  	_ =	shalt  }
0x51: {  	_ =	shalt  }
0x52: {  	_ =	shalt  }
0x53: {  	_ =	shalt  }
0x54: {  	_ =	shalt  }
0x55: {  	_ =	shalt  }
0x56: {  	_ =	shalt  }
0x57: {  	_ =	shalt  }
0x58: {  	_ =	shalt  }
0x59: {  	_ =	shalt  }
0x5a: {  	_ =	shalt  }
0x5b: {  	_ =	shalt  }
0x5c: {  	_ =	shalt  }
0x5d: {  	_ =	shalt  }
0x5e: {  	_ =	shalt  }
0x5f: {  	_ =	shalt  }
0x60: {  	_ =	shalt  }
0x61: {  	_ =	shalt  }
0x62: {  	_ =	shalt  }
0x63: {  	_ =	shalt  }
0x64: {  	_ =	shalt  }
0x65: {  	_ =	shalt  }
0x66: {  	_ =	shalt  }
0x67: {  	_ =	shalt  }
0x68: {  	_ =	shalt  }
0x69: {  	_ =	shalt  }
0x6a: {  	_ =	shalt  }
0x6b: {  	_ =	shalt  }
0x6c: {  	_ =	shalt  }
0x6d: {  	_ =	shalt  }
0x6e: {  	_ =	shalt  }
0x6f: {  	_ =	shalt  }
0x70: {  	_ =	shalt  }
0x71: {  	_ =	shalt  }
0x72: {  	_ =	shalt  }
0x73: {  	_ =	shalt  }
0x74: {  	_ =	shalt  }
0x75: {  	_ =	shalt  }
0x76: {  	_ =	shalt  }
0x77: {  	_ =	shalt  }
0x78: {  	_ =	shalt  }
0x79: {  	_ =	shalt  }
0x7a: {  	_ =	shalt  }
0x7b: {  	_ =	shalt  }
0x7c: {  	_ =	shalt  }
0x7d: {  	_ =	shalt  }
0x7e: {  	_ =	shalt  }
0x7f: {  	_ =	shalt  }
0x80: {  	_ =	shalt  }
0x81: {  	_ =	shalt  }
0x82: {  	_ =	shalt  }
0x83: {  	_ =	shalt  }
0x84: {  	_ =	shalt  }
0x85: {  	_ =	shalt  }
0x86: {  	_ =	shalt  }
0x87: {  	_ =	shalt  }
.Lfunc_end0:
.L_simem_size_0:
called_computation.1_lowered:
.L_overlay_start_0:
0x88: {  	s2 =	sld [smem:$0x3FD9]  }
0x89: {  	s3 =	sld [smem:$0x3FFE];
	_ =	sdelay $0x1  }
0x8a: {  	s1 =	srdreg.scid  }
0x8b: {  	s0 =	sand.u32 $0x1, s1  }
0x8c: {  	s17 =	sshll.u32 s0, $0xA;
	s2 =	sadd.s32 s3, s2  }
0x8d: {  	s2 =	sadd.s32 s2, s17  }
0x8e: {  	[smem:$0x3FB9] =	sst s2  }
0x8f: {  	_ = 	snop  }
0x90: {  	(tm) =	ssettm $0x1  }
0x91: {  	s18 =	sld [smem:$0x3FFB];
	_ =	sdelay $0x3  }
0x92: {  	_ =	strace s18  }
0x93: {  	s2 =	sld [smem:$0x3FFC];
	_ =	sdelay $0x3  }
0x94: {  	_ =	strace s2  }
0x95: {  	s2 =	sld [smem:$0x3FFD];
	_ =	sdelay $0x3  }
0x96: {  	_ =	strace s2  }
0x97: {  	_ =	strace $0x8FFFFFFF  }
0x98: {  	s19 =	sld [smem:$0x3FDB];
	_ =	sdelay $0x1  }
0x99: {  	s20 =	simm.s32 $_scs_section_size  }
0x9a: {  	s4 =	simm.s32 $_size__tile_overlayer_lowered;
	s5 =	simm.s32 $_tile_overlayer_lowered  }
0x9b: {  	s6 =	simm.s32 $0x1BFF;
	s21 =	sshll.u32 s5, $0x1;
	s3 =	sadd.s32 s20, s19  }
0x9c: {  	s22 =	simm.s32 $0x0;
	s4 =	sshll.u32 s4, $0x1;
	s5 =	sadd.s32 s21, s3  }
0x9d: {  	[timem:s22], [sflag:s6] =	dma.local [hbm:s5], s4  }
0x9e: {  	_ =	swait.ge [sflag:s6], s4  }
0x9f: {  	s4 =	ssub.s32 $0x0, s4;
	[sflag:s6] =	ssyncset.done $0x0  }
0xa0: {  	[sflag:s6] =	ssyncadd.s32 s4;
	_ =	sdelay $0x1  }
0xa1: {  	s23 =	simm.s32 $0x1B8B  }
0xa2: {  	_ =	swait.ge [sflag:s23], $0x1  }
0xa3: {  	[sflag:s23] =	ssyncset.done $0x0  }
0xa4: {  	[sflag:s23] =	ssyncadd.s32 $0xFFFFFFFF  }
0xa5: {  	s4 =	sld [smem:$0x0]  }
0xa6: {  	s5 =	sand.u32 $0xFFFFFFFE, s1  }
0xa7: {  	p0 =	sne.s32 s1, s5  }
0xa8: {  	s5 =	sshll.u32 @p0 s5, $0xE  }
0xa9: {  	s5 =	sadd.s32 @p0 $0x11B8D, s5;
	s6 =	sshll.u32 @p0 s4, $0x11  }
0xaa: {  	s5 =	sor.u32 @p0 s6, s5  }
0xab: {  	[sflag:s5] =	ssyncadd.remote.s32 @p0 $0x1;
	_ =	sdelay $0x1  }
0xac: {  	s5 =	simm.s32 @p0 $0x1B8D  }
0xad: {  	_ =	swait.eq @p0 [sflag:s5], $0x1  }
0xae: {  	[sflag:s5] =	ssyncadd.s32 @p0 $0xFFFFFFFF  }
0xaf: {  	s6 =	sshll.u32 @!p0 s1, $0xE  }
0xb0: {  	s6 =	sor.u32 @!p0 $0x4000, s6;
	s5 =	simm.s32 @!p0 $0x1B8D  }
0xb1: {  	s4 =	sshll.u32 @!p0 s4, $0x11;
	s6 =	sadd.s32 @!p0 $0x11B8D, s6;
	_ =	swait.eq @!p0 [sflag:s5], $0x1  }
0xb2: {  	s4 =	sor.u32 @!p0 s4, s6;
	[sflag:s5] =	ssyncadd.s32 @!p0 $0xFFFFFFFF  }
0xb3: {  	s25 =	simm.s32 $0x1B8E;
	s24 =	sld [smem:$0x3FFE];
	[sflag:s4] =	ssyncadd.remote.s32 @!p0 $0x1  }
0xb4: {  	s26 =	simm.s32 $execute0_lowered;
	[smem:$0x3FD2] =	sst s25  }
0xb5: {  	s5 =	sshll.u32 s26, $0x1;
	_ =	strace $0x80000049;
	[dreg:$0x1] =	wrdreg $0xFFFFFFFF  }
0xb6: {  	s28 =	simm.s32 $_size_execute0_lowered;
	s3 =	sadd.s32 s3, s5;
	[dreg:$0x0] =	wrdreg $0x0  }
0xb7: {  	s5 =	sshll.u32 s28, $0x1;
	[dreg:$0x2] =	wrdreg s3  }
0xb8: {  	[dreg:$0x3] =	wrdreg s5  }
0xb9: {  	[dreg:$0x4] =	wrdreg $0xC0  }
0xba: {  	_ =	task [dreg:s22], $0x5FFFF  }
0xbb: {  	[dreg:$0x1] =	wrdreg $0xFFFFFFFF  }
0xbc: {  	[dreg:$0x0] =	wrdreg $0x60  }
0xbd: {  	[dreg:$0x2] =	wrdreg s24  }
0xbe: {  	[dreg:$0x3] =	wrdreg $0xA  }
0xbf: {  	_ =	task.clear_ibuf [dreg:s22], $0x4FFFF;
	_ =	strace $0x90000049  }
0xc0: {  	s29 =	simm.s32 $0xA;
	_ =	strace $0x8000004B  }
0xc1: {  	_ =	swait.ge [sflag:s29], $0x1  }
0xc2: {  	[sflag:s29] =	ssyncadd.s32 $0xFFFFFFFF  }
0xc3: {  	_ =	strace $0x9000004B  }
0xc4: {  	_ =	sfence  }
0xc5: {  	s30 =	sld [smem:$0x0];
	_ =	sdelay $0x2  }
0xc6: {  	s31 =	sshll.u32 s1, $0xD;
	s1 =	sshrl.u32 s1, $0x2  }
0xc7: {  	s4 =	sand.u32 $0x4000, s31;
	s1 =	sadd.s32 s1, s30  }
0xc8: {  	s0 =	sor.u32 s4, s0;
	s1 =	sshll.u32 s1, $0x11  }
0xc9: {  	s0 =	sor.u32 s1, s0  }
0xca: {  	s0 =	sadd.s32 $0x8F2B, s0  }
0xcb: {  	[sflag:s0] =	ssyncadd.remote.s32 $0x1  }
0xcc: {  	_ =	sfence.sel $0xFFFF  }
0xcd: {  	[dreg:$0x0] =	wrdreg $0xFFFFFFFF;
	(pc) =	sbr.abs _section_cstart, $3  }
0xce: {  	[dreg:$0x1] =	wrdreg $0xFFFFFFFF  }
0xcf: {  	_ =	task.clear_ibuf [dreg:s22], $0x2FFFF;
	_ =	strace $0x9FFFFFFF  }
0xd0: {  	(tm) =	ssettm $0x7FFFFFFF  }
0xd1: {  	_ =	shalt  }
tec
execute0_lowered:
.L_overlay_start_1:
0x0: {  	(tag) =	ssettag $0x1  }
0x1: {  	s1 =	srdreg.scid;
	s0 =	stileid.u32  }
0x2: {  	s29 =	sand.u32 $0x1, s1;
	s26 =	sshll.u32 s0, $0x1  }
0x3: {  	s11 =	sor.u32 s29, s26  }
0x4: {  	s3 =	smul.u32 $0x500, s11  }
0x5: {  	s10 =	rddreg [dreg:$0x0]  }
0x6: {  	s2 =	simm.s32 $0x0;
	s1 =	rddreg [dreg:$0x1];
	s3 =	sshrl.u32 s3, $0x3  }
0x7: {  	[smem:$0x7FF] =	sst s2;
	s3 =	sadd.s32 s10, s3  }
0x8: {  	_ =	strace $0x8000004A;
	s4 =	sadd.s32 $0x2D200, s3;
	s3 =	simm.s32 $0x3  }
0x9: {  	[tilespmem:s2], [sflag:$0x3] =	stream.linear.gather [hbm4b:s4+s2], $0x500, $0x38;
	[tilespmem:$0x8500] =	vst v63  }
0xa: {  	_ =	swait.ge [sflag:s3], $0x500  }
0xb: {  	s6 =	simm.s32 $0x80;
	[sflag:s3] =	ssyncset.done $0x0  }
0xc: {  	s7 =	simm.s32 $0x500;
	s5 =	sadd.s32 $0x30E00, s10;
	[sflag:s3] =	ssyncadd.s32 $0xFFFFFB00  }
0xd: {  	[tilespmem:s7], [sflag:$0x1] =	stream.indirect.gather [hbm4b:s5+s6], $0x80, s2, s6, $0xb8;
	[tilespmem:$0x8500] =	vst v63  }
0xe: {  	s8 =	simm.s32 $0x4500;
	s9 =	simm.s32 $0x1;
	s12 =	smul.u32 $0x28000, s11  }
0xf: {  	[tilespmem:s8], [sflag:$0x2] =	stream.indirect.gather [hbm4b:s5+s6], $0x80, s6, s6, $0xb8;
	[tilespmem:$0x8500] =	vst v63  }
0x10: {  	_ =	swait.ge [sflag:s9], $0x4000  }
0x11: {  	s13 =	sadd.s32 $0xF8000, s10;
	s31 =	sshrl.u32 s12, $0x3;
	[sflag:s9] =	ssyncset.done $0x0  }
0x12: {  	s10 =	sadd.s32 s13, s31;
	[sflag:s9] =	ssyncadd.s32 $0xFFFFC000  }
0x13: {  	[hbm4b:s10+s2] =	stream.linear.scatter [tilespmem:s7], [sflag:$0x3], $0x4000, $0x38;
	[tilespmem:$0x8500] =	vst v63  }
0x14: {  	_ =	swait.ge [sflag:s3], $0x4000  }
0x15: {  	s14 =	smul.u32 $0x5000, s11;
	[sflag:s3] =	ssyncset.done $0x0  }
0x16: {  	s11 =	simm.s32 $0x100;
	s12 =	simm.s32 $0x2;
	[sflag:s3] =	ssyncadd.s32 $0xFFFFC000  }
0x17: {  	[tilespmem:s7], [sflag:$0x1] =	stream.indirect.gather [hbm4b:s5+s6], $0x80, s11, s6, $0xb8;
	[tilespmem:$0x8500] =	vst v63  }
0x18: {  	_ =	swait.ge [sflag:s12], $0x4000  }
0x19: {  	s30 =	sadd.s32 s13, s14;
	[sflag:s12] =	ssyncset.done $0x0  }
0x1a: {  	s13 =	sadd.s32 $0x800, s30;
	[sflag:s12] =	ssyncadd.s32 $0xFFFFC000  }
0x1b: {  	[hbm4b:s13+s2] =	stream.linear.scatter [tilespmem:s8], [sflag:$0x3], $0x4000, $0x38;
	[tilespmem:$0x8500] =	vst v63  }
0x1c: {  	_ =	swait.ge [sflag:s3], $0x4000  }
0x1d: {  	[sflag:s3] =	ssyncset.done $0x0  }
0x1e: {  	s14 =	simm.s32 $0x180;
	[sflag:s3] =	ssyncadd.s32 $0xFFFFC000  }
0x1f: {  	[tilespmem:s8], [sflag:$0x2] =	stream.indirect.gather [hbm4b:s5+s6], $0x80, s14, s6, $0xb8;
	[tilespmem:$0x8500] =	vst v63  }
0x20: {  	_ =	swait.ge [sflag:s9], $0x4000  }
0x21: {  	[sflag:s9] =	ssyncset.done $0x0  }
0x22: {  	s15 =	sadd.s32 $0x1000, s10;
	[sflag:s9] =	ssyncadd.s32 $0xFFFFC000  }
0x23: {  	[hbm4b:s15+s2] =	stream.linear.scatter [tilespmem:s7], [sflag:$0x3], $0x4000, $0x38;
	[tilespmem:$0x8500] =	vst v63  }
0x24: {  	_ =	swait.ge [sflag:s3], $0x4000  }
0x25: {  	[sflag:s3] =	ssyncset.done $0x0  }
0x26: {  	s16 =	simm.s32 $0x200;
	[sflag:s3] =	ssyncadd.s32 $0xFFFFC000  }
0x27: {  	[tilespmem:s7], [sflag:$0x1] =	stream.indirect.gather [hbm4b:s5+s6], $0x80, s16, s6, $0xb8;
	[tilespmem:$0x8500] =	vst v63  }
0x28: {  	_ =	swait.ge [sflag:s12], $0x4000  }
0x29: {  	[sflag:s12] =	ssyncset.done $0x0  }
0x2a: {  	s17 =	sadd.s32 $0x1800, s30;
	[sflag:s12] =	ssyncadd.s32 $0xFFFFC000  }
0x2b: {  	[hbm4b:s17+s2] =	stream.linear.scatter [tilespmem:s8], [sflag:$0x3], $0x4000, $0x38;
	[tilespmem:$0x8500] =	vst v63  }
0x2c: {  	_ =	swait.ge [sflag:s3], $0x4000  }
0x2d: {  	[sflag:s3] =	ssyncset.done $0x0  }
0x2e: {  	s18 =	simm.s32 $0x280;
	[sflag:s3] =	ssyncadd.s32 $0xFFFFC000  }
0x2f: {  	[tilespmem:s8], [sflag:$0x2] =	stream.indirect.gather [hbm4b:s5+s6], $0x80, s18, s6, $0xb8;
	[tilespmem:$0x8500] =	vst v63  }
0x30: {  	_ =	swait.ge [sflag:s9], $0x4000  }
0x31: {  	[sflag:s9] =	ssyncset.done $0x0  }
0x32: {  	s19 =	sadd.s32 $0x2000, s10;
	[sflag:s9] =	ssyncadd.s32 $0xFFFFC000  }
0x33: {  	[hbm4b:s19+s2] =	stream.linear.scatter [tilespmem:s7], [sflag:$0x3], $0x4000, $0x38;
	[tilespmem:$0x8500] =	vst v63  }
0x34: {  	_ =	swait.ge [sflag:s3], $0x4000  }
0x35: {  	[sflag:s3] =	ssyncset.done $0x0  }
0x36: {  	s20 =	simm.s32 $0x300;
	[sflag:s3] =	ssyncadd.s32 $0xFFFFC000  }
0x37: {  	[tilespmem:s7], [sflag:$0x1] =	stream.indirect.gather [hbm4b:s5+s6], $0x80, s20, s6, $0xb8;
	[tilespmem:$0x8500] =	vst v63  }
0x38: {  	_ =	swait.ge [sflag:s12], $0x4000  }
0x39: {  	[sflag:s12] =	ssyncset.done $0x0  }
0x3a: {  	s21 =	sadd.s32 $0x2800, s30;
	[sflag:s12] =	ssyncadd.s32 $0xFFFFC000  }
0x3b: {  	[hbm4b:s21+s2] =	stream.linear.scatter [tilespmem:s8], [sflag:$0x3], $0x4000, $0x38;
	[tilespmem:$0x8500] =	vst v63  }
0x3c: {  	_ =	swait.ge [sflag:s3], $0x4000  }
0x3d: {  	[sflag:s3] =	ssyncset.done $0x0  }
0x3e: {  	s22 =	simm.s32 $0x380;
	[sflag:s3] =	ssyncadd.s32 $0xFFFFC000  }
0x3f: {  	[tilespmem:s8], [sflag:$0x2] =	stream.indirect.gather [hbm4b:s5+s6], $0x80, s22, s6, $0xb8;
	[tilespmem:$0x8500] =	vst v63  }
0x40: {  	_ =	swait.ge [sflag:s9], $0x4000  }
0x41: {  	[sflag:s9] =	ssyncset.done $0x0  }
0x42: {  	s23 =	sadd.s32 $0x3000, s10;
	[sflag:s9] =	ssyncadd.s32 $0xFFFFC000  }
0x43: {  	[hbm4b:s23+s2] =	stream.linear.scatter [tilespmem:s7], [sflag:$0x3], $0x4000, $0x38;
	[tilespmem:$0x8500] =	vst v63  }
0x44: {  	_ =	swait.ge [sflag:s3], $0x4000  }
0x45: {  	[sflag:s3] =	ssyncset.done $0x0  }
0x46: {  	s24 =	simm.s32 $0x400;
	[sflag:s3] =	ssyncadd.s32 $0xFFFFC000  }
0x47: {  	[tilespmem:s7], [sflag:$0x1] =	stream.indirect.gather [hbm4b:s5+s6], $0x80, s24, s6, $0xb8;
	[tilespmem:$0x8500] =	vst v63  }
0x48: {  	_ =	swait.ge [sflag:s12], $0x4000  }
0x49: {  	[sflag:s12] =	ssyncset.done $0x0  }
0x4a: {  	s25 =	sadd.s32 $0x3800, s30;
	[sflag:s12] =	ssyncadd.s32 $0xFFFFC000  }
0x4b: {  	[hbm4b:s25+s2] =	stream.linear.scatter [tilespmem:s8], [sflag:$0x3], $0x4000, $0x38;
	[tilespmem:$0x8500] =	vst v63  }
0x4c: {  	_ =	swait.ge [sflag:s3], $0x4000  }
0x4d: {  	[sflag:s3] =	ssyncset.done $0x0  }
0x4e: {  	s26 =	simm.s32 $0x480;
	[sflag:s3] =	ssyncadd.s32 $0xFFFFC000  }
0x4f: {  	[tilespmem:s8], [sflag:$0x2] =	stream.indirect.gather [hbm4b:s5+s6], $0x80, s26, s6, $0xb8;
	[tilespmem:$0x8500] =	vst v63  }
0x50: {  	_ =	swait.ge [sflag:s9], $0x4000  }
0x51: {  	[sflag:s9] =	ssyncset.done $0x0  }
0x52: {  	s29 =	ssub.s32 $0x2, s29;
	s28 =	sadd.s32 $0x4000, s10;
	[sflag:s9] =	ssyncadd.s32 $0xFFFFC000  }
0x53: {  	[hbm4b:s28+s2] =	stream.linear.scatter [tilespmem:s7], [sflag:$0x3], $0x4000, $0x38;
	[tilespmem:$0x8500] =	vst v63  }
0x54: {  	s31 =	sshrl.u32 s29, $0x1;
	_ =	swait.ge [sflag:s3], $0x4000  }
0x55: {  	s29 =	ssub.s32 s29, s31;
	[sflag:s3] =	ssyncset.done $0x0  }
0x56: {  	s31 =	smax.u32 s29, $0x1;
	[sflag:s3] =	ssyncadd.s32 $0xFFFFC000  }
0x57: {  	p0 =	sne.s32 s31, $0x1;
	_ =	swait.ge [sflag:s12], $0x4000  }
.Ltmp0:
0x58: {  	[sflag:s12] =	ssyncset.done $0x0;
	(pc) =	sbr.rel @!p0 .LBB2_2-.Ltmp0, $4  }
0x59: {  	s29 =	sadd.s32 $0x4800, s30;
	[sflag:s12] =	ssyncadd.s32 $0xFFFFC000  }
0x5a: {  	[hbm4b:s29+s2] =	stream.linear.scatter [tilespmem:s8], [sflag:$0x3], $0x4000, $0x38;
	[tilespmem:$0x8500] =	vst v63  }
0x5b: {  	_ =	swait.ge [sflag:s3], $0x4000  }
0x5c: {  	s30 =	sadd.s32 $0xFFFFFFFF, s31;
	[sflag:s3] =	ssyncset.done $0x0  }
.LBB2_1:
0x5d: {  	p0 =	sne.s32 s30, $0x1;
	s30 =	sadd.s32 $0xFFFFFFFF, s30;
	[sflag:s3] =	ssyncadd.s32 $0xFFFFC000  }
0x5e: {  	[tilespmem:s2], [sflag:$0x3] =	stream.linear.gather [hbm4b:s4+s2], $0x500, $0x38;
	[tilespmem:$0x8500] =	vst v63  }
0x5f: {  	_ =	swait.ge [sflag:s3], $0x500  }
0x60: {  	[sflag:s3] =	ssyncset.done $0x0  }
0x61: {  	[sflag:s3] =	ssyncadd.s32 $0xFFFFFB00  }
0x62: {  	[tilespmem:s7], [sflag:$0x1] =	stream.indirect.gather [hbm4b:s5+s6], $0x80, s2, s6, $0xb8;
	[tilespmem:$0x8500] =	vst v63  }
0x63: {  	_ = 	snop  }
0x64: {  	[tilespmem:s8], [sflag:$0x2] =	stream.indirect.gather [hbm4b:s5+s6], $0x80, s6, s6, $0xb8;
	[tilespmem:$0x8500] =	vst v63  }
0x65: {  	_ =	swait.ge [sflag:s9], $0x4000  }
0x66: {  	[sflag:s9] =	ssyncset.done $0x0  }
0x67: {  	[sflag:s9] =	ssyncadd.s32 $0xFFFFC000  }
0x68: {  	[hbm4b:s10+s2] =	stream.linear.scatter [tilespmem:s7], [sflag:$0x3], $0x4000, $0x38;
	[tilespmem:$0x8500] =	vst v63  }
0x69: {  	_ =	swait.ge [sflag:s3], $0x4000  }
0x6a: {  	[sflag:s3] =	ssyncset.done $0x0  }
0x6b: {  	[sflag:s3] =	ssyncadd.s32 $0xFFFFC000  }
0x6c: {  	[tilespmem:s7], [sflag:$0x1] =	stream.indirect.gather [hbm4b:s5+s6], $0x80, s11, s6, $0xb8;
	[tilespmem:$0x8500] =	vst v63  }
0x6d: {  	_ =	swait.ge [sflag:s12], $0x4000  }
0x6e: {  	[sflag:s12] =	ssyncset.done $0x0  }
0x6f: {  	[sflag:s12] =	ssyncadd.s32 $0xFFFFC000  }
0x70: {  	[hbm4b:s13+s2] =	stream.linear.scatter [tilespmem:s8], [sflag:$0x3], $0x4000, $0x38;
	[tilespmem:$0x8500] =	vst v63  }
0x71: {  	_ =	swait.ge [sflag:s3], $0x4000  }
0x72: {  	[sflag:s3] =	ssyncset.done $0x0  }
0x73: {  	[sflag:s3] =	ssyncadd.s32 $0xFFFFC000  }
0x74: {  	[tilespmem:s8], [sflag:$0x2] =	stream.indirect.gather [hbm4b:s5+s6], $0x80, s14, s6, $0xb8;
	[tilespmem:$0x8500] =	vst v63  }
0x75: {  	_ =	swait.ge [sflag:s9], $0x4000  }
0x76: {  	[sflag:s9] =	ssyncset.done $0x0  }
0x77: {  	[sflag:s9] =	ssyncadd.s32 $0xFFFFC000  }
0x78: {  	[hbm4b:s15+s2] =	stream.linear.scatter [tilespmem:s7], [sflag:$0x3], $0x4000, $0x38;
	[tilespmem:$0x8500] =	vst v63  }
0x79: {  	_ =	swait.ge [sflag:s3], $0x4000  }
0x7a: {  	[sflag:s3] =	ssyncset.done $0x0  }
0x7b: {  	[sflag:s3] =	ssyncadd.s32 $0xFFFFC000  }
0x7c: {  	[tilespmem:s7], [sflag:$0x1] =	stream.indirect.gather [hbm4b:s5+s6], $0x80, s16, s6, $0xb8;
	[tilespmem:$0x8500] =	vst v63  }
0x7d: {  	_ =	swait.ge [sflag:s12], $0x4000  }
0x7e: {  	[sflag:s12] =	ssyncset.done $0x0  }
0x7f: {  	[sflag:s12] =	ssyncadd.s32 $0xFFFFC000  }
0x80: {  	[hbm4b:s17+s2] =	stream.linear.scatter [tilespmem:s8], [sflag:$0x3], $0x4000, $0x38;
	[tilespmem:$0x8500] =	vst v63  }
0x81: {  	_ =	swait.ge [sflag:s3], $0x4000  }
0x82: {  	[sflag:s3] =	ssyncset.done $0x0  }
0x83: {  	[sflag:s3] =	ssyncadd.s32 $0xFFFFC000  }
0x84: {  	[tilespmem:s8], [sflag:$0x2] =	stream.indirect.gather [hbm4b:s5+s6], $0x80, s18, s6, $0xb8;
	[tilespmem:$0x8500] =	vst v63  }
0x85: {  	_ =	swait.ge [sflag:s9], $0x4000  }
0x86: {  	[sflag:s9] =	ssyncset.done $0x0  }
0x87: {  	[sflag:s9] =	ssyncadd.s32 $0xFFFFC000  }
0x88: {  	[hbm4b:s19+s2] =	stream.linear.scatter [tilespmem:s7], [sflag:$0x3], $0x4000, $0x38;
	[tilespmem:$0x8500] =	vst v63  }
0x89: {  	_ =	swait.ge [sflag:s3], $0x4000  }
0x8a: {  	[sflag:s3] =	ssyncset.done $0x0  }
0x8b: {  	[sflag:s3] =	ssyncadd.s32 $0xFFFFC000  }
0x8c: {  	[tilespmem:s7], [sflag:$0x1] =	stream.indirect.gather [hbm4b:s5+s6], $0x80, s20, s6, $0xb8;
	[tilespmem:$0x8500] =	vst v63  }
0x8d: {  	_ =	swait.ge [sflag:s12], $0x4000  }
0x8e: {  	[sflag:s12] =	ssyncset.done $0x0  }
0x8f: {  	[sflag:s12] =	ssyncadd.s32 $0xFFFFC000  }
0x90: {  	[hbm4b:s21+s2] =	stream.linear.scatter [tilespmem:s8], [sflag:$0x3], $0x4000, $0x38;
	[tilespmem:$0x8500] =	vst v63  }
0x91: {  	_ =	swait.ge [sflag:s3], $0x4000  }
0x92: {  	[sflag:s3] =	ssyncset.done $0x0  }
0x93: {  	[sflag:s3] =	ssyncadd.s32 $0xFFFFC000  }
0x94: {  	[tilespmem:s8], [sflag:$0x2] =	stream.indirect.gather [hbm4b:s5+s6], $0x80, s22, s6, $0xb8;
	[tilespmem:$0x8500] =	vst v63  }
0x95: {  	_ =	swait.ge [sflag:s9], $0x4000  }
0x96: {  	[sflag:s9] =	ssyncset.done $0x0  }
0x97: {  	[sflag:s9] =	ssyncadd.s32 $0xFFFFC000  }
0x98: {  	[hbm4b:s23+s2] =	stream.linear.scatter [tilespmem:s7], [sflag:$0x3], $0x4000, $0x38;
	[tilespmem:$0x8500] =	vst v63  }
0x99: {  	_ =	swait.ge [sflag:s3], $0x4000  }
0x9a: {  	[sflag:s3] =	ssyncset.done $0x0  }
0x9b: {  	[sflag:s3] =	ssyncadd.s32 $0xFFFFC000  }
0x9c: {  	[tilespmem:s7], [sflag:$0x1] =	stream.indirect.gather [hbm4b:s5+s6], $0x80, s24, s6, $0xb8;
	[tilespmem:$0x8500] =	vst v63  }
0x9d: {  	_ =	swait.ge [sflag:s12], $0x4000  }
0x9e: {  	[sflag:s12] =	ssyncset.done $0x0  }
0x9f: {  	[sflag:s12] =	ssyncadd.s32 $0xFFFFC000  }
0xa0: {  	[hbm4b:s25+s2] =	stream.linear.scatter [tilespmem:s8], [sflag:$0x3], $0x4000, $0x38;
	[tilespmem:$0x8500] =	vst v63  }
0xa1: {  	_ =	swait.ge [sflag:s3], $0x4000  }
0xa2: {  	[sflag:s3] =	ssyncset.done $0x0  }
0xa3: {  	[sflag:s3] =	ssyncadd.s32 $0xFFFFC000  }
0xa4: {  	[tilespmem:s8], [sflag:$0x2] =	stream.indirect.gather [hbm4b:s5+s6], $0x80, s26, s6, $0xb8;
	[tilespmem:$0x8500] =	vst v63  }
0xa5: {  	_ =	swait.ge [sflag:s9], $0x4000  }
0xa6: {  	[sflag:s9] =	ssyncset.done $0x0  }
0xa7: {  	[sflag:s9] =	ssyncadd.s32 $0xFFFFC000  }
0xa8: {  	[hbm4b:s28+s2] =	stream.linear.scatter [tilespmem:s7], [sflag:$0x3], $0x4000, $0x38;
	[tilespmem:$0x8500] =	vst v63  }
0xa9: {  	_ =	swait.ge [sflag:s3], $0x4000  }
0xaa: {  	[sflag:s3] =	ssyncset.done $0x0  }
0xab: {  	[sflag:s3] =	ssyncadd.s32 $0xFFFFC000  }
0xac: {  	_ =	swait.ge [sflag:s12], $0x4000  }
.Ltmp1:
0xad: {  	[sflag:s12] =	ssyncset.done $0x0;
	(pc) =	sbr.rel @p0 .LBB2_1-.Ltmp1, $4  }
0xae: {  	[sflag:s12] =	ssyncadd.s32 $0xFFFFC000  }
0xaf: {  	[hbm4b:s29+s2] =	stream.linear.scatter [tilespmem:s8], [sflag:$0x3], $0x4000, $0x38;
	[tilespmem:$0x8500] =	vst v63  }
0xb0: {  	_ =	swait.ge [sflag:s3], $0x4000  }
0xb1: {  	[sflag:s3] =	ssyncset.done $0x0  }
.LBB2_2:
0xb2: {  	[sflag:s3] =	ssyncadd.s32 $0xFFFFC000  }
0xb3: {  	_ =	sfence.sel $0x180000  }
0xb4: {  	[bflag:$0x0] =	sbarrier.arrive $0xFFFF  }
0xb5: {  	p0 =	sne.s32 s0, $0x0;
	_ =	strace $0x9000004A  }
0xb6: {  	s0 =	sadd.s32 @!p0 $0x100000, s1;
	[bflag:$0x2] =	sbarrier.arrive $0xFFFF  }
0xb7: {  	[sflag:s0] =	ssyncadd.tile.s32 @!p0 $0x1;
	_ =	shalt  }
.Lfunc_end2:
_tile_overlayer_lowered:
.L_overlay_start_2:
0xb8: {  	(tag) =	ssettag $0x2  }
0xb9: {  	s0 =	rddreg [dreg:$0x0];
	s2 =	stileid.u32  }
0xba: {  	s1 =	rddreg [dreg:$0x1];
	p0 =	sne.s32 s2, $0x0  }
0xbb: {  	s3 =	rddreg [dreg:$0x2];
	[bflag:$0x3] =	sbarrier.arrive $0xFFFF;
	s2 =	simm.s32 @!p0 $0x1C03  }
0xbc: {  	[timem:s3], [sflag:s2] =	dma.local @!p0 [hbm:s0], s1  }
0xbd: {  	s0 =	simm.s32 @!p0 $0x3  }
0xbe: {  	_ =	swait.ge @!p0 [sflag:s0], s1  }
0xbf: {  	s1 =	ssub.s32 @!p0 $0x0, s1;
	[sflag:s0] =	ssyncset.done @!p0 $0x0  }
0xc0: {  	[sflag:s0] =	ssyncadd.s32 @!p0 s1  }
0xc1: {  	[bflag:$0x3] =	sbarrier.arrive $0xFFFF  }
0xc2: {  	_ =	shalt  }

// kernel: kernel.21.cloned.1.call-start
scs
__scs_entry_jumppad:
0x0: {  	(pc) =	sbr.rel $0x88, $3  }
0x1: {  	(tag) =	ssettag $0x0;
	lr =	simm.s32 $0x1  }
0x2: {  	[smem:$0x3F92] =	sst lr;
	_ =	strace $0xD0000000  }
0x3: {  	_ = 	snop  }
0x4: {  	_ = 	snop  }
0x5: {  	_ = 	snop  }
0x6: {  	_ = 	snop  }
0x7: {  	_ = 	snop  }
__scs_overlays_trampoline_lowered:
0x8: {  	[smem:$0x3FA1] =	sst s0  }
0x9: {  	[smem:$0x3FA2] =	sst s1  }
0xa: {  	[smem:$0x3FA3] =	sst s2  }
0xb: {  	[smem:$0x3FA4] =	sst s3  }
0xc: {  	[smem:$0x3FA5] =	sst s4  }
0xd: {  	[smem:$0x3FA6] =	sst s5  }
0xe: {  	[smem:$0x3FA7] =	sst s6  }
0xf: {  	[smem:$0x3FA8] =	sst s7  }
0x10: {  	[smem:$0x3FA9] =	sst s8  }
0x11: {  	[smem:$0x3FAA] =	sst s9;
	s0 =	simm.s32 @!p0 $0x0  }
0x12: {  	s1 =	sld [smem:$0x3F90];
	s0 =	simm.s32 @p0 $0x1  }
0x13: {  	[smem:$0x3FAB] =	sst s0;
	s0 =	simm.s32 @!p1 $0x0  }
0x14: {  	s2 =	sld [smem:$0x3F8F];
	s0 =	simm.s32 @p1 $0x1  }
0x15: {  	[smem:$0x3FAC] =	sst s0;
	s0 =	simm.s32 @!p2 $0x0  }
0x16: {  	s3 =	sld [smem:$0x3FDB];
	s0 =	simm.s32 @p2 $0x1  }
0x17: {  	s4 =	simm.s32 $0x1BF5;
	[smem:$0x3FAE] =	sst s0  }
0x18: {  	s0 =	sld [smem:$0x3F91];
	_ =	swait.ge [sflag:s4], $0x0  }
0x19: {  	s7 =	sld [smem:$0x3F92]  }
0x1a: {  	s8 =	sadd.s32 $0xFFFFE003, lr  }
0x1b: {  	s9 =	sadd.s32 $0xFFFFFEF7, lr;
	s5 =	simm.s32 $0xFFFFFFFF;
	p2 =	slt.u32 s8, $0xFFFFF086  }
0x1c: {  	p1 =	slt.u32 s9, $0xF7A;
	s5 =	simm.s32 @!p2 $0x0  }
0x1d: {  	s5 =	simm.s32 @p1 $0x1;
	p0 =	seq.s32 s7, s2  }
0x1e: {  	s7 =	smul.u32 @!p0 $0xF7A, s2;
	p2 =	seq.s32 @!p0 s5, $0x0  }
0x1f: {  	s9 =	smul.u32 $0xF7A, s1;
	s8 =	simm.s32 @!p0 $0x1BF5;
	p2 =	por !p2, p0  }
0x20: {  	[sflag:s8] =	ssyncset.s32 @!p0 $0xFFFFF086;
	s6 =	sadd.s32 @!p0 s3, s7;
	s7 =	simm.s32 @!p0 $0x108  }
0x21: {  	s3 =	sadd.s32 s3, s9;
	s6 =	sadd.s32 @!p0 $0x88, s6;
	s7 =	simm.s32 @p2 $0x1082  }
0x22: {  	[simem:s7], [sflag:s8] =	dma.local @!p0 [hbm:s6], $0xF7A  }
0x23: {  	s9 =	sor.u32 $0xD0000000, s2;
	s6 =	simm.s32 $0x108;
	_ =	swait.ge @!p0 [sflag:s8], $0x0  }
0x24: {  	s3 =	sadd.s32 $0x88, s3;
	s6 =	simm.s32 @!p1 $0x1082;
	[sflag:s4] =	ssyncset.s32 $0xFFFFF086  }
0x25: {  	[simem:s6], [sflag:s4] =	dma.local [hbm:s3], $0xF7A  }
0x26: {  	[smem:$0x3F92] =	sst s1;
	(tag) =	ssettag s2;
	_ =	strace s9  }
0x27: {  	s1 =	sld [smem:$0x3FA2]  }
0x28: {  	s2 =	sld [smem:$0x3FA3]  }
0x29: {  	s4 =	sld [smem:$0x3FA5]  }
0x2a: {  	p0 =	seq.s32 s5, $0x0;
	s5 =	sld [smem:$0x3FA6]  }
0x2b: {  	s6 =	sld [smem:$0x3FA7]  }
0x2c: {  	s7 =	sld [smem:$0x3FA8]  }
0x2d: {  	s3 =	simm.s32 $0x108;
	s8 =	sld [smem:$0x3FA9]  }
0x2e: {  	s3 =	simm.s32 @!p0 $0x1082;
	s9 =	sld [smem:$0x3FAA]  }
0x2f: {  	lr =	sadd.s32 s0, s3;
	s0 =	sld [smem:$0x3FA1]  }
0x30: {  	s3 =	sld [smem:$0x3FA4]  }
0x31: {  	[smem:$0x3FAD] =	sst s10  }
0x32: {  	s10 =	sld [smem:$0x3FAB];
	_ =	sdelay $0x3  }
0x33: {  	p0 =	seq.s32 s10, $0x1;
	s10 =	sld [smem:$0x3FAD];
	_ =	sdelay $0x3  }
0x34: {  	[smem:$0x3FAD] =	sst s10  }
0x35: {  	s10 =	sld [smem:$0x3FAC];
	_ =	sdelay $0x3  }
0x36: {  	p1 =	seq.s32 s10, $0x1;
	s10 =	sld [smem:$0x3FAD];
	_ =	sdelay $0x3  }
0x37: {  	[smem:$0x3FAD] =	sst s10  }
0x38: {  	s10 =	sld [smem:$0x3FAE]  }
0x39: {  	_ = 	snop;
	(pc) =	sbr.ind lr, $3  }
0x3a: {  	_ = 	snop  }
0x3b: {  	_ = 	snop  }
0x3c: {  	p2 =	seq.s32 s10, $0x1;
	s10 =	sld [smem:$0x3FAD]  }
0x3d: {  	_ =	shalt  }
0x3e: {  	_ =	shalt  }
0x3f: {  	_ =	shalt  }
0x40: {  	_ =	shalt  }
0x41: {  	_ =	shalt  }
0x42: {  	_ =	shalt  }
0x43: {  	_ =	shalt  }
0x44: {  	_ =	shalt  }
0x45: {  	_ =	shalt  }
0x46: {  	_ =	shalt  }
0x47: {  	_ =	shalt  }
0x48: {  	_ =	shalt  }
0x49: {  	_ =	shalt  }
0x4a: {  	_ =	shalt  }
0x4b: {  	_ =	shalt  }
0x4c: {  	_ =	shalt  }
0x4d: {  	_ =	shalt  }
0x4e: {  	_ =	shalt  }
0x4f: {  	_ =	shalt  }
0x50: {  	_ =	shalt  }
0x51: {  	_ =	shalt  }
0x52: {  	_ =	shalt  }
0x53: {  	_ =	shalt  }
0x54: {  	_ =	shalt  }
0x55: {  	_ =	shalt  }
0x56: {  	_ =	shalt  }
0x57: {  	_ =	shalt  }
0x58: {  	_ =	shalt  }
0x59: {  	_ =	shalt  }
0x5a: {  	_ =	shalt  }
0x5b: {  	_ =	shalt  }
0x5c: {  	_ =	shalt  }
0x5d: {  	_ =	shalt  }
0x5e: {  	_ =	shalt  }
0x5f: {  	_ =	shalt  }
0x60: {  	_ =	shalt  }
0x61: {  	_ =	shalt  }
0x62: {  	_ =	shalt  }
0x63: {  	_ =	shalt  }
0x64: {  	_ =	shalt  }
0x65: {  	_ =	shalt  }
0x66: {  	_ =	shalt  }
0x67: {  	_ =	shalt  }
0x68: {  	_ =	shalt  }
0x69: {  	_ =	shalt  }
0x6a: {  	_ =	shalt  }
0x6b: {  	_ =	shalt  }
0x6c: {  	_ =	shalt  }
0x6d: {  	_ =	shalt  }
0x6e: {  	_ =	shalt  }
0x6f: {  	_ =	shalt  }
0x70: {  	_ =	shalt  }
0x71: {  	_ =	shalt  }
0x72: {  	_ =	shalt  }
0x73: {  	_ =	shalt  }
0x74: {  	_ =	shalt  }
0x75: {  	_ =	shalt  }
0x76: {  	_ =	shalt  }
0x77: {  	_ =	shalt  }
0x78: {  	_ =	shalt  }
0x79: {  	_ =	shalt  }
0x7a: {  	_ =	shalt  }
0x7b: {  	_ =	shalt  }
0x7c: {  	_ =	shalt  }
0x7d: {  	_ =	shalt  }
0x7e: {  	_ =	shalt  }
0x7f: {  	_ =	shalt  }
0x80: {  	_ =	shalt  }
0x81: {  	_ =	shalt  }
0x82: {  	_ =	shalt  }
0x83: {  	_ =	shalt  }
0x84: {  	_ =	shalt  }
0x85: {  	_ =	shalt  }
0x86: {  	_ =	shalt  }
0x87: {  	_ =	shalt  }
.Lfunc_end0:
.L_simem_size_0:
called_computation.2_lowered:
.L_overlay_start_0:
0x88: {  	s2 =	sld [smem:$0x3FD9]  }
0x89: {  	s3 =	sld [smem:$0x3FFE];
	_ =	sdelay $0x1  }
0x8a: {  	s1 =	srdreg.scid  }
0x8b: {  	s0 =	sand.u32 $0x1, s1  }
0x8c: {  	s17 =	sshll.u32 s0, $0xA;
	s2 =	sadd.s32 s3, s2  }
0x8d: {  	s2 =	sadd.s32 s2, s17  }
0x8e: {  	[smem:$0x3FB9] =	sst s2  }
0x8f: {  	_ = 	snop  }
0x90: {  	(tm) =	ssettm $0x1  }
0x91: {  	s18 =	sld [smem:$0x3FFB];
	_ =	sdelay $0x3  }
0x92: {  	_ =	strace s18  }
0x93: {  	s2 =	sld [smem:$0x3FFC];
	_ =	sdelay $0x3  }
0x94: {  	_ =	strace s2  }
0x95: {  	s2 =	sld [smem:$0x3FFD];
	_ =	sdelay $0x3  }
0x96: {  	_ =	strace s2  }
0x97: {  	_ =	strace $0x8FFFFFFF  }
0x98: {  	s19 =	sld [smem:$0x3FDB];
	_ =	sdelay $0x1  }
0x99: {  	s20 =	simm.s32 $_scs_section_size  }
0x9a: {  	s4 =	simm.s32 $_size__tile_overlayer_lowered;
	s5 =	simm.s32 $_tile_overlayer_lowered  }
0x9b: {  	s6 =	simm.s32 $0x1BFF;
	s21 =	sshll.u32 s5, $0x1;
	s3 =	sadd.s32 s20, s19  }
0x9c: {  	s22 =	simm.s32 $0x0;
	s4 =	sshll.u32 s4, $0x1;
	s5 =	sadd.s32 s21, s3  }
0x9d: {  	[timem:s22], [sflag:s6] =	dma.local [hbm:s5], s4  }
0x9e: {  	_ =	swait.ge [sflag:s6], s4  }
0x9f: {  	s4 =	ssub.s32 $0x0, s4;
	[sflag:s6] =	ssyncset.done $0x0  }
0xa0: {  	[sflag:s6] =	ssyncadd.s32 s4;
	_ =	sdelay $0x1  }
0xa1: {  	s23 =	simm.s32 $0x1B8B  }
0xa2: {  	_ =	swait.ge [sflag:s23], $0x1  }
0xa3: {  	[sflag:s23] =	ssyncset.done $0x0  }
0xa4: {  	[sflag:s23] =	ssyncadd.s32 $0xFFFFFFFF  }
0xa5: {  	s4 =	sld [smem:$0x0]  }
0xa6: {  	s5 =	sand.u32 $0xFFFFFFFE, s1  }
0xa7: {  	p0 =	sne.s32 s1, s5  }
0xa8: {  	s5 =	sshll.u32 @p0 s5, $0xE  }
0xa9: {  	s5 =	sadd.s32 @p0 $0x11B8D, s5;
	s6 =	sshll.u32 @p0 s4, $0x11  }
0xaa: {  	s5 =	sor.u32 @p0 s6, s5  }
0xab: {  	[sflag:s5] =	ssyncadd.remote.s32 @p0 $0x1;
	_ =	sdelay $0x1  }
0xac: {  	s5 =	simm.s32 @p0 $0x1B8D  }
0xad: {  	_ =	swait.eq @p0 [sflag:s5], $0x1  }
0xae: {  	[sflag:s5] =	ssyncadd.s32 @p0 $0xFFFFFFFF  }
0xaf: {  	s6 =	sshll.u32 @!p0 s1, $0xE  }
0xb0: {  	s6 =	sor.u32 @!p0 $0x4000, s6;
	s5 =	simm.s32 @!p0 $0x1B8D  }
0xb1: {  	s4 =	sshll.u32 @!p0 s4, $0x11;
	s6 =	sadd.s32 @!p0 $0x11B8D, s6;
	_ =	swait.eq @!p0 [sflag:s5], $0x1  }
0xb2: {  	s4 =	sor.u32 @!p0 s4, s6;
	[sflag:s5] =	ssyncadd.s32 @!p0 $0xFFFFFFFF  }
0xb3: {  	s25 =	simm.s32 $0x1B8E;
	s24 =	sld [smem:$0x3FFE];
	[sflag:s4] =	ssyncadd.remote.s32 @!p0 $0x1  }
0xb4: {  	s26 =	simm.s32 $execute0_lowered;
	[smem:$0x3FD2] =	sst s25  }
0xb5: {  	s5 =	sshll.u32 s26, $0x1;
	_ =	strace $0x8000004F;
	[dreg:$0x1] =	wrdreg $0xFFFFFFFF  }
0xb6: {  	s28 =	simm.s32 $_size_execute0_lowered;
	s3 =	sadd.s32 s3, s5;
	[dreg:$0x0] =	wrdreg $0x0  }
0xb7: {  	s5 =	sshll.u32 s28, $0x1;
	[dreg:$0x2] =	wrdreg s3  }
0xb8: {  	[dreg:$0x3] =	wrdreg s5  }
0xb9: {  	[dreg:$0x4] =	wrdreg $0xC0  }
0xba: {  	_ =	task [dreg:s22], $0x5FFFF  }
0xbb: {  	[dreg:$0x1] =	wrdreg $0xFFFFFFFF  }
0xbc: {  	[dreg:$0x0] =	wrdreg $0x60  }
0xbd: {  	[dreg:$0x2] =	wrdreg s24  }
0xbe: {  	[dreg:$0x3] =	wrdreg $0x9  }
0xbf: {  	_ =	task.clear_ibuf [dreg:s22], $0x4FFFF;
	_ =	strace $0x9000004F  }
0xc0: {  	s29 =	simm.s32 $0x9;
	_ =	strace $0x80000051  }
0xc1: {  	_ =	swait.ge [sflag:s29], $0x1  }
0xc2: {  	[sflag:s29] =	ssyncadd.s32 $0xFFFFFFFF  }
0xc3: {  	_ =	strace $0x90000051  }
0xc4: {  	_ =	sfence  }
0xc5: {  	s30 =	sld [smem:$0x0];
	_ =	sdelay $0x2  }
0xc6: {  	s31 =	sshll.u32 s1, $0xD;
	s1 =	sshrl.u32 s1, $0x2  }
0xc7: {  	s4 =	sand.u32 $0x4000, s31;
	s1 =	sadd.s32 s1, s30  }
0xc8: {  	s0 =	sor.u32 s4, s0;
	s1 =	sshll.u32 s1, $0x11  }
0xc9: {  	s0 =	sor.u32 s1, s0  }
0xca: {  	s0 =	sadd.s32 $0x8F2B, s0  }
0xcb: {  	[sflag:s0] =	ssyncadd.remote.s32 $0x1  }
0xcc: {  	_ =	sfence.sel $0xFFFF  }
0xcd: {  	[dreg:$0x0] =	wrdreg $0xFFFFFFFF;
	(pc) =	sbr.abs _section_cstart, $3  }
0xce: {  	[dreg:$0x1] =	wrdreg $0xFFFFFFFF  }
0xcf: {  	_ =	task.clear_ibuf [dreg:s22], $0x2FFFF;
	_ =	strace $0x9FFFFFFF  }
0xd0: {  	(tm) =	ssettm $0x7FFFFFFF  }
0xd1: {  	_ =	shalt  }
tec
execute0_lowered:
.L_overlay_start_1:
0x0: {  	(tag) =	ssettag $0x1  }
0x1: {  	s1 =	srdreg.scid;
	s0 =	stileid.u32  }
0x2: {  	s29 =	sand.u32 $0x1, s1;
	s26 =	sshll.u32 s0, $0x1  }
0x3: {  	s11 =	sor.u32 s29, s26  }
0x4: {  	s3 =	smul.u32 $0x500, s11  }
0x5: {  	s10 =	rddreg [dreg:$0x0]  }
0x6: {  	s2 =	simm.s32 $0x0;
	s1 =	rddreg [dreg:$0x1];
	s3 =	sshrl.u32 s3, $0x3  }
0x7: {  	[smem:$0x7FF] =	sst s2;
	s3 =	sadd.s32 s10, s3  }
0x8: {  	_ =	strace $0x80000050;
	s4 =	sadd.s32 $0x2E600, s3;
	s3 =	simm.s32 $0x3  }
0x9: {  	[tilespmem:s2], [sflag:$0x3] =	stream.linear.gather [hbm4b:s4+s2], $0x500, $0x38;
	[tilespmem:$0x8500] =	vst v63  }
0xa: {  	_ =	swait.ge [sflag:s3], $0x500  }
0xb: {  	s6 =	simm.s32 $0x80;
	[sflag:s3] =	ssyncset.done $0x0  }
0xc: {  	s7 =	simm.s32 $0x500;
	s5 =	sadd.s32 $0x30E00, s10;
	[sflag:s3] =	ssyncadd.s32 $0xFFFFFB00  }
0xd: {  	[tilespmem:s7], [sflag:$0x1] =	stream.indirect.gather [hbm4b:s5+s6], $0x80, s2, s6, $0xb8;
	[tilespmem:$0x8500] =	vst v63  }
0xe: {  	s8 =	simm.s32 $0x4500;
	s9 =	simm.s32 $0x1;
	s12 =	smul.u32 $0x28000, s11  }
0xf: {  	[tilespmem:s8], [sflag:$0x2] =	stream.indirect.gather [hbm4b:s5+s6], $0x80, s6, s6, $0xb8;
	[tilespmem:$0x8500] =	vst v63  }
0x10: {  	_ =	swait.ge [sflag:s9], $0x4000  }
0x11: {  	s13 =	sadd.s32 $0x4AB000, s10;
	s31 =	sshrl.u32 s12, $0x3;
	[sflag:s9] =	ssyncset.done $0x0  }
0x12: {  	s10 =	sadd.s32 s13, s31;
	[sflag:s9] =	ssyncadd.s32 $0xFFFFC000  }
0x13: {  	[hbm4b:s10+s2] =	stream.linear.scatter [tilespmem:s7], [sflag:$0x3], $0x4000, $0x38;
	[tilespmem:$0x8500] =	vst v63  }
0x14: {  	_ =	swait.ge [sflag:s3], $0x4000  }
0x15: {  	s14 =	smul.u32 $0x5000, s11;
	[sflag:s3] =	ssyncset.done $0x0  }
0x16: {  	s11 =	simm.s32 $0x100;
	s12 =	simm.s32 $0x2;
	[sflag:s3] =	ssyncadd.s32 $0xFFFFC000  }
0x17: {  	[tilespmem:s7], [sflag:$0x1] =	stream.indirect.gather [hbm4b:s5+s6], $0x80, s11, s6, $0xb8;
	[tilespmem:$0x8500] =	vst v63  }
0x18: {  	_ =	swait.ge [sflag:s12], $0x4000  }
0x19: {  	s30 =	sadd.s32 s13, s14;
	[sflag:s12] =	ssyncset.done $0x0  }
0x1a: {  	s13 =	sadd.s32 $0x800, s30;
	[sflag:s12] =	ssyncadd.s32 $0xFFFFC000  }
0x1b: {  	[hbm4b:s13+s2] =	stream.linear.scatter [tilespmem:s8], [sflag:$0x3], $0x4000, $0x38;
	[tilespmem:$0x8500] =	vst v63  }
0x1c: {  	_ =	swait.ge [sflag:s3], $0x4000  }
0x1d: {  	[sflag:s3] =	ssyncset.done $0x0  }
0x1e: {  	s14 =	simm.s32 $0x180;
	[sflag:s3] =	ssyncadd.s32 $0xFFFFC000  }
0x1f: {  	[tilespmem:s8], [sflag:$0x2] =	stream.indirect.gather [hbm4b:s5+s6], $0x80, s14, s6, $0xb8;
	[tilespmem:$0x8500] =	vst v63  }
0x20: {  	_ =	swait.ge [sflag:s9], $0x4000  }
0x21: {  	[sflag:s9] =	ssyncset.done $0x0  }
0x22: {  	s15 =	sadd.s32 $0x1000, s10;
	[sflag:s9] =	ssyncadd.s32 $0xFFFFC000  }
0x23: {  	[hbm4b:s15+s2] =	stream.linear.scatter [tilespmem:s7], [sflag:$0x3], $0x4000, $0x38;
	[tilespmem:$0x8500] =	vst v63  }
0x24: {  	_ =	swait.ge [sflag:s3], $0x4000  }
0x25: {  	[sflag:s3] =	ssyncset.done $0x0  }
0x26: {  	s16 =	simm.s32 $0x200;
	[sflag:s3] =	ssyncadd.s32 $0xFFFFC000  }
0x27: {  	[tilespmem:s7], [sflag:$0x1] =	stream.indirect.gather [hbm4b:s5+s6], $0x80, s16, s6, $0xb8;
	[tilespmem:$0x8500] =	vst v63  }
0x28: {  	_ =	swait.ge [sflag:s12], $0x4000  }
0x29: {  	[sflag:s12] =	ssyncset.done $0x0  }
0x2a: {  	s17 =	sadd.s32 $0x1800, s30;
	[sflag:s12] =	ssyncadd.s32 $0xFFFFC000  }
0x2b: {  	[hbm4b:s17+s2] =	stream.linear.scatter [tilespmem:s8], [sflag:$0x3], $0x4000, $0x38;
	[tilespmem:$0x8500] =	vst v63  }
0x2c: {  	_ =	swait.ge [sflag:s3], $0x4000  }
0x2d: {  	[sflag:s3] =	ssyncset.done $0x0  }
0x2e: {  	s18 =	simm.s32 $0x280;
	[sflag:s3] =	ssyncadd.s32 $0xFFFFC000  }
0x2f: {  	[tilespmem:s8], [sflag:$0x2] =	stream.indirect.gather [hbm4b:s5+s6], $0x80, s18, s6, $0xb8;
	[tilespmem:$0x8500] =	vst v63  }
0x30: {  	_ =	swait.ge [sflag:s9], $0x4000  }
0x31: {  	[sflag:s9] =	ssyncset.done $0x0  }
0x32: {  	s19 =	sadd.s32 $0x2000, s10;
	[sflag:s9] =	ssyncadd.s32 $0xFFFFC000  }
0x33: {  	[hbm4b:s19+s2] =	stream.linear.scatter [tilespmem:s7], [sflag:$0x3], $0x4000, $0x38;
	[tilespmem:$0x8500] =	vst v63  }
0x34: {  	_ =	swait.ge [sflag:s3], $0x4000  }
0x35: {  	[sflag:s3] =	ssyncset.done $0x0  }
0x36: {  	s20 =	simm.s32 $0x300;
	[sflag:s3] =	ssyncadd.s32 $0xFFFFC000  }
0x37: {  	[tilespmem:s7], [sflag:$0x1] =	stream.indirect.gather [hbm4b:s5+s6], $0x80, s20, s6, $0xb8;
	[tilespmem:$0x8500] =	vst v63  }
0x38: {  	_ =	swait.ge [sflag:s12], $0x4000  }
0x39: {  	[sflag:s12] =	ssyncset.done $0x0  }
0x3a: {  	s21 =	sadd.s32 $0x2800, s30;
	[sflag:s12] =	ssyncadd.s32 $0xFFFFC000  }
0x3b: {  	[hbm4b:s21+s2] =	stream.linear.scatter [tilespmem:s8], [sflag:$0x3], $0x4000, $0x38;
	[tilespmem:$0x8500] =	vst v63  }
0x3c: {  	_ =	swait.ge [sflag:s3], $0x4000  }
0x3d: {  	[sflag:s3] =	ssyncset.done $0x0  }
0x3e: {  	s22 =	simm.s32 $0x380;
	[sflag:s3] =	ssyncadd.s32 $0xFFFFC000  }
0x3f: {  	[tilespmem:s8], [sflag:$0x2] =	stream.indirect.gather [hbm4b:s5+s6], $0x80, s22, s6, $0xb8;
	[tilespmem:$0x8500] =	vst v63  }
0x40: {  	_ =	swait.ge [sflag:s9], $0x4000  }
0x41: {  	[sflag:s9] =	ssyncset.done $0x0  }
0x42: {  	s23 =	sadd.s32 $0x3000, s10;
	[sflag:s9] =	ssyncadd.s32 $0xFFFFC000  }
0x43: {  	[hbm4b:s23+s2] =	stream.linear.scatter [tilespmem:s7], [sflag:$0x3], $0x4000, $0x38;
	[tilespmem:$0x8500] =	vst v63  }
0x44: {  	_ =	swait.ge [sflag:s3], $0x4000  }
0x45: {  	[sflag:s3] =	ssyncset.done $0x0  }
0x46: {  	s24 =	simm.s32 $0x400;
	[sflag:s3] =	ssyncadd.s32 $0xFFFFC000  }
0x47: {  	[tilespmem:s7], [sflag:$0x1] =	stream.indirect.gather [hbm4b:s5+s6], $0x80, s24, s6, $0xb8;
	[tilespmem:$0x8500] =	vst v63  }
0x48: {  	_ =	swait.ge [sflag:s12], $0x4000  }
0x49: {  	[sflag:s12] =	ssyncset.done $0x0  }
0x4a: {  	s25 =	sadd.s32 $0x3800, s30;
	[sflag:s12] =	ssyncadd.s32 $0xFFFFC000  }
0x4b: {  	[hbm4b:s25+s2] =	stream.linear.scatter [tilespmem:s8], [sflag:$0x3], $0x4000, $0x38;
	[tilespmem:$0x8500] =	vst v63  }
0x4c: {  	_ =	swait.ge [sflag:s3], $0x4000  }
0x4d: {  	[sflag:s3] =	ssyncset.done $0x0  }
0x4e: {  	s26 =	simm.s32 $0x480;
	[sflag:s3] =	ssyncadd.s32 $0xFFFFC000  }
0x4f: {  	[tilespmem:s8], [sflag:$0x2] =	stream.indirect.gather [hbm4b:s5+s6], $0x80, s26, s6, $0xb8;
	[tilespmem:$0x8500] =	vst v63  }
0x50: {  	_ =	swait.ge [sflag:s9], $0x4000  }
0x51: {  	[sflag:s9] =	ssyncset.done $0x0  }
0x52: {  	s29 =	ssub.s32 $0x2, s29;
	s28 =	sadd.s32 $0x4000, s10;
	[sflag:s9] =	ssyncadd.s32 $0xFFFFC000  }
0x53: {  	[hbm4b:s28+s2] =	stream.linear.scatter [tilespmem:s7], [sflag:$0x3], $0x4000, $0x38;
	[tilespmem:$0x8500] =	vst v63  }
0x54: {  	s31 =	sshrl.u32 s29, $0x1;
	_ =	swait.ge [sflag:s3], $0x4000  }
0x55: {  	s29 =	ssub.s32 s29, s31;
	[sflag:s3] =	ssyncset.done $0x0  }
0x56: {  	s31 =	smax.u32 s29, $0x1;
	[sflag:s3] =	ssyncadd.s32 $0xFFFFC000  }
0x57: {  	p0 =	sne.s32 s31, $0x1;
	_ =	swait.ge [sflag:s12], $0x4000  }
.Ltmp0:
0x58: {  	[sflag:s12] =	ssyncset.done $0x0;
	(pc) =	sbr.rel @!p0 .LBB2_2-.Ltmp0, $4  }
0x59: {  	s29 =	sadd.s32 $0x4800, s30;
	[sflag:s12] =	ssyncadd.s32 $0xFFFFC000  }
0x5a: {  	[hbm4b:s29+s2] =	stream.linear.scatter [tilespmem:s8], [sflag:$0x3], $0x4000, $0x38;
	[tilespmem:$0x8500] =	vst v63  }
0x5b: {  	_ =	swait.ge [sflag:s3], $0x4000  }
0x5c: {  	s30 =	sadd.s32 $0xFFFFFFFF, s31;
	[sflag:s3] =	ssyncset.done $0x0  }
.LBB2_1:
0x5d: {  	p0 =	sne.s32 s30, $0x1;
	s30 =	sadd.s32 $0xFFFFFFFF, s30;
	[sflag:s3] =	ssyncadd.s32 $0xFFFFC000  }
0x5e: {  	[tilespmem:s2], [sflag:$0x3] =	stream.linear.gather [hbm4b:s4+s2], $0x500, $0x38;
	[tilespmem:$0x8500] =	vst v63  }
0x5f: {  	_ =	swait.ge [sflag:s3], $0x500  }
0x60: {  	[sflag:s3] =	ssyncset.done $0x0  }
0x61: {  	[sflag:s3] =	ssyncadd.s32 $0xFFFFFB00  }
0x62: {  	[tilespmem:s7], [sflag:$0x1] =	stream.indirect.gather [hbm4b:s5+s6], $0x80, s2, s6, $0xb8;
	[tilespmem:$0x8500] =	vst v63  }
0x63: {  	_ = 	snop  }
0x64: {  	[tilespmem:s8], [sflag:$0x2] =	stream.indirect.gather [hbm4b:s5+s6], $0x80, s6, s6, $0xb8;
	[tilespmem:$0x8500] =	vst v63  }
0x65: {  	_ =	swait.ge [sflag:s9], $0x4000  }
0x66: {  	[sflag:s9] =	ssyncset.done $0x0  }
0x67: {  	[sflag:s9] =	ssyncadd.s32 $0xFFFFC000  }
0x68: {  	[hbm4b:s10+s2] =	stream.linear.scatter [tilespmem:s7], [sflag:$0x3], $0x4000, $0x38;
	[tilespmem:$0x8500] =	vst v63  }
0x69: {  	_ =	swait.ge [sflag:s3], $0x4000  }
0x6a: {  	[sflag:s3] =	ssyncset.done $0x0  }
0x6b: {  	[sflag:s3] =	ssyncadd.s32 $0xFFFFC000  }
0x6c: {  	[tilespmem:s7], [sflag:$0x1] =	stream.indirect.gather [hbm4b:s5+s6], $0x80, s11, s6, $0xb8;
	[tilespmem:$0x8500] =	vst v63  }
0x6d: {  	_ =	swait.ge [sflag:s12], $0x4000  }
0x6e: {  	[sflag:s12] =	ssyncset.done $0x0  }
0x6f: {  	[sflag:s12] =	ssyncadd.s32 $0xFFFFC000  }
0x70: {  	[hbm4b:s13+s2] =	stream.linear.scatter [tilespmem:s8], [sflag:$0x3], $0x4000, $0x38;
	[tilespmem:$0x8500] =	vst v63  }
0x71: {  	_ =	swait.ge [sflag:s3], $0x4000  }
0x72: {  	[sflag:s3] =	ssyncset.done $0x0  }
0x73: {  	[sflag:s3] =	ssyncadd.s32 $0xFFFFC000  }
0x74: {  	[tilespmem:s8], [sflag:$0x2] =	stream.indirect.gather [hbm4b:s5+s6], $0x80, s14, s6, $0xb8;
	[tilespmem:$0x8500] =	vst v63  }
0x75: {  	_ =	swait.ge [sflag:s9], $0x4000  }
0x76: {  	[sflag:s9] =	ssyncset.done $0x0  }
0x77: {  	[sflag:s9] =	ssyncadd.s32 $0xFFFFC000  }
0x78: {  	[hbm4b:s15+s2] =	stream.linear.scatter [tilespmem:s7], [sflag:$0x3], $0x4000, $0x38;
	[tilespmem:$0x8500] =	vst v63  }
0x79: {  	_ =	swait.ge [sflag:s3], $0x4000  }
0x7a: {  	[sflag:s3] =	ssyncset.done $0x0  }
0x7b: {  	[sflag:s3] =	ssyncadd.s32 $0xFFFFC000  }
0x7c: {  	[tilespmem:s7], [sflag:$0x1] =	stream.indirect.gather [hbm4b:s5+s6], $0x80, s16, s6, $0xb8;
	[tilespmem:$0x8500] =	vst v63  }
0x7d: {  	_ =	swait.ge [sflag:s12], $0x4000  }
0x7e: {  	[sflag:s12] =	ssyncset.done $0x0  }
0x7f: {  	[sflag:s12] =	ssyncadd.s32 $0xFFFFC000  }
0x80: {  	[hbm4b:s17+s2] =	stream.linear.scatter [tilespmem:s8], [sflag:$0x3], $0x4000, $0x38;
	[tilespmem:$0x8500] =	vst v63  }
0x81: {  	_ =	swait.ge [sflag:s3], $0x4000  }
0x82: {  	[sflag:s3] =	ssyncset.done $0x0  }
0x83: {  	[sflag:s3] =	ssyncadd.s32 $0xFFFFC000  }
0x84: {  	[tilespmem:s8], [sflag:$0x2] =	stream.indirect.gather [hbm4b:s5+s6], $0x80, s18, s6, $0xb8;
	[tilespmem:$0x8500] =	vst v63  }
0x85: {  	_ =	swait.ge [sflag:s9], $0x4000  }
0x86: {  	[sflag:s9] =	ssyncset.done $0x0  }
0x87: {  	[sflag:s9] =	ssyncadd.s32 $0xFFFFC000  }
0x88: {  	[hbm4b:s19+s2] =	stream.linear.scatter [tilespmem:s7], [sflag:$0x3], $0x4000, $0x38;
	[tilespmem:$0x8500] =	vst v63  }
0x89: {  	_ =	swait.ge [sflag:s3], $0x4000  }
0x8a: {  	[sflag:s3] =	ssyncset.done $0x0  }
0x8b: {  	[sflag:s3] =	ssyncadd.s32 $0xFFFFC000  }
0x8c: {  	[tilespmem:s7], [sflag:$0x1] =	stream.indirect.gather [hbm4b:s5+s6], $0x80, s20, s6, $0xb8;
	[tilespmem:$0x8500] =	vst v63  }
0x8d: {  	_ =	swait.ge [sflag:s12], $0x4000  }
0x8e: {  	[sflag:s12] =	ssyncset.done $0x0  }
0x8f: {  	[sflag:s12] =	ssyncadd.s32 $0xFFFFC000  }
0x90: {  	[hbm4b:s21+s2] =	stream.linear.scatter [tilespmem:s8], [sflag:$0x3], $0x4000, $0x38;
	[tilespmem:$0x8500] =	vst v63  }
0x91: {  	_ =	swait.ge [sflag:s3], $0x4000  }
0x92: {  	[sflag:s3] =	ssyncset.done $0x0  }
0x93: {  	[sflag:s3] =	ssyncadd.s32 $0xFFFFC000  }
0x94: {  	[tilespmem:s8], [sflag:$0x2] =	stream.indirect.gather [hbm4b:s5+s6], $0x80, s22, s6, $0xb8;
	[tilespmem:$0x8500] =	vst v63  }
0x95: {  	_ =	swait.ge [sflag:s9], $0x4000  }
0x96: {  	[sflag:s9] =	ssyncset.done $0x0  }
0x97: {  	[sflag:s9] =	ssyncadd.s32 $0xFFFFC000  }
0x98: {  	[hbm4b:s23+s2] =	stream.linear.scatter [tilespmem:s7], [sflag:$0x3], $0x4000, $0x38;
	[tilespmem:$0x8500] =	vst v63  }
0x99: {  	_ =	swait.ge [sflag:s3], $0x4000  }
0x9a: {  	[sflag:s3] =	ssyncset.done $0x0  }
0x9b: {  	[sflag:s3] =	ssyncadd.s32 $0xFFFFC000  }
0x9c: {  	[tilespmem:s7], [sflag:$0x1] =	stream.indirect.gather [hbm4b:s5+s6], $0x80, s24, s6, $0xb8;
	[tilespmem:$0x8500] =	vst v63  }
0x9d: {  	_ =	swait.ge [sflag:s12], $0x4000  }
0x9e: {  	[sflag:s12] =	ssyncset.done $0x0  }
0x9f: {  	[sflag:s12] =	ssyncadd.s32 $0xFFFFC000  }
0xa0: {  	[hbm4b:s25+s2] =	stream.linear.scatter [tilespmem:s8], [sflag:$0x3], $0x4000, $0x38;
	[tilespmem:$0x8500] =	vst v63  }
0xa1: {  	_ =	swait.ge [sflag:s3], $0x4000  }
0xa2: {  	[sflag:s3] =	ssyncset.done $0x0  }
0xa3: {  	[sflag:s3] =	ssyncadd.s32 $0xFFFFC000  }
0xa4: {  	[tilespmem:s8], [sflag:$0x2] =	stream.indirect.gather [hbm4b:s5+s6], $0x80, s26, s6, $0xb8;
	[tilespmem:$0x8500] =	vst v63  }
0xa5: {  	_ =	swait.ge [sflag:s9], $0x4000  }
0xa6: {  	[sflag:s9] =	ssyncset.done $0x0  }
0xa7: {  	[sflag:s9] =	ssyncadd.s32 $0xFFFFC000  }
0xa8: {  	[hbm4b:s28+s2] =	stream.linear.scatter [tilespmem:s7], [sflag:$0x3], $0x4000, $0x38;
	[tilespmem:$0x8500] =	vst v63  }
0xa9: {  	_ =	swait.ge [sflag:s3], $0x4000  }
0xaa: {  	[sflag:s3] =	ssyncset.done $0x0  }
0xab: {  	[sflag:s3] =	ssyncadd.s32 $0xFFFFC000  }
0xac: {  	_ =	swait.ge [sflag:s12], $0x4000  }
.Ltmp1:
0xad: {  	[sflag:s12] =	ssyncset.done $0x0;
	(pc) =	sbr.rel @p0 .LBB2_1-.Ltmp1, $4  }
0xae: {  	[sflag:s12] =	ssyncadd.s32 $0xFFFFC000  }
0xaf: {  	[hbm4b:s29+s2] =	stream.linear.scatter [tilespmem:s8], [sflag:$0x3], $0x4000, $0x38;
	[tilespmem:$0x8500] =	vst v63  }
0xb0: {  	_ =	swait.ge [sflag:s3], $0x4000  }
0xb1: {  	[sflag:s3] =	ssyncset.done $0x0  }
.LBB2_2:
0xb2: {  	[sflag:s3] =	ssyncadd.s32 $0xFFFFC000  }
0xb3: {  	_ =	sfence.sel $0x180000  }
0xb4: {  	[bflag:$0x0] =	sbarrier.arrive $0xFFFF  }
0xb5: {  	p0 =	sne.s32 s0, $0x0;
	_ =	strace $0x90000050  }
0xb6: {  	s0 =	sadd.s32 @!p0 $0x100000, s1;
	[bflag:$0x2] =	sbarrier.arrive $0xFFFF  }
0xb7: {  	[sflag:s0] =	ssyncadd.tile.s32 @!p0 $0x1;
	_ =	shalt  }
.Lfunc_end2:
_tile_overlayer_lowered:
.L_overlay_start_2:
0xb8: {  	(tag) =	ssettag $0x2  }
0xb9: {  	s0 =	rddreg [dreg:$0x0];
	s2 =	stileid.u32  }
0xba: {  	s1 =	rddreg [dreg:$0x1];
	p0 =	sne.s32 s2, $0x0  }
0xbb: {  	s3 =	rddreg [dreg:$0x2];
	[bflag:$0x3] =	sbarrier.arrive $0xFFFF;
	s2 =	simm.s32 @!p0 $0x1C03  }
0xbc: {  	[timem:s3], [sflag:s2] =	dma.local @!p0 [hbm:s0], s1  }
0xbd: {  	s0 =	simm.s32 @!p0 $0x3  }
0xbe: {  	_ =	swait.ge @!p0 [sflag:s0], s1  }
0xbf: {  	s1 =	ssub.s32 @!p0 $0x0, s1;
	[sflag:s0] =	ssyncset.done @!p0 $0x0  }
0xc0: {  	[sflag:s0] =	ssyncadd.s32 @!p0 s1  }
0xc1: {  	[bflag:$0x3] =	sbarrier.arrive $0xFFFF  }
0xc2: {  	_ =	shalt  }

// kernel: kernel.24.cloned.1.call-start
scs
__scs_entry_jumppad:
0x0: {  	(pc) =	sbr.rel $0x88, $3  }
0x1: {  	(tag) =	ssettag $0x0;
	lr =	simm.s32 $0x1  }
0x2: {  	[smem:$0x3F92] =	sst lr;
	_ =	strace $0xD0000000  }
0x3: {  	_ = 	snop  }
0x4: {  	_ = 	snop  }
0x5: {  	_ = 	snop  }
0x6: {  	_ = 	snop  }
0x7: {  	_ = 	snop  }
__scs_overlays_trampoline_lowered:
0x8: {  	[smem:$0x3FA1] =	sst s0  }
0x9: {  	[smem:$0x3FA2] =	sst s1  }
0xa: {  	[smem:$0x3FA3] =	sst s2  }
0xb: {  	[smem:$0x3FA4] =	sst s3  }
0xc: {  	[smem:$0x3FA5] =	sst s4  }
0xd: {  	[smem:$0x3FA6] =	sst s5  }
0xe: {  	[smem:$0x3FA7] =	sst s6  }
0xf: {  	[smem:$0x3FA8] =	sst s7  }
0x10: {  	[smem:$0x3FA9] =	sst s8  }
0x11: {  	[smem:$0x3FAA] =	sst s9;
	s0 =	simm.s32 @!p0 $0x0  }
0x12: {  	s1 =	sld [smem:$0x3F90];
	s0 =	simm.s32 @p0 $0x1  }
0x13: {  	[smem:$0x3FAB] =	sst s0;
	s0 =	simm.s32 @!p1 $0x0  }
0x14: {  	s2 =	sld [smem:$0x3F8F];
	s0 =	simm.s32 @p1 $0x1  }
0x15: {  	[smem:$0x3FAC] =	sst s0;
	s0 =	simm.s32 @!p2 $0x0  }
0x16: {  	s3 =	sld [smem:$0x3FDB];
	s0 =	simm.s32 @p2 $0x1  }
0x17: {  	s4 =	simm.s32 $0x1BF5;
	[smem:$0x3FAE] =	sst s0  }
0x18: {  	s0 =	sld [smem:$0x3F91];
	_ =	swait.ge [sflag:s4], $0x0  }
0x19: {  	s7 =	sld [smem:$0x3F92]  }
0x1a: {  	s8 =	sadd.s32 $0xFFFFE003, lr  }
0x1b: {  	s9 =	sadd.s32 $0xFFFFFEF7, lr;
	s5 =	simm.s32 $0xFFFFFFFF;
	p2 =	slt.u32 s8, $0xFFFFF086  }
0x1c: {  	p1 =	slt.u32 s9, $0xF7A;
	s5 =	simm.s32 @!p2 $0x0  }
0x1d: {  	s5 =	simm.s32 @p1 $0x1;
	p0 =	seq.s32 s7, s2  }
0x1e: {  	s7 =	smul.u32 @!p0 $0xF7A, s2;
	p2 =	seq.s32 @!p0 s5, $0x0  }
0x1f: {  	s9 =	smul.u32 $0xF7A, s1;
	s8 =	simm.s32 @!p0 $0x1BF5;
	p2 =	por !p2, p0  }
0x20: {  	[sflag:s8] =	ssyncset.s32 @!p0 $0xFFFFF086;
	s6 =	sadd.s32 @!p0 s3, s7;
	s7 =	simm.s32 @!p0 $0x108  }
0x21: {  	s3 =	sadd.s32 s3, s9;
	s6 =	sadd.s32 @!p0 $0x88, s6;
	s7 =	simm.s32 @p2 $0x1082  }
0x22: {  	[simem:s7], [sflag:s8] =	dma.local @!p0 [hbm:s6], $0xF7A  }
0x23: {  	s9 =	sor.u32 $0xD0000000, s2;
	s6 =	simm.s32 $0x108;
	_ =	swait.ge @!p0 [sflag:s8], $0x0  }
0x24: {  	s3 =	sadd.s32 $0x88, s3;
	s6 =	simm.s32 @!p1 $0x1082;
	[sflag:s4] =	ssyncset.s32 $0xFFFFF086  }
0x25: {  	[simem:s6], [sflag:s4] =	dma.local [hbm:s3], $0xF7A  }
0x26: {  	[smem:$0x3F92] =	sst s1;
	(tag) =	ssettag s2;
	_ =	strace s9  }
0x27: {  	s1 =	sld [smem:$0x3FA2]  }
0x28: {  	s2 =	sld [smem:$0x3FA3]  }
0x29: {  	s4 =	sld [smem:$0x3FA5]  }
0x2a: {  	p0 =	seq.s32 s5, $0x0;
	s5 =	sld [smem:$0x3FA6]  }
0x2b: {  	s6 =	sld [smem:$0x3FA7]  }
0x2c: {  	s7 =	sld [smem:$0x3FA8]  }
0x2d: {  	s3 =	simm.s32 $0x108;
	s8 =	sld [smem:$0x3FA9]  }
0x2e: {  	s3 =	simm.s32 @!p0 $0x1082;
	s9 =	sld [smem:$0x3FAA]  }
0x2f: {  	lr =	sadd.s32 s0, s3;
	s0 =	sld [smem:$0x3FA1]  }
0x30: {  	s3 =	sld [smem:$0x3FA4]  }
0x31: {  	[smem:$0x3FAD] =	sst s10  }
0x32: {  	s10 =	sld [smem:$0x3FAB];
	_ =	sdelay $0x3  }
0x33: {  	p0 =	seq.s32 s10, $0x1;
	s10 =	sld [smem:$0x3FAD];
	_ =	sdelay $0x3  }
0x34: {  	[smem:$0x3FAD] =	sst s10  }
0x35: {  	s10 =	sld [smem:$0x3FAC];
	_ =	sdelay $0x3  }
0x36: {  	p1 =	seq.s32 s10, $0x1;
	s10 =	sld [smem:$0x3FAD];
	_ =	sdelay $0x3  }
0x37: {  	[smem:$0x3FAD] =	sst s10  }
0x38: {  	s10 =	sld [smem:$0x3FAE]  }
0x39: {  	_ = 	snop;
	(pc) =	sbr.ind lr, $3  }
0x3a: {  	_ = 	snop  }
0x3b: {  	_ = 	snop  }
0x3c: {  	p2 =	seq.s32 s10, $0x1;
	s10 =	sld [smem:$0x3FAD]  }
0x3d: {  	_ =	shalt  }
0x3e: {  	_ =	shalt  }
0x3f: {  	_ =	shalt  }
0x40: {  	_ =	shalt  }
0x41: {  	_ =	shalt  }
0x42: {  	_ =	shalt  }
0x43: {  	_ =	shalt  }
0x44: {  	_ =	shalt  }
0x45: {  	_ =	shalt  }
0x46: {  	_ =	shalt  }
0x47: {  	_ =	shalt  }
0x48: {  	_ =	shalt  }
0x49: {  	_ =	shalt  }
0x4a: {  	_ =	shalt  }
0x4b: {  	_ =	shalt  }
0x4c: {  	_ =	shalt  }
0x4d: {  	_ =	shalt  }
0x4e: {  	_ =	shalt  }
0x4f: {  	_ =	shalt  }
0x50: {  	_ =	shalt  }
0x51: {  	_ =	shalt  }
0x52: {  	_ =	shalt  }
0x53: {  	_ =	shalt  }
0x54: {  	_ =	shalt  }
0x55: {  	_ =	shalt  }
0x56: {  	_ =	shalt  }
0x57: {  	_ =	shalt  }
0x58: {  	_ =	shalt  }
0x59: {  	_ =	shalt  }
0x5a: {  	_ =	shalt  }
0x5b: {  	_ =	shalt  }
0x5c: {  	_ =	shalt  }
0x5d: {  	_ =	shalt  }
0x5e: {  	_ =	shalt  }
0x5f: {  	_ =	shalt  }
0x60: {  	_ =	shalt  }
0x61: {  	_ =	shalt  }
0x62: {  	_ =	shalt  }
0x63: {  	_ =	shalt  }
0x64: {  	_ =	shalt  }
0x65: {  	_ =	shalt  }
0x66: {  	_ =	shalt  }
0x67: {  	_ =	shalt  }
0x68: {  	_ =	shalt  }
0x69: {  	_ =	shalt  }
0x6a: {  	_ =	shalt  }
0x6b: {  	_ =	shalt  }
0x6c: {  	_ =	shalt  }
0x6d: {  	_ =	shalt  }
0x6e: {  	_ =	shalt  }
0x6f: {  	_ =	shalt  }
0x70: {  	_ =	shalt  }
0x71: {  	_ =	shalt  }
0x72: {  	_ =	shalt  }
0x73: {  	_ =	shalt  }
0x74: {  	_ =	shalt  }
0x75: {  	_ =	shalt  }
0x76: {  	_ =	shalt  }
0x77: {  	_ =	shalt  }
0x78: {  	_ =	shalt  }
0x79: {  	_ =	shalt  }
0x7a: {  	_ =	shalt  }
0x7b: {  	_ =	shalt  }
0x7c: {  	_ =	shalt  }
0x7d: {  	_ =	shalt  }
0x7e: {  	_ =	shalt  }
0x7f: {  	_ =	shalt  }
0x80: {  	_ =	shalt  }
0x81: {  	_ =	shalt  }
0x82: {  	_ =	shalt  }
0x83: {  	_ =	shalt  }
0x84: {  	_ =	shalt  }
0x85: {  	_ =	shalt  }
0x86: {  	_ =	shalt  }
0x87: {  	_ =	shalt  }
.Lfunc_end0:
.L_simem_size_0:
called_computation.3_lowered:
.L_overlay_start_0:
0x88: {  	s2 =	sld [smem:$0x3FD9]  }
0x89: {  	s3 =	sld [smem:$0x3FFE];
	_ =	sdelay $0x1  }
0x8a: {  	s1 =	srdreg.scid  }
0x8b: {  	s0 =	sand.u32 $0x1, s1  }
0x8c: {  	s17 =	sshll.u32 s0, $0xA;
	s2 =	sadd.s32 s3, s2  }
0x8d: {  	s2 =	sadd.s32 s2, s17  }
0x8e: {  	[smem:$0x3FB9] =	sst s2  }
0x8f: {  	_ = 	snop  }
0x90: {  	(tm) =	ssettm $0x1  }
0x91: {  	s18 =	sld [smem:$0x3FFB];
	_ =	sdelay $0x3  }
0x92: {  	_ =	strace s18  }
0x93: {  	s2 =	sld [smem:$0x3FFC];
	_ =	sdelay $0x3  }
0x94: {  	_ =	strace s2  }
0x95: {  	s2 =	sld [smem:$0x3FFD];
	_ =	sdelay $0x3  }
0x96: {  	_ =	strace s2  }
0x97: {  	_ =	strace $0x8FFFFFFF  }
0x98: {  	s19 =	sld [smem:$0x3FDB];
	_ =	sdelay $0x1  }
0x99: {  	s20 =	simm.s32 $_scs_section_size  }
0x9a: {  	s4 =	simm.s32 $_size__tile_overlayer_lowered;
	s5 =	simm.s32 $_tile_overlayer_lowered  }
0x9b: {  	s6 =	simm.s32 $0x1BFF;
	s21 =	sshll.u32 s5, $0x1;
	s3 =	sadd.s32 s20, s19  }
0x9c: {  	s22 =	simm.s32 $0x0;
	s4 =	sshll.u32 s4, $0x1;
	s5 =	sadd.s32 s21, s3  }
0x9d: {  	[timem:s22], [sflag:s6] =	dma.local [hbm:s5], s4  }
0x9e: {  	_ =	swait.ge [sflag:s6], s4  }
0x9f: {  	s4 =	ssub.s32 $0x0, s4;
	[sflag:s6] =	ssyncset.done $0x0  }
0xa0: {  	[sflag:s6] =	ssyncadd.s32 s4;
	_ =	sdelay $0x1  }
0xa1: {  	s23 =	simm.s32 $0x1B8B  }
0xa2: {  	_ =	swait.ge [sflag:s23], $0x1  }
0xa3: {  	[sflag:s23] =	ssyncset.done $0x0  }
0xa4: {  	[sflag:s23] =	ssyncadd.s32 $0xFFFFFFFF  }
0xa5: {  	s4 =	sld [smem:$0x0]  }
0xa6: {  	s5 =	sand.u32 $0xFFFFFFFE, s1  }
0xa7: {  	p0 =	sne.s32 s1, s5  }
0xa8: {  	s5 =	sshll.u32 @p0 s5, $0xE  }
0xa9: {  	s5 =	sadd.s32 @p0 $0x11B8D, s5;
	s6 =	sshll.u32 @p0 s4, $0x11  }
0xaa: {  	s5 =	sor.u32 @p0 s6, s5  }
0xab: {  	[sflag:s5] =	ssyncadd.remote.s32 @p0 $0x1;
	_ =	sdelay $0x1  }
0xac: {  	s5 =	simm.s32 @p0 $0x1B8D  }
0xad: {  	_ =	swait.eq @p0 [sflag:s5], $0x1  }
0xae: {  	[sflag:s5] =	ssyncadd.s32 @p0 $0xFFFFFFFF  }
0xaf: {  	s6 =	sshll.u32 @!p0 s1, $0xE  }
0xb0: {  	s6 =	sor.u32 @!p0 $0x4000, s6;
	s5 =	simm.s32 @!p0 $0x1B8D  }
0xb1: {  	s4 =	sshll.u32 @!p0 s4, $0x11;
	s6 =	sadd.s32 @!p0 $0x11B8D, s6;
	_ =	swait.eq @!p0 [sflag:s5], $0x1  }
0xb2: {  	s4 =	sor.u32 @!p0 s4, s6;
	[sflag:s5] =	ssyncadd.s32 @!p0 $0xFFFFFFFF  }
0xb3: {  	s25 =	simm.s32 $0x1B8E;
	s24 =	sld [smem:$0x3FFE];
	[sflag:s4] =	ssyncadd.remote.s32 @!p0 $0x1  }
0xb4: {  	s26 =	simm.s32 $execute0_lowered;
	[smem:$0x3FD2] =	sst s25  }
0xb5: {  	s5 =	sshll.u32 s26, $0x1;
	_ =	strace $0x80000055;
	[dreg:$0x1] =	wrdreg $0xFFFFFFFF  }
0xb6: {  	s28 =	simm.s32 $_size_execute0_lowered;
	s3 =	sadd.s32 s3, s5;
	[dreg:$0x0] =	wrdreg $0x0  }
0xb7: {  	s5 =	sshll.u32 s28, $0x1;
	[dreg:$0x2] =	wrdreg s3  }
0xb8: {  	[dreg:$0x3] =	wrdreg s5  }
0xb9: {  	[dreg:$0x4] =	wrdreg $0xC0  }
0xba: {  	_ =	task [dreg:s22], $0x5FFFF  }
0xbb: {  	[dreg:$0x1] =	wrdreg $0xFFFFFFFF  }
0xbc: {  	[dreg:$0x0] =	wrdreg $0x60  }
0xbd: {  	[dreg:$0x2] =	wrdreg s24  }
0xbe: {  	[dreg:$0x3] =	wrdreg $0xA  }
0xbf: {  	_ =	task.clear_ibuf [dreg:s22], $0x4FFFF;
	_ =	strace $0x90000055  }
0xc0: {  	s29 =	simm.s32 $0xA;
	_ =	strace $0x80000057  }
0xc1: {  	_ =	swait.ge [sflag:s29], $0x1  }
0xc2: {  	[sflag:s29] =	ssyncadd.s32 $0xFFFFFFFF  }
0xc3: {  	_ =	strace $0x90000057  }
0xc4: {  	_ =	sfence  }
0xc5: {  	s30 =	sld [smem:$0x0];
	_ =	sdelay $0x2  }
0xc6: {  	s31 =	sshll.u32 s1, $0xD;
	s1 =	sshrl.u32 s1, $0x2  }
0xc7: {  	s4 =	sand.u32 $0x4000, s31;
	s1 =	sadd.s32 s1, s30  }
0xc8: {  	s0 =	sor.u32 s4, s0;
	s1 =	sshll.u32 s1, $0x11  }
0xc9: {  	s0 =	sor.u32 s1, s0  }
0xca: {  	s0 =	sadd.s32 $0x8F2B, s0  }
0xcb: {  	[sflag:s0] =	ssyncadd.remote.s32 $0x1  }
0xcc: {  	_ =	sfence.sel $0xFFFF  }
0xcd: {  	[dreg:$0x0] =	wrdreg $0xFFFFFFFF;
	(pc) =	sbr.abs _section_cstart, $3  }
0xce: {  	[dreg:$0x1] =	wrdreg $0xFFFFFFFF  }
0xcf: {  	_ =	task.clear_ibuf [dreg:s22], $0x2FFFF;
	_ =	strace $0x9FFFFFFF  }
0xd0: {  	(tm) =	ssettm $0x7FFFFFFF  }
0xd1: {  	_ =	shalt  }
tec
execute0_lowered:
.L_overlay_start_1:
0x0: {  	(tag) =	ssettag $0x1  }
0x1: {  	s1 =	srdreg.scid;
	s0 =	stileid.u32  }
0x2: {  	s4 =	rddreg [dreg:$0x0];
	s2 =	simm.s32 $0x0;
	s11 =	simm.s32 $0x1900  }
0x3: {  	s12 =	simm.s32 $0x1;
	s13 =	simm.s32 $0x2;
	s14 =	simm.s32 $0x0  }
0x4: {  	s5 =	sand.u32 $0x1, s1;
	s3 =	sshll.u32 s0, $0x1;
	s1 =	rddreg [dreg:$0x1]  }
0x5: {  	[smem:$0x7FF] =	sst s2;
	s10 =	sadd.s32 $0xF8000, s4;
	s28 =	smul.u32 $0x9100, s0  }
0x6: {  	s3 =	sor.u32 s5, s3;
	s6 =	ssub.s32 $0x2, s5;
	s30 =	smul.u32 $0x4880, s5  }
0x7: {  	_ =	strace $0x80000056;
	s7 =	smul.u32 $0x488, s3;
	s8 =	sshrl.u32 s6, $0x1  }
0x8: {  	s9 =	smul.u32 $0x24400, s3;
	s3 =	sadd.s32 $0x30E00, s4;
	s31 =	sadd.s32 s28, s10  }
0x9: {  	s6 =	ssub.s32 s6, s8;
	s8 =	simm.s32 $0x3;
	s7 =	sshrl.u32 s7, $0x3  }
0xa: {  	s26 =	sshrl.u32 s9, $0x3;
	s6 =	smax.u32 s6, $0x1;
	s9 =	simm.s32 $0x500  }
0xb: {  	s4 =	sadd.s32 s4, s7;
	s29 =	sadd.s32 s10, s26;
	s7 =	sadd.s32 s30, s31  }
0xc: {  	s10 =	simm.s32 $0x28;
	s4 =	sadd.s32 $0x2FA00, s4;
	s5 =	sadd.s32 $0x4600, s29  }
.LBB2_1:
0xd: {  	[tilespmem:s2], [sflag:$0x3] =	stream.linear.gather [hbm4b:s4+s2], $0x488, $0x38;
	[tilespmem:$0x2D00] =	vst v63  }
0xe: {  	_ =	swait.ge [sflag:s8], $0x488  }
0xf: {  	[sflag:s8] =	ssyncset.done $0x0  }
0x10: {  	[sflag:s8] =	ssyncadd.s32 $0xFFFFFB78  }
0x11: {  	[tilespmem:s9], [sflag:$0x1] =	stream.indirect.gather [hbm4b:s3+s10], $0x80, s2, s10, $0xb8;
	[tilespmem:$0x2D00] =	vst v63  }
0x12: {  	_ = 	snop  }
0x13: {  	[tilespmem:s11], [sflag:$0x2] =	stream.indirect.gather [hbm4b:s3+s10], $0x80, s10, s10, $0xb8;
	[tilespmem:$0x2D00] =	vst v63  }
0x14: {  	_ =	swait.ge [sflag:s12], $0x1400  }
0x15: {  	[sflag:s12] =	ssyncset.done $0x0  }
0x16: {  	s15 =	sadd.s32 $0x0, s7;
	[sflag:s12] =	ssyncadd.s32 $0xFFFFEC00  }
0x17: {  	[hbm4b:s15+s2] =	stream.linear.scatter [tilespmem:s9], [sflag:$0x3], $0x1400, $0x38;
	[tilespmem:$0x2D00] =	vst v63  }
0x18: {  	_ =	swait.ge [sflag:s8], $0x1400  }
0x19: {  	[sflag:s8] =	ssyncset.done $0x0  }
0x1a: {  	s16 =	simm.s32 $0x50;
	[sflag:s8] =	ssyncadd.s32 $0xFFFFEC00  }
0x1b: {  	[tilespmem:s9], [sflag:$0x1] =	stream.indirect.gather [hbm4b:s3+s10], $0x80, s16, s10, $0xb8;
	[tilespmem:$0x2D00] =	vst v63  }
0x1c: {  	_ =	swait.ge [sflag:s13], $0x1400  }
0x1d: {  	[sflag:s13] =	ssyncset.done $0x0  }
0x1e: {  	s15 =	sadd.s32 $0x280, s15;
	[sflag:s13] =	ssyncadd.s32 $0xFFFFEC00  }
0x1f: {  	[hbm4b:s15+s2] =	stream.linear.scatter [tilespmem:s11], [sflag:$0x3], $0x1400, $0x38;
	[tilespmem:$0x2D00] =	vst v63  }
0x20: {  	_ =	swait.ge [sflag:s8], $0x1400  }
0x21: {  	s16 =	simm.s32 $0x28;
	s15 =	simm.s32 $0x500;
	[sflag:s8] =	ssyncset.done $0x0  }
.LBB2_2:
0x22: {  	p0 =	sne.s32 s15, $0x4100;
	[sflag:s8] =	ssyncadd.s32 $0xFFFFEC00;
	s16 =	sadd.s32 $0x50, s16  }
0x23: {  	[tilespmem:s11], [sflag:$0x2] =	stream.indirect.gather [hbm4b:s3+s10], $0x80, s16, s10, $0xb8;
	[tilespmem:$0x2D00] =	vst v63  }
0x24: {  	s17 =	smov.u32 s15;
	s15 =	sadd.s32 $0x500, s15;
	_ =	swait.ge [sflag:s12], $0x1400  }
0x25: {  	[sflag:s12] =	ssyncset.done $0x0  }
0x26: {  	s17 =	sadd.s32 s17, s7;
	[sflag:s12] =	ssyncadd.s32 $0xFFFFEC00  }
0x27: {  	[hbm4b:s17+s2] =	stream.linear.scatter [tilespmem:s9], [sflag:$0x3], $0x1400, $0x38;
	[tilespmem:$0x2D00] =	vst v63  }
0x28: {  	_ =	swait.ge [sflag:s8], $0x1400  }
0x29: {  	[sflag:s8] =	ssyncset.done $0x0  }
0x2a: {  	s18 =	sadd.s32 $0x28, s16;
	[sflag:s8] =	ssyncadd.s32 $0xFFFFEC00  }
0x2b: {  	[tilespmem:s9], [sflag:$0x1] =	stream.indirect.gather [hbm4b:s3+s10], $0x80, s18, s10, $0xb8;
	[tilespmem:$0x2D00] =	vst v63  }
0x2c: {  	_ =	swait.ge [sflag:s13], $0x1400  }
.Ltmp0:
0x2d: {  	[sflag:s13] =	ssyncset.done $0x0;
	(pc) =	sbr.rel @p0 .LBB2_2-.Ltmp0, $4  }
0x2e: {  	s17 =	sadd.s32 $0x280, s17;
	[sflag:s13] =	ssyncadd.s32 $0xFFFFEC00  }
0x2f: {  	[hbm4b:s17+s2] =	stream.linear.scatter [tilespmem:s11], [sflag:$0x3], $0x1400, $0x38;
	[tilespmem:$0x2D00] =	vst v63  }
0x30: {  	_ =	swait.ge [sflag:s8], $0x1400  }
0x31: {  	[sflag:s8] =	ssyncset.done $0x0  }
0x32: {  	[sflag:s8] =	ssyncadd.s32 $0xFFFFEC00  }
0x33: {  	s14 =	sadd.s32 $0x1, s14;
	_ =	swait.ge [sflag:s12], $0x1400  }
0x34: {  	p0 =	sne.s32 s14, s6;
	[sflag:s12] =	ssyncset.done $0x0  }
.Ltmp1:
0x35: {  	[sflag:s12] =	ssyncadd.s32 $0xFFFFEC00;
	(pc) =	sbr.rel @p0 .LBB2_1-.Ltmp1, $4  }
0x36: {  	[hbm4b:s5+s2] =	stream.linear.scatter [tilespmem:s9], [sflag:$0x3], $0x1400, $0x38;
	[tilespmem:$0x2D00] =	vst v63  }
0x37: {  	_ =	swait.ge [sflag:s8], $0x1400  }
0x38: {  	[sflag:s8] =	ssyncset.done $0x0  }
0x39: {  	[sflag:s8] =	ssyncadd.s32 $0xFFFFEC00  }
0x3a: {  	_ =	sfence.sel $0x180000  }
0x3b: {  	[bflag:$0x0] =	sbarrier.arrive $0xFFFF  }
0x3c: {  	p0 =	sne.s32 s0, $0x0;
	_ =	strace $0x90000056  }
0x3d: {  	s0 =	sadd.s32 @!p0 $0x100000, s1;
	[bflag:$0x2] =	sbarrier.arrive $0xFFFF  }
0x3e: {  	[sflag:s0] =	ssyncadd.tile.s32 @!p0 $0x1;
	_ =	shalt  }
.Lfunc_end2:
_tile_overlayer_lowered:
.L_overlay_start_2:
0x3f: {  	(tag) =	ssettag $0x2  }
0x40: {  	s0 =	rddreg [dreg:$0x0];
	s2 =	stileid.u32  }
0x41: {  	s1 =	rddreg [dreg:$0x1];
	p0 =	sne.s32 s2, $0x0  }
0x42: {  	s3 =	rddreg [dreg:$0x2];
	[bflag:$0x3] =	sbarrier.arrive $0xFFFF;
	s2 =	simm.s32 @!p0 $0x1C03  }
0x43: {  	[timem:s3], [sflag:s2] =	dma.local @!p0 [hbm:s0], s1  }
0x44: {  	s0 =	simm.s32 @!p0 $0x3  }
0x45: {  	_ =	swait.ge @!p0 [sflag:s0], s1  }
0x46: {  	s1 =	ssub.s32 @!p0 $0x0, s1;
	[sflag:s0] =	ssyncset.done @!p0 $0x0  }
0x47: {  	[sflag:s0] =	ssyncadd.s32 @!p0 s1  }
0x48: {  	[bflag:$0x3] =	sbarrier.arrive $0xFFFF  }
0x49: {  	_ =	shalt  }

// kernel: kernel.27.cloned.1.call-start
scs
__scs_entry_jumppad:
0x0: {  	(pc) =	sbr.rel $0x88, $3  }
0x1: {  	(tag) =	ssettag $0x0;
	lr =	simm.s32 $0x1  }
0x2: {  	[smem:$0x3F92] =	sst lr;
	_ =	strace $0xD0000000  }
0x3: {  	_ = 	snop  }
0x4: {  	_ = 	snop  }
0x5: {  	_ = 	snop  }
0x6: {  	_ = 	snop  }
0x7: {  	_ = 	snop  }
__scs_overlays_trampoline_lowered:
0x8: {  	[smem:$0x3FA1] =	sst s0  }
0x9: {  	[smem:$0x3FA2] =	sst s1  }
0xa: {  	[smem:$0x3FA3] =	sst s2  }
0xb: {  	[smem:$0x3FA4] =	sst s3  }
0xc: {  	[smem:$0x3FA5] =	sst s4  }
0xd: {  	[smem:$0x3FA6] =	sst s5  }
0xe: {  	[smem:$0x3FA7] =	sst s6  }
0xf: {  	[smem:$0x3FA8] =	sst s7  }
0x10: {  	[smem:$0x3FA9] =	sst s8  }
0x11: {  	[smem:$0x3FAA] =	sst s9;
	s0 =	simm.s32 @!p0 $0x0  }
0x12: {  	s1 =	sld [smem:$0x3F90];
	s0 =	simm.s32 @p0 $0x1  }
0x13: {  	[smem:$0x3FAB] =	sst s0;
	s0 =	simm.s32 @!p1 $0x0  }
0x14: {  	s2 =	sld [smem:$0x3F8F];
	s0 =	simm.s32 @p1 $0x1  }
0x15: {  	[smem:$0x3FAC] =	sst s0;
	s0 =	simm.s32 @!p2 $0x0  }
0x16: {  	s3 =	sld [smem:$0x3FDB];
	s0 =	simm.s32 @p2 $0x1  }
0x17: {  	s4 =	simm.s32 $0x1BF5;
	[smem:$0x3FAE] =	sst s0  }
0x18: {  	s0 =	sld [smem:$0x3F91];
	_ =	swait.ge [sflag:s4], $0x0  }
0x19: {  	s7 =	sld [smem:$0x3F92]  }
0x1a: {  	s8 =	sadd.s32 $0xFFFFE003, lr  }
0x1b: {  	s9 =	sadd.s32 $0xFFFFFEF7, lr;
	s5 =	simm.s32 $0xFFFFFFFF;
	p2 =	slt.u32 s8, $0xFFFFF086  }
0x1c: {  	p1 =	slt.u32 s9, $0xF7A;
	s5 =	simm.s32 @!p2 $0x0  }
0x1d: {  	s5 =	simm.s32 @p1 $0x1;
	p0 =	seq.s32 s7, s2  }
0x1e: {  	s7 =	smul.u32 @!p0 $0xF7A, s2;
	p2 =	seq.s32 @!p0 s5, $0x0  }
0x1f: {  	s9 =	smul.u32 $0xF7A, s1;
	s8 =	simm.s32 @!p0 $0x1BF5;
	p2 =	por !p2, p0  }
0x20: {  	[sflag:s8] =	ssyncset.s32 @!p0 $0xFFFFF086;
	s6 =	sadd.s32 @!p0 s3, s7;
	s7 =	simm.s32 @!p0 $0x108  }
0x21: {  	s3 =	sadd.s32 s3, s9;
	s6 =	sadd.s32 @!p0 $0x88, s6;
	s7 =	simm.s32 @p2 $0x1082  }
0x22: {  	[simem:s7], [sflag:s8] =	dma.local @!p0 [hbm:s6], $0xF7A  }
0x23: {  	s9 =	sor.u32 $0xD0000000, s2;
	s6 =	simm.s32 $0x108;
	_ =	swait.ge @!p0 [sflag:s8], $0x0  }
0x24: {  	s3 =	sadd.s32 $0x88, s3;
	s6 =	simm.s32 @!p1 $0x1082;
	[sflag:s4] =	ssyncset.s32 $0xFFFFF086  }
0x25: {  	[simem:s6], [sflag:s4] =	dma.local [hbm:s3], $0xF7A  }
0x26: {  	[smem:$0x3F92] =	sst s1;
	(tag) =	ssettag s2;
	_ =	strace s9  }
0x27: {  	s1 =	sld [smem:$0x3FA2]  }
0x28: {  	s2 =	sld [smem:$0x3FA3]  }
0x29: {  	s4 =	sld [smem:$0x3FA5]  }
0x2a: {  	p0 =	seq.s32 s5, $0x0;
	s5 =	sld [smem:$0x3FA6]  }
0x2b: {  	s6 =	sld [smem:$0x3FA7]  }
0x2c: {  	s7 =	sld [smem:$0x3FA8]  }
0x2d: {  	s3 =	simm.s32 $0x108;
	s8 =	sld [smem:$0x3FA9]  }
0x2e: {  	s3 =	simm.s32 @!p0 $0x1082;
	s9 =	sld [smem:$0x3FAA]  }
0x2f: {  	lr =	sadd.s32 s0, s3;
	s0 =	sld [smem:$0x3FA1]  }
0x30: {  	s3 =	sld [smem:$0x3FA4]  }
0x31: {  	[smem:$0x3FAD] =	sst s10  }
0x32: {  	s10 =	sld [smem:$0x3FAB];
	_ =	sdelay $0x3  }
0x33: {  	p0 =	seq.s32 s10, $0x1;
	s10 =	sld [smem:$0x3FAD];
	_ =	sdelay $0x3  }
0x34: {  	[smem:$0x3FAD] =	sst s10  }
0x35: {  	s10 =	sld [smem:$0x3FAC];
	_ =	sdelay $0x3  }
0x36: {  	p1 =	seq.s32 s10, $0x1;
	s10 =	sld [smem:$0x3FAD];
	_ =	sdelay $0x3  }
0x37: {  	[smem:$0x3FAD] =	sst s10  }
0x38: {  	s10 =	sld [smem:$0x3FAE]  }
0x39: {  	_ = 	snop;
	(pc) =	sbr.ind lr, $3  }
0x3a: {  	_ = 	snop  }
0x3b: {  	_ = 	snop  }
0x3c: {  	p2 =	seq.s32 s10, $0x1;
	s10 =	sld [smem:$0x3FAD]  }
0x3d: {  	_ =	shalt  }
0x3e: {  	_ =	shalt  }
0x3f: {  	_ =	shalt  }
0x40: {  	_ =	shalt  }
0x41: {  	_ =	shalt  }
0x42: {  	_ =	shalt  }
0x43: {  	_ =	shalt  }
0x44: {  	_ =	shalt  }
0x45: {  	_ =	shalt  }
0x46: {  	_ =	shalt  }
0x47: {  	_ =	shalt  }
0x48: {  	_ =	shalt  }
0x49: {  	_ =	shalt  }
0x4a: {  	_ =	shalt  }
0x4b: {  	_ =	shalt  }
0x4c: {  	_ =	shalt  }
0x4d: {  	_ =	shalt  }
0x4e: {  	_ =	shalt  }
0x4f: {  	_ =	shalt  }
0x50: {  	_ =	shalt  }
0x51: {  	_ =	shalt  }
0x52: {  	_ =	shalt  }
0x53: {  	_ =	shalt  }
0x54: {  	_ =	shalt  }
0x55: {  	_ =	shalt  }
0x56: {  	_ =	shalt  }
0x57: {  	_ =	shalt  }
0x58: {  	_ =	shalt  }
0x59: {  	_ =	shalt  }
0x5a: {  	_ =	shalt  }
0x5b: {  	_ =	shalt  }
0x5c: {  	_ =	shalt  }
0x5d: {  	_ =	shalt  }
0x5e: {  	_ =	shalt  }
0x5f: {  	_ =	shalt  }
0x60: {  	_ =	shalt  }
0x61: {  	_ =	shalt  }
0x62: {  	_ =	shalt  }
0x63: {  	_ =	shalt  }
0x64: {  	_ =	shalt  }
0x65: {  	_ =	shalt  }
0x66: {  	_ =	shalt  }
0x67: {  	_ =	shalt  }
0x68: {  	_ =	shalt  }
0x69: {  	_ =	shalt  }
0x6a: {  	_ =	shalt  }
0x6b: {  	_ =	shalt  }
0x6c: {  	_ =	shalt  }
0x6d: {  	_ =	shalt  }
0x6e: {  	_ =	shalt  }
0x6f: {  	_ =	shalt  }
0x70: {  	_ =	shalt  }
0x71: {  	_ =	shalt  }
0x72: {  	_ =	shalt  }
0x73: {  	_ =	shalt  }
0x74: {  	_ =	shalt  }
0x75: {  	_ =	shalt  }
0x76: {  	_ =	shalt  }
0x77: {  	_ =	shalt  }
0x78: {  	_ =	shalt  }
0x79: {  	_ =	shalt  }
0x7a: {  	_ =	shalt  }
0x7b: {  	_ =	shalt  }
0x7c: {  	_ =	shalt  }
0x7d: {  	_ =	shalt  }
0x7e: {  	_ =	shalt  }
0x7f: {  	_ =	shalt  }
0x80: {  	_ =	shalt  }
0x81: {  	_ =	shalt  }
0x82: {  	_ =	shalt  }
0x83: {  	_ =	shalt  }
0x84: {  	_ =	shalt  }
0x85: {  	_ =	shalt  }
0x86: {  	_ =	shalt  }
0x87: {  	_ =	shalt  }
.Lfunc_end0:
.L_simem_size_0:
called_computation.4_lowered:
.L_overlay_start_0:
0x88: {  	s2 =	sld [smem:$0x3FD9]  }
0x89: {  	s3 =	sld [smem:$0x3FFE];
	_ =	sdelay $0x1  }
0x8a: {  	s1 =	srdreg.scid  }
0x8b: {  	s0 =	sand.u32 $0x1, s1  }
0x8c: {  	s17 =	sshll.u32 s0, $0xA;
	s2 =	sadd.s32 s3, s2  }
0x8d: {  	s2 =	sadd.s32 s2, s17  }
0x8e: {  	[smem:$0x3FB9] =	sst s2  }
0x8f: {  	_ = 	snop  }
0x90: {  	(tm) =	ssettm $0x1  }
0x91: {  	s18 =	sld [smem:$0x3FFB];
	_ =	sdelay $0x3  }
0x92: {  	_ =	strace s18  }
0x93: {  	s2 =	sld [smem:$0x3FFC];
	_ =	sdelay $0x3  }
0x94: {  	_ =	strace s2  }
0x95: {  	s2 =	sld [smem:$0x3FFD];
	_ =	sdelay $0x3  }
0x96: {  	_ =	strace s2  }
0x97: {  	_ =	strace $0x8FFFFFFF  }
0x98: {  	s19 =	sld [smem:$0x3FDB];
	_ =	sdelay $0x1  }
0x99: {  	s20 =	simm.s32 $_scs_section_size  }
0x9a: {  	s4 =	simm.s32 $_size__tile_overlayer_lowered;
	s5 =	simm.s32 $_tile_overlayer_lowered  }
0x9b: {  	s6 =	simm.s32 $0x1BFF;
	s21 =	sshll.u32 s5, $0x1;
	s3 =	sadd.s32 s20, s19  }
0x9c: {  	s22 =	simm.s32 $0x0;
	s4 =	sshll.u32 s4, $0x1;
	s5 =	sadd.s32 s21, s3  }
0x9d: {  	[timem:s22], [sflag:s6] =	dma.local [hbm:s5], s4  }
0x9e: {  	_ =	swait.ge [sflag:s6], s4  }
0x9f: {  	s4 =	ssub.s32 $0x0, s4;
	[sflag:s6] =	ssyncset.done $0x0  }
0xa0: {  	[sflag:s6] =	ssyncadd.s32 s4;
	_ =	sdelay $0x1  }
0xa1: {  	s23 =	simm.s32 $0x1B8B  }
0xa2: {  	_ =	swait.ge [sflag:s23], $0x1  }
0xa3: {  	[sflag:s23] =	ssyncset.done $0x0  }
0xa4: {  	[sflag:s23] =	ssyncadd.s32 $0xFFFFFFFF  }
0xa5: {  	s4 =	sld [smem:$0x0]  }
0xa6: {  	s5 =	sand.u32 $0xFFFFFFFE, s1  }
0xa7: {  	p0 =	sne.s32 s1, s5  }
0xa8: {  	s5 =	sshll.u32 @p0 s5, $0xE  }
0xa9: {  	s5 =	sadd.s32 @p0 $0x11B8D, s5;
	s6 =	sshll.u32 @p0 s4, $0x11  }
0xaa: {  	s5 =	sor.u32 @p0 s6, s5  }
0xab: {  	[sflag:s5] =	ssyncadd.remote.s32 @p0 $0x1;
	_ =	sdelay $0x1  }
0xac: {  	s5 =	simm.s32 @p0 $0x1B8D  }
0xad: {  	_ =	swait.eq @p0 [sflag:s5], $0x1  }
0xae: {  	[sflag:s5] =	ssyncadd.s32 @p0 $0xFFFFFFFF  }
0xaf: {  	s6 =	sshll.u32 @!p0 s1, $0xE  }
0xb0: {  	s6 =	sor.u32 @!p0 $0x4000, s6;
	s5 =	simm.s32 @!p0 $0x1B8D  }
0xb1: {  	s4 =	sshll.u32 @!p0 s4, $0x11;
	s6 =	sadd.s32 @!p0 $0x11B8D, s6;
	_ =	swait.eq @!p0 [sflag:s5], $0x1  }
0xb2: {  	s4 =	sor.u32 @!p0 s4, s6;
	[sflag:s5] =	ssyncadd.s32 @!p0 $0xFFFFFFFF  }
0xb3: {  	s25 =	simm.s32 $0x1B8E;
	s24 =	sld [smem:$0x3FFE];
	[sflag:s4] =	ssyncadd.remote.s32 @!p0 $0x1  }
0xb4: {  	s26 =	simm.s32 $execute0_lowered;
	[smem:$0x3FD2] =	sst s25  }
0xb5: {  	s5 =	sshll.u32 s26, $0x1;
	_ =	strace $0x8000004C;
	[dreg:$0x1] =	wrdreg $0xFFFFFFFF  }
0xb6: {  	s28 =	simm.s32 $_size_execute0_lowered;
	s3 =	sadd.s32 s3, s5;
	[dreg:$0x0] =	wrdreg $0x0  }
0xb7: {  	s5 =	sshll.u32 s28, $0x1;
	[dreg:$0x2] =	wrdreg s3  }
0xb8: {  	[dreg:$0x3] =	wrdreg s5  }
0xb9: {  	[dreg:$0x4] =	wrdreg $0xC0  }
0xba: {  	_ =	task [dreg:s22], $0x5FFFF  }
0xbb: {  	[dreg:$0x1] =	wrdreg $0xFFFFFFFF  }
0xbc: {  	[dreg:$0x0] =	wrdreg $0x60  }
0xbd: {  	[dreg:$0x2] =	wrdreg s24  }
0xbe: {  	[dreg:$0x3] =	wrdreg $0x88000  }
0xbf: {  	[dreg:$0x4] =	wrdreg $0xB  }
0xc0: {  	_ =	task.clear_ibuf [dreg:s22], $0x5FFFF;
	_ =	strace $0x9000004C  }
0xc1: {  	s29 =	simm.s32 $0xB;
	_ =	strace $0x8000004E  }
0xc2: {  	_ =	swait.ge [sflag:s29], $0x1  }
0xc3: {  	[sflag:s29] =	ssyncadd.s32 $0xFFFFFFFF  }
0xc4: {  	_ =	strace $0x9000004E  }
0xc5: {  	_ =	sfence  }
0xc6: {  	s30 =	sld [smem:$0x0];
	_ =	sdelay $0x2  }
0xc7: {  	s31 =	sshll.u32 s1, $0xD;
	s1 =	sshrl.u32 s1, $0x2  }
0xc8: {  	s4 =	sand.u32 $0x4000, s31;
	s1 =	sadd.s32 s1, s30  }
0xc9: {  	s0 =	sor.u32 s4, s0;
	s1 =	sshll.u32 s1, $0x11  }
0xca: {  	s0 =	sor.u32 s1, s0  }
0xcb: {  	s0 =	sadd.s32 $0x8F2B, s0  }
0xcc: {  	[sflag:s0] =	ssyncadd.remote.s32 $0x1  }
0xcd: {  	_ =	sfence.sel $0xFFFF  }
0xce: {  	[dreg:$0x0] =	wrdreg $0xFFFFFFFF;
	(pc) =	sbr.abs _section_cstart, $3  }
0xcf: {  	[dreg:$0x1] =	wrdreg $0xFFFFFFFF  }
0xd0: {  	_ =	task.clear_ibuf [dreg:s22], $0x2FFFF;
	_ =	strace $0x9FFFFFFF  }
0xd1: {  	(tm) =	ssettm $0x7FFFFFFF  }
tec
execute0_lowered:
.L_overlay_start_1:
0x0: {  	(tag) =	ssettag $0x1  }
0x1: {  	s0 =	srdreg.scid  }
0x2: {  	s17 =	stileid.u32;
	s7 =	rddreg [dreg:$0x0]  }
0x3: {  	s2 =	rddreg [dreg:$0x1];
	s1 =	sand.u32 $0x1, s0;
	s5 =	smul.u32 $0x14000, s17  }
0x4: {  	s3 =	simm.s32 $0x0;
	s18 =	sshll.u32 s17, $0x1;
	s4 =	smul.u32 $0x140000, s1  }
0x5: {  	[smem:$0x7FF] =	sst s3;
	s12 =	sor.u32 s1, s18  }
0x6: {  	s20 =	smul.u32 $0x50000, s17;
	s19 =	sshll.u32 s12, $0x8;
	s4 =	sadd.s32 s5, s4  }
0x7: {  	s22 =	sshll.u32 s17, $0x6;
	s8 =	sadd.s32 s19, s7;
	s4 =	sshrl.u32 s4, $0x3  }
0x8: {  	_ =	strace $0x8000004D;
	s24 =	sadd.s32 $0x409000, s8;
	s31 =	sadd.s32 s4, s7  }
0x9: {  	s21 =	sshrl.u32 s20, $0x2;
	[dreg:$0x4] =	wrdreg s24;
	s6 =	sadd.s32 $0x58000, s31  }
0xa: {  	s23 =	sadd.s32 s21, s2;
	s5 =	simm.s32 $0x3;
	[dreg:$0x3] =	wrdreg s6  }
0xb: {  	s4 =	sor.u32 $0x1C03, s22;
	s6 =	sshrl.u32 s23, $0x3;
	s9 =	rddreg [dreg:$0x3]  }
0xc: {  	[spmem:s6], [sflag:s4] =	dma.local [hbm:s9], $0x2800  }
0xd: {  	_ =	swait.ge [sflag:s5], $0x2800  }
0xe: {  	[sflag:s5] =	ssyncset.done $0x0  }
0xf: {  	[sflag:s5] =	ssyncadd.s32 $0xFFFFD800  }
0x10: {  	[bflag:$0x0] =	sbarrier.arrive $0xFFFF  }
0x11: {  	s25 =	rddreg [dreg:$0x4]  }
0x12: {  	[tilespmem:s3], [sflag:$0x3] =	stream.linear.gather [hbm4b:s25+s3], $0x500, $0x38;
	[tilespmem:$0x1C800] =	vst v63  }
0x13: {  	s26 =	smul.u32 $0x5000, s12;
	_ =	swait.ge [sflag:s5], $0x500  }
0x14: {  	s13 =	sadd.s32 $0x40B000, s7;
	[sflag:s5] =	ssyncset.done $0x0  }
0x15: {  	s8 =	simm.s32 $0x800;
	s7 =	sadd.s32 s13, s26;
	[sflag:s5] =	ssyncadd.s32 $0xFFFFFB00  }
0x16: {  	[tilespmem:s8], [sflag:$0x1] =	stream.linear.gather [hbm4b:s7+s3], $0x4000, $0x38;
	[tilespmem:$0x1C800] =	vst v63  }
0x17: {  	s10 =	simm.s32 $0x4800;
	s11 =	simm.s32 $0x1;
	s9 =	sadd.s32 $0x800, s7  }
0x18: {  	[tilespmem:s10], [sflag:$0x2] =	stream.linear.gather [hbm4b:s9+s3], $0x4000, $0x38;
	[tilespmem:$0x1C800] =	vst v63  }
0x19: {  	_ =	swait.ge [sflag:s11], $0x4000  }
0x1a: {  	[sflag:s11] =	ssyncset.done $0x0  }
0x1b: {  	s14 =	smul.u32 $0x28000, s12;
	s12 =	simm.s32 $0x80;
	[sflag:s11] =	ssyncadd.s32 $0xFFFFC000  }
0x1c: {  	[spmem:s2] =	stream.indirect.scatter.add.f32 [tilespmem:s8], [sflag:$0x3], $0x80, s3, s12, $0xb8;
	[tilespmem:$0x1C800] =	vst v63  }
0x1d: {  	s14 =	sshrl.u32 s14, $0x3;
	_ =	swait.ge [sflag:s5], $0x4000  }
0x1e: {  	s25 =	sadd.s32 s13, s14;
	[sflag:s5] =	ssyncset.done $0x0  }
0x1f: {  	s14 =	simm.s32 $0x2;
	s13 =	sadd.s32 $0x1000, s25;
	[sflag:s5] =	ssyncadd.s32 $0xFFFFC000  }
0x20: {  	[tilespmem:s8], [sflag:$0x1] =	stream.linear.gather [hbm4b:s13+s3], $0x4000, $0x38;
	[tilespmem:$0x1C800] =	vst v63  }
0x21: {  	_ =	swait.ge [sflag:s14], $0x4000  }
0x22: {  	[sflag:s14] =	ssyncset.done $0x0  }
0x23: {  	[sflag:s14] =	ssyncadd.s32 $0xFFFFC000  }
0x24: {  	[spmem:s2] =	stream.indirect.scatter.add.f32 [tilespmem:s10], [sflag:$0x3], $0x80, s12, s12, $0xb8;
	[tilespmem:$0x1C800] =	vst v63  }
0x25: {  	_ =	swait.ge [sflag:s5], $0x4000  }
0x26: {  	[sflag:s5] =	ssyncset.done $0x0  }
0x27: {  	s15 =	sadd.s32 $0x1800, s7;
	[sflag:s5] =	ssyncadd.s32 $0xFFFFC000  }
0x28: {  	[tilespmem:s10], [sflag:$0x2] =	stream.linear.gather [hbm4b:s15+s3], $0x4000, $0x38;
	[tilespmem:$0x1C800] =	vst v63  }
0x29: {  	_ =	swait.ge [sflag:s11], $0x4000  }
0x2a: {  	[sflag:s11] =	ssyncset.done $0x0  }
0x2b: {  	s16 =	simm.s32 $0x100;
	[sflag:s11] =	ssyncadd.s32 $0xFFFFC000  }
0x2c: {  	[spmem:s2] =	stream.indirect.scatter.add.f32 [tilespmem:s8], [sflag:$0x3], $0x80, s16, s12, $0xb8;
	[tilespmem:$0x1C800] =	vst v63  }
0x2d: {  	_ =	swait.ge [sflag:s5], $0x4000  }
0x2e: {  	[sflag:s5] =	ssyncset.done $0x0  }
0x2f: {  	s17 =	sadd.s32 $0x2000, s25;
	[sflag:s5] =	ssyncadd.s32 $0xFFFFC000  }
0x30: {  	[tilespmem:s8], [sflag:$0x1] =	stream.linear.gather [hbm4b:s17+s3], $0x4000, $0x38;
	[tilespmem:$0x1C800] =	vst v63  }
0x31: {  	_ =	swait.ge [sflag:s14], $0x4000  }
0x32: {  	[sflag:s14] =	ssyncset.done $0x0  }
0x33: {  	s18 =	simm.s32 $0x180;
	[sflag:s14] =	ssyncadd.s32 $0xFFFFC000  }
0x34: {  	[spmem:s2] =	stream.indirect.scatter.add.f32 [tilespmem:s10], [sflag:$0x3], $0x80, s18, s12, $0xb8;
	[tilespmem:$0x1C800] =	vst v63  }
0x35: {  	_ =	swait.ge [sflag:s5], $0x4000  }
0x36: {  	[sflag:s5] =	ssyncset.done $0x0  }
0x37: {  	s19 =	sadd.s32 $0x2800, s7;
	[sflag:s5] =	ssyncadd.s32 $0xFFFFC000  }
0x38: {  	[tilespmem:s10], [sflag:$0x2] =	stream.linear.gather [hbm4b:s19+s3], $0x4000, $0x38;
	[tilespmem:$0x1C800] =	vst v63  }
0x39: {  	_ =	swait.ge [sflag:s11], $0x4000  }
0x3a: {  	[sflag:s11] =	ssyncset.done $0x0  }
0x3b: {  	s20 =	simm.s32 $0x200;
	[sflag:s11] =	ssyncadd.s32 $0xFFFFC000  }
0x3c: {  	[spmem:s2] =	stream.indirect.scatter.add.f32 [tilespmem:s8], [sflag:$0x3], $0x80, s20, s12, $0xb8;
	[tilespmem:$0x1C800] =	vst v63  }
0x3d: {  	_ =	swait.ge [sflag:s5], $0x4000  }
0x3e: {  	[sflag:s5] =	ssyncset.done $0x0  }
0x3f: {  	s21 =	sadd.s32 $0x3000, s25;
	[sflag:s5] =	ssyncadd.s32 $0xFFFFC000  }
0x40: {  	[tilespmem:s8], [sflag:$0x1] =	stream.linear.gather [hbm4b:s21+s3], $0x4000, $0x38;
	[tilespmem:$0x1C800] =	vst v63  }
0x41: {  	_ =	swait.ge [sflag:s14], $0x4000  }
0x42: {  	[sflag:s14] =	ssyncset.done $0x0  }
0x43: {  	s22 =	simm.s32 $0x280;
	[sflag:s14] =	ssyncadd.s32 $0xFFFFC000  }
0x44: {  	[spmem:s2] =	stream.indirect.scatter.add.f32 [tilespmem:s10], [sflag:$0x3], $0x80, s22, s12, $0xb8;
	[tilespmem:$0x1C800] =	vst v63  }
0x45: {  	_ =	swait.ge [sflag:s5], $0x4000  }
0x46: {  	[sflag:s5] =	ssyncset.done $0x0  }
0x47: {  	s23 =	sadd.s32 $0x3800, s7;
	[sflag:s5] =	ssyncadd.s32 $0xFFFFC000  }
0x48: {  	[tilespmem:s10], [sflag:$0x2] =	stream.linear.gather [hbm4b:s23+s3], $0x4000, $0x38;
	[tilespmem:$0x1C800] =	vst v63  }
0x49: {  	_ =	swait.ge [sflag:s11], $0x4000  }
0x4a: {  	[sflag:s11] =	ssyncset.done $0x0  }
0x4b: {  	s24 =	simm.s32 $0x300;
	[sflag:s11] =	ssyncadd.s32 $0xFFFFC000  }
0x4c: {  	[spmem:s2] =	stream.indirect.scatter.add.f32 [tilespmem:s8], [sflag:$0x3], $0x80, s24, s12, $0xb8;
	[tilespmem:$0x1C800] =	vst v63  }
0x4d: {  	_ =	swait.ge [sflag:s5], $0x4000  }
0x4e: {  	[sflag:s5] =	ssyncset.done $0x0  }
0x4f: {  	s25 =	sadd.s32 $0x4000, s25;
	[sflag:s5] =	ssyncadd.s32 $0xFFFFC000  }
0x50: {  	[tilespmem:s8], [sflag:$0x1] =	stream.linear.gather [hbm4b:s25+s3], $0x4000, $0x38;
	[tilespmem:$0x1C800] =	vst v63  }
0x51: {  	_ =	swait.ge [sflag:s14], $0x4000  }
0x52: {  	[sflag:s14] =	ssyncset.done $0x0  }
0x53: {  	s26 =	simm.s32 $0x380;
	[sflag:s14] =	ssyncadd.s32 $0xFFFFC000  }
0x54: {  	[spmem:s2] =	stream.indirect.scatter.add.f32 [tilespmem:s10], [sflag:$0x3], $0x80, s26, s12, $0xb8;
	[tilespmem:$0x1C800] =	vst v63  }
0x55: {  	_ =	swait.ge [sflag:s5], $0x4000  }
0x56: {  	[sflag:s5] =	ssyncset.done $0x0  }
0x57: {  	s28 =	sadd.s32 $0x4800, s7;
	[sflag:s5] =	ssyncadd.s32 $0xFFFFC000  }
0x58: {  	[tilespmem:s10], [sflag:$0x2] =	stream.linear.gather [hbm4b:s28+s3], $0x4000, $0x38;
	[tilespmem:$0x1C800] =	vst v63  }
0x59: {  	_ =	swait.ge [sflag:s11], $0x4000  }
0x5a: {  	[sflag:s11] =	ssyncset.done $0x0  }
0x5b: {  	s29 =	simm.s32 $0x400;
	[sflag:s11] =	ssyncadd.s32 $0xFFFFC000  }
0x5c: {  	[spmem:s2] =	stream.indirect.scatter.add.f32 [tilespmem:s8], [sflag:$0x3], $0x80, s29, s12, $0xb8;
	[tilespmem:$0x1C800] =	vst v63  }
0x5d: {  	_ =	swait.ge [sflag:s5], $0x4000  }
0x5e: {  	[sflag:s5] =	ssyncset.done $0x0  }
0x5f: {  	s1 =	ssub.s32 $0x2, s1;
	[sflag:s5] =	ssyncadd.s32 $0xFFFFC000  }
0x60: {  	s0 =	sshrl.u32 s1, $0x1;
	_ =	swait.ge [sflag:s14], $0x4000  }
0x61: {  	s0 =	ssub.s32 s1, s0;
	[sflag:s14] =	ssyncset.done $0x0  }
0x62: {  	s30 =	simm.s32 $0x480;
	s0 =	smax.u32 s0, $0x1;
	[sflag:s14] =	ssyncadd.s32 $0xFFFFC000  }
0x63: {  	[spmem:s2] =	stream.indirect.scatter.add.f32 [tilespmem:s10], [sflag:$0x3], $0x80, s30, s12, $0xb8;
	[tilespmem:$0x1C800] =	vst v63  }
0x64: {  	p0 =	sne.s32 s0, $0x1;
	_ =	swait.ge [sflag:s5], $0x4000  }
.Ltmp0:
0x65: {  	[sflag:s5] =	ssyncset.done $0x0;
	(pc) =	sbr.rel @!p0 .LBB2_2-.Ltmp0, $4  }
0x66: {  	[sflag:s5] =	ssyncadd.s32 $0xFFFFC000  }
0x67: {  	s31 =	sadd.s32 $0xA8000, s31;
	[bflag:$0x0] =	sbarrier.arrive $0xFFFF  }
0x68: {  	[hbm:s31], [sflag:s4] =	dma.local [spmem:s6], $0x2800  }
0x69: {  	s1 =	sadd.s32 $0xFFFFFFFF, s0;
	_ =	swait.ge [sflag:s5], $0x2800  }
.LBB2_1:
0x6a: {  	[sflag:s5] =	ssyncset.done $0x0  }
0x6b: {  	s0 =	rddreg [dreg:$0x3];
	[sflag:s5] =	ssyncadd.s32 $0xFFFFD800  }
0x6c: {  	[spmem:s6], [sflag:s4] =	dma.local [hbm:s0], $0x2800  }
0x6d: {  	_ =	swait.ge [sflag:s5], $0x2800  }
0x6e: {  	[sflag:s5] =	ssyncset.done $0x0  }
0x6f: {  	[sflag:s5] =	ssyncadd.s32 $0xFFFFD800  }
0x70: {  	[bflag:$0x0] =	sbarrier.arrive $0xFFFF  }
0x71: {  	s0 =	rddreg [dreg:$0x4]  }
0x72: {  	[tilespmem:s3], [sflag:$0x3] =	stream.linear.gather [hbm4b:s0+s3], $0x500, $0x38;
	[tilespmem:$0x1C800] =	vst v63  }
0x73: {  	_ =	swait.ge [sflag:s5], $0x500  }
0x74: {  	[sflag:s5] =	ssyncset.done $0x0  }
0x75: {  	[sflag:s5] =	ssyncadd.s32 $0xFFFFFB00  }
0x76: {  	[tilespmem:s8], [sflag:$0x1] =	stream.linear.gather [hbm4b:s7+s3], $0x4000, $0x38;
	[tilespmem:$0x1C800] =	vst v63  }
0x77: {  	_ = 	snop  }
0x78: {  	[tilespmem:s10], [sflag:$0x2] =	stream.linear.gather [hbm4b:s9+s3], $0x4000, $0x38;
	[tilespmem:$0x1C800] =	vst v63  }
0x79: {  	_ =	swait.ge [sflag:s11], $0x4000  }
0x7a: {  	[sflag:s11] =	ssyncset.done $0x0  }
0x7b: {  	[sflag:s11] =	ssyncadd.s32 $0xFFFFC000  }
0x7c: {  	[spmem:s2] =	stream.indirect.scatter.add.f32 [tilespmem:s8], [sflag:$0x3], $0x80, s3, s12, $0xb8;
	[tilespmem:$0x1C800] =	vst v63  }
0x7d: {  	_ =	swait.ge [sflag:s5], $0x4000  }
0x7e: {  	[sflag:s5] =	ssyncset.done $0x0  }
0x7f: {  	[sflag:s5] =	ssyncadd.s32 $0xFFFFC000  }
0x80: {  	[tilespmem:s8], [sflag:$0x1] =	stream.linear.gather [hbm4b:s13+s3], $0x4000, $0x38;
	[tilespmem:$0x1C800] =	vst v63  }
0x81: {  	_ =	swait.ge [sflag:s14], $0x4000  }
0x82: {  	[sflag:s14] =	ssyncset.done $0x0  }
0x83: {  	[sflag:s14] =	ssyncadd.s32 $0xFFFFC000  }
0x84: {  	[spmem:s2] =	stream.indirect.scatter.add.f32 [tilespmem:s10], [sflag:$0x3], $0x80, s12, s12, $0xb8;
	[tilespmem:$0x1C800] =	vst v63  }
0x85: {  	_ =	swait.ge [sflag:s5], $0x4000  }
0x86: {  	[sflag:s5] =	ssyncset.done $0x0  }
0x87: {  	[sflag:s5] =	ssyncadd.s32 $0xFFFFC000  }
0x88: {  	[tilespmem:s10], [sflag:$0x2] =	stream.linear.gather [hbm4b:s15+s3], $0x4000, $0x38;
	[tilespmem:$0x1C800] =	vst v63  }
0x89: {  	_ =	swait.ge [sflag:s11], $0x4000  }
0x8a: {  	[sflag:s11] =	ssyncset.done $0x0  }
0x8b: {  	[sflag:s11] =	ssyncadd.s32 $0xFFFFC000  }
0x8c: {  	[spmem:s2] =	stream.indirect.scatter.add.f32 [tilespmem:s8], [sflag:$0x3], $0x80, s16, s12, $0xb8;
	[tilespmem:$0x1C800] =	vst v63  }
0x8d: {  	_ =	swait.ge [sflag:s5], $0x4000  }
0x8e: {  	[sflag:s5] =	ssyncset.done $0x0  }
0x8f: {  	[sflag:s5] =	ssyncadd.s32 $0xFFFFC000  }
0x90: {  	[tilespmem:s8], [sflag:$0x1] =	stream.linear.gather [hbm4b:s17+s3], $0x4000, $0x38;
	[tilespmem:$0x1C800] =	vst v63  }
0x91: {  	_ =	swait.ge [sflag:s14], $0x4000  }
0x92: {  	[sflag:s14] =	ssyncset.done $0x0  }
0x93: {  	[sflag:s14] =	ssyncadd.s32 $0xFFFFC000  }
0x94: {  	[spmem:s2] =	stream.indirect.scatter.add.f32 [tilespmem:s10], [sflag:$0x3], $0x80, s18, s12, $0xb8;
	[tilespmem:$0x1C800] =	vst v63  }
0x95: {  	_ =	swait.ge [sflag:s5], $0x4000  }
0x96: {  	[sflag:s5] =	ssyncset.done $0x0  }
0x97: {  	[sflag:s5] =	ssyncadd.s32 $0xFFFFC000  }
0x98: {  	[tilespmem:s10], [sflag:$0x2] =	stream.linear.gather [hbm4b:s19+s3], $0x4000, $0x38;
	[tilespmem:$0x1C800] =	vst v63  }
0x99: {  	_ =	swait.ge [sflag:s11], $0x4000  }
0x9a: {  	[sflag:s11] =	ssyncset.done $0x0  }
0x9b: {  	[sflag:s11] =	ssyncadd.s32 $0xFFFFC000  }
0x9c: {  	[spmem:s2] =	stream.indirect.scatter.add.f32 [tilespmem:s8], [sflag:$0x3], $0x80, s20, s12, $0xb8;
	[tilespmem:$0x1C800] =	vst v63  }
0x9d: {  	_ =	swait.ge [sflag:s5], $0x4000  }
0x9e: {  	[sflag:s5] =	ssyncset.done $0x0  }
0x9f: {  	[sflag:s5] =	ssyncadd.s32 $0xFFFFC000  }
0xa0: {  	[tilespmem:s8], [sflag:$0x1] =	stream.linear.gather [hbm4b:s21+s3], $0x4000, $0x38;
	[tilespmem:$0x1C800] =	vst v63  }
0xa1: {  	_ =	swait.ge [sflag:s14], $0x4000  }
0xa2: {  	[sflag:s14] =	ssyncset.done $0x0  }
0xa3: {  	[sflag:s14] =	ssyncadd.s32 $0xFFFFC000  }
0xa4: {  	[spmem:s2] =	stream.indirect.scatter.add.f32 [tilespmem:s10], [sflag:$0x3], $0x80, s22, s12, $0xb8;
	[tilespmem:$0x1C800] =	vst v63  }
0xa5: {  	_ =	swait.ge [sflag:s5], $0x4000  }
0xa6: {  	[sflag:s5] =	ssyncset.done $0x0  }
0xa7: {  	[sflag:s5] =	ssyncadd.s32 $0xFFFFC000  }
0xa8: {  	[tilespmem:s10], [sflag:$0x2] =	stream.linear.gather [hbm4b:s23+s3], $0x4000, $0x38;
	[tilespmem:$0x1C800] =	vst v63  }
0xa9: {  	_ =	swait.ge [sflag:s11], $0x4000  }
0xaa: {  	[sflag:s11] =	ssyncset.done $0x0  }
0xab: {  	[sflag:s11] =	ssyncadd.s32 $0xFFFFC000  }
0xac: {  	[spmem:s2] =	stream.indirect.scatter.add.f32 [tilespmem:s8], [sflag:$0x3], $0x80, s24, s12, $0xb8;
	[tilespmem:$0x1C800] =	vst v63  }
0xad: {  	_ =	swait.ge [sflag:s5], $0x4000  }
0xae: {  	[sflag:s5] =	ssyncset.done $0x0  }
0xaf: {  	[sflag:s5] =	ssyncadd.s32 $0xFFFFC000  }
0xb0: {  	[tilespmem:s8], [sflag:$0x1] =	stream.linear.gather [hbm4b:s25+s3], $0x4000, $0x38;
	[tilespmem:$0x1C800] =	vst v63  }
0xb1: {  	_ =	swait.ge [sflag:s14], $0x4000  }
0xb2: {  	[sflag:s14] =	ssyncset.done $0x0  }
0xb3: {  	[sflag:s14] =	ssyncadd.s32 $0xFFFFC000  }
0xb4: {  	[spmem:s2] =	stream.indirect.scatter.add.f32 [tilespmem:s10], [sflag:$0x3], $0x80, s26, s12, $0xb8;
	[tilespmem:$0x1C800] =	vst v63  }
0xb5: {  	_ =	swait.ge [sflag:s5], $0x4000  }
0xb6: {  	[sflag:s5] =	ssyncset.done $0x0  }
0xb7: {  	[sflag:s5] =	ssyncadd.s32 $0xFFFFC000  }
0xb8: {  	[tilespmem:s10], [sflag:$0x2] =	stream.linear.gather [hbm4b:s28+s3], $0x4000, $0x38;
	[tilespmem:$0x1C800] =	vst v63  }
0xb9: {  	_ =	swait.ge [sflag:s11], $0x4000  }
0xba: {  	[sflag:s11] =	ssyncset.done $0x0  }
0xbb: {  	[sflag:s11] =	ssyncadd.s32 $0xFFFFC000  }
0xbc: {  	[spmem:s2] =	stream.indirect.scatter.add.f32 [tilespmem:s8], [sflag:$0x3], $0x80, s29, s12, $0xb8;
	[tilespmem:$0x1C800] =	vst v63  }
0xbd: {  	_ =	swait.ge [sflag:s5], $0x4000  }
0xbe: {  	[sflag:s5] =	ssyncset.done $0x0  }
0xbf: {  	[sflag:s5] =	ssyncadd.s32 $0xFFFFC000  }
0xc0: {  	_ =	swait.ge [sflag:s14], $0x4000  }
0xc1: {  	[sflag:s14] =	ssyncset.done $0x0  }
0xc2: {  	[sflag:s14] =	ssyncadd.s32 $0xFFFFC000  }
0xc3: {  	[spmem:s2] =	stream.indirect.scatter.add.f32 [tilespmem:s10], [sflag:$0x3], $0x80, s30, s12, $0xb8;
	[tilespmem:$0x1C800] =	vst v63  }
0xc4: {  	p0 =	sne.s32 s1, $0x1;
	_ =	swait.ge [sflag:s5], $0x4000  }
.Ltmp1:
0xc5: {  	[sflag:s5] =	ssyncset.done $0x0;
	(pc) =	sbr.rel @p0 .LBB2_1-.Ltmp1, $4  }
0xc6: {  	[sflag:s5] =	ssyncadd.s32 $0xFFFFC000  }
0xc7: {  	[bflag:$0x0] =	sbarrier.arrive $0xFFFF  }
0xc8: {  	[hbm:s31], [sflag:s4] =	dma.local [spmem:s6], $0x2800  }
0xc9: {  	s1 =	sadd.s32 $0xFFFFFFFF, s1;
	_ =	swait.ge [sflag:s5], $0x2800  }
.LBB2_2:
0xca: {  	[sflag:s5] =	ssyncset.done $0x0  }
0xcb: {  	[sflag:s5] =	ssyncadd.s32 $0xFFFFD800  }
0xcc: {  	_ =	sfence.sel $0x180000  }
0xcd: {  	[bflag:$0x0] =	sbarrier.arrive $0xFFFF  }
0xce: {  	_ =	strace $0x9000004D  }
0xcf: {  	s0 =	stileid.u32;
	[bflag:$0x2] =	sbarrier.arrive $0xFFFF  }
0xd0: {  	p0 =	sne.s32 s0, $0x0;
	s0 =	rddreg [dreg:$0x2]  }
0xd1: {  	s0 =	sadd.s32 @!p0 $0x100000, s0  }
0xd2: {  	[sflag:s0] =	ssyncadd.tile.s32 @!p0 $0x1;
	_ =	shalt  }
.Lfunc_end2:
_tile_overlayer_lowered:
.L_overlay_start_2:
0xd3: {  	(tag) =	ssettag $0x2  }
0xd4: {  	s0 =	rddreg [dreg:$0x0];
	s2 =	stileid.u32  }
0xd5: {  	s1 =	rddreg [dreg:$0x1];
	p0 =	sne.s32 s2, $0x0  }
0xd6: {  	s3 =	rddreg [dreg:$0x2];
	[bflag:$0x3] =	sbarrier.arrive $0xFFFF;
	s2 =	simm.s32 @!p0 $0x1C03  }
0xd7: {  	[timem:s3], [sflag:s2] =	dma.local @!p0 [hbm:s0], s1  }
0xd8: {  	s0 =	simm.s32 @!p0 $0x3  }
0xd9: {  	_ =	swait.ge @!p0 [sflag:s0], s1  }
0xda: {  	s1 =	ssub.s32 @!p0 $0x0, s1;
	[sflag:s0] =	ssyncset.done @!p0 $0x0  }
0xdb: {  	[sflag:s0] =	ssyncadd.s32 @!p0 s1  }
0xdc: {  	[bflag:$0x3] =	sbarrier.arrive $0xFFFF  }
0xdd: {  	_ =	shalt  }

// kernel: kernel.30.cloned.1.call-start
scs
__scs_entry_jumppad:
0x0: {  	(pc) =	sbr.rel $0x88, $3  }
0x1: {  	(tag) =	ssettag $0x0;
	lr =	simm.s32 $0x1  }
0x2: {  	[smem:$0x3F92] =	sst lr;
	_ =	strace $0xD0000000  }
0x3: {  	_ = 	snop  }
0x4: {  	_ = 	snop  }
0x5: {  	_ = 	snop  }
0x6: {  	_ = 	snop  }
0x7: {  	_ = 	snop  }
__scs_overlays_trampoline_lowered:
0x8: {  	[smem:$0x3FA1] =	sst s0  }
0x9: {  	[smem:$0x3FA2] =	sst s1  }
0xa: {  	[smem:$0x3FA3] =	sst s2  }
0xb: {  	[smem:$0x3FA4] =	sst s3  }
0xc: {  	[smem:$0x3FA5] =	sst s4  }
0xd: {  	[smem:$0x3FA6] =	sst s5  }
0xe: {  	[smem:$0x3FA7] =	sst s6  }
0xf: {  	[smem:$0x3FA8] =	sst s7  }
0x10: {  	[smem:$0x3FA9] =	sst s8  }
0x11: {  	[smem:$0x3FAA] =	sst s9;
	s0 =	simm.s32 @!p0 $0x0  }
0x12: {  	s1 =	sld [smem:$0x3F90];
	s0 =	simm.s32 @p0 $0x1  }
0x13: {  	[smem:$0x3FAB] =	sst s0;
	s0 =	simm.s32 @!p1 $0x0  }
0x14: {  	s2 =	sld [smem:$0x3F8F];
	s0 =	simm.s32 @p1 $0x1  }
0x15: {  	[smem:$0x3FAC] =	sst s0;
	s0 =	simm.s32 @!p2 $0x0  }
0x16: {  	s3 =	sld [smem:$0x3FDB];
	s0 =	simm.s32 @p2 $0x1  }
0x17: {  	s4 =	simm.s32 $0x1BF5;
	[smem:$0x3FAE] =	sst s0  }
0x18: {  	s0 =	sld [smem:$0x3F91];
	_ =	swait.ge [sflag:s4], $0x0  }
0x19: {  	s7 =	sld [smem:$0x3F92]  }
0x1a: {  	s8 =	sadd.s32 $0xFFFFE003, lr  }
0x1b: {  	s9 =	sadd.s32 $0xFFFFFEF7, lr;
	s5 =	simm.s32 $0xFFFFFFFF;
	p2 =	slt.u32 s8, $0xFFFFF086  }
0x1c: {  	p1 =	slt.u32 s9, $0xF7A;
	s5 =	simm.s32 @!p2 $0x0  }
0x1d: {  	s5 =	simm.s32 @p1 $0x1;
	p0 =	seq.s32 s7, s2  }
0x1e: {  	s7 =	smul.u32 @!p0 $0xF7A, s2;
	p2 =	seq.s32 @!p0 s5, $0x0  }
0x1f: {  	s9 =	smul.u32 $0xF7A, s1;
	s8 =	simm.s32 @!p0 $0x1BF5;
	p2 =	por !p2, p0  }
0x20: {  	[sflag:s8] =	ssyncset.s32 @!p0 $0xFFFFF086;
	s6 =	sadd.s32 @!p0 s3, s7;
	s7 =	simm.s32 @!p0 $0x108  }
0x21: {  	s3 =	sadd.s32 s3, s9;
	s6 =	sadd.s32 @!p0 $0x88, s6;
	s7 =	simm.s32 @p2 $0x1082  }
0x22: {  	[simem:s7], [sflag:s8] =	dma.local @!p0 [hbm:s6], $0xF7A  }
0x23: {  	s9 =	sor.u32 $0xD0000000, s2;
	s6 =	simm.s32 $0x108;
	_ =	swait.ge @!p0 [sflag:s8], $0x0  }
0x24: {  	s3 =	sadd.s32 $0x88, s3;
	s6 =	simm.s32 @!p1 $0x1082;
	[sflag:s4] =	ssyncset.s32 $0xFFFFF086  }
0x25: {  	[simem:s6], [sflag:s4] =	dma.local [hbm:s3], $0xF7A  }
0x26: {  	[smem:$0x3F92] =	sst s1;
	(tag) =	ssettag s2;
	_ =	strace s9  }
0x27: {  	s1 =	sld [smem:$0x3FA2]  }
0x28: {  	s2 =	sld [smem:$0x3FA3]  }
0x29: {  	s4 =	sld [smem:$0x3FA5]  }
0x2a: {  	p0 =	seq.s32 s5, $0x0;
	s5 =	sld [smem:$0x3FA6]  }
0x2b: {  	s6 =	sld [smem:$0x3FA7]  }
0x2c: {  	s7 =	sld [smem:$0x3FA8]  }
0x2d: {  	s3 =	simm.s32 $0x108;
	s8 =	sld [smem:$0x3FA9]  }
0x2e: {  	s3 =	simm.s32 @!p0 $0x1082;
	s9 =	sld [smem:$0x3FAA]  }
0x2f: {  	lr =	sadd.s32 s0, s3;
	s0 =	sld [smem:$0x3FA1]  }
0x30: {  	s3 =	sld [smem:$0x3FA4]  }
0x31: {  	[smem:$0x3FAD] =	sst s10  }
0x32: {  	s10 =	sld [smem:$0x3FAB];
	_ =	sdelay $0x3  }
0x33: {  	p0 =	seq.s32 s10, $0x1;
	s10 =	sld [smem:$0x3FAD];
	_ =	sdelay $0x3  }
0x34: {  	[smem:$0x3FAD] =	sst s10  }
0x35: {  	s10 =	sld [smem:$0x3FAC];
	_ =	sdelay $0x3  }
0x36: {  	p1 =	seq.s32 s10, $0x1;
	s10 =	sld [smem:$0x3FAD];
	_ =	sdelay $0x3  }
0x37: {  	[smem:$0x3FAD] =	sst s10  }
0x38: {  	s10 =	sld [smem:$0x3FAE]  }
0x39: {  	_ = 	snop;
	(pc) =	sbr.ind lr, $3  }
0x3a: {  	_ = 	snop  }
0x3b: {  	_ = 	snop  }
0x3c: {  	p2 =	seq.s32 s10, $0x1;
	s10 =	sld [smem:$0x3FAD]  }
0x3d: {  	_ =	shalt  }
0x3e: {  	_ =	shalt  }
0x3f: {  	_ =	shalt  }
0x40: {  	_ =	shalt  }
0x41: {  	_ =	shalt  }
0x42: {  	_ =	shalt  }
0x43: {  	_ =	shalt  }
0x44: {  	_ =	shalt  }
0x45: {  	_ =	shalt  }
0x46: {  	_ =	shalt  }
0x47: {  	_ =	shalt  }
0x48: {  	_ =	shalt  }
0x49: {  	_ =	shalt  }
0x4a: {  	_ =	shalt  }
0x4b: {  	_ =	shalt  }
0x4c: {  	_ =	shalt  }
0x4d: {  	_ =	shalt  }
0x4e: {  	_ =	shalt  }
0x4f: {  	_ =	shalt  }
0x50: {  	_ =	shalt  }
0x51: {  	_ =	shalt  }
0x52: {  	_ =	shalt  }
0x53: {  	_ =	shalt  }
0x54: {  	_ =	shalt  }
0x55: {  	_ =	shalt  }
0x56: {  	_ =	shalt  }
0x57: {  	_ =	shalt  }
0x58: {  	_ =	shalt  }
0x59: {  	_ =	shalt  }
0x5a: {  	_ =	shalt  }
0x5b: {  	_ =	shalt  }
0x5c: {  	_ =	shalt  }
0x5d: {  	_ =	shalt  }
0x5e: {  	_ =	shalt  }
0x5f: {  	_ =	shalt  }
0x60: {  	_ =	shalt  }
0x61: {  	_ =	shalt  }
0x62: {  	_ =	shalt  }
0x63: {  	_ =	shalt  }
0x64: {  	_ =	shalt  }
0x65: {  	_ =	shalt  }
0x66: {  	_ =	shalt  }
0x67: {  	_ =	shalt  }
0x68: {  	_ =	shalt  }
0x69: {  	_ =	shalt  }
0x6a: {  	_ =	shalt  }
0x6b: {  	_ =	shalt  }
0x6c: {  	_ =	shalt  }
0x6d: {  	_ =	shalt  }
0x6e: {  	_ =	shalt  }
0x6f: {  	_ =	shalt  }
0x70: {  	_ =	shalt  }
0x71: {  	_ =	shalt  }
0x72: {  	_ =	shalt  }
0x73: {  	_ =	shalt  }
0x74: {  	_ =	shalt  }
0x75: {  	_ =	shalt  }
0x76: {  	_ =	shalt  }
0x77: {  	_ =	shalt  }
0x78: {  	_ =	shalt  }
0x79: {  	_ =	shalt  }
0x7a: {  	_ =	shalt  }
0x7b: {  	_ =	shalt  }
0x7c: {  	_ =	shalt  }
0x7d: {  	_ =	shalt  }
0x7e: {  	_ =	shalt  }
0x7f: {  	_ =	shalt  }
0x80: {  	_ =	shalt  }
0x81: {  	_ =	shalt  }
0x82: {  	_ =	shalt  }
0x83: {  	_ =	shalt  }
0x84: {  	_ =	shalt  }
0x85: {  	_ =	shalt  }
0x86: {  	_ =	shalt  }
0x87: {  	_ =	shalt  }
.Lfunc_end0:
.L_simem_size_0:
called_computation.5_lowered:
.L_overlay_start_0:
0x88: {  	s2 =	sld [smem:$0x3FD9]  }
0x89: {  	s3 =	sld [smem:$0x3FFE];
	_ =	sdelay $0x1  }
0x8a: {  	s1 =	srdreg.scid  }
0x8b: {  	s0 =	sand.u32 $0x1, s1  }
0x8c: {  	s17 =	sshll.u32 s0, $0xA;
	s2 =	sadd.s32 s3, s2  }
0x8d: {  	s2 =	sadd.s32 s2, s17  }
0x8e: {  	[smem:$0x3FB9] =	sst s2  }
0x8f: {  	_ = 	snop  }
0x90: {  	(tm) =	ssettm $0x1  }
0x91: {  	s18 =	sld [smem:$0x3FFB];
	_ =	sdelay $0x3  }
0x92: {  	_ =	strace s18  }
0x93: {  	s2 =	sld [smem:$0x3FFC];
	_ =	sdelay $0x3  }
0x94: {  	_ =	strace s2  }
0x95: {  	s2 =	sld [smem:$0x3FFD];
	_ =	sdelay $0x3  }
0x96: {  	_ =	strace s2  }
0x97: {  	_ =	strace $0x8FFFFFFF  }
0x98: {  	s19 =	sld [smem:$0x3FDB];
	_ =	sdelay $0x1  }
0x99: {  	s20 =	simm.s32 $_scs_section_size  }
0x9a: {  	s4 =	simm.s32 $_size__tile_overlayer_lowered;
	s5 =	simm.s32 $_tile_overlayer_lowered  }
0x9b: {  	s6 =	simm.s32 $0x1BFF;
	s21 =	sshll.u32 s5, $0x1;
	s3 =	sadd.s32 s20, s19  }
0x9c: {  	s22 =	simm.s32 $0x0;
	s4 =	sshll.u32 s4, $0x1;
	s5 =	sadd.s32 s21, s3  }
0x9d: {  	[timem:s22], [sflag:s6] =	dma.local [hbm:s5], s4  }
0x9e: {  	_ =	swait.ge [sflag:s6], s4  }
0x9f: {  	s4 =	ssub.s32 $0x0, s4;
	[sflag:s6] =	ssyncset.done $0x0  }
0xa0: {  	[sflag:s6] =	ssyncadd.s32 s4;
	_ =	sdelay $0x1  }
0xa1: {  	s23 =	simm.s32 $0x1B8B  }
0xa2: {  	_ =	swait.ge [sflag:s23], $0x1  }
0xa3: {  	[sflag:s23] =	ssyncset.done $0x0  }
0xa4: {  	[sflag:s23] =	ssyncadd.s32 $0xFFFFFFFF  }
0xa5: {  	s4 =	sld [smem:$0x0]  }
0xa6: {  	s5 =	sand.u32 $0xFFFFFFFE, s1  }
0xa7: {  	p0 =	sne.s32 s1, s5  }
0xa8: {  	s5 =	sshll.u32 @p0 s5, $0xE  }
0xa9: {  	s5 =	sadd.s32 @p0 $0x11B8D, s5;
	s6 =	sshll.u32 @p0 s4, $0x11  }
0xaa: {  	s5 =	sor.u32 @p0 s6, s5  }
0xab: {  	[sflag:s5] =	ssyncadd.remote.s32 @p0 $0x1;
	_ =	sdelay $0x1  }
0xac: {  	s5 =	simm.s32 @p0 $0x1B8D  }
0xad: {  	_ =	swait.eq @p0 [sflag:s5], $0x1  }
0xae: {  	[sflag:s5] =	ssyncadd.s32 @p0 $0xFFFFFFFF  }
0xaf: {  	s6 =	sshll.u32 @!p0 s1, $0xE  }
0xb0: {  	s6 =	sor.u32 @!p0 $0x4000, s6;
	s5 =	simm.s32 @!p0 $0x1B8D  }
0xb1: {  	s4 =	sshll.u32 @!p0 s4, $0x11;
	s6 =	sadd.s32 @!p0 $0x11B8D, s6;
	_ =	swait.eq @!p0 [sflag:s5], $0x1  }
0xb2: {  	s4 =	sor.u32 @!p0 s4, s6;
	[sflag:s5] =	ssyncadd.s32 @!p0 $0xFFFFFFFF  }
0xb3: {  	s25 =	simm.s32 $0x1B8E;
	s24 =	sld [smem:$0x3FFE];
	[sflag:s4] =	ssyncadd.remote.s32 @!p0 $0x1  }
0xb4: {  	s26 =	simm.s32 $execute0_lowered;
	[smem:$0x3FD2] =	sst s25  }
0xb5: {  	s5 =	sshll.u32 s26, $0x1;
	_ =	strace $0x80000052;
	[dreg:$0x1] =	wrdreg $0xFFFFFFFF  }
0xb6: {  	s28 =	simm.s32 $_size_execute0_lowered;
	s3 =	sadd.s32 s3, s5;
	[dreg:$0x0] =	wrdreg $0x0  }
0xb7: {  	s5 =	sshll.u32 s28, $0x1;
	[dreg:$0x2] =	wrdreg s3  }
0xb8: {  	[dreg:$0x3] =	wrdreg s5  }
0xb9: {  	[dreg:$0x4] =	wrdreg $0xC0  }
0xba: {  	_ =	task [dreg:s22], $0x5FFFF  }
0xbb: {  	[dreg:$0x1] =	wrdreg $0xFFFFFFFF  }
0xbc: {  	[dreg:$0x0] =	wrdreg $0x60  }
0xbd: {  	[dreg:$0x2] =	wrdreg s24  }
0xbe: {  	[dreg:$0x3] =	wrdreg $0x88000  }
0xbf: {  	[dreg:$0x4] =	wrdreg $0xB  }
0xc0: {  	_ =	task.clear_ibuf [dreg:s22], $0x5FFFF;
	_ =	strace $0x90000052  }
0xc1: {  	s29 =	simm.s32 $0xB;
	_ =	strace $0x80000054  }
0xc2: {  	_ =	swait.ge [sflag:s29], $0x1  }
0xc3: {  	[sflag:s29] =	ssyncadd.s32 $0xFFFFFFFF  }
0xc4: {  	_ =	strace $0x90000054  }
0xc5: {  	_ =	sfence  }
0xc6: {  	s30 =	sld [smem:$0x0];
	_ =	sdelay $0x2  }
0xc7: {  	s31 =	sshll.u32 s1, $0xD;
	s1 =	sshrl.u32 s1, $0x2  }
0xc8: {  	s4 =	sand.u32 $0x4000, s31;
	s1 =	sadd.s32 s1, s30  }
0xc9: {  	s0 =	sor.u32 s4, s0;
	s1 =	sshll.u32 s1, $0x11  }
0xca: {  	s0 =	sor.u32 s1, s0  }
0xcb: {  	s0 =	sadd.s32 $0x8F2B, s0  }
0xcc: {  	[sflag:s0] =	ssyncadd.remote.s32 $0x1  }
0xcd: {  	_ =	sfence.sel $0xFFFF  }
0xce: {  	[dreg:$0x0] =	wrdreg $0xFFFFFFFF;
	(pc) =	sbr.abs _section_cstart, $3  }
0xcf: {  	[dreg:$0x1] =	wrdreg $0xFFFFFFFF  }
0xd0: {  	_ =	task.clear_ibuf [dreg:s22], $0x2FFFF;
	_ =	strace $0x9FFFFFFF  }
0xd1: {  	(tm) =	ssettm $0x7FFFFFFF  }
tec
execute0_lowered:
.L_overlay_start_1:
0x0: {  	(tag) =	ssettag $0x1  }
0x1: {  	s0 =	srdreg.scid  }
0x2: {  	s17 =	stileid.u32;
	s7 =	rddreg [dreg:$0x0]  }
0x3: {  	s2 =	rddreg [dreg:$0x1];
	s1 =	sand.u32 $0x1, s0;
	s5 =	smul.u32 $0x14000, s17  }
0x4: {  	s3 =	simm.s32 $0x0;
	s18 =	sshll.u32 s17, $0x1;
	s4 =	smul.u32 $0x140000, s1  }
0x5: {  	[smem:$0x7FF] =	sst s3;
	s12 =	sor.u32 s1, s18  }
0x6: {  	s20 =	smul.u32 $0x50000, s17;
	s19 =	sshll.u32 s12, $0x8;
	s4 =	sadd.s32 s5, s4  }
0x7: {  	s22 =	sshll.u32 s17, $0x6;
	s8 =	sadd.s32 s19, s7;
	s4 =	sshrl.u32 s4, $0x3  }
0x8: {  	_ =	strace $0x80000053;
	s24 =	sadd.s32 $0x54B000, s8;
	s31 =	sadd.s32 s4, s7  }
0x9: {  	s21 =	sshrl.u32 s20, $0x2;
	[dreg:$0x4] =	wrdreg s24;
	s6 =	sadd.s32 $0xA8000, s31  }
0xa: {  	s23 =	sadd.s32 s21, s2;
	s5 =	simm.s32 $0x3;
	[dreg:$0x3] =	wrdreg s6  }
0xb: {  	s4 =	sor.u32 $0x1C03, s22;
	s6 =	sshrl.u32 s23, $0x3;
	s9 =	rddreg [dreg:$0x3]  }
0xc: {  	[spmem:s6], [sflag:s4] =	dma.local [hbm:s9], $0x2800  }
0xd: {  	_ =	swait.ge [sflag:s5], $0x2800  }
0xe: {  	[sflag:s5] =	ssyncset.done $0x0  }
0xf: {  	[sflag:s5] =	ssyncadd.s32 $0xFFFFD800  }
0x10: {  	[bflag:$0x0] =	sbarrier.arrive $0xFFFF  }
0x11: {  	s25 =	rddreg [dreg:$0x4]  }
0x12: {  	[tilespmem:s3], [sflag:$0x3] =	stream.linear.gather [hbm4b:s25+s3], $0x500, $0x38;
	[tilespmem:$0x1C800] =	vst v63  }
0x13: {  	s26 =	smul.u32 $0x5000, s12;
	_ =	swait.ge [sflag:s5], $0x500  }
0x14: {  	s13 =	sadd.s32 $0x54F000, s7;
	[sflag:s5] =	ssyncset.done $0x0  }
0x15: {  	s8 =	simm.s32 $0x800;
	s7 =	sadd.s32 s13, s26;
	[sflag:s5] =	ssyncadd.s32 $0xFFFFFB00  }
0x16: {  	[tilespmem:s8], [sflag:$0x1] =	stream.linear.gather [hbm4b:s7+s3], $0x4000, $0x38;
	[tilespmem:$0x1C800] =	vst v63  }
0x17: {  	s10 =	simm.s32 $0x4800;
	s11 =	simm.s32 $0x1;
	s9 =	sadd.s32 $0x800, s7  }
0x18: {  	[tilespmem:s10], [sflag:$0x2] =	stream.linear.gather [hbm4b:s9+s3], $0x4000, $0x38;
	[tilespmem:$0x1C800] =	vst v63  }
0x19: {  	_ =	swait.ge [sflag:s11], $0x4000  }
0x1a: {  	[sflag:s11] =	ssyncset.done $0x0  }
0x1b: {  	s14 =	smul.u32 $0x28000, s12;
	s12 =	simm.s32 $0x80;
	[sflag:s11] =	ssyncadd.s32 $0xFFFFC000  }
0x1c: {  	[spmem:s2] =	stream.indirect.scatter.add.f32 [tilespmem:s8], [sflag:$0x3], $0x80, s3, s12, $0xb8;
	[tilespmem:$0x1C800] =	vst v63  }
0x1d: {  	s14 =	sshrl.u32 s14, $0x3;
	_ =	swait.ge [sflag:s5], $0x4000  }
0x1e: {  	s25 =	sadd.s32 s13, s14;
	[sflag:s5] =	ssyncset.done $0x0  }
0x1f: {  	s14 =	simm.s32 $0x2;
	s13 =	sadd.s32 $0x1000, s25;
	[sflag:s5] =	ssyncadd.s32 $0xFFFFC000  }
0x20: {  	[tilespmem:s8], [sflag:$0x1] =	stream.linear.gather [hbm4b:s13+s3], $0x4000, $0x38;
	[tilespmem:$0x1C800] =	vst v63  }
0x21: {  	_ =	swait.ge [sflag:s14], $0x4000  }
0x22: {  	[sflag:s14] =	ssyncset.done $0x0  }
0x23: {  	[sflag:s14] =	ssyncadd.s32 $0xFFFFC000  }
0x24: {  	[spmem:s2] =	stream.indirect.scatter.add.f32 [tilespmem:s10], [sflag:$0x3], $0x80, s12, s12, $0xb8;
	[tilespmem:$0x1C800] =	vst v63  }
0x25: {  	_ =	swait.ge [sflag:s5], $0x4000  }
0x26: {  	[sflag:s5] =	ssyncset.done $0x0  }
0x27: {  	s15 =	sadd.s32 $0x1800, s7;
	[sflag:s5] =	ssyncadd.s32 $0xFFFFC000  }
0x28: {  	[tilespmem:s10], [sflag:$0x2] =	stream.linear.gather [hbm4b:s15+s3], $0x4000, $0x38;
	[tilespmem:$0x1C800] =	vst v63  }
0x29: {  	_ =	swait.ge [sflag:s11], $0x4000  }
0x2a: {  	[sflag:s11] =	ssyncset.done $0x0  }
0x2b: {  	s16 =	simm.s32 $0x100;
	[sflag:s11] =	ssyncadd.s32 $0xFFFFC000  }
0x2c: {  	[spmem:s2] =	stream.indirect.scatter.add.f32 [tilespmem:s8], [sflag:$0x3], $0x80, s16, s12, $0xb8;
	[tilespmem:$0x1C800] =	vst v63  }
0x2d: {  	_ =	swait.ge [sflag:s5], $0x4000  }
0x2e: {  	[sflag:s5] =	ssyncset.done $0x0  }
0x2f: {  	s17 =	sadd.s32 $0x2000, s25;
	[sflag:s5] =	ssyncadd.s32 $0xFFFFC000  }
0x30: {  	[tilespmem:s8], [sflag:$0x1] =	stream.linear.gather [hbm4b:s17+s3], $0x4000, $0x38;
	[tilespmem:$0x1C800] =	vst v63  }
0x31: {  	_ =	swait.ge [sflag:s14], $0x4000  }
0x32: {  	[sflag:s14] =	ssyncset.done $0x0  }
0x33: {  	s18 =	simm.s32 $0x180;
	[sflag:s14] =	ssyncadd.s32 $0xFFFFC000  }
0x34: {  	[spmem:s2] =	stream.indirect.scatter.add.f32 [tilespmem:s10], [sflag:$0x3], $0x80, s18, s12, $0xb8;
	[tilespmem:$0x1C800] =	vst v63  }
0x35: {  	_ =	swait.ge [sflag:s5], $0x4000  }
0x36: {  	[sflag:s5] =	ssyncset.done $0x0  }
0x37: {  	s19 =	sadd.s32 $0x2800, s7;
	[sflag:s5] =	ssyncadd.s32 $0xFFFFC000  }
0x38: {  	[tilespmem:s10], [sflag:$0x2] =	stream.linear.gather [hbm4b:s19+s3], $0x4000, $0x38;
	[tilespmem:$0x1C800] =	vst v63  }
0x39: {  	_ =	swait.ge [sflag:s11], $0x4000  }
0x3a: {  	[sflag:s11] =	ssyncset.done $0x0  }
0x3b: {  	s20 =	simm.s32 $0x200;
	[sflag:s11] =	ssyncadd.s32 $0xFFFFC000  }
0x3c: {  	[spmem:s2] =	stream.indirect.scatter.add.f32 [tilespmem:s8], [sflag:$0x3], $0x80, s20, s12, $0xb8;
	[tilespmem:$0x1C800] =	vst v63  }
0x3d: {  	_ =	swait.ge [sflag:s5], $0x4000  }
0x3e: {  	[sflag:s5] =	ssyncset.done $0x0  }
0x3f: {  	s21 =	sadd.s32 $0x3000, s25;
	[sflag:s5] =	ssyncadd.s32 $0xFFFFC000  }
0x40: {  	[tilespmem:s8], [sflag:$0x1] =	stream.linear.gather [hbm4b:s21+s3], $0x4000, $0x38;
	[tilespmem:$0x1C800] =	vst v63  }
0x41: {  	_ =	swait.ge [sflag:s14], $0x4000  }
0x42: {  	[sflag:s14] =	ssyncset.done $0x0  }
0x43: {  	s22 =	simm.s32 $0x280;
	[sflag:s14] =	ssyncadd.s32 $0xFFFFC000  }
0x44: {  	[spmem:s2] =	stream.indirect.scatter.add.f32 [tilespmem:s10], [sflag:$0x3], $0x80, s22, s12, $0xb8;
	[tilespmem:$0x1C800] =	vst v63  }
0x45: {  	_ =	swait.ge [sflag:s5], $0x4000  }
0x46: {  	[sflag:s5] =	ssyncset.done $0x0  }
0x47: {  	s23 =	sadd.s32 $0x3800, s7;
	[sflag:s5] =	ssyncadd.s32 $0xFFFFC000  }
0x48: {  	[tilespmem:s10], [sflag:$0x2] =	stream.linear.gather [hbm4b:s23+s3], $0x4000, $0x38;
	[tilespmem:$0x1C800] =	vst v63  }
0x49: {  	_ =	swait.ge [sflag:s11], $0x4000  }
0x4a: {  	[sflag:s11] =	ssyncset.done $0x0  }
0x4b: {  	s24 =	simm.s32 $0x300;
	[sflag:s11] =	ssyncadd.s32 $0xFFFFC000  }
0x4c: {  	[spmem:s2] =	stream.indirect.scatter.add.f32 [tilespmem:s8], [sflag:$0x3], $0x80, s24, s12, $0xb8;
	[tilespmem:$0x1C800] =	vst v63  }
0x4d: {  	_ =	swait.ge [sflag:s5], $0x4000  }
0x4e: {  	[sflag:s5] =	ssyncset.done $0x0  }
0x4f: {  	s25 =	sadd.s32 $0x4000, s25;
	[sflag:s5] =	ssyncadd.s32 $0xFFFFC000  }
0x50: {  	[tilespmem:s8], [sflag:$0x1] =	stream.linear.gather [hbm4b:s25+s3], $0x4000, $0x38;
	[tilespmem:$0x1C800] =	vst v63  }
0x51: {  	_ =	swait.ge [sflag:s14], $0x4000  }
0x52: {  	[sflag:s14] =	ssyncset.done $0x0  }
0x53: {  	s26 =	simm.s32 $0x380;
	[sflag:s14] =	ssyncadd.s32 $0xFFFFC000  }
0x54: {  	[spmem:s2] =	stream.indirect.scatter.add.f32 [tilespmem:s10], [sflag:$0x3], $0x80, s26, s12, $0xb8;
	[tilespmem:$0x1C800] =	vst v63  }
0x55: {  	_ =	swait.ge [sflag:s5], $0x4000  }
0x56: {  	[sflag:s5] =	ssyncset.done $0x0  }
0x57: {  	s28 =	sadd.s32 $0x4800, s7;
	[sflag:s5] =	ssyncadd.s32 $0xFFFFC000  }
0x58: {  	[tilespmem:s10], [sflag:$0x2] =	stream.linear.gather [hbm4b:s28+s3], $0x4000, $0x38;
	[tilespmem:$0x1C800] =	vst v63  }
0x59: {  	_ =	swait.ge [sflag:s11], $0x4000  }
0x5a: {  	[sflag:s11] =	ssyncset.done $0x0  }
0x5b: {  	s29 =	simm.s32 $0x400;
	[sflag:s11] =	ssyncadd.s32 $0xFFFFC000  }
0x5c: {  	[spmem:s2] =	stream.indirect.scatter.add.f32 [tilespmem:s8], [sflag:$0x3], $0x80, s29, s12, $0xb8;
	[tilespmem:$0x1C800] =	vst v63  }
0x5d: {  	_ =	swait.ge [sflag:s5], $0x4000  }
0x5e: {  	[sflag:s5] =	ssyncset.done $0x0  }
0x5f: {  	s1 =	ssub.s32 $0x2, s1;
	[sflag:s5] =	ssyncadd.s32 $0xFFFFC000  }
0x60: {  	s0 =	sshrl.u32 s1, $0x1;
	_ =	swait.ge [sflag:s14], $0x4000  }
0x61: {  	s0 =	ssub.s32 s1, s0;
	[sflag:s14] =	ssyncset.done $0x0  }
0x62: {  	s30 =	simm.s32 $0x480;
	s0 =	smax.u32 s0, $0x1;
	[sflag:s14] =	ssyncadd.s32 $0xFFFFC000  }
0x63: {  	[spmem:s2] =	stream.indirect.scatter.add.f32 [tilespmem:s10], [sflag:$0x3], $0x80, s30, s12, $0xb8;
	[tilespmem:$0x1C800] =	vst v63  }
0x64: {  	p0 =	sne.s32 s0, $0x1;
	_ =	swait.ge [sflag:s5], $0x4000  }
.Ltmp0:
0x65: {  	[sflag:s5] =	ssyncset.done $0x0;
	(pc) =	sbr.rel @!p0 .LBB2_2-.Ltmp0, $4  }
0x66: {  	[sflag:s5] =	ssyncadd.s32 $0xFFFFC000  }
0x67: {  	s31 =	sadd.s32 $0x58000, s31;
	[bflag:$0x0] =	sbarrier.arrive $0xFFFF  }
0x68: {  	[hbm:s31], [sflag:s4] =	dma.local [spmem:s6], $0x2800  }
0x69: {  	s1 =	sadd.s32 $0xFFFFFFFF, s0;
	_ =	swait.ge [sflag:s5], $0x2800  }
.LBB2_1:
0x6a: {  	[sflag:s5] =	ssyncset.done $0x0  }
0x6b: {  	s0 =	rddreg [dreg:$0x3];
	[sflag:s5] =	ssyncadd.s32 $0xFFFFD800  }
0x6c: {  	[spmem:s6], [sflag:s4] =	dma.local [hbm:s0], $0x2800  }
0x6d: {  	_ =	swait.ge [sflag:s5], $0x2800  }
0x6e: {  	[sflag:s5] =	ssyncset.done $0x0  }
0x6f: {  	[sflag:s5] =	ssyncadd.s32 $0xFFFFD800  }
0x70: {  	[bflag:$0x0] =	sbarrier.arrive $0xFFFF  }
0x71: {  	s0 =	rddreg [dreg:$0x4]  }
0x72: {  	[tilespmem:s3], [sflag:$0x3] =	stream.linear.gather [hbm4b:s0+s3], $0x500, $0x38;
	[tilespmem:$0x1C800] =	vst v63  }
0x73: {  	_ =	swait.ge [sflag:s5], $0x500  }
0x74: {  	[sflag:s5] =	ssyncset.done $0x0  }
0x75: {  	[sflag:s5] =	ssyncadd.s32 $0xFFFFFB00  }
0x76: {  	[tilespmem:s8], [sflag:$0x1] =	stream.linear.gather [hbm4b:s7+s3], $0x4000, $0x38;
	[tilespmem:$0x1C800] =	vst v63  }
0x77: {  	_ = 	snop  }
0x78: {  	[tilespmem:s10], [sflag:$0x2] =	stream.linear.gather [hbm4b:s9+s3], $0x4000, $0x38;
	[tilespmem:$0x1C800] =	vst v63  }
0x79: {  	_ =	swait.ge [sflag:s11], $0x4000  }
0x7a: {  	[sflag:s11] =	ssyncset.done $0x0  }
0x7b: {  	[sflag:s11] =	ssyncadd.s32 $0xFFFFC000  }
0x7c: {  	[spmem:s2] =	stream.indirect.scatter.add.f32 [tilespmem:s8], [sflag:$0x3], $0x80, s3, s12, $0xb8;
	[tilespmem:$0x1C800] =	vst v63  }
0x7d: {  	_ =	swait.ge [sflag:s5], $0x4000  }
0x7e: {  	[sflag:s5] =	ssyncset.done $0x0  }
0x7f: {  	[sflag:s5] =	ssyncadd.s32 $0xFFFFC000  }
0x80: {  	[tilespmem:s8], [sflag:$0x1] =	stream.linear.gather [hbm4b:s13+s3], $0x4000, $0x38;
	[tilespmem:$0x1C800] =	vst v63  }
0x81: {  	_ =	swait.ge [sflag:s14], $0x4000  }
0x82: {  	[sflag:s14] =	ssyncset.done $0x0  }
0x83: {  	[sflag:s14] =	ssyncadd.s32 $0xFFFFC000  }
0x84: {  	[spmem:s2] =	stream.indirect.scatter.add.f32 [tilespmem:s10], [sflag:$0x3], $0x80, s12, s12, $0xb8;
	[tilespmem:$0x1C800] =	vst v63  }
0x85: {  	_ =	swait.ge [sflag:s5], $0x4000  }
0x86: {  	[sflag:s5] =	ssyncset.done $0x0  }
0x87: {  	[sflag:s5] =	ssyncadd.s32 $0xFFFFC000  }
0x88: {  	[tilespmem:s10], [sflag:$0x2] =	stream.linear.gather [hbm4b:s15+s3], $0x4000, $0x38;
	[tilespmem:$0x1C800] =	vst v63  }
0x89: {  	_ =	swait.ge [sflag:s11], $0x4000  }
0x8a: {  	[sflag:s11] =	ssyncset.done $0x0  }
0x8b: {  	[sflag:s11] =	ssyncadd.s32 $0xFFFFC000  }
0x8c: {  	[spmem:s2] =	stream.indirect.scatter.add.f32 [tilespmem:s8], [sflag:$0x3], $0x80, s16, s12, $0xb8;
	[tilespmem:$0x1C800] =	vst v63  }
0x8d: {  	_ =	swait.ge [sflag:s5], $0x4000  }
0x8e: {  	[sflag:s5] =	ssyncset.done $0x0  }
0x8f: {  	[sflag:s5] =	ssyncadd.s32 $0xFFFFC000  }
0x90: {  	[tilespmem:s8], [sflag:$0x1] =	stream.linear.gather [hbm4b:s17+s3], $0x4000, $0x38;
	[tilespmem:$0x1C800] =	vst v63  }
0x91: {  	_ =	swait.ge [sflag:s14], $0x4000  }
0x92: {  	[sflag:s14] =	ssyncset.done $0x0  }
0x93: {  	[sflag:s14] =	ssyncadd.s32 $0xFFFFC000  }
0x94: {  	[spmem:s2] =	stream.indirect.scatter.add.f32 [tilespmem:s10], [sflag:$0x3], $0x80, s18, s12, $0xb8;
	[tilespmem:$0x1C800] =	vst v63  }
0x95: {  	_ =	swait.ge [sflag:s5], $0x4000  }
0x96: {  	[sflag:s5] =	ssyncset.done $0x0  }
0x97: {  	[sflag:s5] =	ssyncadd.s32 $0xFFFFC000  }
0x98: {  	[tilespmem:s10], [sflag:$0x2] =	stream.linear.gather [hbm4b:s19+s3], $0x4000, $0x38;
	[tilespmem:$0x1C800] =	vst v63  }
0x99: {  	_ =	swait.ge [sflag:s11], $0x4000  }
0x9a: {  	[sflag:s11] =	ssyncset.done $0x0  }
0x9b: {  	[sflag:s11] =	ssyncadd.s32 $0xFFFFC000  }
0x9c: {  	[spmem:s2] =	stream.indirect.scatter.add.f32 [tilespmem:s8], [sflag:$0x3], $0x80, s20, s12, $0xb8;
	[tilespmem:$0x1C800] =	vst v63  }
0x9d: {  	_ =	swait.ge [sflag:s5], $0x4000  }
0x9e: {  	[sflag:s5] =	ssyncset.done $0x0  }
0x9f: {  	[sflag:s5] =	ssyncadd.s32 $0xFFFFC000  }
0xa0: {  	[tilespmem:s8], [sflag:$0x1] =	stream.linear.gather [hbm4b:s21+s3], $0x4000, $0x38;
	[tilespmem:$0x1C800] =	vst v63  }
0xa1: {  	_ =	swait.ge [sflag:s14], $0x4000  }
0xa2: {  	[sflag:s14] =	ssyncset.done $0x0  }
0xa3: {  	[sflag:s14] =	ssyncadd.s32 $0xFFFFC000  }
0xa4: {  	[spmem:s2] =	stream.indirect.scatter.add.f32 [tilespmem:s10], [sflag:$0x3], $0x80, s22, s12, $0xb8;
	[tilespmem:$0x1C800] =	vst v63  }
0xa5: {  	_ =	swait.ge [sflag:s5], $0x4000  }
0xa6: {  	[sflag:s5] =	ssyncset.done $0x0  }
0xa7: {  	[sflag:s5] =	ssyncadd.s32 $0xFFFFC000  }
0xa8: {  	[tilespmem:s10], [sflag:$0x2] =	stream.linear.gather [hbm4b:s23+s3], $0x4000, $0x38;
	[tilespmem:$0x1C800] =	vst v63  }
0xa9: {  	_ =	swait.ge [sflag:s11], $0x4000  }
0xaa: {  	[sflag:s11] =	ssyncset.done $0x0  }
0xab: {  	[sflag:s11] =	ssyncadd.s32 $0xFFFFC000  }
0xac: {  	[spmem:s2] =	stream.indirect.scatter.add.f32 [tilespmem:s8], [sflag:$0x3], $0x80, s24, s12, $0xb8;
	[tilespmem:$0x1C800] =	vst v63  }
0xad: {  	_ =	swait.ge [sflag:s5], $0x4000  }
0xae: {  	[sflag:s5] =	ssyncset.done $0x0  }
0xaf: {  	[sflag:s5] =	ssyncadd.s32 $0xFFFFC000  }
0xb0: {  	[tilespmem:s8], [sflag:$0x1] =	stream.linear.gather [hbm4b:s25+s3], $0x4000, $0x38;
	[tilespmem:$0x1C800] =	vst v63  }
0xb1: {  	_ =	swait.ge [sflag:s14], $0x4000  }
0xb2: {  	[sflag:s14] =	ssyncset.done $0x0  }
0xb3: {  	[sflag:s14] =	ssyncadd.s32 $0xFFFFC000  }
0xb4: {  	[spmem:s2] =	stream.indirect.scatter.add.f32 [tilespmem:s10], [sflag:$0x3], $0x80, s26, s12, $0xb8;
	[tilespmem:$0x1C800] =	vst v63  }
0xb5: {  	_ =	swait.ge [sflag:s5], $0x4000  }
0xb6: {  	[sflag:s5] =	ssyncset.done $0x0  }
0xb7: {  	[sflag:s5] =	ssyncadd.s32 $0xFFFFC000  }
0xb8: {  	[tilespmem:s10], [sflag:$0x2] =	stream.linear.gather [hbm4b:s28+s3], $0x4000, $0x38;
	[tilespmem:$0x1C800] =	vst v63  }
0xb9: {  	_ =	swait.ge [sflag:s11], $0x4000  }
0xba: {  	[sflag:s11] =	ssyncset.done $0x0  }
0xbb: {  	[sflag:s11] =	ssyncadd.s32 $0xFFFFC000  }
0xbc: {  	[spmem:s2] =	stream.indirect.scatter.add.f32 [tilespmem:s8], [sflag:$0x3], $0x80, s29, s12, $0xb8;
	[tilespmem:$0x1C800] =	vst v63  }
0xbd: {  	_ =	swait.ge [sflag:s5], $0x4000  }
0xbe: {  	[sflag:s5] =	ssyncset.done $0x0  }
0xbf: {  	[sflag:s5] =	ssyncadd.s32 $0xFFFFC000  }
0xc0: {  	_ =	swait.ge [sflag:s14], $0x4000  }
0xc1: {  	[sflag:s14] =	ssyncset.done $0x0  }
0xc2: {  	[sflag:s14] =	ssyncadd.s32 $0xFFFFC000  }
0xc3: {  	[spmem:s2] =	stream.indirect.scatter.add.f32 [tilespmem:s10], [sflag:$0x3], $0x80, s30, s12, $0xb8;
	[tilespmem:$0x1C800] =	vst v63  }
0xc4: {  	p0 =	sne.s32 s1, $0x1;
	_ =	swait.ge [sflag:s5], $0x4000  }
.Ltmp1:
0xc5: {  	[sflag:s5] =	ssyncset.done $0x0;
	(pc) =	sbr.rel @p0 .LBB2_1-.Ltmp1, $4  }
0xc6: {  	[sflag:s5] =	ssyncadd.s32 $0xFFFFC000  }
0xc7: {  	[bflag:$0x0] =	sbarrier.arrive $0xFFFF  }
0xc8: {  	[hbm:s31], [sflag:s4] =	dma.local [spmem:s6], $0x2800  }
0xc9: {  	s1 =	sadd.s32 $0xFFFFFFFF, s1;
	_ =	swait.ge [sflag:s5], $0x2800  }
.LBB2_2:
0xca: {  	[sflag:s5] =	ssyncset.done $0x0  }
0xcb: {  	[sflag:s5] =	ssyncadd.s32 $0xFFFFD800  }
0xcc: {  	_ =	sfence.sel $0x180000  }
0xcd: {  	[bflag:$0x0] =	sbarrier.arrive $0xFFFF  }
0xce: {  	_ =	strace $0x90000053  }
0xcf: {  	s0 =	stileid.u32;
	[bflag:$0x2] =	sbarrier.arrive $0xFFFF  }
0xd0: {  	p0 =	sne.s32 s0, $0x0;
	s0 =	rddreg [dreg:$0x2]  }
0xd1: {  	s0 =	sadd.s32 @!p0 $0x100000, s0  }
0xd2: {  	[sflag:s0] =	ssyncadd.tile.s32 @!p0 $0x1;
	_ =	shalt  }
.Lfunc_end2:
_tile_overlayer_lowered:
.L_overlay_start_2:
0xd3: {  	(tag) =	ssettag $0x2  }
0xd4: {  	s0 =	rddreg [dreg:$0x0];
	s2 =	stileid.u32  }
0xd5: {  	s1 =	rddreg [dreg:$0x1];
	p0 =	sne.s32 s2, $0x0  }
0xd6: {  	s3 =	rddreg [dreg:$0x2];
	[bflag:$0x3] =	sbarrier.arrive $0xFFFF;
	s2 =	simm.s32 @!p0 $0x1C03  }
0xd7: {  	[timem:s3], [sflag:s2] =	dma.local @!p0 [hbm:s0], s1  }
0xd8: {  	s0 =	simm.s32 @!p0 $0x3  }
0xd9: {  	_ =	swait.ge @!p0 [sflag:s0], s1  }
0xda: {  	s1 =	ssub.s32 @!p0 $0x0, s1;
	[sflag:s0] =	ssyncset.done @!p0 $0x0  }
0xdb: {  	[sflag:s0] =	ssyncadd.s32 @!p0 s1  }
0xdc: {  	[bflag:$0x3] =	sbarrier.arrive $0xFFFF  }
0xdd: {  	_ =	shalt  }

// kernel: kernel.33.cloned.1.call-start
scs
__scs_entry_jumppad:
0x0: {  	(pc) =	sbr.rel $0x88, $3  }
0x1: {  	(tag) =	ssettag $0x0;
	lr =	simm.s32 $0x1  }
0x2: {  	[smem:$0x3F92] =	sst lr;
	_ =	strace $0xD0000000  }
0x3: {  	_ = 	snop  }
0x4: {  	_ = 	snop  }
0x5: {  	_ = 	snop  }
0x6: {  	_ = 	snop  }
0x7: {  	_ = 	snop  }
__scs_overlays_trampoline_lowered:
0x8: {  	[smem:$0x3FA1] =	sst s0  }
0x9: {  	[smem:$0x3FA2] =	sst s1  }
0xa: {  	[smem:$0x3FA3] =	sst s2  }
0xb: {  	[smem:$0x3FA4] =	sst s3  }
0xc: {  	[smem:$0x3FA5] =	sst s4  }
0xd: {  	[smem:$0x3FA6] =	sst s5  }
0xe: {  	[smem:$0x3FA7] =	sst s6  }
0xf: {  	[smem:$0x3FA8] =	sst s7  }
0x10: {  	[smem:$0x3FA9] =	sst s8  }
0x11: {  	[smem:$0x3FAA] =	sst s9;
	s0 =	simm.s32 @!p0 $0x0  }
0x12: {  	s1 =	sld [smem:$0x3F90];
	s0 =	simm.s32 @p0 $0x1  }
0x13: {  	[smem:$0x3FAB] =	sst s0;
	s0 =	simm.s32 @!p1 $0x0  }
0x14: {  	s2 =	sld [smem:$0x3F8F];
	s0 =	simm.s32 @p1 $0x1  }
0x15: {  	[smem:$0x3FAC] =	sst s0;
	s0 =	simm.s32 @!p2 $0x0  }
0x16: {  	s3 =	sld [smem:$0x3FDB];
	s0 =	simm.s32 @p2 $0x1  }
0x17: {  	s4 =	simm.s32 $0x1BF5;
	[smem:$0x3FAE] =	sst s0  }
0x18: {  	s0 =	sld [smem:$0x3F91];
	_ =	swait.ge [sflag:s4], $0x0  }
0x19: {  	s7 =	sld [smem:$0x3F92]  }
0x1a: {  	s8 =	sadd.s32 $0xFFFFE003, lr  }
0x1b: {  	s9 =	sadd.s32 $0xFFFFFEF7, lr;
	s5 =	simm.s32 $0xFFFFFFFF;
	p2 =	slt.u32 s8, $0xFFFFF086  }
0x1c: {  	p1 =	slt.u32 s9, $0xF7A;
	s5 =	simm.s32 @!p2 $0x0  }
0x1d: {  	s5 =	simm.s32 @p1 $0x1;
	p0 =	seq.s32 s7, s2  }
0x1e: {  	s7 =	smul.u32 @!p0 $0xF7A, s2;
	p2 =	seq.s32 @!p0 s5, $0x0  }
0x1f: {  	s9 =	smul.u32 $0xF7A, s1;
	s8 =	simm.s32 @!p0 $0x1BF5;
	p2 =	por !p2, p0  }
0x20: {  	[sflag:s8] =	ssyncset.s32 @!p0 $0xFFFFF086;
	s6 =	sadd.s32 @!p0 s3, s7;
	s7 =	simm.s32 @!p0 $0x108  }
0x21: {  	s3 =	sadd.s32 s3, s9;
	s6 =	sadd.s32 @!p0 $0x88, s6;
	s7 =	simm.s32 @p2 $0x1082  }
0x22: {  	[simem:s7], [sflag:s8] =	dma.local @!p0 [hbm:s6], $0xF7A  }
0x23: {  	s9 =	sor.u32 $0xD0000000, s2;
	s6 =	simm.s32 $0x108;
	_ =	swait.ge @!p0 [sflag:s8], $0x0  }
0x24: {  	s3 =	sadd.s32 $0x88, s3;
	s6 =	simm.s32 @!p1 $0x1082;
	[sflag:s4] =	ssyncset.s32 $0xFFFFF086  }
0x25: {  	[simem:s6], [sflag:s4] =	dma.local [hbm:s3], $0xF7A  }
0x26: {  	[smem:$0x3F92] =	sst s1;
	(tag) =	ssettag s2;
	_ =	strace s9  }
0x27: {  	s1 =	sld [smem:$0x3FA2]  }
0x28: {  	s2 =	sld [smem:$0x3FA3]  }
0x29: {  	s4 =	sld [smem:$0x3FA5]  }
0x2a: {  	p0 =	seq.s32 s5, $0x0;
	s5 =	sld [smem:$0x3FA6]  }
0x2b: {  	s6 =	sld [smem:$0x3FA7]  }
0x2c: {  	s7 =	sld [smem:$0x3FA8]  }
0x2d: {  	s3 =	simm.s32 $0x108;
	s8 =	sld [smem:$0x3FA9]  }
0x2e: {  	s3 =	simm.s32 @!p0 $0x1082;
	s9 =	sld [smem:$0x3FAA]  }
0x2f: {  	lr =	sadd.s32 s0, s3;
	s0 =	sld [smem:$0x3FA1]  }
0x30: {  	s3 =	sld [smem:$0x3FA4]  }
0x31: {  	[smem:$0x3FAD] =	sst s10  }
0x32: {  	s10 =	sld [smem:$0x3FAB];
	_ =	sdelay $0x3  }
0x33: {  	p0 =	seq.s32 s10, $0x1;
	s10 =	sld [smem:$0x3FAD];
	_ =	sdelay $0x3  }
0x34: {  	[smem:$0x3FAD] =	sst s10  }
0x35: {  	s10 =	sld [smem:$0x3FAC];
	_ =	sdelay $0x3  }
0x36: {  	p1 =	seq.s32 s10, $0x1;
	s10 =	sld [smem:$0x3FAD];
	_ =	sdelay $0x3  }
0x37: {  	[smem:$0x3FAD] =	sst s10  }
0x38: {  	s10 =	sld [smem:$0x3FAE]  }
0x39: {  	_ = 	snop;
	(pc) =	sbr.ind lr, $3  }
0x3a: {  	_ = 	snop  }
0x3b: {  	_ = 	snop  }
0x3c: {  	p2 =	seq.s32 s10, $0x1;
	s10 =	sld [smem:$0x3FAD]  }
0x3d: {  	_ =	shalt  }
0x3e: {  	_ =	shalt  }
0x3f: {  	_ =	shalt  }
0x40: {  	_ =	shalt  }
0x41: {  	_ =	shalt  }
0x42: {  	_ =	shalt  }
0x43: {  	_ =	shalt  }
0x44: {  	_ =	shalt  }
0x45: {  	_ =	shalt  }
0x46: {  	_ =	shalt  }
0x47: {  	_ =	shalt  }
0x48: {  	_ =	shalt  }
0x49: {  	_ =	shalt  }
0x4a: {  	_ =	shalt  }
0x4b: {  	_ =	shalt  }
0x4c: {  	_ =	shalt  }
0x4d: {  	_ =	shalt  }
0x4e: {  	_ =	shalt  }
0x4f: {  	_ =	shalt  }
0x50: {  	_ =	shalt  }
0x51: {  	_ =	shalt  }
0x52: {  	_ =	shalt  }
0x53: {  	_ =	shalt  }
0x54: {  	_ =	shalt  }
0x55: {  	_ =	shalt  }
0x56: {  	_ =	shalt  }
0x57: {  	_ =	shalt  }
0x58: {  	_ =	shalt  }
0x59: {  	_ =	shalt  }
0x5a: {  	_ =	shalt  }
0x5b: {  	_ =	shalt  }
0x5c: {  	_ =	shalt  }
0x5d: {  	_ =	shalt  }
0x5e: {  	_ =	shalt  }
0x5f: {  	_ =	shalt  }
0x60: {  	_ =	shalt  }
0x61: {  	_ =	shalt  }
0x62: {  	_ =	shalt  }
0x63: {  	_ =	shalt  }
0x64: {  	_ =	shalt  }
0x65: {  	_ =	shalt  }
0x66: {  	_ =	shalt  }
0x67: {  	_ =	shalt  }
0x68: {  	_ =	shalt  }
0x69: {  	_ =	shalt  }
0x6a: {  	_ =	shalt  }
0x6b: {  	_ =	shalt  }
0x6c: {  	_ =	shalt  }
0x6d: {  	_ =	shalt  }
0x6e: {  	_ =	shalt  }
0x6f: {  	_ =	shalt  }
0x70: {  	_ =	shalt  }
0x71: {  	_ =	shalt  }
0x72: {  	_ =	shalt  }
0x73: {  	_ =	shalt  }
0x74: {  	_ =	shalt  }
0x75: {  	_ =	shalt  }
0x76: {  	_ =	shalt  }
0x77: {  	_ =	shalt  }
0x78: {  	_ =	shalt  }
0x79: {  	_ =	shalt  }
0x7a: {  	_ =	shalt  }
0x7b: {  	_ =	shalt  }
0x7c: {  	_ =	shalt  }
0x7d: {  	_ =	shalt  }
0x7e: {  	_ =	shalt  }
0x7f: {  	_ =	shalt  }
0x80: {  	_ =	shalt  }
0x81: {  	_ =	shalt  }
0x82: {  	_ =	shalt  }
0x83: {  	_ =	shalt  }
0x84: {  	_ =	shalt  }
0x85: {  	_ =	shalt  }
0x86: {  	_ =	shalt  }
0x87: {  	_ =	shalt  }
.Lfunc_end0:
.L_simem_size_0:
called_computation.6_lowered:
.L_overlay_start_0:
0x88: {  	s2 =	sld [smem:$0x3FD9]  }
0x89: {  	s3 =	sld [smem:$0x3FFE];
	_ =	sdelay $0x1  }
0x8a: {  	s1 =	srdreg.scid  }
0x8b: {  	s0 =	sand.u32 $0x1, s1  }
0x8c: {  	s17 =	sshll.u32 s0, $0xA;
	s2 =	sadd.s32 s3, s2  }
0x8d: {  	s2 =	sadd.s32 s2, s17  }
0x8e: {  	[smem:$0x3FB9] =	sst s2  }
0x8f: {  	_ = 	snop  }
0x90: {  	(tm) =	ssettm $0x1  }
0x91: {  	s18 =	sld [smem:$0x3FFB];
	_ =	sdelay $0x3  }
0x92: {  	_ =	strace s18  }
0x93: {  	s2 =	sld [smem:$0x3FFC];
	_ =	sdelay $0x3  }
0x94: {  	_ =	strace s2  }
0x95: {  	s2 =	sld [smem:$0x3FFD];
	_ =	sdelay $0x3  }
0x96: {  	_ =	strace s2  }
0x97: {  	_ =	strace $0x8FFFFFFF  }
0x98: {  	s19 =	sld [smem:$0x3FDB];
	_ =	sdelay $0x1  }
0x99: {  	s20 =	simm.s32 $_scs_section_size  }
0x9a: {  	s4 =	simm.s32 $_size__tile_overlayer_lowered;
	s5 =	simm.s32 $_tile_overlayer_lowered  }
0x9b: {  	s6 =	simm.s32 $0x1BFF;
	s21 =	sshll.u32 s5, $0x1;
	s3 =	sadd.s32 s20, s19  }
0x9c: {  	s22 =	simm.s32 $0x0;
	s4 =	sshll.u32 s4, $0x1;
	s5 =	sadd.s32 s21, s3  }
0x9d: {  	[timem:s22], [sflag:s6] =	dma.local [hbm:s5], s4  }
0x9e: {  	_ =	swait.ge [sflag:s6], s4  }
0x9f: {  	s4 =	ssub.s32 $0x0, s4;
	[sflag:s6] =	ssyncset.done $0x0  }
0xa0: {  	[sflag:s6] =	ssyncadd.s32 s4;
	_ =	sdelay $0x1  }
0xa1: {  	s23 =	simm.s32 $0x1B8B  }
0xa2: {  	_ =	swait.ge [sflag:s23], $0x1  }
0xa3: {  	[sflag:s23] =	ssyncset.done $0x0  }
0xa4: {  	[sflag:s23] =	ssyncadd.s32 $0xFFFFFFFF  }
0xa5: {  	s4 =	sld [smem:$0x0]  }
0xa6: {  	s5 =	sand.u32 $0xFFFFFFFE, s1  }
0xa7: {  	p0 =	sne.s32 s1, s5  }
0xa8: {  	s5 =	sshll.u32 @p0 s5, $0xE  }
0xa9: {  	s5 =	sadd.s32 @p0 $0x11B8D, s5;
	s6 =	sshll.u32 @p0 s4, $0x11  }
0xaa: {  	s5 =	sor.u32 @p0 s6, s5  }
0xab: {  	[sflag:s5] =	ssyncadd.remote.s32 @p0 $0x1;
	_ =	sdelay $0x1  }
0xac: {  	s5 =	simm.s32 @p0 $0x1B8D  }
0xad: {  	_ =	swait.eq @p0 [sflag:s5], $0x1  }
0xae: {  	[sflag:s5] =	ssyncadd.s32 @p0 $0xFFFFFFFF  }
0xaf: {  	s6 =	sshll.u32 @!p0 s1, $0xE  }
0xb0: {  	s6 =	sor.u32 @!p0 $0x4000, s6;
	s5 =	simm.s32 @!p0 $0x1B8D  }
0xb1: {  	s4 =	sshll.u32 @!p0 s4, $0x11;
	s6 =	sadd.s32 @!p0 $0x11B8D, s6;
	_ =	swait.eq @!p0 [sflag:s5], $0x1  }
0xb2: {  	s4 =	sor.u32 @!p0 s4, s6;
	[sflag:s5] =	ssyncadd.s32 @!p0 $0xFFFFFFFF  }
0xb3: {  	s25 =	simm.s32 $0x1B8E;
	s24 =	sld [smem:$0x3FFE];
	[sflag:s4] =	ssyncadd.remote.s32 @!p0 $0x1  }
0xb4: {  	s26 =	simm.s32 $execute0_lowered;
	[smem:$0x3FD2] =	sst s25  }
0xb5: {  	s5 =	sshll.u32 s26, $0x1;
	_ =	strace $0x80000058;
	[dreg:$0x1] =	wrdreg $0xFFFFFFFF  }
0xb6: {  	s28 =	simm.s32 $_size_execute0_lowered;
	s3 =	sadd.s32 s3, s5;
	[dreg:$0x0] =	wrdreg $0x0  }
0xb7: {  	s5 =	sshll.u32 s28, $0x1;
	[dreg:$0x2] =	wrdreg s3  }
0xb8: {  	[dreg:$0x3] =	wrdreg s5  }
0xb9: {  	[dreg:$0x4] =	wrdreg $0xC0  }
0xba: {  	_ =	task [dreg:s22], $0x5FFFF  }
0xbb: {  	[dreg:$0x1] =	wrdreg $0xFFFFFFFF  }
0xbc: {  	[dreg:$0x0] =	wrdreg $0x60  }
0xbd: {  	[dreg:$0x2] =	wrdreg s24  }
0xbe: {  	[dreg:$0x3] =	wrdreg $0x88000  }
0xbf: {  	[dreg:$0x4] =	wrdreg $0x9  }
0xc0: {  	_ =	task.clear_ibuf [dreg:s22], $0x5FFFF;
	_ =	strace $0x90000058  }
0xc1: {  	s29 =	simm.s32 $0x9;
	_ =	strace $0x8000005A  }
0xc2: {  	_ =	swait.ge [sflag:s29], $0x1  }
0xc3: {  	[sflag:s29] =	ssyncadd.s32 $0xFFFFFFFF  }
0xc4: {  	_ =	strace $0x9000005A  }
0xc5: {  	_ =	sfence  }
0xc6: {  	s30 =	sld [smem:$0x0];
	_ =	sdelay $0x2  }
0xc7: {  	s31 =	sshll.u32 s1, $0xD;
	s1 =	sshrl.u32 s1, $0x2  }
0xc8: {  	s4 =	sand.u32 $0x4000, s31;
	s1 =	sadd.s32 s1, s30  }
0xc9: {  	s0 =	sor.u32 s4, s0;
	s1 =	sshll.u32 s1, $0x11  }
0xca: {  	s0 =	sor.u32 s1, s0  }
0xcb: {  	s0 =	sadd.s32 $0x8F2B, s0  }
0xcc: {  	[sflag:s0] =	ssyncadd.remote.s32 $0x1  }
0xcd: {  	_ =	sfence.sel $0xFFFF  }
0xce: {  	[dreg:$0x0] =	wrdreg $0xFFFFFFFF;
	(pc) =	sbr.abs _section_cstart, $3  }
0xcf: {  	[dreg:$0x1] =	wrdreg $0xFFFFFFFF  }
0xd0: {  	_ =	task.clear_ibuf [dreg:s22], $0x2FFFF;
	_ =	strace $0x9FFFFFFF  }
0xd1: {  	(tm) =	ssettm $0x7FFFFFFF  }
tec
execute0_lowered:
.L_overlay_start_1:
0x0: {  	(tag) =	ssettag $0x1  }
0x1: {  	s0 =	srdreg.scid  }
0x2: {  	s17 =	stileid.u32;
	s7 =	rddreg [dreg:$0x0]  }
0x3: {  	s2 =	rddreg [dreg:$0x1];
	s1 =	sand.u32 $0x1, s0;
	s5 =	smul.u32 $0x14000, s17  }
0x4: {  	s3 =	simm.s32 $0x0;
	s18 =	sshll.u32 s17, $0x1;
	s4 =	smul.u32 $0x140000, s1  }
0x5: {  	[smem:$0x7FF] =	sst s3;
	s12 =	sor.u32 s1, s18  }
0x6: {  	s20 =	smul.u32 $0x50000, s17;
	s19 =	sshll.u32 s12, $0x8;
	s4 =	sadd.s32 s5, s4  }
0x7: {  	s22 =	sshll.u32 s17, $0x6;
	s8 =	sadd.s32 s19, s7;
	s4 =	sshrl.u32 s4, $0x3  }
0x8: {  	_ =	strace $0x80000059;
	s24 =	sadd.s32 $0x54D000, s8;
	s31 =	sadd.s32 s4, s7  }
0x9: {  	s21 =	sshrl.u32 s20, $0x2;
	[dreg:$0x4] =	wrdreg s24;
	s6 =	sadd.s32 $0x58000, s31  }
0xa: {  	s23 =	sadd.s32 s21, s2;
	s5 =	simm.s32 $0x3;
	[dreg:$0x3] =	wrdreg s6  }
0xb: {  	s4 =	sor.u32 $0x1C03, s22;
	s6 =	sshrl.u32 s23, $0x3;
	s9 =	rddreg [dreg:$0x3]  }
0xc: {  	[spmem:s6], [sflag:s4] =	dma.local [hbm:s9], $0x2800  }
0xd: {  	_ =	swait.ge [sflag:s5], $0x2800  }
0xe: {  	[sflag:s5] =	ssyncset.done $0x0  }
0xf: {  	[sflag:s5] =	ssyncadd.s32 $0xFFFFD800  }
0x10: {  	[bflag:$0x0] =	sbarrier.arrive $0xFFFF  }
0x11: {  	s25 =	rddreg [dreg:$0x4]  }
0x12: {  	[tilespmem:s3], [sflag:$0x3] =	stream.linear.gather [hbm4b:s25+s3], $0x500, $0x38;
	[tilespmem:$0x1C800] =	vst v63  }
0x13: {  	s26 =	smul.u32 $0x5000, s12;
	_ =	swait.ge [sflag:s5], $0x500  }
0x14: {  	s13 =	sadd.s32 $0x409000, s7;
	[sflag:s5] =	ssyncset.done $0x0  }
0x15: {  	s8 =	simm.s32 $0x800;
	s7 =	sadd.s32 s13, s26;
	[sflag:s5] =	ssyncadd.s32 $0xFFFFFB00  }
0x16: {  	[tilespmem:s8], [sflag:$0x1] =	stream.linear.gather [hbm4b:s7+s3], $0x4000, $0x38;
	[tilespmem:$0x1C800] =	vst v63  }
0x17: {  	s10 =	simm.s32 $0x4800;
	s11 =	simm.s32 $0x1;
	s9 =	sadd.s32 $0x800, s7  }
0x18: {  	[tilespmem:s10], [sflag:$0x2] =	stream.linear.gather [hbm4b:s9+s3], $0x4000, $0x38;
	[tilespmem:$0x1C800] =	vst v63  }
0x19: {  	_ =	swait.ge [sflag:s11], $0x4000  }
0x1a: {  	[sflag:s11] =	ssyncset.done $0x0  }
0x1b: {  	s14 =	smul.u32 $0x28000, s12;
	s12 =	simm.s32 $0x80;
	[sflag:s11] =	ssyncadd.s32 $0xFFFFC000  }
0x1c: {  	[spmem:s2] =	stream.indirect.scatter.add.f32 [tilespmem:s8], [sflag:$0x3], $0x80, s3, s12, $0xb8;
	[tilespmem:$0x1C800] =	vst v63  }
0x1d: {  	s14 =	sshrl.u32 s14, $0x3;
	_ =	swait.ge [sflag:s5], $0x4000  }
0x1e: {  	s25 =	sadd.s32 s13, s14;
	[sflag:s5] =	ssyncset.done $0x0  }
0x1f: {  	s14 =	simm.s32 $0x2;
	s13 =	sadd.s32 $0x1000, s25;
	[sflag:s5] =	ssyncadd.s32 $0xFFFFC000  }
0x20: {  	[tilespmem:s8], [sflag:$0x1] =	stream.linear.gather [hbm4b:s13+s3], $0x4000, $0x38;
	[tilespmem:$0x1C800] =	vst v63  }
0x21: {  	_ =	swait.ge [sflag:s14], $0x4000  }
0x22: {  	[sflag:s14] =	ssyncset.done $0x0  }
0x23: {  	[sflag:s14] =	ssyncadd.s32 $0xFFFFC000  }
0x24: {  	[spmem:s2] =	stream.indirect.scatter.add.f32 [tilespmem:s10], [sflag:$0x3], $0x80, s12, s12, $0xb8;
	[tilespmem:$0x1C800] =	vst v63  }
0x25: {  	_ =	swait.ge [sflag:s5], $0x4000  }
0x26: {  	[sflag:s5] =	ssyncset.done $0x0  }
0x27: {  	s15 =	sadd.s32 $0x1800, s7;
	[sflag:s5] =	ssyncadd.s32 $0xFFFFC000  }
0x28: {  	[tilespmem:s10], [sflag:$0x2] =	stream.linear.gather [hbm4b:s15+s3], $0x4000, $0x38;
	[tilespmem:$0x1C800] =	vst v63  }
0x29: {  	_ =	swait.ge [sflag:s11], $0x4000  }
0x2a: {  	[sflag:s11] =	ssyncset.done $0x0  }
0x2b: {  	s16 =	simm.s32 $0x100;
	[sflag:s11] =	ssyncadd.s32 $0xFFFFC000  }
0x2c: {  	[spmem:s2] =	stream.indirect.scatter.add.f32 [tilespmem:s8], [sflag:$0x3], $0x80, s16, s12, $0xb8;
	[tilespmem:$0x1C800] =	vst v63  }
0x2d: {  	_ =	swait.ge [sflag:s5], $0x4000  }
0x2e: {  	[sflag:s5] =	ssyncset.done $0x0  }
0x2f: {  	s17 =	sadd.s32 $0x2000, s25;
	[sflag:s5] =	ssyncadd.s32 $0xFFFFC000  }
0x30: {  	[tilespmem:s8], [sflag:$0x1] =	stream.linear.gather [hbm4b:s17+s3], $0x4000, $0x38;
	[tilespmem:$0x1C800] =	vst v63  }
0x31: {  	_ =	swait.ge [sflag:s14], $0x4000  }
0x32: {  	[sflag:s14] =	ssyncset.done $0x0  }
0x33: {  	s18 =	simm.s32 $0x180;
	[sflag:s14] =	ssyncadd.s32 $0xFFFFC000  }
0x34: {  	[spmem:s2] =	stream.indirect.scatter.add.f32 [tilespmem:s10], [sflag:$0x3], $0x80, s18, s12, $0xb8;
	[tilespmem:$0x1C800] =	vst v63  }
0x35: {  	_ =	swait.ge [sflag:s5], $0x4000  }
0x36: {  	[sflag:s5] =	ssyncset.done $0x0  }
0x37: {  	s19 =	sadd.s32 $0x2800, s7;
	[sflag:s5] =	ssyncadd.s32 $0xFFFFC000  }
0x38: {  	[tilespmem:s10], [sflag:$0x2] =	stream.linear.gather [hbm4b:s19+s3], $0x4000, $0x38;
	[tilespmem:$0x1C800] =	vst v63  }
0x39: {  	_ =	swait.ge [sflag:s11], $0x4000  }
0x3a: {  	[sflag:s11] =	ssyncset.done $0x0  }
0x3b: {  	s20 =	simm.s32 $0x200;
	[sflag:s11] =	ssyncadd.s32 $0xFFFFC000  }
0x3c: {  	[spmem:s2] =	stream.indirect.scatter.add.f32 [tilespmem:s8], [sflag:$0x3], $0x80, s20, s12, $0xb8;
	[tilespmem:$0x1C800] =	vst v63  }
0x3d: {  	_ =	swait.ge [sflag:s5], $0x4000  }
0x3e: {  	[sflag:s5] =	ssyncset.done $0x0  }
0x3f: {  	s21 =	sadd.s32 $0x3000, s25;
	[sflag:s5] =	ssyncadd.s32 $0xFFFFC000  }
0x40: {  	[tilespmem:s8], [sflag:$0x1] =	stream.linear.gather [hbm4b:s21+s3], $0x4000, $0x38;
	[tilespmem:$0x1C800] =	vst v63  }
0x41: {  	_ =	swait.ge [sflag:s14], $0x4000  }
0x42: {  	[sflag:s14] =	ssyncset.done $0x0  }
0x43: {  	s22 =	simm.s32 $0x280;
	[sflag:s14] =	ssyncadd.s32 $0xFFFFC000  }
0x44: {  	[spmem:s2] =	stream.indirect.scatter.add.f32 [tilespmem:s10], [sflag:$0x3], $0x80, s22, s12, $0xb8;
	[tilespmem:$0x1C800] =	vst v63  }
0x45: {  	_ =	swait.ge [sflag:s5], $0x4000  }
0x46: {  	[sflag:s5] =	ssyncset.done $0x0  }
0x47: {  	s23 =	sadd.s32 $0x3800, s7;
	[sflag:s5] =	ssyncadd.s32 $0xFFFFC000  }
0x48: {  	[tilespmem:s10], [sflag:$0x2] =	stream.linear.gather [hbm4b:s23+s3], $0x4000, $0x38;
	[tilespmem:$0x1C800] =	vst v63  }
0x49: {  	_ =	swait.ge [sflag:s11], $0x4000  }
0x4a: {  	[sflag:s11] =	ssyncset.done $0x0  }
0x4b: {  	s24 =	simm.s32 $0x300;
	[sflag:s11] =	ssyncadd.s32 $0xFFFFC000  }
0x4c: {  	[spmem:s2] =	stream.indirect.scatter.add.f32 [tilespmem:s8], [sflag:$0x3], $0x80, s24, s12, $0xb8;
	[tilespmem:$0x1C800] =	vst v63  }
0x4d: {  	_ =	swait.ge [sflag:s5], $0x4000  }
0x4e: {  	[sflag:s5] =	ssyncset.done $0x0  }
0x4f: {  	s25 =	sadd.s32 $0x4000, s25;
	[sflag:s5] =	ssyncadd.s32 $0xFFFFC000  }
0x50: {  	[tilespmem:s8], [sflag:$0x1] =	stream.linear.gather [hbm4b:s25+s3], $0x4000, $0x38;
	[tilespmem:$0x1C800] =	vst v63  }
0x51: {  	_ =	swait.ge [sflag:s14], $0x4000  }
0x52: {  	[sflag:s14] =	ssyncset.done $0x0  }
0x53: {  	s26 =	simm.s32 $0x380;
	[sflag:s14] =	ssyncadd.s32 $0xFFFFC000  }
0x54: {  	[spmem:s2] =	stream.indirect.scatter.add.f32 [tilespmem:s10], [sflag:$0x3], $0x80, s26, s12, $0xb8;
	[tilespmem:$0x1C800] =	vst v63  }
0x55: {  	_ =	swait.ge [sflag:s5], $0x4000  }
0x56: {  	[sflag:s5] =	ssyncset.done $0x0  }
0x57: {  	s28 =	sadd.s32 $0x4800, s7;
	[sflag:s5] =	ssyncadd.s32 $0xFFFFC000  }
0x58: {  	[tilespmem:s10], [sflag:$0x2] =	stream.linear.gather [hbm4b:s28+s3], $0x4000, $0x38;
	[tilespmem:$0x1C800] =	vst v63  }
0x59: {  	_ =	swait.ge [sflag:s11], $0x4000  }
0x5a: {  	[sflag:s11] =	ssyncset.done $0x0  }
0x5b: {  	s29 =	simm.s32 $0x400;
	[sflag:s11] =	ssyncadd.s32 $0xFFFFC000  }
0x5c: {  	[spmem:s2] =	stream.indirect.scatter.add.f32 [tilespmem:s8], [sflag:$0x3], $0x80, s29, s12, $0xb8;
	[tilespmem:$0x1C800] =	vst v63  }
0x5d: {  	_ =	swait.ge [sflag:s5], $0x4000  }
0x5e: {  	[sflag:s5] =	ssyncset.done $0x0  }
0x5f: {  	s1 =	ssub.s32 $0x2, s1;
	[sflag:s5] =	ssyncadd.s32 $0xFFFFC000  }
0x60: {  	s0 =	sshrl.u32 s1, $0x1;
	_ =	swait.ge [sflag:s14], $0x4000  }
0x61: {  	s0 =	ssub.s32 s1, s0;
	[sflag:s14] =	ssyncset.done $0x0  }
0x62: {  	s30 =	simm.s32 $0x480;
	s0 =	smax.u32 s0, $0x1;
	[sflag:s14] =	ssyncadd.s32 $0xFFFFC000  }
0x63: {  	[spmem:s2] =	stream.indirect.scatter.add.f32 [tilespmem:s10], [sflag:$0x3], $0x80, s30, s12, $0xb8;
	[tilespmem:$0x1C800] =	vst v63  }
0x64: {  	p0 =	sne.s32 s0, $0x1;
	_ =	swait.ge [sflag:s5], $0x4000  }
.Ltmp0:
0x65: {  	[sflag:s5] =	ssyncset.done $0x0;
	(pc) =	sbr.rel @!p0 .LBB2_2-.Ltmp0, $4  }
0x66: {  	[sflag:s5] =	ssyncadd.s32 $0xFFFFC000  }
0x67: {  	s31 =	sadd.s32 $0xA8000, s31;
	[bflag:$0x0] =	sbarrier.arrive $0xFFFF  }
0x68: {  	[hbm:s31], [sflag:s4] =	dma.local [spmem:s6], $0x2800  }
0x69: {  	s1 =	sadd.s32 $0xFFFFFFFF, s0;
	_ =	swait.ge [sflag:s5], $0x2800  }
.LBB2_1:
0x6a: {  	[sflag:s5] =	ssyncset.done $0x0  }
0x6b: {  	s0 =	rddreg [dreg:$0x3];
	[sflag:s5] =	ssyncadd.s32 $0xFFFFD800  }
0x6c: {  	[spmem:s6], [sflag:s4] =	dma.local [hbm:s0], $0x2800  }
0x6d: {  	_ =	swait.ge [sflag:s5], $0x2800  }
0x6e: {  	[sflag:s5] =	ssyncset.done $0x0  }
0x6f: {  	[sflag:s5] =	ssyncadd.s32 $0xFFFFD800  }
0x70: {  	[bflag:$0x0] =	sbarrier.arrive $0xFFFF  }
0x71: {  	s0 =	rddreg [dreg:$0x4]  }
0x72: {  	[tilespmem:s3], [sflag:$0x3] =	stream.linear.gather [hbm4b:s0+s3], $0x500, $0x38;
	[tilespmem:$0x1C800] =	vst v63  }
0x73: {  	_ =	swait.ge [sflag:s5], $0x500  }
0x74: {  	[sflag:s5] =	ssyncset.done $0x0  }
0x75: {  	[sflag:s5] =	ssyncadd.s32 $0xFFFFFB00  }
0x76: {  	[tilespmem:s8], [sflag:$0x1] =	stream.linear.gather [hbm4b:s7+s3], $0x4000, $0x38;
	[tilespmem:$0x1C800] =	vst v63  }
0x77: {  	_ = 	snop  }
0x78: {  	[tilespmem:s10], [sflag:$0x2] =	stream.linear.gather [hbm4b:s9+s3], $0x4000, $0x38;
	[tilespmem:$0x1C800] =	vst v63  }
0x79: {  	_ =	swait.ge [sflag:s11], $0x4000  }
0x7a: {  	[sflag:s11] =	ssyncset.done $0x0  }
0x7b: {  	[sflag:s11] =	ssyncadd.s32 $0xFFFFC000  }
0x7c: {  	[spmem:s2] =	stream.indirect.scatter.add.f32 [tilespmem:s8], [sflag:$0x3], $0x80, s3, s12, $0xb8;
	[tilespmem:$0x1C800] =	vst v63  }
0x7d: {  	_ =	swait.ge [sflag:s5], $0x4000  }
0x7e: {  	[sflag:s5] =	ssyncset.done $0x0  }
0x7f: {  	[sflag:s5] =	ssyncadd.s32 $0xFFFFC000  }
0x80: {  	[tilespmem:s8], [sflag:$0x1] =	stream.linear.gather [hbm4b:s13+s3], $0x4000, $0x38;
	[tilespmem:$0x1C800] =	vst v63  }
0x81: {  	_ =	swait.ge [sflag:s14], $0x4000  }
0x82: {  	[sflag:s14] =	ssyncset.done $0x0  }
0x83: {  	[sflag:s14] =	ssyncadd.s32 $0xFFFFC000  }
0x84: {  	[spmem:s2] =	stream.indirect.scatter.add.f32 [tilespmem:s10], [sflag:$0x3], $0x80, s12, s12, $0xb8;
	[tilespmem:$0x1C800] =	vst v63  }
0x85: {  	_ =	swait.ge [sflag:s5], $0x4000  }
0x86: {  	[sflag:s5] =	ssyncset.done $0x0  }
0x87: {  	[sflag:s5] =	ssyncadd.s32 $0xFFFFC000  }
0x88: {  	[tilespmem:s10], [sflag:$0x2] =	stream.linear.gather [hbm4b:s15+s3], $0x4000, $0x38;
	[tilespmem:$0x1C800] =	vst v63  }
0x89: {  	_ =	swait.ge [sflag:s11], $0x4000  }
0x8a: {  	[sflag:s11] =	ssyncset.done $0x0  }
0x8b: {  	[sflag:s11] =	ssyncadd.s32 $0xFFFFC000  }
0x8c: {  	[spmem:s2] =	stream.indirect.scatter.add.f32 [tilespmem:s8], [sflag:$0x3], $0x80, s16, s12, $0xb8;
	[tilespmem:$0x1C800] =	vst v63  }
0x8d: {  	_ =	swait.ge [sflag:s5], $0x4000  }
0x8e: {  	[sflag:s5] =	ssyncset.done $0x0  }
0x8f: {  	[sflag:s5] =	ssyncadd.s32 $0xFFFFC000  }
0x90: {  	[tilespmem:s8], [sflag:$0x1] =	stream.linear.gather [hbm4b:s17+s3], $0x4000, $0x38;
	[tilespmem:$0x1C800] =	vst v63  }
0x91: {  	_ =	swait.ge [sflag:s14], $0x4000  }
0x92: {  	[sflag:s14] =	ssyncset.done $0x0  }
0x93: {  	[sflag:s14] =	ssyncadd.s32 $0xFFFFC000  }
0x94: {  	[spmem:s2] =	stream.indirect.scatter.add.f32 [tilespmem:s10], [sflag:$0x3], $0x80, s18, s12, $0xb8;
	[tilespmem:$0x1C800] =	vst v63  }
0x95: {  	_ =	swait.ge [sflag:s5], $0x4000  }
0x96: {  	[sflag:s5] =	ssyncset.done $0x0  }
0x97: {  	[sflag:s5] =	ssyncadd.s32 $0xFFFFC000  }
0x98: {  	[tilespmem:s10], [sflag:$0x2] =	stream.linear.gather [hbm4b:s19+s3], $0x4000, $0x38;
	[tilespmem:$0x1C800] =	vst v63  }
0x99: {  	_ =	swait.ge [sflag:s11], $0x4000  }
0x9a: {  	[sflag:s11] =	ssyncset.done $0x0  }
0x9b: {  	[sflag:s11] =	ssyncadd.s32 $0xFFFFC000  }
0x9c: {  	[spmem:s2] =	stream.indirect.scatter.add.f32 [tilespmem:s8], [sflag:$0x3], $0x80, s20, s12, $0xb8;
	[tilespmem:$0x1C800] =	vst v63  }
0x9d: {  	_ =	swait.ge [sflag:s5], $0x4000  }
0x9e: {  	[sflag:s5] =	ssyncset.done $0x0  }
0x9f: {  	[sflag:s5] =	ssyncadd.s32 $0xFFFFC000  }
0xa0: {  	[tilespmem:s8], [sflag:$0x1] =	stream.linear.gather [hbm4b:s21+s3], $0x4000, $0x38;
	[tilespmem:$0x1C800] =	vst v63  }
0xa1: {  	_ =	swait.ge [sflag:s14], $0x4000  }
0xa2: {  	[sflag:s14] =	ssyncset.done $0x0  }
0xa3: {  	[sflag:s14] =	ssyncadd.s32 $0xFFFFC000  }
0xa4: {  	[spmem:s2] =	stream.indirect.scatter.add.f32 [tilespmem:s10], [sflag:$0x3], $0x80, s22, s12, $0xb8;
	[tilespmem:$0x1C800] =	vst v63  }
0xa5: {  	_ =	swait.ge [sflag:s5], $0x4000  }
0xa6: {  	[sflag:s5] =	ssyncset.done $0x0  }
0xa7: {  	[sflag:s5] =	ssyncadd.s32 $0xFFFFC000  }
0xa8: {  	[tilespmem:s10], [sflag:$0x2] =	stream.linear.gather [hbm4b:s23+s3], $0x4000, $0x38;
	[tilespmem:$0x1C800] =	vst v63  }
0xa9: {  	_ =	swait.ge [sflag:s11], $0x4000  }
0xaa: {  	[sflag:s11] =	ssyncset.done $0x0  }
0xab: {  	[sflag:s11] =	ssyncadd.s32 $0xFFFFC000  }
0xac: {  	[spmem:s2] =	stream.indirect.scatter.add.f32 [tilespmem:s8], [sflag:$0x3], $0x80, s24, s12, $0xb8;
	[tilespmem:$0x1C800] =	vst v63  }
0xad: {  	_ =	swait.ge [sflag:s5], $0x4000  }
0xae: {  	[sflag:s5] =	ssyncset.done $0x0  }
0xaf: {  	[sflag:s5] =	ssyncadd.s32 $0xFFFFC000  }
0xb0: {  	[tilespmem:s8], [sflag:$0x1] =	stream.linear.gather [hbm4b:s25+s3], $0x4000, $0x38;
	[tilespmem:$0x1C800] =	vst v63  }
0xb1: {  	_ =	swait.ge [sflag:s14], $0x4000  }
0xb2: {  	[sflag:s14] =	ssyncset.done $0x0  }
0xb3: {  	[sflag:s14] =	ssyncadd.s32 $0xFFFFC000  }
0xb4: {  	[spmem:s2] =	stream.indirect.scatter.add.f32 [tilespmem:s10], [sflag:$0x3], $0x80, s26, s12, $0xb8;
	[tilespmem:$0x1C800] =	vst v63  }
0xb5: {  	_ =	swait.ge [sflag:s5], $0x4000  }
0xb6: {  	[sflag:s5] =	ssyncset.done $0x0  }
0xb7: {  	[sflag:s5] =	ssyncadd.s32 $0xFFFFC000  }
0xb8: {  	[tilespmem:s10], [sflag:$0x2] =	stream.linear.gather [hbm4b:s28+s3], $0x4000, $0x38;
	[tilespmem:$0x1C800] =	vst v63  }
0xb9: {  	_ =	swait.ge [sflag:s11], $0x4000  }
0xba: {  	[sflag:s11] =	ssyncset.done $0x0  }
0xbb: {  	[sflag:s11] =	ssyncadd.s32 $0xFFFFC000  }
0xbc: {  	[spmem:s2] =	stream.indirect.scatter.add.f32 [tilespmem:s8], [sflag:$0x3], $0x80, s29, s12, $0xb8;
	[tilespmem:$0x1C800] =	vst v63  }
0xbd: {  	_ =	swait.ge [sflag:s5], $0x4000  }
0xbe: {  	[sflag:s5] =	ssyncset.done $0x0  }
0xbf: {  	[sflag:s5] =	ssyncadd.s32 $0xFFFFC000  }
0xc0: {  	_ =	swait.ge [sflag:s14], $0x4000  }
0xc1: {  	[sflag:s14] =	ssyncset.done $0x0  }
0xc2: {  	[sflag:s14] =	ssyncadd.s32 $0xFFFFC000  }
0xc3: {  	[spmem:s2] =	stream.indirect.scatter.add.f32 [tilespmem:s10], [sflag:$0x3], $0x80, s30, s12, $0xb8;
	[tilespmem:$0x1C800] =	vst v63  }
0xc4: {  	p0 =	sne.s32 s1, $0x1;
	_ =	swait.ge [sflag:s5], $0x4000  }
.Ltmp1:
0xc5: {  	[sflag:s5] =	ssyncset.done $0x0;
	(pc) =	sbr.rel @p0 .LBB2_1-.Ltmp1, $4  }
0xc6: {  	[sflag:s5] =	ssyncadd.s32 $0xFFFFC000  }
0xc7: {  	[bflag:$0x0] =	sbarrier.arrive $0xFFFF  }
0xc8: {  	[hbm:s31], [sflag:s4] =	dma.local [spmem:s6], $0x2800  }
0xc9: {  	s1 =	sadd.s32 $0xFFFFFFFF, s1;
	_ =	swait.ge [sflag:s5], $0x2800  }
.LBB2_2:
0xca: {  	[sflag:s5] =	ssyncset.done $0x0  }
0xcb: {  	[sflag:s5] =	ssyncadd.s32 $0xFFFFD800  }
0xcc: {  	_ =	sfence.sel $0x180000  }
0xcd: {  	[bflag:$0x0] =	sbarrier.arrive $0xFFFF  }
0xce: {  	_ =	strace $0x90000059  }
0xcf: {  	s0 =	stileid.u32;
	[bflag:$0x2] =	sbarrier.arrive $0xFFFF  }
0xd0: {  	p0 =	sne.s32 s0, $0x0;
	s0 =	rddreg [dreg:$0x2]  }
0xd1: {  	s0 =	sadd.s32 @!p0 $0x100000, s0  }
0xd2: {  	[sflag:s0] =	ssyncadd.tile.s32 @!p0 $0x1;
	_ =	shalt  }
.Lfunc_end2:
_tile_overlayer_lowered:
.L_overlay_start_2:
0xd3: {  	(tag) =	ssettag $0x2  }
0xd4: {  	s0 =	rddreg [dreg:$0x0];
	s2 =	stileid.u32  }
0xd5: {  	s1 =	rddreg [dreg:$0x1];
	p0 =	sne.s32 s2, $0x0  }
0xd6: {  	s3 =	rddreg [dreg:$0x2];
	[bflag:$0x3] =	sbarrier.arrive $0xFFFF;
	s2 =	simm.s32 @!p0 $0x1C03  }
0xd7: {  	[timem:s3], [sflag:s2] =	dma.local @!p0 [hbm:s0], s1  }
0xd8: {  	s0 =	simm.s32 @!p0 $0x3  }
0xd9: {  	_ =	swait.ge @!p0 [sflag:s0], s1  }
0xda: {  	s1 =	ssub.s32 @!p0 $0x0, s1;
	[sflag:s0] =	ssyncset.done @!p0 $0x0  }
0xdb: {  	[sflag:s0] =	ssyncadd.s32 @!p0 s1  }
0xdc: {  	[bflag:$0x3] =	sbarrier.arrive $0xFFFF  }
0xdd: {  	_ =	shalt  }

// kernel: kernel.36.cloned.1.call-start
scs
__scs_entry_jumppad:
0x0: {  	(pc) =	sbr.rel $0x88, $3  }
0x1: {  	(tag) =	ssettag $0x0;
	lr =	simm.s32 $0x1  }
0x2: {  	[smem:$0x3F92] =	sst lr;
	_ =	strace $0xD0000000  }
0x3: {  	_ = 	snop  }
0x4: {  	_ = 	snop  }
0x5: {  	_ = 	snop  }
0x6: {  	_ = 	snop  }
0x7: {  	_ = 	snop  }
__scs_overlays_trampoline_lowered:
0x8: {  	[smem:$0x3FA1] =	sst s0  }
0x9: {  	[smem:$0x3FA2] =	sst s1  }
0xa: {  	[smem:$0x3FA3] =	sst s2  }
0xb: {  	[smem:$0x3FA4] =	sst s3  }
0xc: {  	[smem:$0x3FA5] =	sst s4  }
0xd: {  	[smem:$0x3FA6] =	sst s5  }
0xe: {  	[smem:$0x3FA7] =	sst s6  }
0xf: {  	[smem:$0x3FA8] =	sst s7  }
0x10: {  	[smem:$0x3FA9] =	sst s8  }
0x11: {  	[smem:$0x3FAA] =	sst s9;
	s0 =	simm.s32 @!p0 $0x0  }
0x12: {  	s1 =	sld [smem:$0x3F90];
	s0 =	simm.s32 @p0 $0x1  }
0x13: {  	[smem:$0x3FAB] =	sst s0;
	s0 =	simm.s32 @!p1 $0x0  }
0x14: {  	s2 =	sld [smem:$0x3F8F];
	s0 =	simm.s32 @p1 $0x1  }
0x15: {  	[smem:$0x3FAC] =	sst s0;
	s0 =	simm.s32 @!p2 $0x0  }
0x16: {  	s3 =	sld [smem:$0x3FDB];
	s0 =	simm.s32 @p2 $0x1  }
0x17: {  	s4 =	simm.s32 $0x1BF5;
	[smem:$0x3FAE] =	sst s0  }
0x18: {  	s0 =	sld [smem:$0x3F91];
	_ =	swait.ge [sflag:s4], $0x0  }
0x19: {  	s7 =	sld [smem:$0x3F92]  }
0x1a: {  	s8 =	sadd.s32 $0xFFFFE003, lr  }
0x1b: {  	s9 =	sadd.s32 $0xFFFFFEF7, lr;
	s5 =	simm.s32 $0xFFFFFFFF;
	p2 =	slt.u32 s8, $0xFFFFF086  }
0x1c: {  	p1 =	slt.u32 s9, $0xF7A;
	s5 =	simm.s32 @!p2 $0x0  }
0x1d: {  	s5 =	simm.s32 @p1 $0x1;
	p0 =	seq.s32 s7, s2  }
0x1e: {  	s7 =	smul.u32 @!p0 $0xF7A, s2;
	p2 =	seq.s32 @!p0 s5, $0x0  }
0x1f: {  	s9 =	smul.u32 $0xF7A, s1;
	s8 =	simm.s32 @!p0 $0x1BF5;
	p2 =	por !p2, p0  }
0x20: {  	[sflag:s8] =	ssyncset.s32 @!p0 $0xFFFFF086;
	s6 =	sadd.s32 @!p0 s3, s7;
	s7 =	simm.s32 @!p0 $0x108  }
0x21: {  	s3 =	sadd.s32 s3, s9;
	s6 =	sadd.s32 @!p0 $0x88, s6;
	s7 =	simm.s32 @p2 $0x1082  }
0x22: {  	[simem:s7], [sflag:s8] =	dma.local @!p0 [hbm:s6], $0xF7A  }
0x23: {  	s9 =	sor.u32 $0xD0000000, s2;
	s6 =	simm.s32 $0x108;
	_ =	swait.ge @!p0 [sflag:s8], $0x0  }
0x24: {  	s3 =	sadd.s32 $0x88, s3;
	s6 =	simm.s32 @!p1 $0x1082;
	[sflag:s4] =	ssyncset.s32 $0xFFFFF086  }
0x25: {  	[simem:s6], [sflag:s4] =	dma.local [hbm:s3], $0xF7A  }
0x26: {  	[smem:$0x3F92] =	sst s1;
	(tag) =	ssettag s2;
	_ =	strace s9  }
0x27: {  	s1 =	sld [smem:$0x3FA2]  }
0x28: {  	s2 =	sld [smem:$0x3FA3]  }
0x29: {  	s4 =	sld [smem:$0x3FA5]  }
0x2a: {  	p0 =	seq.s32 s5, $0x0;
	s5 =	sld [smem:$0x3FA6]  }
0x2b: {  	s6 =	sld [smem:$0x3FA7]  }
0x2c: {  	s7 =	sld [smem:$0x3FA8]  }
0x2d: {  	s3 =	simm.s32 $0x108;
	s8 =	sld [smem:$0x3FA9]  }
0x2e: {  	s3 =	simm.s32 @!p0 $0x1082;
	s9 =	sld [smem:$0x3FAA]  }
0x2f: {  	lr =	sadd.s32 s0, s3;
	s0 =	sld [smem:$0x3FA1]  }
0x30: {  	s3 =	sld [smem:$0x3FA4]  }
0x31: {  	[smem:$0x3FAD] =	sst s10  }
0x32: {  	s10 =	sld [smem:$0x3FAB];
	_ =	sdelay $0x3  }
0x33: {  	p0 =	seq.s32 s10, $0x1;
	s10 =	sld [smem:$0x3FAD];
	_ =	sdelay $0x3  }
0x34: {  	[smem:$0x3FAD] =	sst s10  }
0x35: {  	s10 =	sld [smem:$0x3FAC];
	_ =	sdelay $0x3  }
0x36: {  	p1 =	seq.s32 s10, $0x1;
	s10 =	sld [smem:$0x3FAD];
	_ =	sdelay $0x3  }
0x37: {  	[smem:$0x3FAD] =	sst s10  }
0x38: {  	s10 =	sld [smem:$0x3FAE]  }
0x39: {  	_ = 	snop;
	(pc) =	sbr.ind lr, $3  }
0x3a: {  	_ = 	snop  }
0x3b: {  	_ = 	snop  }
0x3c: {  	p2 =	seq.s32 s10, $0x1;
	s10 =	sld [smem:$0x3FAD]  }
0x3d: {  	_ =	shalt  }
0x3e: {  	_ =	shalt  }
0x3f: {  	_ =	shalt  }
0x40: {  	_ =	shalt  }
0x41: {  	_ =	shalt  }
0x42: {  	_ =	shalt  }
0x43: {  	_ =	shalt  }
0x44: {  	_ =	shalt  }
0x45: {  	_ =	shalt  }
0x46: {  	_ =	shalt  }
0x47: {  	_ =	shalt  }
0x48: {  	_ =	shalt  }
0x49: {  	_ =	shalt  }
0x4a: {  	_ =	shalt  }
0x4b: {  	_ =	shalt  }
0x4c: {  	_ =	shalt  }
0x4d: {  	_ =	shalt  }
0x4e: {  	_ =	shalt  }
0x4f: {  	_ =	shalt  }
0x50: {  	_ =	shalt  }
0x51: {  	_ =	shalt  }
0x52: {  	_ =	shalt  }
0x53: {  	_ =	shalt  }
0x54: {  	_ =	shalt  }
0x55: {  	_ =	shalt  }
0x56: {  	_ =	shalt  }
0x57: {  	_ =	shalt  }
0x58: {  	_ =	shalt  }
0x59: {  	_ =	shalt  }
0x5a: {  	_ =	shalt  }
0x5b: {  	_ =	shalt  }
0x5c: {  	_ =	shalt  }
0x5d: {  	_ =	shalt  }
0x5e: {  	_ =	shalt  }
0x5f: {  	_ =	shalt  }
0x60: {  	_ =	shalt  }
0x61: {  	_ =	shalt  }
0x62: {  	_ =	shalt  }
0x63: {  	_ =	shalt  }
0x64: {  	_ =	shalt  }
0x65: {  	_ =	shalt  }
0x66: {  	_ =	shalt  }
0x67: {  	_ =	shalt  }
0x68: {  	_ =	shalt  }
0x69: {  	_ =	shalt  }
0x6a: {  	_ =	shalt  }
0x6b: {  	_ =	shalt  }
0x6c: {  	_ =	shalt  }
0x6d: {  	_ =	shalt  }
0x6e: {  	_ =	shalt  }
0x6f: {  	_ =	shalt  }
0x70: {  	_ =	shalt  }
0x71: {  	_ =	shalt  }
0x72: {  	_ =	shalt  }
0x73: {  	_ =	shalt  }
0x74: {  	_ =	shalt  }
0x75: {  	_ =	shalt  }
0x76: {  	_ =	shalt  }
0x77: {  	_ =	shalt  }
0x78: {  	_ =	shalt  }
0x79: {  	_ =	shalt  }
0x7a: {  	_ =	shalt  }
0x7b: {  	_ =	shalt  }
0x7c: {  	_ =	shalt  }
0x7d: {  	_ =	shalt  }
0x7e: {  	_ =	shalt  }
0x7f: {  	_ =	shalt  }
0x80: {  	_ =	shalt  }
0x81: {  	_ =	shalt  }
0x82: {  	_ =	shalt  }
0x83: {  	_ =	shalt  }
0x84: {  	_ =	shalt  }
0x85: {  	_ =	shalt  }
0x86: {  	_ =	shalt  }
0x87: {  	_ =	shalt  }
.Lfunc_end0:
.L_simem_size_0:
called_computation.7_lowered:
.L_overlay_start_0:
0x88: {  	s2 =	sld [smem:$0x3FD9]  }
0x89: {  	s3 =	sld [smem:$0x3FFE];
	_ =	sdelay $0x1  }
0x8a: {  	s1 =	srdreg.scid  }
0x8b: {  	s0 =	sand.u32 $0x1, s1  }
0x8c: {  	s17 =	sshll.u32 s0, $0xA;
	s2 =	sadd.s32 s3, s2  }
0x8d: {  	s2 =	sadd.s32 s2, s17  }
0x8e: {  	[smem:$0x3FB9] =	sst s2  }
0x8f: {  	_ = 	snop  }
0x90: {  	s2 =	sld [smem:$0x3FD0];
	(tm) =	ssettm $0x1  }
0x91: {  	s18 =	sld [smem:$0x3FFB];
	_ =	sdelay $0x3  }
0x92: {  	_ =	strace s18  }
0x93: {  	s3 =	sld [smem:$0x3FFC];
	_ =	sdelay $0x3  }
0x94: {  	_ =	strace s3  }
0x95: {  	s3 =	sld [smem:$0x3FFD];
	_ =	sdelay $0x3  }
0x96: {  	_ =	strace s3  }
0x97: {  	_ =	strace $0x8FFFFFFF  }
0x98: {  	s19 =	sld [smem:$0x3FDB];
	_ =	sdelay $0x1  }
0x99: {  	s4 =	simm.s32 $_scs_section_size  }
0x9a: {  	s5 =	simm.s32 $_size__tile_overlayer_lowered;
	s6 =	simm.s32 $_tile_overlayer_lowered  }
0x9b: {  	s22 =	simm.s32 $0x1BFF;
	s21 =	sshll.u32 s6, $0x1;
	s3 =	sadd.s32 s4, s19  }
0x9c: {  	s7 =	simm.s32 $0x0;
	s20 =	sshll.u32 s5, $0x1;
	s5 =	sadd.s32 s21, s3  }
0x9d: {  	[timem:s7], [sflag:s22] =	dma.local [hbm:s5], s20  }
0x9e: {  	_ =	swait.ge [sflag:s22], s20  }
0x9f: {  	s4 =	ssub.s32 $0x0, s20;
	[sflag:s22] =	ssyncset.done $0x0  }
0xa0: {  	[sflag:s22] =	ssyncadd.s32 s4;
	_ =	sdelay $0x1  }
0xa1: {  	s23 =	simm.s32 $0x1B8B  }
0xa2: {  	_ =	swait.ge [sflag:s23], $0x1  }
0xa3: {  	[sflag:s23] =	ssyncset.done $0x0  }
0xa4: {  	s25 =	simm.s32 $0x1B8E;
	s24 =	sld [smem:$0x3FFE];
	[sflag:s23] =	ssyncadd.s32 $0xFFFFFFFF  }
0xa5: {  	s26 =	simm.s32 $execute0_lowered;
	[smem:$0x3FD2] =	sst s25  }
0xa6: {  	s5 =	sshll.u32 s26, $0x1;
	_ =	strace $0x8000005B;
	[dreg:$0x1] =	wrdreg $0xFFFFFFFF  }
0xa7: {  	s28 =	simm.s32 $_size_execute0_lowered;
	s3 =	sadd.s32 s3, s5;
	[dreg:$0x0] =	wrdreg $0x0  }
0xa8: {  	s5 =	sshll.u32 s28, $0x1;
	[dreg:$0x2] =	wrdreg s3  }
0xa9: {  	[dreg:$0x3] =	wrdreg s5  }
0xaa: {  	[dreg:$0x4] =	wrdreg $0xC0  }
0xab: {  	_ =	task [dreg:s7], $0x5FFFF  }
0xac: {  	[dreg:$0x1] =	wrdreg $0xFFFFFFFF  }
0xad: {  	[dreg:$0x0] =	wrdreg $0x60  }
0xae: {  	[dreg:$0x2] =	wrdreg s24  }
0xaf: {  	[dreg:$0x3] =	wrdreg s2  }
0xb0: {  	[dreg:$0x4] =	wrdreg $0x38000  }
0xb1: {  	[dreg:$0x5] =	wrdreg $0x9  }
0xb2: {  	_ =	task.clear_ibuf [dreg:s7], $0x6FFFF;
	_ =	strace $0x9000005B  }
0xb3: {  	s29 =	simm.s32 $0x9;
	_ =	strace $0x8000005D  }
0xb4: {  	_ =	swait.ge [sflag:s29], $0x1  }
0xb5: {  	[sflag:s29] =	ssyncadd.s32 $0xFFFFFFFF  }
0xb6: {  	_ =	strace $0x9000005D  }
0xb7: {  	_ =	sfence  }
0xb8: {  	s30 =	sld [smem:$0x0];
	_ =	sdelay $0x2  }
0xb9: {  	s31 =	sshll.u32 s1, $0xD;
	s1 =	sshrl.u32 s1, $0x2  }
0xba: {  	s3 =	sand.u32 $0x4000, s31;
	s1 =	sadd.s32 s1, s30  }
0xbb: {  	s0 =	sor.u32 s3, s0;
	s1 =	sshll.u32 s1, $0x11  }
0xbc: {  	s0 =	sor.u32 s1, s0  }
0xbd: {  	s0 =	sadd.s32 $0x8F2B, s0  }
0xbe: {  	[sflag:s0] =	ssyncadd.remote.s32 $0x1  }
0xbf: {  	_ =	sfence.sel $0xFFFF  }
0xc0: {  	[dreg:$0x0] =	wrdreg $0xFFFFFFFF;
	(pc) =	sbr.abs _section_cstart, $3  }
0xc1: {  	[dreg:$0x1] =	wrdreg $0xFFFFFFFF  }
0xc2: {  	_ =	task.clear_ibuf [dreg:s7], $0x2FFFF;
	_ =	strace $0x9FFFFFFF  }
0xc3: {  	(tm) =	ssettm $0x7FFFFFFF  }
tec
execute0_lowered:
.L_overlay_start_1:
0x0: {  	(tag) =	ssettag $0x1  }
0x1: {  	s4 =	rddreg [dreg:$0x0]  }
0x2: {  	s6 =	rddreg [dreg:$0x1];
	s0 =	srdreg.scid  }
0x3: {  	s2 =	rddreg [dreg:$0x2];
	s1 =	stileid.u32  }
0x4: {  	s3 =	simm.s32 $0x0;
	s16 =	simm.s32 $0x28;
	s17 =	simm.s32 $0x2  }
0x5: {  	s18 =	simm.s32 $0xE00;
	s19 =	simm.s32 $0x0;
	s8 =	smul.u32 $0x14000, s1  }
0x6: {  	s5 =	sand.u32 $0x1, s0;
	s0 =	rddreg [dreg:$0x3];
	s10 =	smul.u32 $0x50000, s1  }
0x7: {  	[smem:$0x7FF] =	sst s3;
	s9 =	sadd.s32 $0x4A9000, s4;
	s29 =	smul.u32 $0x9100, s1  }
0x8: {  	s24 =	sshll.u32 s1, $0x1;
	s30 =	sshll.u32 s1, $0x6;
	s7 =	smul.u32 $0x140000, s5  }
0x9: {  	_ =	strace $0x8000005C;
	s25 =	ssub.s32 $0x2, s5;
	s26 =	sor.u32 s5, s24  }
0xa: {  	s15 =	smul.u32 $0x4880, s5;
	s5 =	sor.u32 $0x1C03, s30;
	s28 =	sshrl.u32 s25, $0x1  }
0xb: {  	s10 =	sshrl.u32 s10, $0x2;
	s12 =	smul.u32 $0x4880, s26;
	s7 =	sadd.s32 s8, s7  }
0xc: {  	s13 =	ssub.s32 s25, s28;
	s14 =	sadd.s32 s10, s2;
	s8 =	sadd.s32 s29, s9  }
0xd: {  	s7 =	sshrl.u32 s7, $0x3;
	s31 =	sadd.s32 s15, s8;
	s15 =	simm.s32 $0x1  }
0xe: {  	s11 =	sadd.s32 s7, s4;
	s7 =	sshll.u32 s26, $0x9;
	s10 =	sadd.s32 $0x280, s31  }
0xf: {  	s4 =	sadd.s32 $0xA8000, s11;
	s6 =	sadd.s32 s6, s7;
	s7 =	sadd.s32 s9, s12  }
0x10: {  	s8 =	sadd.s32 $0x2BE00, s11;
	s9 =	smax.u32 s13, $0x1;
	s11 =	sshrl.u32 s14, $0x3  }
0x11: {  	s12 =	simm.s32 $0x3;
	s13 =	simm.s32 $0x1000;
	s14 =	simm.s32 $0x2400  }
.LBB2_1:
0x12: {  	[spmem:s11], [sflag:s5] =	dma.local [hbm:s4], $0x2800  }
0x13: {  	_ =	swait.ge [sflag:s12], $0x2800  }
0x14: {  	[sflag:s12] =	ssyncset.done $0x0  }
0x15: {  	[sflag:s12] =	ssyncadd.s32 $0xFFFFD800  }
0x16: {  	[bflag:$0x0] =	sbarrier.arrive $0xFFFF  }
0x17: {  	[tilespmem:s3], [sflag:$0x3] =	stream.linear.gather [hbm4b:s6+s3], $0xE80, $0x38;
	[tilespmem:$0x17800] =	vst v63  }
0x18: {  	_ =	swait.ge [sflag:s12], $0xE80  }
0x19: {  	[sflag:s12] =	ssyncset.done $0x0  }
0x1a: {  	[sflag:s12] =	ssyncadd.s32 $0xFFFFF180  }
0x1b: {  	[tilespmem:s13], [sflag:$0x1] =	stream.linear.gather [hbm4b:s7+s3], $0x1400, $0x38;
	[tilespmem:$0x17800] =	vst v63  }
0x1c: {  	_ = 	snop  }
0x1d: {  	[tilespmem:s14], [sflag:$0x2] =	stream.linear.gather [hbm4b:s10+s3], $0x1400, $0x38;
	[tilespmem:$0x17800] =	vst v63  }
0x1e: {  	_ =	swait.ge [sflag:s15], $0x1400  }
0x1f: {  	[sflag:s15] =	ssyncset.done $0x0  }
0x20: {  	s20 =	simm.s32 $0x0;
	[sflag:s15] =	ssyncadd.s32 $0xFFFFEC00  }
0x21: {  	[spmem:s2] =	stream.indirect.scatter.add.f32 [tilespmem:s13], [sflag:$0x3], $0x80, s20, s16, $0xb8;
	[tilespmem:$0x17800] =	vst v63  }
0x22: {  	_ =	swait.ge [sflag:s12], $0x1400  }
0x23: {  	[sflag:s12] =	ssyncset.done $0x0  }
0x24: {  	s30 =	sadd.s32 $0x280, s10;
	[sflag:s12] =	ssyncadd.s32 $0xFFFFEC00  }
0x25: {  	[tilespmem:s13], [sflag:$0x1] =	stream.linear.gather [hbm4b:s30+s3], $0x1400, $0x38;
	[tilespmem:$0x17800] =	vst v63  }
0x26: {  	_ =	swait.ge [sflag:s17], $0x1400  }
0x27: {  	[sflag:s17] =	ssyncset.done $0x0  }
0x28: {  	s31 =	simm.s32 $0x80;
	[sflag:s17] =	ssyncadd.s32 $0xFFFFEC00  }
0x29: {  	[spmem:s2] =	stream.indirect.scatter.add.f32 [tilespmem:s14], [sflag:$0x3], $0x80, s31, s16, $0xb8;
	[tilespmem:$0x17800] =	vst v63  }
0x2a: {  	_ =	swait.ge [sflag:s12], $0x1400  }
0x2b: {  	s21 =	smov.u32 s10;
	s20 =	simm.s32 $0x400;
	[sflag:s12] =	ssyncset.done $0x0  }
.LBB2_2:
0x2c: {  	p0 =	sne.s32 s20, $0x3400;
	[sflag:s12] =	ssyncadd.s32 $0xFFFFEC00;
	s21 =	sadd.s32 $0x500, s21  }
0x2d: {  	[tilespmem:s14], [sflag:$0x2] =	stream.linear.gather [hbm4b:s21+s3], $0x1400, $0x38;
	[tilespmem:$0x17800] =	vst v63  }
0x2e: {  	s22 =	smov.u32 s20;
	s20 =	sadd.s32 $0x400, s20;
	_ =	swait.ge [sflag:s15], $0x1400  }
0x2f: {  	[sflag:s15] =	ssyncset.done $0x0  }
0x30: {  	s22 =	sshra.s32 s22, $0x2;
	[sflag:s15] =	ssyncadd.s32 $0xFFFFEC00  }
0x31: {  	[spmem:s2] =	stream.indirect.scatter.add.f32 [tilespmem:s13], [sflag:$0x3], $0x80, s22, s16, $0xb8;
	[tilespmem:$0x17800] =	vst v63  }
0x32: {  	_ =	swait.ge [sflag:s12], $0x1400  }
0x33: {  	[sflag:s12] =	ssyncset.done $0x0  }
0x34: {  	s23 =	sadd.s32 $0x280, s21;
	[sflag:s12] =	ssyncadd.s32 $0xFFFFEC00  }
0x35: {  	[tilespmem:s13], [sflag:$0x1] =	stream.linear.gather [hbm4b:s23+s3], $0x1400, $0x38;
	[tilespmem:$0x17800] =	vst v63  }
0x36: {  	_ =	swait.ge [sflag:s17], $0x1400  }
.Ltmp0:
0x37: {  	[sflag:s17] =	ssyncset.done $0x0;
	(pc) =	sbr.rel @p0 .LBB2_2-.Ltmp0, $4  }
0x38: {  	s22 =	sadd.s32 $0x80, s22;
	[sflag:s17] =	ssyncadd.s32 $0xFFFFEC00  }
0x39: {  	[spmem:s2] =	stream.indirect.scatter.add.f32 [tilespmem:s14], [sflag:$0x3], $0x80, s22, s16, $0xb8;
	[tilespmem:$0x17800] =	vst v63  }
0x3a: {  	_ =	swait.ge [sflag:s12], $0x1400  }
0x3b: {  	[sflag:s12] =	ssyncset.done $0x0  }
0x3c: {  	[sflag:s12] =	ssyncadd.s32 $0xFFFFEC00  }
0x3d: {  	_ =	swait.ge [sflag:s15], $0x1400  }
0x3e: {  	[sflag:s15] =	ssyncset.done $0x0  }
0x3f: {  	[sflag:s15] =	ssyncadd.s32 $0xFFFFEC00  }
0x40: {  	[spmem:s2] =	stream.indirect.scatter.add.f32 [tilespmem:s13], [sflag:$0x3], $0x80, s18, s16, $0xb8;
	[tilespmem:$0x17800] =	vst v63  }
0x41: {  	_ =	swait.ge [sflag:s12], $0x1400  }
0x42: {  	s19 =	sadd.s32 $0x1, s19;
	[sflag:s12] =	ssyncset.done $0x0  }
0x43: {  	p0 =	sne.s32 s19, s9;
	[sflag:s12] =	ssyncadd.s32 $0xFFFFEC00  }
.Ltmp1:
0x44: {  	[bflag:$0x0] =	sbarrier.arrive $0xFFFF;
	(pc) =	sbr.rel @p0 .LBB2_1-.Ltmp1, $4  }
0x45: {  	[hbm:s8], [sflag:s5] =	dma.local [spmem:s11], $0x2800  }
0x46: {  	_ =	swait.ge [sflag:s12], $0x2800  }
0x47: {  	[sflag:s12] =	ssyncset.done $0x0  }
0x48: {  	[sflag:s12] =	ssyncadd.s32 $0xFFFFD800  }
0x49: {  	_ =	sfence.sel $0x180000  }
0x4a: {  	[bflag:$0x0] =	sbarrier.arrive $0xFFFF  }
0x4b: {  	p0 =	sne.s32 s1, $0x0;
	_ =	strace $0x9000005C  }
0x4c: {  	s0 =	sadd.s32 @!p0 $0x100000, s0;
	[bflag:$0x2] =	sbarrier.arrive $0xFFFF  }
0x4d: {  	[sflag:s0] =	ssyncadd.tile.s32 @!p0 $0x1;
	_ =	shalt  }
.Lfunc_end2:
_tile_overlayer_lowered:
.L_overlay_start_2:
0x4e: {  	(tag) =	ssettag $0x2  }
0x4f: {  	s0 =	rddreg [dreg:$0x0];
	s2 =	stileid.u32  }
0x50: {  	s1 =	rddreg [dreg:$0x1];
	p0 =	sne.s32 s2, $0x0  }
0x51: {  	s3 =	rddreg [dreg:$0x2];
	[bflag:$0x3] =	sbarrier.arrive $0xFFFF;
	s2 =	simm.s32 @!p0 $0x1C03  }
0x52: {  	[timem:s3], [sflag:s2] =	dma.local @!p0 [hbm:s0], s1  }
0x53: {  	s0 =	simm.s32 @!p0 $0x3  }
0x54: {  	_ =	swait.ge @!p0 [sflag:s0], s1  }
0x55: {  	s1 =	ssub.s32 @!p0 $0x0, s1;
	[sflag:s0] =	ssyncset.done @!p0 $0x0  }
0x56: {  	[sflag:s0] =	ssyncadd.s32 @!p0 s1  }
0x57: {  	[bflag:$0x3] =	sbarrier.arrive $0xFFFF  }
0x58: {  	_ =	shalt  }

</sc_bundles>
